<compile_context>
chip_gen: v7x
topology: tpu7x:2x2x1
jax: 0.10.2.dev20260603
libtpu: 0.0.44.dev20260713+nightly
codegen_flags: <defaults>
</compile_context>

<pallas_src>
import functools

import jax
import jax.numpy as jnp
from jax import lax
from jax.experimental import pallas as pl
from jax.experimental.pallas import tpu as pltpu
from jax.experimental.pallas import tpu_sc as plsc

N_NODES = 100000
DIM = 128
NUM_GRAPHS = 512

NC = 2
NS = 16
NW = NC * NS

BLK = 128
NFULL = N_NODES // BLK
TAIL = N_NODES - NFULL * BLK
ITERS = (NFULL + NW - 1) // NW
NBLK_PAD = NW * ITERS
GROWS = NUM_GRAPHS // NS

_mesh = plsc.VectorSubcoreMesh(core_axis_name="c", subcore_axis_name="s")


@functools.partial(
    pl.kernel,
    out_type=(
        jax.ShapeDtypeStruct((NC, NUM_GRAPHS, DIM), jnp.float32),
        jax.ShapeDtypeStruct((NW, NUM_GRAPHS), jnp.float32),
    ),
    mesh=_mesh,
    compiler_params=pltpu.CompilerParams(needs_layout_passes=False),
    scratch_types=[
        pltpu.VMEM((BLK, DIM), jnp.float32),
        pltpu.VMEM((BLK, DIM), jnp.float32),
        pltpu.VMEM((BLK,), jnp.int32),
        pltpu.VMEM((BLK,), jnp.int32),
        pltpu.VMEM((TAIL, DIM), jnp.float32),
        pltpu.VMEM((TAIL,), jnp.int32),
        pltpu.VMEM((NUM_GRAPHS,), jnp.float32),
        pltpu.VMEM_SHARED((NUM_GRAPHS, DIM), jnp.float32),
        pltpu.SemaphoreType.DMA,
        pltpu.SemaphoreType.DMA,
        pltpu.SemaphoreType.DMA,
        pltpu.SemaphoreType.DMA,
        pltpu.SemaphoreType.DMA,
        pltpu.SemaphoreType.DMA,
    ],
)
def _segment_pool(feat_hbm, ids_hbm, zsum_hbm, zl_hbm,
                  psums_hbm, lout_hbm,
                  feat_a, feat_b, ids_a, ids_b, feat_t, ids_t, ltab_v,
                  sums_sp, fsem0, fsem1, ssem0, ssem1, isem0, isem1):
    cid = lax.axis_index("c")
    sid = lax.axis_index("s")
    wid = cid * NS + sid
    fsems = (fsem0, fsem1)
    ssems = (ssem0, ssem1)
    isems = (isem0, isem1)
    feats = (feat_a, feat_b)
    idss = (ids_a, ids_b)

    iota16 = lax.iota(jnp.int32, 16)

    pltpu.sync_copy(zl_hbm, ltab_v)
    pltpu.sync_copy(zsum_hbm.at[pl.ds(sid * GROWS, GROWS)],
                    sums_sp.at[pl.ds(sid * GROWS, GROWS)])
    plsc.subcore_barrier()

    def _positions(base, j):
        return (base + (j * 16 + 1) + iota16).astype(jnp.float32)

    def _start_load(i):
        blk = i * NW + wid
        slot = i & 1
        base = pl.multiple_of(blk * BLK, BLK)
        desc = [None, None]

        @pl.when(blk < NFULL)
        def _():
            desc[0] = pltpu.async_copy(
                feat_hbm.at[pl.ds(base, BLK)], feats[slot], fsems[slot])
            desc[1] = pltpu.async_copy(
                ids_hbm.at[pl.ds(base, BLK)], idss[slot], isems[slot])
        return desc

    pending = _start_load(0)
    scat = [None, None]
    for i in range(ITERS):
        blk = i * NW + wid
        slot = i & 1
        nslot = slot ^ 1
        if scat[nslot] is not None:
            prev_blk = (i - 1) * NW + wid

            @pl.when(prev_blk < NFULL)
            def _():
                scat[nslot][0].wait()
            scat[nslot] = None
        nxt = _start_load(i + 1) if i + 1 < ITERS else None
        cur = pending

        @pl.when(blk < NFULL)
        def _():
            cur[0].wait()
            cur[1].wait()
            base = blk * BLK
            scat[slot] = [pltpu.async_copy(
                feats[slot], sums_sp.at[idss[slot]], ssems[slot],
                add=True)]
            for j in range(BLK // 16):
                idx = idss[slot][pl.ds(j * 16, 16)]
                plsc.store_scatter(ltab_v, [idx], _positions(base, j))
        pending = nxt

    for sdrain in range(2):
        if scat[sdrain] is not None:
            last_blk = (ITERS - 1) * NW + wid

            @pl.when(last_blk < NFULL)
            def _():
                scat[sdrain][0].wait()

    @pl.when(wid == NW - 1)
    def _():
        base = NFULL * BLK
        pltpu.sync_copy(feat_hbm.at[pl.ds(base, TAIL)], feat_t)
        pltpu.sync_copy(ids_hbm.at[pl.ds(base, TAIL)], ids_t)
        pltpu.sync_copy(feat_t, sums_sp.at[ids_t], add=True)
        for j in range(TAIL // 16):
            idx = ids_t[pl.ds(j * 16, 16)]
            plsc.store_scatter(ltab_v, [idx], _positions(base, j))

    plsc.subcore_barrier()

    pltpu.sync_copy(sums_sp.at[pl.ds(sid * GROWS, GROWS)],
                    psums_hbm.at[cid, pl.ds(sid * GROWS, GROWS)])
    pltpu.sync_copy(ltab_v, lout_hbm.at[wid])


def _head_body(ps_ref, lt_ref, w_ref, b_ref, out_ref):
    lpos = jnp.max(lt_ref[...], axis=0)
    gi = lax.broadcasted_iota(jnp.int32, (NUM_GRAPHS, NUM_GRAPHS), 0)
    gj = lax.broadcasted_iota(jnp.int32, (NUM_GRAPHS, NUM_GRAPHS), 1)
    prev = jnp.max(jnp.where(gi < gj, lpos[:, None], 0.0), axis=0)
    cnt = jnp.maximum(lpos - prev, 1.0)[:, None]
    emb = (ps_ref[0] + ps_ref[1]) / cnt
    out_ref[...] = (
        jnp.dot(emb, w_ref[...], preferred_element_type=jnp.float32)
        + b_ref[...]
    )


def _head(psums, lout, W, b2d):
    return pl.pallas_call(
        _head_body,
        out_shape=jax.ShapeDtypeStruct((NUM_GRAPHS, DIM), jnp.float32),
    )(psums, lout, W, b2d)


@jax.jit
def kernel(node_feature, batch_ids, graph_label, W, b):
    ids = batch_ids.astype(jnp.int32)
    zsum = jnp.zeros((NUM_GRAPHS, DIM), jnp.float32)
    zl = jnp.zeros((NUM_GRAPHS,), jnp.float32)
    psums, lout = _segment_pool(node_feature, ids, zsum, zl)
    pred = _head(psums, lout, W, b.reshape(1, DIM))
    return (pred, graph_label)

# --- scband reference (transcript-rebuilt; emitter-appended) ---
"""Pipeline reference for scband-gnngraph-head-28793460752454 (READ-ONLY COPY).

The authoritative reference and input builder live on the scoring server;
editing this copy changes nothing except your own understanding.
"""

import jax, jax.numpy as jnp
import numpy as np

N_NODES = 100000
DIM_IN = 128
DIM_OUT = 128
NUM_GRAPHS = 512


def setup_inputs(seed: int = 0) -> dict:
    key = jax.random.key(seed)
    k1, k2, k3, k4 = jax.random.split(key, 4)
    node_feature = jax.random.normal(k1, (N_NODES, DIM_IN), dtype=jnp.float32)
    batch_ids = jnp.sort(jax.random.randint(k2, (N_NODES,), 0, NUM_GRAPHS, dtype=jnp.int64))
    graph_label = jax.random.randint(k3, (NUM_GRAPHS,), 0, 10, dtype=jnp.int64)
    # post_mp MLP (layers_post_mp=1 -> single Linear dim_in -> dim_out)
    W = jax.random.normal(k4, (DIM_IN, DIM_OUT), dtype=jnp.float32) * 0.02
    b = jnp.zeros((DIM_OUT,), dtype=jnp.float32)
    return {"node_feature": node_feature, "batch_ids": batch_ids, "graph_label": graph_label, "W": W, "b": b}


def reference(node_feature, batch_ids, graph_label, W, b):
    # graph mean pooling: scatter-add node features by graph id, divide by counts
    sums = jax.ops.segment_sum(node_feature, batch_ids, num_segments=NUM_GRAPHS)
    counts = jax.ops.segment_sum(jnp.ones((node_feature.shape[0],), dtype=node_feature.dtype), batch_ids, num_segments=NUM_GRAPHS)
    graph_emb = sums / jnp.maximum(counts, 1.0)[:, None]
    # layer_post_mp (MLP, 1 layer, bias=True)
    pred = graph_emb @ W + b
    return (pred, graph_label)

if __name__ == "__main__":
    import jax
    _d = setup_inputs()
    print(jax.jit(kernel)(*tuple(_d.values())))

</pallas_src>

<mosaic_0001>
#map = affine_map<(d0, d1) -> (0, 0)>
#map1 = affine_map<(d0, d1) -> (0)>
#map2 = affine_map<(d0, d1) -> (0, 0, 0)>
module attributes {stable_mosaic.version = 14 : i64} {
  func.func @_segment_pool(%arg0: i32, %arg1: i32, %arg2: memref<100000x128xf32, #tpu.memory_space<hbm>>, %arg3: memref<100000xi32, #tpu.memory_space<hbm>>, %arg4: memref<512x128xf32, #tpu.memory_space<hbm>>, %arg5: memref<512xf32, #tpu.memory_space<hbm>>, %arg6: memref<2x512x128xf32, #tpu.memory_space<hbm>>, %arg7: memref<32x512xf32, #tpu.memory_space<hbm>>, %arg8: memref<128x128xf32, #tpu.memory_space<vmem>>, %arg9: memref<128x128xf32, #tpu.memory_space<vmem>>, %arg10: memref<128xi32, #tpu.memory_space<vmem>>, %arg11: memref<128xi32, #tpu.memory_space<vmem>>, %arg12: memref<32x128xf32, #tpu.memory_space<vmem>>, %arg13: memref<32xi32, #tpu.memory_space<vmem>>, %arg14: memref<512xf32, #tpu.memory_space<vmem>>, %arg15: memref<512x128xf32, #tpu.memory_space<vmem_shared>>, %arg16: memref<!tpu.dma_semaphore, #tpu.memory_space<semaphore_mem>>, %arg17: memref<!tpu.dma_semaphore, #tpu.memory_space<semaphore_mem>>, %arg18: memref<!tpu.dma_semaphore, #tpu.memory_space<semaphore_mem>>, %arg19: memref<!tpu.dma_semaphore, #tpu.memory_space<semaphore_mem>>, %arg20: memref<!tpu.dma_semaphore, #tpu.memory_space<semaphore_mem>>, %arg21: memref<!tpu.dma_semaphore, #tpu.memory_space<semaphore_mem>>) attributes {dimension_semantics = [#tpu.dimension_semantics<core_parallel>, #tpu.dimension_semantics<subcore_parallel>], iteration_bounds = array<i64: 2, 16>, scalar_prefetch = 0 : i64, scratch_operands = 14 : i64, tpu.core_type = #tpu.core_type<sc_vector_subcore>, window_params = [{transform_indices = #map}, {transform_indices = #map1}, {transform_indices = #map}, {transform_indices = #map1}, {transform_indices = #map2}, {transform_indices = #map}]} {
    %mul3A = arith.constant 16 : i32
    %mul3A_0 = arith.muli %arg0, %mul3A : i32
    %add3A = arith.addi %mul3A_0, %arg1 : i32
    %iota3A = tpu.iota {dimensions = array<i32: 0>} : vector<16xi32>
    "tpu.region"() ({
      %run_scoped3A = tpu.sem_alloc : memref<!tpu.dma_semaphore, #tpu.memory_space<semaphore_mem>>
      tpu.enqueue_dma source(%arg5 : memref<512xf32, #tpu.memory_space<hbm>>) target(%arg14 : memref<512xf32, #tpu.memory_space<vmem>>) target_semaphore(%run_scoped3A : memref<!tpu.dma_semaphore, #tpu.memory_space<semaphore_mem>>)
      tpu.wait_dma2 semaphore(%run_scoped3A : memref<!tpu.dma_semaphore, #tpu.memory_space<semaphore_mem>>) src(%arg5 : memref<512xf32, #tpu.memory_space<hbm>>) dst(%arg14 : memref<512xf32, #tpu.memory_space<vmem>>)
      tpu.yield
    }) : () -> ()
    %mul3A_1 = arith.constant 32 : i32
    %mul3A_2 = arith.muli %arg1, %mul3A_1 : i32
    %mul3A_3 = arith.constant 32 : i32
    %mul3A_4 = arith.muli %arg1, %mul3A_3 : i32
    "tpu.region"() ({
      %run_scoped3A = tpu.sem_alloc : memref<!tpu.dma_semaphore, #tpu.memory_space<semaphore_mem>>
      %dma_start3A = arith.constant 0 : i32
      %dma_start3A_610 = tpu.memref_slice %arg15[%mul3A_4, %dma_start3A] : memref<512x128xf32, #tpu.memory_space<vmem_shared>> -> memref<32x128xf32, #tpu.memory_space<vmem_shared>>
      %dma_start3A_611 = arith.constant 0 : i32
      %dma_start3A_612 = tpu.memref_slice %arg4[%mul3A_2, %dma_start3A_611] : memref<512x128xf32, #tpu.memory_space<hbm>> -> memref<32x128xf32, #tpu.memory_space<hbm>>
      tpu.enqueue_dma source(%dma_start3A_612 : memref<32x128xf32, #tpu.memory_space<hbm>>) target(%dma_start3A_610 : memref<32x128xf32, #tpu.memory_space<vmem_shared>>) target_semaphore(%run_scoped3A : memref<!tpu.dma_semaphore, #tpu.memory_space<semaphore_mem>>)
      %dma_wait3A = arith.constant 0 : i32
      %dma_wait3A_613 = tpu.memref_slice %arg15[%mul3A_4, %dma_wait3A] : memref<512x128xf32, #tpu.memory_space<vmem_shared>> -> memref<32x128xf32, #tpu.memory_space<vmem_shared>>
      %dma_wait3A_614 = arith.constant 0 : i32
      %dma_wait3A_615 = tpu.memref_slice %arg4[%mul3A_2, %dma_wait3A_614] : memref<512x128xf32, #tpu.memory_space<hbm>> -> memref<32x128xf32, #tpu.memory_space<hbm>>
      tpu.wait_dma2 semaphore(%run_scoped3A : memref<!tpu.dma_semaphore, #tpu.memory_space<semaphore_mem>>) src(%dma_wait3A_615 : memref<32x128xf32, #tpu.memory_space<hbm>>) dst(%dma_wait3A_613 : memref<32x128xf32, #tpu.memory_space<vmem_shared>>)
      tpu.yield
    }) : () -> ()
    %barrier3A = arith.constant 0 : index
    tpu.barrier barrier_id(%barrier3A)
    %add3A_5 = arith.constant 0 : i32
    %add3A_6 = arith.addi %add3A_5, %add3A : i32
    %mul3A_7 = arith.constant 128 : i32
    %mul3A_8 = arith.muli %add3A_6, %mul3A_7 : i32
    %multiple_of3A = tpu.assume_multiple %mul3A_8, 128 : i32
    %lt3A = arith.constant 781 : i32
    %lt3A_9 = arith.cmpi slt, %add3A_6, %lt3A : i32
    %convert_element_type3A = arith.extui %lt3A_9 : i1 to i32
    %cond3A = arith.constant 0 : i32
    %cond3A_10 = arith.cmpi ne, %convert_element_type3A, %cond3A : i32
    scf.if %cond3A_10 {
      %dma_start3A = arith.constant 0 : i32
      %dma_start3A_610 = tpu.memref_slice %arg2[%multiple_of3A, %dma_start3A] : memref<100000x128xf32, #tpu.memory_space<hbm>> -> memref<128x128xf32, #tpu.memory_space<hbm>>
      %dma_start3A_611 = arith.constant 0 : i32
      %dma_start3A_612 = tpu.memref_slice %arg2[%multiple_of3A, %dma_start3A_611] : memref<100000x128xf32, #tpu.memory_space<hbm>> -> memref<128x128xf32, #tpu.memory_space<hbm>>
      tpu.enqueue_dma source(%dma_start3A_612 : memref<128x128xf32, #tpu.memory_space<hbm>>) target(%arg8 : memref<128x128xf32, #tpu.memory_space<vmem>>) target_semaphore(%arg16 : memref<!tpu.dma_semaphore, #tpu.memory_space<semaphore_mem>>)
      %dma_start3A_613 = tpu.memref_slice %arg3[%multiple_of3A] : memref<100000xi32, #tpu.memory_space<hbm>> -> memref<128xi32, #tpu.memory_space<hbm>>
      %dma_start3A_614 = tpu.memref_slice %arg3[%multiple_of3A] : memref<100000xi32, #tpu.memory_space<hbm>> -> memref<128xi32, #tpu.memory_space<hbm>>
      tpu.enqueue_dma source(%dma_start3A_614 : memref<128xi32, #tpu.memory_space<hbm>>) target(%arg10 : memref<128xi32, #tpu.memory_space<vmem>>) target_semaphore(%arg20 : memref<!tpu.dma_semaphore, #tpu.memory_space<semaphore_mem>>)
    } else {
    }
    %add3A_11 = arith.constant 0 : i32
    %add3A_12 = arith.addi %add3A_11, %add3A : i32
    %add3A_13 = arith.constant 32 : i32
    %add3A_14 = arith.addi %add3A_13, %add3A : i32
    %mul3A_15 = arith.constant 128 : i32
    %mul3A_16 = arith.muli %add3A_14, %mul3A_15 : i32
    %multiple_of3A_17 = tpu.assume_multiple %mul3A_16, 128 : i32
    %lt3A_18 = arith.constant 781 : i32
    %lt3A_19 = arith.cmpi slt, %add3A_14, %lt3A_18 : i32
    %convert_element_type3A_20 = arith.extui %lt3A_19 : i1 to i32
    %cond3A_21 = arith.constant 0 : i32
    %cond3A_22 = arith.cmpi ne, %convert_element_type3A_20, %cond3A_21 : i32
    scf.if %cond3A_22 {
      %dma_start3A = arith.constant 0 : i32
      %dma_start3A_610 = tpu.memref_slice %arg2[%multiple_of3A_17, %dma_start3A] : memref<100000x128xf32, #tpu.memory_space<hbm>> -> memref<128x128xf32, #tpu.memory_space<hbm>>
      %dma_start3A_611 = arith.constant 0 : i32
      %dma_start3A_612 = tpu.memref_slice %arg2[%multiple_of3A_17, %dma_start3A_611] : memref<100000x128xf32, #tpu.memory_space<hbm>> -> memref<128x128xf32, #tpu.memory_space<hbm>>
      tpu.enqueue_dma source(%dma_start3A_612 : memref<128x128xf32, #tpu.memory_space<hbm>>) target(%arg9 : memref<128x128xf32, #tpu.memory_space<vmem>>) target_semaphore(%arg17 : memref<!tpu.dma_semaphore, #tpu.memory_space<semaphore_mem>>)
      %dma_start3A_613 = tpu.memref_slice %arg3[%multiple_of3A_17] : memref<100000xi32, #tpu.memory_space<hbm>> -> memref<128xi32, #tpu.memory_space<hbm>>
      %dma_start3A_614 = tpu.memref_slice %arg3[%multiple_of3A_17] : memref<100000xi32, #tpu.memory_space<hbm>> -> memref<128xi32, #tpu.memory_space<hbm>>
      tpu.enqueue_dma source(%dma_start3A_614 : memref<128xi32, #tpu.memory_space<hbm>>) target(%arg11 : memref<128xi32, #tpu.memory_space<vmem>>) target_semaphore(%arg21 : memref<!tpu.dma_semaphore, #tpu.memory_space<semaphore_mem>>)
    } else {
    }
    %lt3A_23 = arith.constant 781 : i32
    %lt3A_24 = arith.cmpi slt, %add3A_12, %lt3A_23 : i32
    %convert_element_type3A_25 = arith.extui %lt3A_24 : i1 to i32
    %cond3A_26 = arith.constant 0 : i32
    %cond3A_27 = arith.cmpi ne, %convert_element_type3A_25, %cond3A_26 : i32
    scf.if %cond3A_27 {
      %dma_wait3A = arith.constant 0 : i32
      %dma_wait3A_610 = tpu.memref_slice %arg2[%multiple_of3A, %dma_wait3A] : memref<100000x128xf32, #tpu.memory_space<hbm>> -> memref<128x128xf32, #tpu.memory_space<hbm>>
      %dma_wait3A_611 = arith.constant 0 : i32
      %dma_wait3A_612 = tpu.memref_slice %arg2[%multiple_of3A, %dma_wait3A_611] : memref<100000x128xf32, #tpu.memory_space<hbm>> -> memref<128x128xf32, #tpu.memory_space<hbm>>
      tpu.wait_dma2 semaphore(%arg16 : memref<!tpu.dma_semaphore, #tpu.memory_space<semaphore_mem>>) src(%dma_wait3A_612 : memref<128x128xf32, #tpu.memory_space<hbm>>) dst(%arg8 : memref<128x128xf32, #tpu.memory_space<vmem>>)
      %dma_wait3A_613 = tpu.memref_slice %arg3[%multiple_of3A] : memref<100000xi32, #tpu.memory_space<hbm>> -> memref<128xi32, #tpu.memory_space<hbm>>
      %dma_wait3A_614 = tpu.memref_slice %arg3[%multiple_of3A] : memref<100000xi32, #tpu.memory_space<hbm>> -> memref<128xi32, #tpu.memory_space<hbm>>
      tpu.wait_dma2 semaphore(%arg20 : memref<!tpu.dma_semaphore, #tpu.memory_space<semaphore_mem>>) src(%dma_wait3A_614 : memref<128xi32, #tpu.memory_space<hbm>>) dst(%arg10 : memref<128xi32, #tpu.memory_space<vmem>>)
      %mul3A_615 = arith.constant 128 : i32
      %mul3A_616 = arith.muli %add3A_12, %mul3A_615 : i32
      %dma_start3A = arith.constant 0 : i32
      %dma_start3A_617 = arith.constant 0 : i32
      %dma_start3A_618 = tpu.memref_slice %arg15[%dma_start3A, %dma_start3A_617] : memref<512x128xf32, #tpu.memory_space<vmem_shared>> -> memref<512x128xf32, #tpu.memory_space<vmem_shared>>
      tpu.enqueue_indirect_dma source(%arg8 : memref<128x128xf32, #tpu.memory_space<vmem>>) target(%dma_start3A_618 : memref<512x128xf32, #tpu.memory_space<vmem_shared>>) offsets(%arg10 : memref<128xi32, #tpu.memory_space<vmem>>) semaphore(%arg18 : memref<!tpu.dma_semaphore, #tpu.memory_space<semaphore_mem>>) {add = true}
      %get3A = arith.constant 0 : index
      %get3A_619 = tpu.vector_load %arg10[%get3A] {strides = array<i32>} : memref<128xi32, #tpu.memory_space<vmem>>, vector<16xi32>,
      %add3A_620 = arith.constant 1 : i32
      %add3A_621 = arith.addi %mul3A_616, %add3A_620 : i32
      %add3A_622 = vector.broadcast %add3A_621 : i32 to vector<16xi32>
      %add3A_623 = arith.addi %add3A_622, %iota3A : vector<16xi32>
      %convert_element_type3A_624 = arith.sitofp %add3A_623 : vector<16xi32> to vector<16xf32>
      tpu.vector_store_idx %arg14[%get3A_619], %convert_element_type3A_624 : memref<512xf32, #tpu.memory_space<vmem>>[vector<16xi32>], vector<16xf32>,
      %get3A_625 = arith.constant 16 : index
      %get3A_626 = tpu.vector_load %arg10[%get3A_625] {strides = array<i32>} : memref<128xi32, #tpu.memory_space<vmem>>, vector<16xi32>,
      %add3A_627 = arith.constant 17 : i32
      %add3A_628 = arith.addi %mul3A_616, %add3A_627 : i32
      %add3A_629 = vector.broadcast %add3A_628 : i32 to vector<16xi32>
      %add3A_630 = arith.addi %add3A_629, %iota3A : vector<16xi32>
      %convert_element_type3A_631 = arith.sitofp %add3A_630 : vector<16xi32> to vector<16xf32>
      tpu.vector_store_idx %arg14[%get3A_626], %convert_element_type3A_631 : memref<512xf32, #tpu.memory_space<vmem>>[vector<16xi32>], vector<16xf32>,
      %get3A_632 = arith.constant 32 : index
      %get3A_633 = tpu.vector_load %arg10[%get3A_632] {strides = array<i32>} : memref<128xi32, #tpu.memory_space<vmem>>, vector<16xi32>,
      %add3A_634 = arith.constant 33 : i32
      %add3A_635 = arith.addi %mul3A_616, %add3A_634 : i32
      %add3A_636 = vector.broadcast %add3A_635 : i32 to vector<16xi32>
      %add3A_637 = arith.addi %add3A_636, %iota3A : vector<16xi32>
      %convert_element_type3A_638 = arith.sitofp %add3A_637 : vector<16xi32> to vector<16xf32>
      tpu.vector_store_idx %arg14[%get3A_633], %convert_element_type3A_638 : memref<512xf32, #tpu.memory_space<vmem>>[vector<16xi32>], vector<16xf32>,
      %get3A_639 = arith.constant 48 : index
      %get3A_640 = tpu.vector_load %arg10[%get3A_639] {strides = array<i32>} : memref<128xi32, #tpu.memory_space<vmem>>, vector<16xi32>,
      %add3A_641 = arith.constant 49 : i32
      %add3A_642 = arith.addi %mul3A_616, %add3A_641 : i32
      %add3A_643 = vector.broadcast %add3A_642 : i32 to vector<16xi32>
      %add3A_644 = arith.addi %add3A_643, %iota3A : vector<16xi32>
      %convert_element_type3A_645 = arith.sitofp %add3A_644 : vector<16xi32> to vector<16xf32>
      tpu.vector_store_idx %arg14[%get3A_640], %convert_element_type3A_645 : memref<512xf32, #tpu.memory_space<vmem>>[vector<16xi32>], vector<16xf32>,
      %get3A_646 = arith.constant 64 : index
      %get3A_647 = tpu.vector_load %arg10[%get3A_646] {strides = array<i32>} : memref<128xi32, #tpu.memory_space<vmem>>, vector<16xi32>,
      %add3A_648 = arith.constant 65 : i32
      %add3A_649 = arith.addi %mul3A_616, %add3A_648 : i32
      %add3A_650 = vector.broadcast %add3A_649 : i32 to vector<16xi32>
      %add3A_651 = arith.addi %add3A_650, %iota3A : vector<16xi32>
      %convert_element_type3A_652 = arith.sitofp %add3A_651 : vector<16xi32> to vector<16xf32>
      tpu.vector_store_idx %arg14[%get3A_647], %convert_element_type3A_652 : memref<512xf32, #tpu.memory_space<vmem>>[vector<16xi32>], vector<16xf32>,
      %get3A_653 = arith.constant 80 : index
      %get3A_654 = tpu.vector_load %arg10[%get3A_653] {strides = array<i32>} : memref<128xi32, #tpu.memory_space<vmem>>, vector<16xi32>,
      %add3A_655 = arith.constant 81 : i32
      %add3A_656 = arith.addi %mul3A_616, %add3A_655 : i32
      %add3A_657 = vector.broadcast %add3A_656 : i32 to vector<16xi32>
      %add3A_658 = arith.addi %add3A_657, %iota3A : vector<16xi32>
      %convert_element_type3A_659 = arith.sitofp %add3A_658 : vector<16xi32> to vector<16xf32>
      tpu.vector_store_idx %arg14[%get3A_654], %convert_element_type3A_659 : memref<512xf32, #tpu.memory_space<vmem>>[vector<16xi32>], vector<16xf32>,
      %get3A_660 = arith.constant 96 : index
      %get3A_661 = tpu.vector_load %arg10[%get3A_660] {strides = array<i32>} : memref<128xi32, #tpu.memory_space<vmem>>, vector<16xi32>,
      %add3A_662 = arith.constant 97 : i32
      %add3A_663 = arith.addi %mul3A_616, %add3A_662 : i32
      %add3A_664 = vector.broadcast %add3A_663 : i32 to vector<16xi32>
      %add3A_665 = arith.addi %add3A_664, %iota3A : vector<16xi32>
      %convert_element_type3A_666 = arith.sitofp %add3A_665 : vector<16xi32> to vector<16xf32>
      tpu.vector_store_idx %arg14[%get3A_661], %convert_element_type3A_666 : memref<512xf32, #tpu.memory_space<vmem>>[vector<16xi32>], vector<16xf32>,
      %get3A_667 = arith.constant 112 : index
      %get3A_668 = tpu.vector_load %arg10[%get3A_667] {strides = array<i32>} : memref<128xi32, #tpu.memory_space<vmem>>, vector<16xi32>,
      %add3A_669 = arith.constant 113 : i32
      %add3A_670 = arith.addi %mul3A_616, %add3A_669 : i32
      %add3A_671 = vector.broadcast %add3A_670 : i32 to vector<16xi32>
      %add3A_672 = arith.addi %add3A_671, %iota3A : vector<16xi32>
      %convert_element_type3A_673 = arith.sitofp %add3A_672 : vector<16xi32> to vector<16xf32>
      tpu.vector_store_idx %arg14[%get3A_668], %convert_element_type3A_673 : memref<512xf32, #tpu.memory_space<vmem>>[vector<16xi32>], vector<16xf32>,
    } else {
    }
    %add3A_28 = arith.constant 32 : i32
    %add3A_29 = arith.addi %add3A_28, %add3A : i32
    %add3A_30 = arith.constant 0 : i32
    %add3A_31 = arith.addi %add3A_30, %add3A : i32
    %lt3A_32 = arith.constant 781 : i32
    %lt3A_33 = arith.cmpi slt, %add3A_31, %lt3A_32 : i32
    %convert_element_type3A_34 = arith.extui %lt3A_33 : i1 to i32
    %cond3A_35 = arith.constant 0 : i32
    %cond3A_36 = arith.cmpi ne, %convert_element_type3A_34, %cond3A_35 : i32
    scf.if %cond3A_36 {
      %dma_wait3A = arith.constant 0 : i32
      %dma_wait3A_610 = arith.constant 0 : i32
      %dma_wait3A_611 = tpu.memref_slice %arg15[%dma_wait3A, %dma_wait3A_610] : memref<512x128xf32, #tpu.memory_space<vmem_shared>> -> memref<512x128xf32, #tpu.memory_space<vmem_shared>>
      tpu.wait_indirect_dma semaphore(%arg18 : memref<!tpu.dma_semaphore, #tpu.memory_space<semaphore_mem>>) src(%arg8 : memref<128x128xf32, #tpu.memory_space<vmem>>) dst(%dma_wait3A_611 : memref<512x128xf32, #tpu.memory_space<vmem_shared>>)
    } else {
    }
    %add3A_37 = arith.constant 64 : i32
    %add3A_38 = arith.addi %add3A_37, %add3A : i32
    %mul3A_39 = arith.constant 128 : i32
    %mul3A_40 = arith.muli %add3A_38, %mul3A_39 : i32
    %multiple_of3A_41 = tpu.assume_multiple %mul3A_40, 128 : i32
    %lt3A_42 = arith.constant 781 : i32
    %lt3A_43 = arith.cmpi slt, %add3A_38, %lt3A_42 : i32
    %convert_element_type3A_44 = arith.extui %lt3A_43 : i1 to i32
    %cond3A_45 = arith.constant 0 : i32
    %cond3A_46 = arith.cmpi ne, %convert_element_type3A_44, %cond3A_45 : i32
    scf.if %cond3A_46 {
      %dma_start3A = arith.constant 0 : i32
      %dma_start3A_610 = tpu.memref_slice %arg2[%multiple_of3A_41, %dma_start3A] : memref<100000x128xf32, #tpu.memory_space<hbm>> -> memref<128x128xf32, #tpu.memory_space<hbm>>
      %dma_start3A_611 = arith.constant 0 : i32
      %dma_start3A_612 = tpu.memref_slice %arg2[%multiple_of3A_41, %dma_start3A_611] : memref<100000x128xf32, #tpu.memory_space<hbm>> -> memref<128x128xf32, #tpu.memory_space<hbm>>
      tpu.enqueue_dma source(%dma_start3A_612 : memref<128x128xf32, #tpu.memory_space<hbm>>) target(%arg8 : memref<128x128xf32, #tpu.memory_space<vmem>>) target_semaphore(%arg16 : memref<!tpu.dma_semaphore, #tpu.memory_space<semaphore_mem>>)
      %dma_start3A_613 = tpu.memref_slice %arg3[%multiple_of3A_41] : memref<100000xi32, #tpu.memory_space<hbm>> -> memref<128xi32, #tpu.memory_space<hbm>>
      %dma_start3A_614 = tpu.memref_slice %arg3[%multiple_of3A_41] : memref<100000xi32, #tpu.memory_space<hbm>> -> memref<128xi32, #tpu.memory_space<hbm>>
      tpu.enqueue_dma source(%dma_start3A_614 : memref<128xi32, #tpu.memory_space<hbm>>) target(%arg10 : memref<128xi32, #tpu.memory_space<vmem>>) target_semaphore(%arg20 : memref<!tpu.dma_semaphore, #tpu.memory_space<semaphore_mem>>)
    } else {
    }
    %lt3A_47 = arith.constant 781 : i32
    %lt3A_48 = arith.cmpi slt, %add3A_29, %lt3A_47 : i32
    %convert_element_type3A_49 = arith.extui %lt3A_48 : i1 to i32
    %cond3A_50 = arith.constant 0 : i32
    %cond3A_51 = arith.cmpi ne, %convert_element_type3A_49, %cond3A_50 : i32
    scf.if %cond3A_51 {
      %dma_wait3A = arith.constant 0 : i32
      %dma_wait3A_610 = tpu.memref_slice %arg2[%multiple_of3A_17, %dma_wait3A] : memref<100000x128xf32, #tpu.memory_space<hbm>> -> memref<128x128xf32, #tpu.memory_space<hbm>>
      %dma_wait3A_611 = arith.constant 0 : i32
      %dma_wait3A_612 = tpu.memref_slice %arg2[%multiple_of3A_17, %dma_wait3A_611] : memref<100000x128xf32, #tpu.memory_space<hbm>> -> memref<128x128xf32, #tpu.memory_space<hbm>>
      tpu.wait_dma2 semaphore(%arg17 : memref<!tpu.dma_semaphore, #tpu.memory_space<semaphore_mem>>) src(%dma_wait3A_612 : memref<128x128xf32, #tpu.memory_space<hbm>>) dst(%arg9 : memref<128x128xf32, #tpu.memory_space<vmem>>)
      %dma_wait3A_613 = tpu.memref_slice %arg3[%multiple_of3A_17] : memref<100000xi32, #tpu.memory_space<hbm>> -> memref<128xi32, #tpu.memory_space<hbm>>
      %dma_wait3A_614 = tpu.memref_slice %arg3[%multiple_of3A_17] : memref<100000xi32, #tpu.memory_space<hbm>> -> memref<128xi32, #tpu.memory_space<hbm>>
      tpu.wait_dma2 semaphore(%arg21 : memref<!tpu.dma_semaphore, #tpu.memory_space<semaphore_mem>>) src(%dma_wait3A_614 : memref<128xi32, #tpu.memory_space<hbm>>) dst(%arg11 : memref<128xi32, #tpu.memory_space<vmem>>)
      %mul3A_615 = arith.constant 128 : i32
      %mul3A_616 = arith.muli %add3A_29, %mul3A_615 : i32
      %dma_start3A = arith.constant 0 : i32
      %dma_start3A_617 = arith.constant 0 : i32
      %dma_start3A_618 = tpu.memref_slice %arg15[%dma_start3A, %dma_start3A_617] : memref<512x128xf32, #tpu.memory_space<vmem_shared>> -> memref<512x128xf32, #tpu.memory_space<vmem_shared>>
      tpu.enqueue_indirect_dma source(%arg9 : memref<128x128xf32, #tpu.memory_space<vmem>>) target(%dma_start3A_618 : memref<512x128xf32, #tpu.memory_space<vmem_shared>>) offsets(%arg11 : memref<128xi32, #tpu.memory_space<vmem>>) semaphore(%arg19 : memref<!tpu.dma_semaphore, #tpu.memory_space<semaphore_mem>>) {add = true}
      %get3A = arith.constant 0 : index
      %get3A_619 = tpu.vector_load %arg11[%get3A] {strides = array<i32>} : memref<128xi32, #tpu.memory_space<vmem>>, vector<16xi32>,
      %add3A_620 = arith.constant 1 : i32
      %add3A_621 = arith.addi %mul3A_616, %add3A_620 : i32
      %add3A_622 = vector.broadcast %add3A_621 : i32 to vector<16xi32>
      %add3A_623 = arith.addi %add3A_622, %iota3A : vector<16xi32>
      %convert_element_type3A_624 = arith.sitofp %add3A_623 : vector<16xi32> to vector<16xf32>
      tpu.vector_store_idx %arg14[%get3A_619], %convert_element_type3A_624 : memref<512xf32, #tpu.memory_space<vmem>>[vector<16xi32>], vector<16xf32>,
      %get3A_625 = arith.constant 16 : index
      %get3A_626 = tpu.vector_load %arg11[%get3A_625] {strides = array<i32>} : memref<128xi32, #tpu.memory_space<vmem>>, vector<16xi32>,
      %add3A_627 = arith.constant 17 : i32
      %add3A_628 = arith.addi %mul3A_616, %add3A_627 : i32
      %add3A_629 = vector.broadcast %add3A_628 : i32 to vector<16xi32>
      %add3A_630 = arith.addi %add3A_629, %iota3A : vector<16xi32>
      %convert_element_type3A_631 = arith.sitofp %add3A_630 : vector<16xi32> to vector<16xf32>
      tpu.vector_store_idx %arg14[%get3A_626], %convert_element_type3A_631 : memref<512xf32, #tpu.memory_space<vmem>>[vector<16xi32>], vector<16xf32>,
      %get3A_632 = arith.constant 32 : index
      %get3A_633 = tpu.vector_load %arg11[%get3A_632] {strides = array<i32>} : memref<128xi32, #tpu.memory_space<vmem>>, vector<16xi32>,
      %add3A_634 = arith.constant 33 : i32
      %add3A_635 = arith.addi %mul3A_616, %add3A_634 : i32
      %add3A_636 = vector.broadcast %add3A_635 : i32 to vector<16xi32>
      %add3A_637 = arith.addi %add3A_636, %iota3A : vector<16xi32>
      %convert_element_type3A_638 = arith.sitofp %add3A_637 : vector<16xi32> to vector<16xf32>
      tpu.vector_store_idx %arg14[%get3A_633], %convert_element_type3A_638 : memref<512xf32, #tpu.memory_space<vmem>>[vector<16xi32>], vector<16xf32>,
      %get3A_639 = arith.constant 48 : index
      %get3A_640 = tpu.vector_load %arg11[%get3A_639] {strides = array<i32>} : memref<128xi32, #tpu.memory_space<vmem>>, vector<16xi32>,
      %add3A_641 = arith.constant 49 : i32
      %add3A_642 = arith.addi %mul3A_616, %add3A_641 : i32
      %add3A_643 = vector.broadcast %add3A_642 : i32 to vector<16xi32>
      %add3A_644 = arith.addi %add3A_643, %iota3A : vector<16xi32>
      %convert_element_type3A_645 = arith.sitofp %add3A_644 : vector<16xi32> to vector<16xf32>
      tpu.vector_store_idx %arg14[%get3A_640], %convert_element_type3A_645 : memref<512xf32, #tpu.memory_space<vmem>>[vector<16xi32>], vector<16xf32>,
      %get3A_646 = arith.constant 64 : index
      %get3A_647 = tpu.vector_load %arg11[%get3A_646] {strides = array<i32>} : memref<128xi32, #tpu.memory_space<vmem>>, vector<16xi32>,
      %add3A_648 = arith.constant 65 : i32
      %add3A_649 = arith.addi %mul3A_616, %add3A_648 : i32
      %add3A_650 = vector.broadcast %add3A_649 : i32 to vector<16xi32>
      %add3A_651 = arith.addi %add3A_650, %iota3A : vector<16xi32>
      %convert_element_type3A_652 = arith.sitofp %add3A_651 : vector<16xi32> to vector<16xf32>
      tpu.vector_store_idx %arg14[%get3A_647], %convert_element_type3A_652 : memref<512xf32, #tpu.memory_space<vmem>>[vector<16xi32>], vector<16xf32>,
      %get3A_653 = arith.constant 80 : index
      %get3A_654 = tpu.vector_load %arg11[%get3A_653] {strides = array<i32>} : memref<128xi32, #tpu.memory_space<vmem>>, vector<16xi32>,
      %add3A_655 = arith.constant 81 : i32
      %add3A_656 = arith.addi %mul3A_616, %add3A_655 : i32
      %add3A_657 = vector.broadcast %add3A_656 : i32 to vector<16xi32>
      %add3A_658 = arith.addi %add3A_657, %iota3A : vector<16xi32>
      %convert_element_type3A_659 = arith.sitofp %add3A_658 : vector<16xi32> to vector<16xf32>
      tpu.vector_store_idx %arg14[%get3A_654], %convert_element_type3A_659 : memref<512xf32, #tpu.memory_space<vmem>>[vector<16xi32>], vector<16xf32>,
      %get3A_660 = arith.constant 96 : index
      %get3A_661 = tpu.vector_load %arg11[%get3A_660] {strides = array<i32>} : memref<128xi32, #tpu.memory_space<vmem>>, vector<16xi32>,
      %add3A_662 = arith.constant 97 : i32
      %add3A_663 = arith.addi %mul3A_616, %add3A_662 : i32
      %add3A_664 = vector.broadcast %add3A_663 : i32 to vector<16xi32>
      %add3A_665 = arith.addi %add3A_664, %iota3A : vector<16xi32>
      %convert_element_type3A_666 = arith.sitofp %add3A_665 : vector<16xi32> to vector<16xf32>
      tpu.vector_store_idx %arg14[%get3A_661], %convert_element_type3A_666 : memref<512xf32, #tpu.memory_space<vmem>>[vector<16xi32>], vector<16xf32>,
      %get3A_667 = arith.constant 112 : index
      %get3A_668 = tpu.vector_load %arg11[%get3A_667] {strides = array<i32>} : memref<128xi32, #tpu.memory_space<vmem>>, vector<16xi32>,
      %add3A_669 = arith.constant 113 : i32
      %add3A_670 = arith.addi %mul3A_616, %add3A_669 : i32
      %add3A_671 = vector.broadcast %add3A_670 : i32 to vector<16xi32>
      %add3A_672 = arith.addi %add3A_671, %iota3A : vector<16xi32>
      %convert_element_type3A_673 = arith.sitofp %add3A_672 : vector<16xi32> to vector<16xf32>
      tpu.vector_store_idx %arg14[%get3A_668], %convert_element_type3A_673 : memref<512xf32, #tpu.memory_space<vmem>>[vector<16xi32>], vector<16xf32>,
    } else {
    }
    %add3A_52 = arith.constant 64 : i32
    %add3A_53 = arith.addi %add3A_52, %add3A : i32
    %add3A_54 = arith.constant 32 : i32
    %add3A_55 = arith.addi %add3A_54, %add3A : i32
    %lt3A_56 = arith.constant 781 : i32
    %lt3A_57 = arith.cmpi slt, %add3A_55, %lt3A_56 : i32
    %convert_element_type3A_58 = arith.extui %lt3A_57 : i1 to i32
    %cond3A_59 = arith.constant 0 : i32
    %cond3A_60 = arith.cmpi ne, %convert_element_type3A_58, %cond3A_59 : i32
    scf.if %cond3A_60 {
      %dma_wait3A = arith.constant 0 : i32
      %dma_wait3A_610 = arith.constant 0 : i32
      %dma_wait3A_611 = tpu.memref_slice %arg15[%dma_wait3A, %dma_wait3A_610] : memref<512x128xf32, #tpu.memory_space<vmem_shared>> -> memref<512x128xf32, #tpu.memory_space<vmem_shared>>
      tpu.wait_indirect_dma semaphore(%arg19 : memref<!tpu.dma_semaphore, #tpu.memory_space<semaphore_mem>>) src(%arg9 : memref<128x128xf32, #tpu.memory_space<vmem>>) dst(%dma_wait3A_611 : memref<512x128xf32, #tpu.memory_space<vmem_shared>>)
    } else {
    }
    %add3A_61 = arith.constant 96 : i32
    %add3A_62 = arith.addi %add3A_61, %add3A : i32
    %mul3A_63 = arith.constant 128 : i32
    %mul3A_64 = arith.muli %add3A_62, %mul3A_63 : i32
    %multiple_of3A_65 = tpu.assume_multiple %mul3A_64, 128 : i32
    %lt3A_66 = arith.constant 781 : i32
    %lt3A_67 = arith.cmpi slt, %add3A_62, %lt3A_66 : i32
    %convert_element_type3A_68 = arith.extui %lt3A_67 : i1 to i32
    %cond3A_69 = arith.constant 0 : i32
    %cond3A_70 = arith.cmpi ne, %convert_element_type3A_68, %cond3A_69 : i32
    scf.if %cond3A_70 {
      %dma_start3A = arith.constant 0 : i32
      %dma_start3A_610 = tpu.memref_slice %arg2[%multiple_of3A_65, %dma_start3A] : memref<100000x128xf32, #tpu.memory_space<hbm>> -> memref<128x128xf32, #tpu.memory_space<hbm>>
      %dma_start3A_611 = arith.constant 0 : i32
      %dma_start3A_612 = tpu.memref_slice %arg2[%multiple_of3A_65, %dma_start3A_611] : memref<100000x128xf32, #tpu.memory_space<hbm>> -> memref<128x128xf32, #tpu.memory_space<hbm>>
      tpu.enqueue_dma source(%dma_start3A_612 : memref<128x128xf32, #tpu.memory_space<hbm>>) target(%arg9 : memref<128x128xf32, #tpu.memory_space<vmem>>) target_semaphore(%arg17 : memref<!tpu.dma_semaphore, #tpu.memory_space<semaphore_mem>>)
      %dma_start3A_613 = tpu.memref_slice %arg3[%multiple_of3A_65] : memref<100000xi32, #tpu.memory_space<hbm>> -> memref<128xi32, #tpu.memory_space<hbm>>
      %dma_start3A_614 = tpu.memref_slice %arg3[%multiple_of3A_65] : memref<100000xi32, #tpu.memory_space<hbm>> -> memref<128xi32, #tpu.memory_space<hbm>>
      tpu.enqueue_dma source(%dma_start3A_614 : memref<128xi32, #tpu.memory_space<hbm>>) target(%arg11 : memref<128xi32, #tpu.memory_space<vmem>>) target_semaphore(%arg21 : memref<!tpu.dma_semaphore, #tpu.memory_space<semaphore_mem>>)
    } else {
    }
    %lt3A_71 = arith.constant 781 : i32
    %lt3A_72 = arith.cmpi slt, %add3A_53, %lt3A_71 : i32
    %convert_element_type3A_73 = arith.extui %lt3A_72 : i1 to i32
    %cond3A_74 = arith.constant 0 : i32
    %cond3A_75 = arith.cmpi ne, %convert_element_type3A_73, %cond3A_74 : i32
    scf.if %cond3A_75 {
      %dma_wait3A = arith.constant 0 : i32
      %dma_wait3A_610 = tpu.memref_slice %arg2[%multiple_of3A_41, %dma_wait3A] : memref<100000x128xf32, #tpu.memory_space<hbm>> -> memref<128x128xf32, #tpu.memory_space<hbm>>
      %dma_wait3A_611 = arith.constant 0 : i32
      %dma_wait3A_612 = tpu.memref_slice %arg2[%multiple_of3A_41, %dma_wait3A_611] : memref<100000x128xf32, #tpu.memory_space<hbm>> -> memref<128x128xf32, #tpu.memory_space<hbm>>
      tpu.wait_dma2 semaphore(%arg16 : memref<!tpu.dma_semaphore, #tpu.memory_space<semaphore_mem>>) src(%dma_wait3A_612 : memref<128x128xf32, #tpu.memory_space<hbm>>) dst(%arg8 : memref<128x128xf32, #tpu.memory_space<vmem>>)
      %dma_wait3A_613 = tpu.memref_slice %arg3[%multiple_of3A_41] : memref<100000xi32, #tpu.memory_space<hbm>> -> memref<128xi32, #tpu.memory_space<hbm>>
      %dma_wait3A_614 = tpu.memref_slice %arg3[%multiple_of3A_41] : memref<100000xi32, #tpu.memory_space<hbm>> -> memref<128xi32, #tpu.memory_space<hbm>>
      tpu.wait_dma2 semaphore(%arg20 : memref<!tpu.dma_semaphore, #tpu.memory_space<semaphore_mem>>) src(%dma_wait3A_614 : memref<128xi32, #tpu.memory_space<hbm>>) dst(%arg10 : memref<128xi32, #tpu.memory_space<vmem>>)
      %mul3A_615 = arith.constant 128 : i32
      %mul3A_616 = arith.muli %add3A_53, %mul3A_615 : i32
      %dma_start3A = arith.constant 0 : i32
      %dma_start3A_617 = arith.constant 0 : i32
      %dma_start3A_618 = tpu.memref_slice %arg15[%dma_start3A, %dma_start3A_617] : memref<512x128xf32, #tpu.memory_space<vmem_shared>> -> memref<512x128xf32, #tpu.memory_space<vmem_shared>>
      tpu.enqueue_indirect_dma source(%arg8 : memref<128x128xf32, #tpu.memory_space<vmem>>) target(%dma_start3A_618 : memref<512x128xf32, #tpu.memory_space<vmem_shared>>) offsets(%arg10 : memref<128xi32, #tpu.memory_space<vmem>>) semaphore(%arg18 : memref<!tpu.dma_semaphore, #tpu.memory_space<semaphore_mem>>) {add = true}
      %get3A = arith.constant 0 : index
      %get3A_619 = tpu.vector_load %arg10[%get3A] {strides = array<i32>} : memref<128xi32, #tpu.memory_space<vmem>>, vector<16xi32>,
      %add3A_620 = arith.constant 1 : i32
      %add3A_621 = arith.addi %mul3A_616, %add3A_620 : i32
      %add3A_622 = vector.broadcast %add3A_621 : i32 to vector<16xi32>
      %add3A_623 = arith.addi %add3A_622, %iota3A : vector<16xi32>
      %convert_element_type3A_624 = arith.sitofp %add3A_623 : vector<16xi32> to vector<16xf32>
      tpu.vector_store_idx %arg14[%get3A_619], %convert_element_type3A_624 : memref<512xf32, #tpu.memory_space<vmem>>[vector<16xi32>], vector<16xf32>,
      %get3A_625 = arith.constant 16 : index
      %get3A_626 = tpu.vector_load %arg10[%get3A_625] {strides = array<i32>} : memref<128xi32, #tpu.memory_space<vmem>>, vector<16xi32>,
      %add3A_627 = arith.constant 17 : i32
      %add3A_628 = arith.addi %mul3A_616, %add3A_627 : i32
      %add3A_629 = vector.broadcast %add3A_628 : i32 to vector<16xi32>
      %add3A_630 = arith.addi %add3A_629, %iota3A : vector<16xi32>
      %convert_element_type3A_631 = arith.sitofp %add3A_630 : vector<16xi32> to vector<16xf32>
      tpu.vector_store_idx %arg14[%get3A_626], %convert_element_type3A_631 : memref<512xf32, #tpu.memory_space<vmem>>[vector<16xi32>], vector<16xf32>,
      %get3A_632 = arith.constant 32 : index
      %get3A_633 = tpu.vector_load %arg10[%get3A_632] {strides = array<i32>} : memref<128xi32, #tpu.memory_space<vmem>>, vector<16xi32>,
      %add3A_634 = arith.constant 33 : i32
      %add3A_635 = arith.addi %mul3A_616, %add3A_634 : i32
      %add3A_636 = vector.broadcast %add3A_635 : i32 to vector<16xi32>
      %add3A_637 = arith.addi %add3A_636, %iota3A : vector<16xi32>
      %convert_element_type3A_638 = arith.sitofp %add3A_637 : vector<16xi32> to vector<16xf32>
      tpu.vector_store_idx %arg14[%get3A_633], %convert_element_type3A_638 : memref<512xf32, #tpu.memory_space<vmem>>[vector<16xi32>], vector<16xf32>,
      %get3A_639 = arith.constant 48 : index
      %get3A_640 = tpu.vector_load %arg10[%get3A_639] {strides = array<i32>} : memref<128xi32, #tpu.memory_space<vmem>>, vector<16xi32>,
      %add3A_641 = arith.constant 49 : i32
      %add3A_642 = arith.addi %mul3A_616, %add3A_641 : i32
      %add3A_643 = vector.broadcast %add3A_642 : i32 to vector<16xi32>
      %add3A_644 = arith.addi %add3A_643, %iota3A : vector<16xi32>
      %convert_element_type3A_645 = arith.sitofp %add3A_644 : vector<16xi32> to vector<16xf32>
      tpu.vector_store_idx %arg14[%get3A_640], %convert_element_type3A_645 : memref<512xf32, #tpu.memory_space<vmem>>[vector<16xi32>], vector<16xf32>,
      %get3A_646 = arith.constant 64 : index
      %get3A_647 = tpu.vector_load %arg10[%get3A_646] {strides = array<i32>} : memref<128xi32, #tpu.memory_space<vmem>>, vector<16xi32>,
      %add3A_648 = arith.constant 65 : i32
      %add3A_649 = arith.addi %mul3A_616, %add3A_648 : i32
      %add3A_650 = vector.broadcast %add3A_649 : i32 to vector<16xi32>
      %add3A_651 = arith.addi %add3A_650, %iota3A : vector<16xi32>
      %convert_element_type3A_652 = arith.sitofp %add3A_651 : vector<16xi32> to vector<16xf32>
      tpu.vector_store_idx %arg14[%get3A_647], %convert_element_type3A_652 : memref<512xf32, #tpu.memory_space<vmem>>[vector<16xi32>], vector<16xf32>,
      %get3A_653 = arith.constant 80 : index
      %get3A_654 = tpu.vector_load %arg10[%get3A_653] {strides = array<i32>} : memref<128xi32, #tpu.memory_space<vmem>>, vector<16xi32>,
      %add3A_655 = arith.constant 81 : i32
      %add3A_656 = arith.addi %mul3A_616, %add3A_655 : i32
      %add3A_657 = vector.broadcast %add3A_656 : i32 to vector<16xi32>
      %add3A_658 = arith.addi %add3A_657, %iota3A : vector<16xi32>
      %convert_element_type3A_659 = arith.sitofp %add3A_658 : vector<16xi32> to vector<16xf32>
      tpu.vector_store_idx %arg14[%get3A_654], %convert_element_type3A_659 : memref<512xf32, #tpu.memory_space<vmem>>[vector<16xi32>], vector<16xf32>,
      %get3A_660 = arith.constant 96 : index
      %get3A_661 = tpu.vector_load %arg10[%get3A_660] {strides = array<i32>} : memref<128xi32, #tpu.memory_space<vmem>>, vector<16xi32>,
      %add3A_662 = arith.constant 97 : i32
      %add3A_663 = arith.addi %mul3A_616, %add3A_662 : i32
      %add3A_664 = vector.broadcast %add3A_663 : i32 to vector<16xi32>
      %add3A_665 = arith.addi %add3A_664, %iota3A : vector<16xi32>
      %convert_element_type3A_666 = arith.sitofp %add3A_665 : vector<16xi32> to vector<16xf32>
      tpu.vector_store_idx %arg14[%get3A_661], %convert_element_type3A_666 : memref<512xf32, #tpu.memory_space<vmem>>[vector<16xi32>], vector<16xf32>,
      %get3A_667 = arith.constant 112 : index
      %get3A_668 = tpu.vector_load %arg10[%get3A_667] {strides = array<i32>} : memref<128xi32, #tpu.memory_space<vmem>>, vector<16xi32>,
      %add3A_669 = arith.constant 113 : i32
      %add3A_670 = arith.addi %mul3A_616, %add3A_669 : i32
      %add3A_671 = vector.broadcast %add3A_670 : i32 to vector<16xi32>
      %add3A_672 = arith.addi %add3A_671, %iota3A : vector<16xi32>
      %convert_element_type3A_673 = arith.sitofp %add3A_672 : vector<16xi32> to vector<16xf32>
      tpu.vector_store_idx %arg14[%get3A_668], %convert_element_type3A_673 : memref<512xf32, #tpu.memory_space<vmem>>[vector<16xi32>], vector<16xf32>,
    } else {
    }
    %add3A_76 = arith.constant 96 : i32
    %add3A_77 = arith.addi %add3A_76, %add3A : i32
    %add3A_78 = arith.constant 64 : i32
    %add3A_79 = arith.addi %add3A_78, %add3A : i32
    %lt3A_80 = arith.constant 781 : i32
    %lt3A_81 = arith.cmpi slt, %add3A_79, %lt3A_80 : i32
    %convert_element_type3A_82 = arith.extui %lt3A_81 : i1 to i32
    %cond3A_83 = arith.constant 0 : i32
    %cond3A_84 = arith.cmpi ne, %convert_element_type3A_82, %cond3A_83 : i32
    scf.if %cond3A_84 {
      %dma_wait3A = arith.constant 0 : i32
      %dma_wait3A_610 = arith.constant 0 : i32
      %dma_wait3A_611 = tpu.memref_slice %arg15[%dma_wait3A, %dma_wait3A_610] : memref<512x128xf32, #tpu.memory_space<vmem_shared>> -> memref<512x128xf32, #tpu.memory_space<vmem_shared>>
      tpu.wait_indirect_dma semaphore(%arg18 : memref<!tpu.dma_semaphore, #tpu.memory_space<semaphore_mem>>) src(%arg8 : memref<128x128xf32, #tpu.memory_space<vmem>>) dst(%dma_wait3A_611 : memref<512x128xf32, #tpu.memory_space<vmem_shared>>)
    } else {
    }
    %add3A_85 = arith.constant 128 : i32
    %add3A_86 = arith.addi %add3A_85, %add3A : i32
    %mul3A_87 = arith.constant 128 : i32
    %mul3A_88 = arith.muli %add3A_86, %mul3A_87 : i32
    %multiple_of3A_89 = tpu.assume_multiple %mul3A_88, 128 : i32
    %lt3A_90 = arith.constant 781 : i32
    %lt3A_91 = arith.cmpi slt, %add3A_86, %lt3A_90 : i32
    %convert_element_type3A_92 = arith.extui %lt3A_91 : i1 to i32
    %cond3A_93 = arith.constant 0 : i32
    %cond3A_94 = arith.cmpi ne, %convert_element_type3A_92, %cond3A_93 : i32
    scf.if %cond3A_94 {
      %dma_start3A = arith.constant 0 : i32
      %dma_start3A_610 = tpu.memref_slice %arg2[%multiple_of3A_89, %dma_start3A] : memref<100000x128xf32, #tpu.memory_space<hbm>> -> memref<128x128xf32, #tpu.memory_space<hbm>>
      %dma_start3A_611 = arith.constant 0 : i32
      %dma_start3A_612 = tpu.memref_slice %arg2[%multiple_of3A_89, %dma_start3A_611] : memref<100000x128xf32, #tpu.memory_space<hbm>> -> memref<128x128xf32, #tpu.memory_space<hbm>>
      tpu.enqueue_dma source(%dma_start3A_612 : memref<128x128xf32, #tpu.memory_space<hbm>>) target(%arg8 : memref<128x128xf32, #tpu.memory_space<vmem>>) target_semaphore(%arg16 : memref<!tpu.dma_semaphore, #tpu.memory_space<semaphore_mem>>)
      %dma_start3A_613 = tpu.memref_slice %arg3[%multiple_of3A_89] : memref<100000xi32, #tpu.memory_space<hbm>> -> memref<128xi32, #tpu.memory_space<hbm>>
      %dma_start3A_614 = tpu.memref_slice %arg3[%multiple_of3A_89] : memref<100000xi32, #tpu.memory_space<hbm>> -> memref<128xi32, #tpu.memory_space<hbm>>
      tpu.enqueue_dma source(%dma_start3A_614 : memref<128xi32, #tpu.memory_space<hbm>>) target(%arg10 : memref<128xi32, #tpu.memory_space<vmem>>) target_semaphore(%arg20 : memref<!tpu.dma_semaphore, #tpu.memory_space<semaphore_mem>>)
    } else {
    }
    %lt3A_95 = arith.constant 781 : i32
    %lt3A_96 = arith.cmpi slt, %add3A_77, %lt3A_95 : i32
    %convert_element_type3A_97 = arith.extui %lt3A_96 : i1 to i32
    %cond3A_98 = arith.constant 0 : i32
    %cond3A_99 = arith.cmpi ne, %convert_element_type3A_97, %cond3A_98 : i32
    scf.if %cond3A_99 {
      %dma_wait3A = arith.constant 0 : i32
      %dma_wait3A_610 = tpu.memref_slice %arg2[%multiple_of3A_65, %dma_wait3A] : memref<100000x128xf32, #tpu.memory_space<hbm>> -> memref<128x128xf32, #tpu.memory_space<hbm>>
      %dma_wait3A_611 = arith.constant 0 : i32
      %dma_wait3A_612 = tpu.memref_slice %arg2[%multiple_of3A_65, %dma_wait3A_611] : memref<100000x128xf32, #tpu.memory_space<hbm>> -> memref<128x128xf32, #tpu.memory_space<hbm>>
      tpu.wait_dma2 semaphore(%arg17 : memref<!tpu.dma_semaphore, #tpu.memory_space<semaphore_mem>>) src(%dma_wait3A_612 : memref<128x128xf32, #tpu.memory_space<hbm>>) dst(%arg9 : memref<128x128xf32, #tpu.memory_space<vmem>>)
      %dma_wait3A_613 = tpu.memref_slice %arg3[%multiple_of3A_65] : memref<100000xi32, #tpu.memory_space<hbm>> -> memref<128xi32, #tpu.memory_space<hbm>>
      %dma_wait3A_614 = tpu.memref_slice %arg3[%multiple_of3A_65] : memref<100000xi32, #tpu.memory_space<hbm>> -> memref<128xi32, #tpu.memory_space<hbm>>
      tpu.wait_dma2 semaphore(%arg21 : memref<!tpu.dma_semaphore, #tpu.memory_space<semaphore_mem>>) src(%dma_wait3A_614 : memref<128xi32, #tpu.memory_space<hbm>>) dst(%arg11 : memref<128xi32, #tpu.memory_space<vmem>>)
      %mul3A_615 = arith.constant 128 : i32
      %mul3A_616 = arith.muli %add3A_77, %mul3A_615 : i32
      %dma_start3A = arith.constant 0 : i32
      %dma_start3A_617 = arith.constant 0 : i32
      %dma_start3A_618 = tpu.memref_slice %arg15[%dma_start3A, %dma_start3A_617] : memref<512x128xf32, #tpu.memory_space<vmem_shared>> -> memref<512x128xf32, #tpu.memory_space<vmem_shared>>
      tpu.enqueue_indirect_dma source(%arg9 : memref<128x128xf32, #tpu.memory_space<vmem>>) target(%dma_start3A_618 : memref<512x128xf32, #tpu.memory_space<vmem_shared>>) offsets(%arg11 : memref<128xi32, #tpu.memory_space<vmem>>) semaphore(%arg19 : memref<!tpu.dma_semaphore, #tpu.memory_space<semaphore_mem>>) {add = true}
      %get3A = arith.constant 0 : index
      %get3A_619 = tpu.vector_load %arg11[%get3A] {strides = array<i32>} : memref<128xi32, #tpu.memory_space<vmem>>, vector<16xi32>,
      %add3A_620 = arith.constant 1 : i32
      %add3A_621 = arith.addi %mul3A_616, %add3A_620 : i32
      %add3A_622 = vector.broadcast %add3A_621 : i32 to vector<16xi32>
      %add3A_623 = arith.addi %add3A_622, %iota3A : vector<16xi32>
      %convert_element_type3A_624 = arith.sitofp %add3A_623 : vector<16xi32> to vector<16xf32>
      tpu.vector_store_idx %arg14[%get3A_619], %convert_element_type3A_624 : memref<512xf32, #tpu.memory_space<vmem>>[vector<16xi32>], vector<16xf32>,
      %get3A_625 = arith.constant 16 : index
      %get3A_626 = tpu.vector_load %arg11[%get3A_625] {strides = array<i32>} : memref<128xi32, #tpu.memory_space<vmem>>, vector<16xi32>,
      %add3A_627 = arith.constant 17 : i32
      %add3A_628 = arith.addi %mul3A_616, %add3A_627 : i32
      %add3A_629 = vector.broadcast %add3A_628 : i32 to vector<16xi32>
      %add3A_630 = arith.addi %add3A_629, %iota3A : vector<16xi32>
      %convert_element_type3A_631 = arith.sitofp %add3A_630 : vector<16xi32> to vector<16xf32>
      tpu.vector_store_idx %arg14[%get3A_626], %convert_element_type3A_631 : memref<512xf32, #tpu.memory_space<vmem>>[vector<16xi32>], vector<16xf32>,
      %get3A_632 = arith.constant 32 : index
      %get3A_633 = tpu.vector_load %arg11[%get3A_632] {strides = array<i32>} : memref<128xi32, #tpu.memory_space<vmem>>, vector<16xi32>,
      %add3A_634 = arith.constant 33 : i32
      %add3A_635 = arith.addi %mul3A_616, %add3A_634 : i32
      %add3A_636 = vector.broadcast %add3A_635 : i32 to vector<16xi32>
      %add3A_637 = arith.addi %add3A_636, %iota3A : vector<16xi32>
      %convert_element_type3A_638 = arith.sitofp %add3A_637 : vector<16xi32> to vector<16xf32>
      tpu.vector_store_idx %arg14[%get3A_633], %convert_element_type3A_638 : memref<512xf32, #tpu.memory_space<vmem>>[vector<16xi32>], vector<16xf32>,
      %get3A_639 = arith.constant 48 : index
      %get3A_640 = tpu.vector_load %arg11[%get3A_639] {strides = array<i32>} : memref<128xi32, #tpu.memory_space<vmem>>, vector<16xi32>,
      %add3A_641 = arith.constant 49 : i32
      %add3A_642 = arith.addi %mul3A_616, %add3A_641 : i32
      %add3A_643 = vector.broadcast %add3A_642 : i32 to vector<16xi32>
      %add3A_644 = arith.addi %add3A_643, %iota3A : vector<16xi32>
      %convert_element_type3A_645 = arith.sitofp %add3A_644 : vector<16xi32> to vector<16xf32>
      tpu.vector_store_idx %arg14[%get3A_640], %convert_element_type3A_645 : memref<512xf32, #tpu.memory_space<vmem>>[vector<16xi32>], vector<16xf32>,
      %get3A_646 = arith.constant 64 : index
      %get3A_647 = tpu.vector_load %arg11[%get3A_646] {strides = array<i32>} : memref<128xi32, #tpu.memory_space<vmem>>, vector<16xi32>,
      %add3A_648 = arith.constant 65 : i32
      %add3A_649 = arith.addi %mul3A_616, %add3A_648 : i32
      %add3A_650 = vector.broadcast %add3A_649 : i32 to vector<16xi32>
      %add3A_651 = arith.addi %add3A_650, %iota3A : vector<16xi32>
      %convert_element_type3A_652 = arith.sitofp %add3A_651 : vector<16xi32> to vector<16xf32>
      tpu.vector_store_idx %arg14[%get3A_647], %convert_element_type3A_652 : memref<512xf32, #tpu.memory_space<vmem>>[vector<16xi32>], vector<16xf32>,
      %get3A_653 = arith.constant 80 : index
      %get3A_654 = tpu.vector_load %arg11[%get3A_653] {strides = array<i32>} : memref<128xi32, #tpu.memory_space<vmem>>, vector<16xi32>,
      %add3A_655 = arith.constant 81 : i32
      %add3A_656 = arith.addi %mul3A_616, %add3A_655 : i32
      %add3A_657 = vector.broadcast %add3A_656 : i32 to vector<16xi32>
      %add3A_658 = arith.addi %add3A_657, %iota3A : vector<16xi32>
      %convert_element_type3A_659 = arith.sitofp %add3A_658 : vector<16xi32> to vector<16xf32>
      tpu.vector_store_idx %arg14[%get3A_654], %convert_element_type3A_659 : memref<512xf32, #tpu.memory_space<vmem>>[vector<16xi32>], vector<16xf32>,
      %get3A_660 = arith.constant 96 : index
      %get3A_661 = tpu.vector_load %arg11[%get3A_660] {strides = array<i32>} : memref<128xi32, #tpu.memory_space<vmem>>, vector<16xi32>,
      %add3A_662 = arith.constant 97 : i32
      %add3A_663 = arith.addi %mul3A_616, %add3A_662 : i32
      %add3A_664 = vector.broadcast %add3A_663 : i32 to vector<16xi32>
      %add3A_665 = arith.addi %add3A_664, %iota3A : vector<16xi32>
      %convert_element_type3A_666 = arith.sitofp %add3A_665 : vector<16xi32> to vector<16xf32>
      tpu.vector_store_idx %arg14[%get3A_661], %convert_element_type3A_666 : memref<512xf32, #tpu.memory_space<vmem>>[vector<16xi32>], vector<16xf32>,
      %get3A_667 = arith.constant 112 : index
      %get3A_668 = tpu.vector_load %arg11[%get3A_667] {strides = array<i32>} : memref<128xi32, #tpu.memory_space<vmem>>, vector<16xi32>,
      %add3A_669 = arith.constant 113 : i32
      %add3A_670 = arith.addi %mul3A_616, %add3A_669 : i32
      %add3A_671 = vector.broadcast %add3A_670 : i32 to vector<16xi32>
      %add3A_672 = arith.addi %add3A_671, %iota3A : vector<16xi32>
      %convert_element_type3A_673 = arith.sitofp %add3A_672 : vector<16xi32> to vector<16xf32>
      tpu.vector_store_idx %arg14[%get3A_668], %convert_element_type3A_673 : memref<512xf32, #tpu.memory_space<vmem>>[vector<16xi32>], vector<16xf32>,
    } else {
    }
    %add3A_100 = arith.constant 128 : i32
    %add3A_101 = arith.addi %add3A_100, %add3A : i32
    %add3A_102 = arith.constant 96 : i32
    %add3A_103 = arith.addi %add3A_102, %add3A : i32
    %lt3A_104 = arith.constant 781 : i32
    %lt3A_105 = arith.cmpi slt, %add3A_103, %lt3A_104 : i32
    %convert_element_type3A_106 = arith.extui %lt3A_105 : i1 to i32
    %cond3A_107 = arith.constant 0 : i32
    %cond3A_108 = arith.cmpi ne, %convert_element_type3A_106, %cond3A_107 : i32
    scf.if %cond3A_108 {
      %dma_wait3A = arith.constant 0 : i32
      %dma_wait3A_610 = arith.constant 0 : i32
      %dma_wait3A_611 = tpu.memref_slice %arg15[%dma_wait3A, %dma_wait3A_610] : memref<512x128xf32, #tpu.memory_space<vmem_shared>> -> memref<512x128xf32, #tpu.memory_space<vmem_shared>>
      tpu.wait_indirect_dma semaphore(%arg19 : memref<!tpu.dma_semaphore, #tpu.memory_space<semaphore_mem>>) src(%arg9 : memref<128x128xf32, #tpu.memory_space<vmem>>) dst(%dma_wait3A_611 : memref<512x128xf32, #tpu.memory_space<vmem_shared>>)
    } else {
    }
    %add3A_109 = arith.constant 160 : i32
    %add3A_110 = arith.addi %add3A_109, %add3A : i32
    %mul3A_111 = arith.constant 128 : i32
    %mul3A_112 = arith.muli %add3A_110, %mul3A_111 : i32
    %multiple_of3A_113 = tpu.assume_multiple %mul3A_112, 128 : i32
    %lt3A_114 = arith.constant 781 : i32
    %lt3A_115 = arith.cmpi slt, %add3A_110, %lt3A_114 : i32
    %convert_element_type3A_116 = arith.extui %lt3A_115 : i1 to i32
    %cond3A_117 = arith.constant 0 : i32
    %cond3A_118 = arith.cmpi ne, %convert_element_type3A_116, %cond3A_117 : i32
    scf.if %cond3A_118 {
      %dma_start3A = arith.constant 0 : i32
      %dma_start3A_610 = tpu.memref_slice %arg2[%multiple_of3A_113, %dma_start3A] : memref<100000x128xf32, #tpu.memory_space<hbm>> -> memref<128x128xf32, #tpu.memory_space<hbm>>
      %dma_start3A_611 = arith.constant 0 : i32
      %dma_start3A_612 = tpu.memref_slice %arg2[%multiple_of3A_113, %dma_start3A_611] : memref<100000x128xf32, #tpu.memory_space<hbm>> -> memref<128x128xf32, #tpu.memory_space<hbm>>
      tpu.enqueue_dma source(%dma_start3A_612 : memref<128x128xf32, #tpu.memory_space<hbm>>) target(%arg9 : memref<128x128xf32, #tpu.memory_space<vmem>>) target_semaphore(%arg17 : memref<!tpu.dma_semaphore, #tpu.memory_space<semaphore_mem>>)
      %dma_start3A_613 = tpu.memref_slice %arg3[%multiple_of3A_113] : memref<100000xi32, #tpu.memory_space<hbm>> -> memref<128xi32, #tpu.memory_space<hbm>>
      %dma_start3A_614 = tpu.memref_slice %arg3[%multiple_of3A_113] : memref<100000xi32, #tpu.memory_space<hbm>> -> memref<128xi32, #tpu.memory_space<hbm>>
      tpu.enqueue_dma source(%dma_start3A_614 : memref<128xi32, #tpu.memory_space<hbm>>) target(%arg11 : memref<128xi32, #tpu.memory_space<vmem>>) target_semaphore(%arg21 : memref<!tpu.dma_semaphore, #tpu.memory_space<semaphore_mem>>)
    } else {
    }
    %lt3A_119 = arith.constant 781 : i32
    %lt3A_120 = arith.cmpi slt, %add3A_101, %lt3A_119 : i32
    %convert_element_type3A_121 = arith.extui %lt3A_120 : i1 to i32
    %cond3A_122 = arith.constant 0 : i32
    %cond3A_123 = arith.cmpi ne, %convert_element_type3A_121, %cond3A_122 : i32
    scf.if %cond3A_123 {
      %dma_wait3A = arith.constant 0 : i32
      %dma_wait3A_610 = tpu.memref_slice %arg2[%multiple_of3A_89, %dma_wait3A] : memref<100000x128xf32, #tpu.memory_space<hbm>> -> memref<128x128xf32, #tpu.memory_space<hbm>>
      %dma_wait3A_611 = arith.constant 0 : i32
      %dma_wait3A_612 = tpu.memref_slice %arg2[%multiple_of3A_89, %dma_wait3A_611] : memref<100000x128xf32, #tpu.memory_space<hbm>> -> memref<128x128xf32, #tpu.memory_space<hbm>>
      tpu.wait_dma2 semaphore(%arg16 : memref<!tpu.dma_semaphore, #tpu.memory_space<semaphore_mem>>) src(%dma_wait3A_612 : memref<128x128xf32, #tpu.memory_space<hbm>>) dst(%arg8 : memref<128x128xf32, #tpu.memory_space<vmem>>)
      %dma_wait3A_613 = tpu.memref_slice %arg3[%multiple_of3A_89] : memref<100000xi32, #tpu.memory_space<hbm>> -> memref<128xi32, #tpu.memory_space<hbm>>
      %dma_wait3A_614 = tpu.memref_slice %arg3[%multiple_of3A_89] : memref<100000xi32, #tpu.memory_space<hbm>> -> memref<128xi32, #tpu.memory_space<hbm>>
      tpu.wait_dma2 semaphore(%arg20 : memref<!tpu.dma_semaphore, #tpu.memory_space<semaphore_mem>>) src(%dma_wait3A_614 : memref<128xi32, #tpu.memory_space<hbm>>) dst(%arg10 : memref<128xi32, #tpu.memory_space<vmem>>)
      %mul3A_615 = arith.constant 128 : i32
      %mul3A_616 = arith.muli %add3A_101, %mul3A_615 : i32
      %dma_start3A = arith.constant 0 : i32
      %dma_start3A_617 = arith.constant 0 : i32
      %dma_start3A_618 = tpu.memref_slice %arg15[%dma_start3A, %dma_start3A_617] : memref<512x128xf32, #tpu.memory_space<vmem_shared>> -> memref<512x128xf32, #tpu.memory_space<vmem_shared>>
      tpu.enqueue_indirect_dma source(%arg8 : memref<128x128xf32, #tpu.memory_space<vmem>>) target(%dma_start3A_618 : memref<512x128xf32, #tpu.memory_space<vmem_shared>>) offsets(%arg10 : memref<128xi32, #tpu.memory_space<vmem>>) semaphore(%arg18 : memref<!tpu.dma_semaphore, #tpu.memory_space<semaphore_mem>>) {add = true}
      %get3A = arith.constant 0 : index
      %get3A_619 = tpu.vector_load %arg10[%get3A] {strides = array<i32>} : memref<128xi32, #tpu.memory_space<vmem>>, vector<16xi32>,
      %add3A_620 = arith.constant 1 : i32
      %add3A_621 = arith.addi %mul3A_616, %add3A_620 : i32
      %add3A_622 = vector.broadcast %add3A_621 : i32 to vector<16xi32>
      %add3A_623 = arith.addi %add3A_622, %iota3A : vector<16xi32>
      %convert_element_type3A_624 = arith.sitofp %add3A_623 : vector<16xi32> to vector<16xf32>
      tpu.vector_store_idx %arg14[%get3A_619], %convert_element_type3A_624 : memref<512xf32, #tpu.memory_space<vmem>>[vector<16xi32>], vector<16xf32>,
      %get3A_625 = arith.constant 16 : index
      %get3A_626 = tpu.vector_load %arg10[%get3A_625] {strides = array<i32>} : memref<128xi32, #tpu.memory_space<vmem>>, vector<16xi32>,
      %add3A_627 = arith.constant 17 : i32
      %add3A_628 = arith.addi %mul3A_616, %add3A_627 : i32
      %add3A_629 = vector.broadcast %add3A_628 : i32 to vector<16xi32>
      %add3A_630 = arith.addi %add3A_629, %iota3A : vector<16xi32>
      %convert_element_type3A_631 = arith.sitofp %add3A_630 : vector<16xi32> to vector<16xf32>
      tpu.vector_store_idx %arg14[%get3A_626], %convert_element_type3A_631 : memref<512xf32, #tpu.memory_space<vmem>>[vector<16xi32>], vector<16xf32>,
      %get3A_632 = arith.constant 32 : index
      %get3A_633 = tpu.vector_load %arg10[%get3A_632] {strides = array<i32>} : memref<128xi32, #tpu.memory_space<vmem>>, vector<16xi32>,
      %add3A_634 = arith.constant 33 : i32
      %add3A_635 = arith.addi %mul3A_616, %add3A_634 : i32
      %add3A_636 = vector.broadcast %add3A_635 : i32 to vector<16xi32>
      %add3A_637 = arith.addi %add3A_636, %iota3A : vector<16xi32>
      %convert_element_type3A_638 = arith.sitofp %add3A_637 : vector<16xi32> to vector<16xf32>
      tpu.vector_store_idx %arg14[%get3A_633], %convert_element_type3A_638 : memref<512xf32, #tpu.memory_space<vmem>>[vector<16xi32>], vector<16xf32>,
      %get3A_639 = arith.constant 48 : index
      %get3A_640 = tpu.vector_load %arg10[%get3A_639] {strides = array<i32>} : memref<128xi32, #tpu.memory_space<vmem>>, vector<16xi32>,
      %add3A_641 = arith.constant 49 : i32
      %add3A_642 = arith.addi %mul3A_616, %add3A_641 : i32
      %add3A_643 = vector.broadcast %add3A_642 : i32 to vector<16xi32>
      %add3A_644 = arith.addi %add3A_643, %iota3A : vector<16xi32>
      %convert_element_type3A_645 = arith.sitofp %add3A_644 : vector<16xi32> to vector<16xf32>
      tpu.vector_store_idx %arg14[%get3A_640], %convert_element_type3A_645 : memref<512xf32, #tpu.memory_space<vmem>>[vector<16xi32>], vector<16xf32>,
      %get3A_646 = arith.constant 64 : index
      %get3A_647 = tpu.vector_load %arg10[%get3A_646] {strides = array<i32>} : memref<128xi32, #tpu.memory_space<vmem>>, vector<16xi32>,
      %add3A_648 = arith.constant 65 : i32
      %add3A_649 = arith.addi %mul3A_616, %add3A_648 : i32
      %add3A_650 = vector.broadcast %add3A_649 : i32 to vector<16xi32>
      %add3A_651 = arith.addi %add3A_650, %iota3A : vector<16xi32>
      %convert_element_type3A_652 = arith.sitofp %add3A_651 : vector<16xi32> to vector<16xf32>
      tpu.vector_store_idx %arg14[%get3A_647], %convert_element_type3A_652 : memref<512xf32, #tpu.memory_space<vmem>>[vector<16xi32>], vector<16xf32>,
      %get3A_653 = arith.constant 80 : index
      %get3A_654 = tpu.vector_load %arg10[%get3A_653] {strides = array<i32>} : memref<128xi32, #tpu.memory_space<vmem>>, vector<16xi32>,
      %add3A_655 = arith.constant 81 : i32
      %add3A_656 = arith.addi %mul3A_616, %add3A_655 : i32
      %add3A_657 = vector.broadcast %add3A_656 : i32 to vector<16xi32>
      %add3A_658 = arith.addi %add3A_657, %iota3A : vector<16xi32>
      %convert_element_type3A_659 = arith.sitofp %add3A_658 : vector<16xi32> to vector<16xf32>
      tpu.vector_store_idx %arg14[%get3A_654], %convert_element_type3A_659 : memref<512xf32, #tpu.memory_space<vmem>>[vector<16xi32>], vector<16xf32>,
      %get3A_660 = arith.constant 96 : index
      %get3A_661 = tpu.vector_load %arg10[%get3A_660] {strides = array<i32>} : memref<128xi32, #tpu.memory_space<vmem>>, vector<16xi32>,
      %add3A_662 = arith.constant 97 : i32
      %add3A_663 = arith.addi %mul3A_616, %add3A_662 : i32
      %add3A_664 = vector.broadcast %add3A_663 : i32 to vector<16xi32>
      %add3A_665 = arith.addi %add3A_664, %iota3A : vector<16xi32>
      %convert_element_type3A_666 = arith.sitofp %add3A_665 : vector<16xi32> to vector<16xf32>
      tpu.vector_store_idx %arg14[%get3A_661], %convert_element_type3A_666 : memref<512xf32, #tpu.memory_space<vmem>>[vector<16xi32>], vector<16xf32>,
      %get3A_667 = arith.constant 112 : index
      %get3A_668 = tpu.vector_load %arg10[%get3A_667] {strides = array<i32>} : memref<128xi32, #tpu.memory_space<vmem>>, vector<16xi32>,
      %add3A_669 = arith.constant 113 : i32
      %add3A_670 = arith.addi %mul3A_616, %add3A_669 : i32
      %add3A_671 = vector.broadcast %add3A_670 : i32 to vector<16xi32>
      %add3A_672 = arith.addi %add3A_671, %iota3A : vector<16xi32>
      %convert_element_type3A_673 = arith.sitofp %add3A_672 : vector<16xi32> to vector<16xf32>
      tpu.vector_store_idx %arg14[%get3A_668], %convert_element_type3A_673 : memref<512xf32, #tpu.memory_space<vmem>>[vector<16xi32>], vector<16xf32>,
    } else {
    }
    %add3A_124 = arith.constant 160 : i32
    %add3A_125 = arith.addi %add3A_124, %add3A : i32
    %add3A_126 = arith.constant 128 : i32
    %add3A_127 = arith.addi %add3A_126, %add3A : i32
    %lt3A_128 = arith.constant 781 : i32
    %lt3A_129 = arith.cmpi slt, %add3A_127, %lt3A_128 : i32
    %convert_element_type3A_130 = arith.extui %lt3A_129 : i1 to i32
    %cond3A_131 = arith.constant 0 : i32
    %cond3A_132 = arith.cmpi ne, %convert_element_type3A_130, %cond3A_131 : i32
    scf.if %cond3A_132 {
      %dma_wait3A = arith.constant 0 : i32
      %dma_wait3A_610 = arith.constant 0 : i32
      %dma_wait3A_611 = tpu.memref_slice %arg15[%dma_wait3A, %dma_wait3A_610] : memref<512x128xf32, #tpu.memory_space<vmem_shared>> -> memref<512x128xf32, #tpu.memory_space<vmem_shared>>
      tpu.wait_indirect_dma semaphore(%arg18 : memref<!tpu.dma_semaphore, #tpu.memory_space<semaphore_mem>>) src(%arg8 : memref<128x128xf32, #tpu.memory_space<vmem>>) dst(%dma_wait3A_611 : memref<512x128xf32, #tpu.memory_space<vmem_shared>>)
    } else {
    }
    %add3A_133 = arith.constant 192 : i32
    %add3A_134 = arith.addi %add3A_133, %add3A : i32
    %mul3A_135 = arith.constant 128 : i32
    %mul3A_136 = arith.muli %add3A_134, %mul3A_135 : i32
    %multiple_of3A_137 = tpu.assume_multiple %mul3A_136, 128 : i32
    %lt3A_138 = arith.constant 781 : i32
    %lt3A_139 = arith.cmpi slt, %add3A_134, %lt3A_138 : i32
    %convert_element_type3A_140 = arith.extui %lt3A_139 : i1 to i32
    %cond3A_141 = arith.constant 0 : i32
    %cond3A_142 = arith.cmpi ne, %convert_element_type3A_140, %cond3A_141 : i32
    scf.if %cond3A_142 {
      %dma_start3A = arith.constant 0 : i32
      %dma_start3A_610 = tpu.memref_slice %arg2[%multiple_of3A_137, %dma_start3A] : memref<100000x128xf32, #tpu.memory_space<hbm>> -> memref<128x128xf32, #tpu.memory_space<hbm>>
      %dma_start3A_611 = arith.constant 0 : i32
      %dma_start3A_612 = tpu.memref_slice %arg2[%multiple_of3A_137, %dma_start3A_611] : memref<100000x128xf32, #tpu.memory_space<hbm>> -> memref<128x128xf32, #tpu.memory_space<hbm>>
      tpu.enqueue_dma source(%dma_start3A_612 : memref<128x128xf32, #tpu.memory_space<hbm>>) target(%arg8 : memref<128x128xf32, #tpu.memory_space<vmem>>) target_semaphore(%arg16 : memref<!tpu.dma_semaphore, #tpu.memory_space<semaphore_mem>>)
      %dma_start3A_613 = tpu.memref_slice %arg3[%multiple_of3A_137] : memref<100000xi32, #tpu.memory_space<hbm>> -> memref<128xi32, #tpu.memory_space<hbm>>
      %dma_start3A_614 = tpu.memref_slice %arg3[%multiple_of3A_137] : memref<100000xi32, #tpu.memory_space<hbm>> -> memref<128xi32, #tpu.memory_space<hbm>>
      tpu.enqueue_dma source(%dma_start3A_614 : memref<128xi32, #tpu.memory_space<hbm>>) target(%arg10 : memref<128xi32, #tpu.memory_space<vmem>>) target_semaphore(%arg20 : memref<!tpu.dma_semaphore, #tpu.memory_space<semaphore_mem>>)
    } else {
    }
    %lt3A_143 = arith.constant 781 : i32
    %lt3A_144 = arith.cmpi slt, %add3A_125, %lt3A_143 : i32
    %convert_element_type3A_145 = arith.extui %lt3A_144 : i1 to i32
    %cond3A_146 = arith.constant 0 : i32
    %cond3A_147 = arith.cmpi ne, %convert_element_type3A_145, %cond3A_146 : i32
    scf.if %cond3A_147 {
      %dma_wait3A = arith.constant 0 : i32
      %dma_wait3A_610 = tpu.memref_slice %arg2[%multiple_of3A_113, %dma_wait3A] : memref<100000x128xf32, #tpu.memory_space<hbm>> -> memref<128x128xf32, #tpu.memory_space<hbm>>
      %dma_wait3A_611 = arith.constant 0 : i32
      %dma_wait3A_612 = tpu.memref_slice %arg2[%multiple_of3A_113, %dma_wait3A_611] : memref<100000x128xf32, #tpu.memory_space<hbm>> -> memref<128x128xf32, #tpu.memory_space<hbm>>
      tpu.wait_dma2 semaphore(%arg17 : memref<!tpu.dma_semaphore, #tpu.memory_space<semaphore_mem>>) src(%dma_wait3A_612 : memref<128x128xf32, #tpu.memory_space<hbm>>) dst(%arg9 : memref<128x128xf32, #tpu.memory_space<vmem>>)
      %dma_wait3A_613 = tpu.memref_slice %arg3[%multiple_of3A_113] : memref<100000xi32, #tpu.memory_space<hbm>> -> memref<128xi32, #tpu.memory_space<hbm>>
      %dma_wait3A_614 = tpu.memref_slice %arg3[%multiple_of3A_113] : memref<100000xi32, #tpu.memory_space<hbm>> -> memref<128xi32, #tpu.memory_space<hbm>>
      tpu.wait_dma2 semaphore(%arg21 : memref<!tpu.dma_semaphore, #tpu.memory_space<semaphore_mem>>) src(%dma_wait3A_614 : memref<128xi32, #tpu.memory_space<hbm>>) dst(%arg11 : memref<128xi32, #tpu.memory_space<vmem>>)
      %mul3A_615 = arith.constant 128 : i32
      %mul3A_616 = arith.muli %add3A_125, %mul3A_615 : i32
      %dma_start3A = arith.constant 0 : i32
      %dma_start3A_617 = arith.constant 0 : i32
      %dma_start3A_618 = tpu.memref_slice %arg15[%dma_start3A, %dma_start3A_617] : memref<512x128xf32, #tpu.memory_space<vmem_shared>> -> memref<512x128xf32, #tpu.memory_space<vmem_shared>>
      tpu.enqueue_indirect_dma source(%arg9 : memref<128x128xf32, #tpu.memory_space<vmem>>) target(%dma_start3A_618 : memref<512x128xf32, #tpu.memory_space<vmem_shared>>) offsets(%arg11 : memref<128xi32, #tpu.memory_space<vmem>>) semaphore(%arg19 : memref<!tpu.dma_semaphore, #tpu.memory_space<semaphore_mem>>) {add = true}
      %get3A = arith.constant 0 : index
      %get3A_619 = tpu.vector_load %arg11[%get3A] {strides = array<i32>} : memref<128xi32, #tpu.memory_space<vmem>>, vector<16xi32>,
      %add3A_620 = arith.constant 1 : i32
      %add3A_621 = arith.addi %mul3A_616, %add3A_620 : i32
      %add3A_622 = vector.broadcast %add3A_621 : i32 to vector<16xi32>
      %add3A_623 = arith.addi %add3A_622, %iota3A : vector<16xi32>
      %convert_element_type3A_624 = arith.sitofp %add3A_623 : vector<16xi32> to vector<16xf32>
      tpu.vector_store_idx %arg14[%get3A_619], %convert_element_type3A_624 : memref<512xf32, #tpu.memory_space<vmem>>[vector<16xi32>], vector<16xf32>,
      %get3A_625 = arith.constant 16 : index
      %get3A_626 = tpu.vector_load %arg11[%get3A_625] {strides = array<i32>} : memref<128xi32, #tpu.memory_space<vmem>>, vector<16xi32>,
      %add3A_627 = arith.constant 17 : i32
      %add3A_628 = arith.addi %mul3A_616, %add3A_627 : i32
      %add3A_629 = vector.broadcast %add3A_628 : i32 to vector<16xi32>
      %add3A_630 = arith.addi %add3A_629, %iota3A : vector<16xi32>
      %convert_element_type3A_631 = arith.sitofp %add3A_630 : vector<16xi32> to vector<16xf32>
      tpu.vector_store_idx %arg14[%get3A_626], %convert_element_type3A_631 : memref<512xf32, #tpu.memory_space<vmem>>[vector<16xi32>], vector<16xf32>,
      %get3A_632 = arith.constant 32 : index
      %get3A_633 = tpu.vector_load %arg11[%get3A_632] {strides = array<i32>} : memref<128xi32, #tpu.memory_space<vmem>>, vector<16xi32>,
      %add3A_634 = arith.constant 33 : i32
      %add3A_635 = arith.addi %mul3A_616, %add3A_634 : i32
      %add3A_636 = vector.broadcast %add3A_635 : i32 to vector<16xi32>
      %add3A_637 = arith.addi %add3A_636, %iota3A : vector<16xi32>
      %convert_element_type3A_638 = arith.sitofp %add3A_637 : vector<16xi32> to vector<16xf32>
      tpu.vector_store_idx %arg14[%get3A_633], %convert_element_type3A_638 : memref<512xf32, #tpu.memory_space<vmem>>[vector<16xi32>], vector<16xf32>,
      %get3A_639 = arith.constant 48 : index
      %get3A_640 = tpu.vector_load %arg11[%get3A_639] {strides = array<i32>} : memref<128xi32, #tpu.memory_space<vmem>>, vector<16xi32>,
      %add3A_641 = arith.constant 49 : i32
      %add3A_642 = arith.addi %mul3A_616, %add3A_641 : i32
      %add3A_643 = vector.broadcast %add3A_642 : i32 to vector<16xi32>
      %add3A_644 = arith.addi %add3A_643, %iota3A : vector<16xi32>
      %convert_element_type3A_645 = arith.sitofp %add3A_644 : vector<16xi32> to vector<16xf32>
      tpu.vector_store_idx %arg14[%get3A_640], %convert_element_type3A_645 : memref<512xf32, #tpu.memory_space<vmem>>[vector<16xi32>], vector<16xf32>,
      %get3A_646 = arith.constant 64 : index
      %get3A_647 = tpu.vector_load %arg11[%get3A_646] {strides = array<i32>} : memref<128xi32, #tpu.memory_space<vmem>>, vector<16xi32>,
      %add3A_648 = arith.constant 65 : i32
      %add3A_649 = arith.addi %mul3A_616, %add3A_648 : i32
      %add3A_650 = vector.broadcast %add3A_649 : i32 to vector<16xi32>
      %add3A_651 = arith.addi %add3A_650, %iota3A : vector<16xi32>
      %convert_element_type3A_652 = arith.sitofp %add3A_651 : vector<16xi32> to vector<16xf32>
      tpu.vector_store_idx %arg14[%get3A_647], %convert_element_type3A_652 : memref<512xf32, #tpu.memory_space<vmem>>[vector<16xi32>], vector<16xf32>,
      %get3A_653 = arith.constant 80 : index
      %get3A_654 = tpu.vector_load %arg11[%get3A_653] {strides = array<i32>} : memref<128xi32, #tpu.memory_space<vmem>>, vector<16xi32>,
      %add3A_655 = arith.constant 81 : i32
      %add3A_656 = arith.addi %mul3A_616, %add3A_655 : i32
      %add3A_657 = vector.broadcast %add3A_656 : i32 to vector<16xi32>
      %add3A_658 = arith.addi %add3A_657, %iota3A : vector<16xi32>
      %convert_element_type3A_659 = arith.sitofp %add3A_658 : vector<16xi32> to vector<16xf32>
      tpu.vector_store_idx %arg14[%get3A_654], %convert_element_type3A_659 : memref<512xf32, #tpu.memory_space<vmem>>[vector<16xi32>], vector<16xf32>,
      %get3A_660 = arith.constant 96 : index
      %get3A_661 = tpu.vector_load %arg11[%get3A_660] {strides = array<i32>} : memref<128xi32, #tpu.memory_space<vmem>>, vector<16xi32>,
      %add3A_662 = arith.constant 97 : i32
      %add3A_663 = arith.addi %mul3A_616, %add3A_662 : i32
      %add3A_664 = vector.broadcast %add3A_663 : i32 to vector<16xi32>
      %add3A_665 = arith.addi %add3A_664, %iota3A : vector<16xi32>
      %convert_element_type3A_666 = arith.sitofp %add3A_665 : vector<16xi32> to vector<16xf32>
      tpu.vector_store_idx %arg14[%get3A_661], %convert_element_type3A_666 : memref<512xf32, #tpu.memory_space<vmem>>[vector<16xi32>], vector<16xf32>,
      %get3A_667 = arith.constant 112 : index
      %get3A_668 = tpu.vector_load %arg11[%get3A_667] {strides = array<i32>} : memref<128xi32, #tpu.memory_space<vmem>>, vector<16xi32>,
      %add3A_669 = arith.constant 113 : i32
      %add3A_670 = arith.addi %mul3A_616, %add3A_669 : i32
      %add3A_671 = vector.broadcast %add3A_670 : i32 to vector<16xi32>
      %add3A_672 = arith.addi %add3A_671, %iota3A : vector<16xi32>
      %convert_element_type3A_673 = arith.sitofp %add3A_672 : vector<16xi32> to vector<16xf32>
      tpu.vector_store_idx %arg14[%get3A_668], %convert_element_type3A_673 : memref<512xf32, #tpu.memory_space<vmem>>[vector<16xi32>], vector<16xf32>,
    } else {
    }
    %add3A_148 = arith.constant 192 : i32
    %add3A_149 = arith.addi %add3A_148, %add3A : i32
    %add3A_150 = arith.constant 160 : i32
    %add3A_151 = arith.addi %add3A_150, %add3A : i32
    %lt3A_152 = arith.constant 781 : i32
    %lt3A_153 = arith.cmpi slt, %add3A_151, %lt3A_152 : i32
    %convert_element_type3A_154 = arith.extui %lt3A_153 : i1 to i32
    %cond3A_155 = arith.constant 0 : i32
    %cond3A_156 = arith.cmpi ne, %convert_element_type3A_154, %cond3A_155 : i32
    scf.if %cond3A_156 {
      %dma_wait3A = arith.constant 0 : i32
      %dma_wait3A_610 = arith.constant 0 : i32
      %dma_wait3A_611 = tpu.memref_slice %arg15[%dma_wait3A, %dma_wait3A_610] : memref<512x128xf32, #tpu.memory_space<vmem_shared>> -> memref<512x128xf32, #tpu.memory_space<vmem_shared>>
      tpu.wait_indirect_dma semaphore(%arg19 : memref<!tpu.dma_semaphore, #tpu.memory_space<semaphore_mem>>) src(%arg9 : memref<128x128xf32, #tpu.memory_space<vmem>>) dst(%dma_wait3A_611 : memref<512x128xf32, #tpu.memory_space<vmem_shared>>)
    } else {
    }
    %add3A_157 = arith.constant 224 : i32
    %add3A_158 = arith.addi %add3A_157, %add3A : i32
    %mul3A_159 = arith.constant 128 : i32
    %mul3A_160 = arith.muli %add3A_158, %mul3A_159 : i32
    %multiple_of3A_161 = tpu.assume_multiple %mul3A_160, 128 : i32
    %lt3A_162 = arith.constant 781 : i32
    %lt3A_163 = arith.cmpi slt, %add3A_158, %lt3A_162 : i32
    %convert_element_type3A_164 = arith.extui %lt3A_163 : i1 to i32
    %cond3A_165 = arith.constant 0 : i32
    %cond3A_166 = arith.cmpi ne, %convert_element_type3A_164, %cond3A_165 : i32
    scf.if %cond3A_166 {
      %dma_start3A = arith.constant 0 : i32
      %dma_start3A_610 = tpu.memref_slice %arg2[%multiple_of3A_161, %dma_start3A] : memref<100000x128xf32, #tpu.memory_space<hbm>> -> memref<128x128xf32, #tpu.memory_space<hbm>>
      %dma_start3A_611 = arith.constant 0 : i32
      %dma_start3A_612 = tpu.memref_slice %arg2[%multiple_of3A_161, %dma_start3A_611] : memref<100000x128xf32, #tpu.memory_space<hbm>> -> memref<128x128xf32, #tpu.memory_space<hbm>>
      tpu.enqueue_dma source(%dma_start3A_612 : memref<128x128xf32, #tpu.memory_space<hbm>>) target(%arg9 : memref<128x128xf32, #tpu.memory_space<vmem>>) target_semaphore(%arg17 : memref<!tpu.dma_semaphore, #tpu.memory_space<semaphore_mem>>)
      %dma_start3A_613 = tpu.memref_slice %arg3[%multiple_of3A_161] : memref<100000xi32, #tpu.memory_space<hbm>> -> memref<128xi32, #tpu.memory_space<hbm>>
      %dma_start3A_614 = tpu.memref_slice %arg3[%multiple_of3A_161] : memref<100000xi32, #tpu.memory_space<hbm>> -> memref<128xi32, #tpu.memory_space<hbm>>
      tpu.enqueue_dma source(%dma_start3A_614 : memref<128xi32, #tpu.memory_space<hbm>>) target(%arg11 : memref<128xi32, #tpu.memory_space<vmem>>) target_semaphore(%arg21 : memref<!tpu.dma_semaphore, #tpu.memory_space<semaphore_mem>>)
    } else {
    }
    %lt3A_167 = arith.constant 781 : i32
    %lt3A_168 = arith.cmpi slt, %add3A_149, %lt3A_167 : i32
    %convert_element_type3A_169 = arith.extui %lt3A_168 : i1 to i32
    %cond3A_170 = arith.constant 0 : i32
    %cond3A_171 = arith.cmpi ne, %convert_element_type3A_169, %cond3A_170 : i32
    scf.if %cond3A_171 {
      %dma_wait3A = arith.constant 0 : i32
      %dma_wait3A_610 = tpu.memref_slice %arg2[%multiple_of3A_137, %dma_wait3A] : memref<100000x128xf32, #tpu.memory_space<hbm>> -> memref<128x128xf32, #tpu.memory_space<hbm>>
      %dma_wait3A_611 = arith.constant 0 : i32
      %dma_wait3A_612 = tpu.memref_slice %arg2[%multiple_of3A_137, %dma_wait3A_611] : memref<100000x128xf32, #tpu.memory_space<hbm>> -> memref<128x128xf32, #tpu.memory_space<hbm>>
      tpu.wait_dma2 semaphore(%arg16 : memref<!tpu.dma_semaphore, #tpu.memory_space<semaphore_mem>>) src(%dma_wait3A_612 : memref<128x128xf32, #tpu.memory_space<hbm>>) dst(%arg8 : memref<128x128xf32, #tpu.memory_space<vmem>>)
      %dma_wait3A_613 = tpu.memref_slice %arg3[%multiple_of3A_137] : memref<100000xi32, #tpu.memory_space<hbm>> -> memref<128xi32, #tpu.memory_space<hbm>>
      %dma_wait3A_614 = tpu.memref_slice %arg3[%multiple_of3A_137] : memref<100000xi32, #tpu.memory_space<hbm>> -> memref<128xi32, #tpu.memory_space<hbm>>
      tpu.wait_dma2 semaphore(%arg20 : memref<!tpu.dma_semaphore, #tpu.memory_space<semaphore_mem>>) src(%dma_wait3A_614 : memref<128xi32, #tpu.memory_space<hbm>>) dst(%arg10 : memref<128xi32, #tpu.memory_space<vmem>>)
      %mul3A_615 = arith.constant 128 : i32
      %mul3A_616 = arith.muli %add3A_149, %mul3A_615 : i32
      %dma_start3A = arith.constant 0 : i32
      %dma_start3A_617 = arith.constant 0 : i32
      %dma_start3A_618 = tpu.memref_slice %arg15[%dma_start3A, %dma_start3A_617] : memref<512x128xf32, #tpu.memory_space<vmem_shared>> -> memref<512x128xf32, #tpu.memory_space<vmem_shared>>
      tpu.enqueue_indirect_dma source(%arg8 : memref<128x128xf32, #tpu.memory_space<vmem>>) target(%dma_start3A_618 : memref<512x128xf32, #tpu.memory_space<vmem_shared>>) offsets(%arg10 : memref<128xi32, #tpu.memory_space<vmem>>) semaphore(%arg18 : memref<!tpu.dma_semaphore, #tpu.memory_space<semaphore_mem>>) {add = true}
      %get3A = arith.constant 0 : index
      %get3A_619 = tpu.vector_load %arg10[%get3A] {strides = array<i32>} : memref<128xi32, #tpu.memory_space<vmem>>, vector<16xi32>,
      %add3A_620 = arith.constant 1 : i32
      %add3A_621 = arith.addi %mul3A_616, %add3A_620 : i32
      %add3A_622 = vector.broadcast %add3A_621 : i32 to vector<16xi32>
      %add3A_623 = arith.addi %add3A_622, %iota3A : vector<16xi32>
      %convert_element_type3A_624 = arith.sitofp %add3A_623 : vector<16xi32> to vector<16xf32>
      tpu.vector_store_idx %arg14[%get3A_619], %convert_element_type3A_624 : memref<512xf32, #tpu.memory_space<vmem>>[vector<16xi32>], vector<16xf32>,
      %get3A_625 = arith.constant 16 : index
      %get3A_626 = tpu.vector_load %arg10[%get3A_625] {strides = array<i32>} : memref<128xi32, #tpu.memory_space<vmem>>, vector<16xi32>,
      %add3A_627 = arith.constant 17 : i32
      %add3A_628 = arith.addi %mul3A_616, %add3A_627 : i32
      %add3A_629 = vector.broadcast %add3A_628 : i32 to vector<16xi32>
      %add3A_630 = arith.addi %add3A_629, %iota3A : vector<16xi32>
      %convert_element_type3A_631 = arith.sitofp %add3A_630 : vector<16xi32> to vector<16xf32>
      tpu.vector_store_idx %arg14[%get3A_626], %convert_element_type3A_631 : memref<512xf32, #tpu.memory_space<vmem>>[vector<16xi32>], vector<16xf32>,
      %get3A_632 = arith.constant 32 : index
      %get3A_633 = tpu.vector_load %arg10[%get3A_632] {strides = array<i32>} : memref<128xi32, #tpu.memory_space<vmem>>, vector<16xi32>,
      %add3A_634 = arith.constant 33 : i32
      %add3A_635 = arith.addi %mul3A_616, %add3A_634 : i32
      %add3A_636 = vector.broadcast %add3A_635 : i32 to vector<16xi32>
      %add3A_637 = arith.addi %add3A_636, %iota3A : vector<16xi32>
      %convert_element_type3A_638 = arith.sitofp %add3A_637 : vector<16xi32> to vector<16xf32>
      tpu.vector_store_idx %arg14[%get3A_633], %convert_element_type3A_638 : memref<512xf32, #tpu.memory_space<vmem>>[vector<16xi32>], vector<16xf32>,
      %get3A_639 = arith.constant 48 : index
      %get3A_640 = tpu.vector_load %arg10[%get3A_639] {strides = array<i32>} : memref<128xi32, #tpu.memory_space<vmem>>, vector<16xi32>,
      %add3A_641 = arith.constant 49 : i32
      %add3A_642 = arith.addi %mul3A_616, %add3A_641 : i32
      %add3A_643 = vector.broadcast %add3A_642 : i32 to vector<16xi32>
      %add3A_644 = arith.addi %add3A_643, %iota3A : vector<16xi32>
      %convert_element_type3A_645 = arith.sitofp %add3A_644 : vector<16xi32> to vector<16xf32>
      tpu.vector_store_idx %arg14[%get3A_640], %convert_element_type3A_645 : memref<512xf32, #tpu.memory_space<vmem>>[vector<16xi32>], vector<16xf32>,
      %get3A_646 = arith.constant 64 : index
      %get3A_647 = tpu.vector_load %arg10[%get3A_646] {strides = array<i32>} : memref<128xi32, #tpu.memory_space<vmem>>, vector<16xi32>,
      %add3A_648 = arith.constant 65 : i32
      %add3A_649 = arith.addi %mul3A_616, %add3A_648 : i32
      %add3A_650 = vector.broadcast %add3A_649 : i32 to vector<16xi32>
      %add3A_651 = arith.addi %add3A_650, %iota3A : vector<16xi32>
      %convert_element_type3A_652 = arith.sitofp %add3A_651 : vector<16xi32> to vector<16xf32>
      tpu.vector_store_idx %arg14[%get3A_647], %convert_element_type3A_652 : memref<512xf32, #tpu.memory_space<vmem>>[vector<16xi32>], vector<16xf32>,
      %get3A_653 = arith.constant 80 : index
      %get3A_654 = tpu.vector_load %arg10[%get3A_653] {strides = array<i32>} : memref<128xi32, #tpu.memory_space<vmem>>, vector<16xi32>,
      %add3A_655 = arith.constant 81 : i32
      %add3A_656 = arith.addi %mul3A_616, %add3A_655 : i32
      %add3A_657 = vector.broadcast %add3A_656 : i32 to vector<16xi32>
      %add3A_658 = arith.addi %add3A_657, %iota3A : vector<16xi32>
      %convert_element_type3A_659 = arith.sitofp %add3A_658 : vector<16xi32> to vector<16xf32>
      tpu.vector_store_idx %arg14[%get3A_654], %convert_element_type3A_659 : memref<512xf32, #tpu.memory_space<vmem>>[vector<16xi32>], vector<16xf32>,
      %get3A_660 = arith.constant 96 : index
      %get3A_661 = tpu.vector_load %arg10[%get3A_660] {strides = array<i32>} : memref<128xi32, #tpu.memory_space<vmem>>, vector<16xi32>,
      %add3A_662 = arith.constant 97 : i32
      %add3A_663 = arith.addi %mul3A_616, %add3A_662 : i32
      %add3A_664 = vector.broadcast %add3A_663 : i32 to vector<16xi32>
      %add3A_665 = arith.addi %add3A_664, %iota3A : vector<16xi32>
      %convert_element_type3A_666 = arith.sitofp %add3A_665 : vector<16xi32> to vector<16xf32>
      tpu.vector_store_idx %arg14[%get3A_661], %convert_element_type3A_666 : memref<512xf32, #tpu.memory_space<vmem>>[vector<16xi32>], vector<16xf32>,
      %get3A_667 = arith.constant 112 : index
      %get3A_668 = tpu.vector_load %arg10[%get3A_667] {strides = array<i32>} : memref<128xi32, #tpu.memory_space<vmem>>, vector<16xi32>,
      %add3A_669 = arith.constant 113 : i32
      %add3A_670 = arith.addi %mul3A_616, %add3A_669 : i32
      %add3A_671 = vector.broadcast %add3A_670 : i32 to vector<16xi32>
      %add3A_672 = arith.addi %add3A_671, %iota3A : vector<16xi32>
      %convert_element_type3A_673 = arith.sitofp %add3A_672 : vector<16xi32> to vector<16xf32>
      tpu.vector_store_idx %arg14[%get3A_668], %convert_element_type3A_673 : memref<512xf32, #tpu.memory_space<vmem>>[vector<16xi32>], vector<16xf32>,
    } else {
    }
    %add3A_172 = arith.constant 224 : i32
    %add3A_173 = arith.addi %add3A_172, %add3A : i32
    %add3A_174 = arith.constant 192 : i32
    %add3A_175 = arith.addi %add3A_174, %add3A : i32
    %lt3A_176 = arith.constant 781 : i32
    %lt3A_177 = arith.cmpi slt, %add3A_175, %lt3A_176 : i32
    %convert_element_type3A_178 = arith.extui %lt3A_177 : i1 to i32
    %cond3A_179 = arith.constant 0 : i32
    %cond3A_180 = arith.cmpi ne, %convert_element_type3A_178, %cond3A_179 : i32
    scf.if %cond3A_180 {
      %dma_wait3A = arith.constant 0 : i32
      %dma_wait3A_610 = arith.constant 0 : i32
      %dma_wait3A_611 = tpu.memref_slice %arg15[%dma_wait3A, %dma_wait3A_610] : memref<512x128xf32, #tpu.memory_space<vmem_shared>> -> memref<512x128xf32, #tpu.memory_space<vmem_shared>>
      tpu.wait_indirect_dma semaphore(%arg18 : memref<!tpu.dma_semaphore, #tpu.memory_space<semaphore_mem>>) src(%arg8 : memref<128x128xf32, #tpu.memory_space<vmem>>) dst(%dma_wait3A_611 : memref<512x128xf32, #tpu.memory_space<vmem_shared>>)
    } else {
    }
    %add3A_181 = arith.constant 256 : i32
    %add3A_182 = arith.addi %add3A_181, %add3A : i32
    %mul3A_183 = arith.constant 128 : i32
    %mul3A_184 = arith.muli %add3A_182, %mul3A_183 : i32
    %multiple_of3A_185 = tpu.assume_multiple %mul3A_184, 128 : i32
    %lt3A_186 = arith.constant 781 : i32
    %lt3A_187 = arith.cmpi slt, %add3A_182, %lt3A_186 : i32
    %convert_element_type3A_188 = arith.extui %lt3A_187 : i1 to i32
    %cond3A_189 = arith.constant 0 : i32
    %cond3A_190 = arith.cmpi ne, %convert_element_type3A_188, %cond3A_189 : i32
    scf.if %cond3A_190 {
      %dma_start3A = arith.constant 0 : i32
      %dma_start3A_610 = tpu.memref_slice %arg2[%multiple_of3A_185, %dma_start3A] : memref<100000x128xf32, #tpu.memory_space<hbm>> -> memref<128x128xf32, #tpu.memory_space<hbm>>
      %dma_start3A_611 = arith.constant 0 : i32
      %dma_start3A_612 = tpu.memref_slice %arg2[%multiple_of3A_185, %dma_start3A_611] : memref<100000x128xf32, #tpu.memory_space<hbm>> -> memref<128x128xf32, #tpu.memory_space<hbm>>
      tpu.enqueue_dma source(%dma_start3A_612 : memref<128x128xf32, #tpu.memory_space<hbm>>) target(%arg8 : memref<128x128xf32, #tpu.memory_space<vmem>>) target_semaphore(%arg16 : memref<!tpu.dma_semaphore, #tpu.memory_space<semaphore_mem>>)
      %dma_start3A_613 = tpu.memref_slice %arg3[%multiple_of3A_185] : memref<100000xi32, #tpu.memory_space<hbm>> -> memref<128xi32, #tpu.memory_space<hbm>>
      %dma_start3A_614 = tpu.memref_slice %arg3[%multiple_of3A_185] : memref<100000xi32, #tpu.memory_space<hbm>> -> memref<128xi32, #tpu.memory_space<hbm>>
      tpu.enqueue_dma source(%dma_start3A_614 : memref<128xi32, #tpu.memory_space<hbm>>) target(%arg10 : memref<128xi32, #tpu.memory_space<vmem>>) target_semaphore(%arg20 : memref<!tpu.dma_semaphore, #tpu.memory_space<semaphore_mem>>)
    } else {
    }
    %lt3A_191 = arith.constant 781 : i32
    %lt3A_192 = arith.cmpi slt, %add3A_173, %lt3A_191 : i32
    %convert_element_type3A_193 = arith.extui %lt3A_192 : i1 to i32
    %cond3A_194 = arith.constant 0 : i32
    %cond3A_195 = arith.cmpi ne, %convert_element_type3A_193, %cond3A_194 : i32
    scf.if %cond3A_195 {
      %dma_wait3A = arith.constant 0 : i32
      %dma_wait3A_610 = tpu.memref_slice %arg2[%multiple_of3A_161, %dma_wait3A] : memref<100000x128xf32, #tpu.memory_space<hbm>> -> memref<128x128xf32, #tpu.memory_space<hbm>>
      %dma_wait3A_611 = arith.constant 0 : i32
      %dma_wait3A_612 = tpu.memref_slice %arg2[%multiple_of3A_161, %dma_wait3A_611] : memref<100000x128xf32, #tpu.memory_space<hbm>> -> memref<128x128xf32, #tpu.memory_space<hbm>>
      tpu.wait_dma2 semaphore(%arg17 : memref<!tpu.dma_semaphore, #tpu.memory_space<semaphore_mem>>) src(%dma_wait3A_612 : memref<128x128xf32, #tpu.memory_space<hbm>>) dst(%arg9 : memref<128x128xf32, #tpu.memory_space<vmem>>)
      %dma_wait3A_613 = tpu.memref_slice %arg3[%multiple_of3A_161] : memref<100000xi32, #tpu.memory_space<hbm>> -> memref<128xi32, #tpu.memory_space<hbm>>
      %dma_wait3A_614 = tpu.memref_slice %arg3[%multiple_of3A_161] : memref<100000xi32, #tpu.memory_space<hbm>> -> memref<128xi32, #tpu.memory_space<hbm>>
      tpu.wait_dma2 semaphore(%arg21 : memref<!tpu.dma_semaphore, #tpu.memory_space<semaphore_mem>>) src(%dma_wait3A_614 : memref<128xi32, #tpu.memory_space<hbm>>) dst(%arg11 : memref<128xi32, #tpu.memory_space<vmem>>)
      %mul3A_615 = arith.constant 128 : i32
      %mul3A_616 = arith.muli %add3A_173, %mul3A_615 : i32
      %dma_start3A = arith.constant 0 : i32
      %dma_start3A_617 = arith.constant 0 : i32
      %dma_start3A_618 = tpu.memref_slice %arg15[%dma_start3A, %dma_start3A_617] : memref<512x128xf32, #tpu.memory_space<vmem_shared>> -> memref<512x128xf32, #tpu.memory_space<vmem_shared>>
      tpu.enqueue_indirect_dma source(%arg9 : memref<128x128xf32, #tpu.memory_space<vmem>>) target(%dma_start3A_618 : memref<512x128xf32, #tpu.memory_space<vmem_shared>>) offsets(%arg11 : memref<128xi32, #tpu.memory_space<vmem>>) semaphore(%arg19 : memref<!tpu.dma_semaphore, #tpu.memory_space<semaphore_mem>>) {add = true}
      %get3A = arith.constant 0 : index
      %get3A_619 = tpu.vector_load %arg11[%get3A] {strides = array<i32>} : memref<128xi32, #tpu.memory_space<vmem>>, vector<16xi32>,
      %add3A_620 = arith.constant 1 : i32
      %add3A_621 = arith.addi %mul3A_616, %add3A_620 : i32
      %add3A_622 = vector.broadcast %add3A_621 : i32 to vector<16xi32>
      %add3A_623 = arith.addi %add3A_622, %iota3A : vector<16xi32>
      %convert_element_type3A_624 = arith.sitofp %add3A_623 : vector<16xi32> to vector<16xf32>
      tpu.vector_store_idx %arg14[%get3A_619], %convert_element_type3A_624 : memref<512xf32, #tpu.memory_space<vmem>>[vector<16xi32>], vector<16xf32>,
      %get3A_625 = arith.constant 16 : index
      %get3A_626 = tpu.vector_load %arg11[%get3A_625] {strides = array<i32>} : memref<128xi32, #tpu.memory_space<vmem>>, vector<16xi32>,
      %add3A_627 = arith.constant 17 : i32
      %add3A_628 = arith.addi %mul3A_616, %add3A_627 : i32
      %add3A_629 = vector.broadcast %add3A_628 : i32 to vector<16xi32>
      %add3A_630 = arith.addi %add3A_629, %iota3A : vector<16xi32>
      %convert_element_type3A_631 = arith.sitofp %add3A_630 : vector<16xi32> to vector<16xf32>
      tpu.vector_store_idx %arg14[%get3A_626], %convert_element_type3A_631 : memref<512xf32, #tpu.memory_space<vmem>>[vector<16xi32>], vector<16xf32>,
      %get3A_632 = arith.constant 32 : index
      %get3A_633 = tpu.vector_load %arg11[%get3A_632] {strides = array<i32>} : memref<128xi32, #tpu.memory_space<vmem>>, vector<16xi32>,
      %add3A_634 = arith.constant 33 : i32
      %add3A_635 = arith.addi %mul3A_616, %add3A_634 : i32
      %add3A_636 = vector.broadcast %add3A_635 : i32 to vector<16xi32>
      %add3A_637 = arith.addi %add3A_636, %iota3A : vector<16xi32>
      %convert_element_type3A_638 = arith.sitofp %add3A_637 : vector<16xi32> to vector<16xf32>
      tpu.vector_store_idx %arg14[%get3A_633], %convert_element_type3A_638 : memref<512xf32, #tpu.memory_space<vmem>>[vector<16xi32>], vector<16xf32>,
      %get3A_639 = arith.constant 48 : index
      %get3A_640 = tpu.vector_load %arg11[%get3A_639] {strides = array<i32>} : memref<128xi32, #tpu.memory_space<vmem>>, vector<16xi32>,
      %add3A_641 = arith.constant 49 : i32
      %add3A_642 = arith.addi %mul3A_616, %add3A_641 : i32
      %add3A_643 = vector.broadcast %add3A_642 : i32 to vector<16xi32>
      %add3A_644 = arith.addi %add3A_643, %iota3A : vector<16xi32>
      %convert_element_type3A_645 = arith.sitofp %add3A_644 : vector<16xi32> to vector<16xf32>
      tpu.vector_store_idx %arg14[%get3A_640], %convert_element_type3A_645 : memref<512xf32, #tpu.memory_space<vmem>>[vector<16xi32>], vector<16xf32>,
      %get3A_646 = arith.constant 64 : index
      %get3A_647 = tpu.vector_load %arg11[%get3A_646] {strides = array<i32>} : memref<128xi32, #tpu.memory_space<vmem>>, vector<16xi32>,
      %add3A_648 = arith.constant 65 : i32
      %add3A_649 = arith.addi %mul3A_616, %add3A_648 : i32
      %add3A_650 = vector.broadcast %add3A_649 : i32 to vector<16xi32>
      %add3A_651 = arith.addi %add3A_650, %iota3A : vector<16xi32>
      %convert_element_type3A_652 = arith.sitofp %add3A_651 : vector<16xi32> to vector<16xf32>
      tpu.vector_store_idx %arg14[%get3A_647], %convert_element_type3A_652 : memref<512xf32, #tpu.memory_space<vmem>>[vector<16xi32>], vector<16xf32>,
      %get3A_653 = arith.constant 80 : index
      %get3A_654 = tpu.vector_load %arg11[%get3A_653] {strides = array<i32>} : memref<128xi32, #tpu.memory_space<vmem>>, vector<16xi32>,
      %add3A_655 = arith.constant 81 : i32
      %add3A_656 = arith.addi %mul3A_616, %add3A_655 : i32
      %add3A_657 = vector.broadcast %add3A_656 : i32 to vector<16xi32>
      %add3A_658 = arith.addi %add3A_657, %iota3A : vector<16xi32>
      %convert_element_type3A_659 = arith.sitofp %add3A_658 : vector<16xi32> to vector<16xf32>
      tpu.vector_store_idx %arg14[%get3A_654], %convert_element_type3A_659 : memref<512xf32, #tpu.memory_space<vmem>>[vector<16xi32>], vector<16xf32>,
      %get3A_660 = arith.constant 96 : index
      %get3A_661 = tpu.vector_load %arg11[%get3A_660] {strides = array<i32>} : memref<128xi32, #tpu.memory_space<vmem>>, vector<16xi32>,
      %add3A_662 = arith.constant 97 : i32
      %add3A_663 = arith.addi %mul3A_616, %add3A_662 : i32
      %add3A_664 = vector.broadcast %add3A_663 : i32 to vector<16xi32>
      %add3A_665 = arith.addi %add3A_664, %iota3A : vector<16xi32>
      %convert_element_type3A_666 = arith.sitofp %add3A_665 : vector<16xi32> to vector<16xf32>
      tpu.vector_store_idx %arg14[%get3A_661], %convert_element_type3A_666 : memref<512xf32, #tpu.memory_space<vmem>>[vector<16xi32>], vector<16xf32>,
      %get3A_667 = arith.constant 112 : index
      %get3A_668 = tpu.vector_load %arg11[%get3A_667] {strides = array<i32>} : memref<128xi32, #tpu.memory_space<vmem>>, vector<16xi32>,
      %add3A_669 = arith.constant 113 : i32
      %add3A_670 = arith.addi %mul3A_616, %add3A_669 : i32
      %add3A_671 = vector.broadcast %add3A_670 : i32 to vector<16xi32>
      %add3A_672 = arith.addi %add3A_671, %iota3A : vector<16xi32>
      %convert_element_type3A_673 = arith.sitofp %add3A_672 : vector<16xi32> to vector<16xf32>
      tpu.vector_store_idx %arg14[%get3A_668], %convert_element_type3A_673 : memref<512xf32, #tpu.memory_space<vmem>>[vector<16xi32>], vector<16xf32>,
    } else {
    }
    %add3A_196 = arith.constant 256 : i32
    %add3A_197 = arith.addi %add3A_196, %add3A : i32
    %add3A_198 = arith.constant 224 : i32
    %add3A_199 = arith.addi %add3A_198, %add3A : i32
    %lt3A_200 = arith.constant 781 : i32
    %lt3A_201 = arith.cmpi slt, %add3A_199, %lt3A_200 : i32
    %convert_element_type3A_202 = arith.extui %lt3A_201 : i1 to i32
    %cond3A_203 = arith.constant 0 : i32
    %cond3A_204 = arith.cmpi ne, %convert_element_type3A_202, %cond3A_203 : i32
    scf.if %cond3A_204 {
      %dma_wait3A = arith.constant 0 : i32
      %dma_wait3A_610 = arith.constant 0 : i32
      %dma_wait3A_611 = tpu.memref_slice %arg15[%dma_wait3A, %dma_wait3A_610] : memref<512x128xf32, #tpu.memory_space<vmem_shared>> -> memref<512x128xf32, #tpu.memory_space<vmem_shared>>
      tpu.wait_indirect_dma semaphore(%arg19 : memref<!tpu.dma_semaphore, #tpu.memory_space<semaphore_mem>>) src(%arg9 : memref<128x128xf32, #tpu.memory_space<vmem>>) dst(%dma_wait3A_611 : memref<512x128xf32, #tpu.memory_space<vmem_shared>>)
    } else {
    }
    %add3A_205 = arith.constant 288 : i32
    %add3A_206 = arith.addi %add3A_205, %add3A : i32
    %mul3A_207 = arith.constant 128 : i32
    %mul3A_208 = arith.muli %add3A_206, %mul3A_207 : i32
    %multiple_of3A_209 = tpu.assume_multiple %mul3A_208, 128 : i32
    %lt3A_210 = arith.constant 781 : i32
    %lt3A_211 = arith.cmpi slt, %add3A_206, %lt3A_210 : i32
    %convert_element_type3A_212 = arith.extui %lt3A_211 : i1 to i32
    %cond3A_213 = arith.constant 0 : i32
    %cond3A_214 = arith.cmpi ne, %convert_element_type3A_212, %cond3A_213 : i32
    scf.if %cond3A_214 {
      %dma_start3A = arith.constant 0 : i32
      %dma_start3A_610 = tpu.memref_slice %arg2[%multiple_of3A_209, %dma_start3A] : memref<100000x128xf32, #tpu.memory_space<hbm>> -> memref<128x128xf32, #tpu.memory_space<hbm>>
      %dma_start3A_611 = arith.constant 0 : i32
      %dma_start3A_612 = tpu.memref_slice %arg2[%multiple_of3A_209, %dma_start3A_611] : memref<100000x128xf32, #tpu.memory_space<hbm>> -> memref<128x128xf32, #tpu.memory_space<hbm>>
      tpu.enqueue_dma source(%dma_start3A_612 : memref<128x128xf32, #tpu.memory_space<hbm>>) target(%arg9 : memref<128x128xf32, #tpu.memory_space<vmem>>) target_semaphore(%arg17 : memref<!tpu.dma_semaphore, #tpu.memory_space<semaphore_mem>>)
      %dma_start3A_613 = tpu.memref_slice %arg3[%multiple_of3A_209] : memref<100000xi32, #tpu.memory_space<hbm>> -> memref<128xi32, #tpu.memory_space<hbm>>
      %dma_start3A_614 = tpu.memref_slice %arg3[%multiple_of3A_209] : memref<100000xi32, #tpu.memory_space<hbm>> -> memref<128xi32, #tpu.memory_space<hbm>>
      tpu.enqueue_dma source(%dma_start3A_614 : memref<128xi32, #tpu.memory_space<hbm>>) target(%arg11 : memref<128xi32, #tpu.memory_space<vmem>>) target_semaphore(%arg21 : memref<!tpu.dma_semaphore, #tpu.memory_space<semaphore_mem>>)
    } else {
    }
    %lt3A_215 = arith.constant 781 : i32
    %lt3A_216 = arith.cmpi slt, %add3A_197, %lt3A_215 : i32
    %convert_element_type3A_217 = arith.extui %lt3A_216 : i1 to i32
    %cond3A_218 = arith.constant 0 : i32
    %cond3A_219 = arith.cmpi ne, %convert_element_type3A_217, %cond3A_218 : i32
    scf.if %cond3A_219 {
      %dma_wait3A = arith.constant 0 : i32
      %dma_wait3A_610 = tpu.memref_slice %arg2[%multiple_of3A_185, %dma_wait3A] : memref<100000x128xf32, #tpu.memory_space<hbm>> -> memref<128x128xf32, #tpu.memory_space<hbm>>
      %dma_wait3A_611 = arith.constant 0 : i32
      %dma_wait3A_612 = tpu.memref_slice %arg2[%multiple_of3A_185, %dma_wait3A_611] : memref<100000x128xf32, #tpu.memory_space<hbm>> -> memref<128x128xf32, #tpu.memory_space<hbm>>
      tpu.wait_dma2 semaphore(%arg16 : memref<!tpu.dma_semaphore, #tpu.memory_space<semaphore_mem>>) src(%dma_wait3A_612 : memref<128x128xf32, #tpu.memory_space<hbm>>) dst(%arg8 : memref<128x128xf32, #tpu.memory_space<vmem>>)
      %dma_wait3A_613 = tpu.memref_slice %arg3[%multiple_of3A_185] : memref<100000xi32, #tpu.memory_space<hbm>> -> memref<128xi32, #tpu.memory_space<hbm>>
      %dma_wait3A_614 = tpu.memref_slice %arg3[%multiple_of3A_185] : memref<100000xi32, #tpu.memory_space<hbm>> -> memref<128xi32, #tpu.memory_space<hbm>>
      tpu.wait_dma2 semaphore(%arg20 : memref<!tpu.dma_semaphore, #tpu.memory_space<semaphore_mem>>) src(%dma_wait3A_614 : memref<128xi32, #tpu.memory_space<hbm>>) dst(%arg10 : memref<128xi32, #tpu.memory_space<vmem>>)
      %mul3A_615 = arith.constant 128 : i32
      %mul3A_616 = arith.muli %add3A_197, %mul3A_615 : i32
      %dma_start3A = arith.constant 0 : i32
      %dma_start3A_617 = arith.constant 0 : i32
      %dma_start3A_618 = tpu.memref_slice %arg15[%dma_start3A, %dma_start3A_617] : memref<512x128xf32, #tpu.memory_space<vmem_shared>> -> memref<512x128xf32, #tpu.memory_space<vmem_shared>>
      tpu.enqueue_indirect_dma source(%arg8 : memref<128x128xf32, #tpu.memory_space<vmem>>) target(%dma_start3A_618 : memref<512x128xf32, #tpu.memory_space<vmem_shared>>) offsets(%arg10 : memref<128xi32, #tpu.memory_space<vmem>>) semaphore(%arg18 : memref<!tpu.dma_semaphore, #tpu.memory_space<semaphore_mem>>) {add = true}
      %get3A = arith.constant 0 : index
      %get3A_619 = tpu.vector_load %arg10[%get3A] {strides = array<i32>} : memref<128xi32, #tpu.memory_space<vmem>>, vector<16xi32>,
      %add3A_620 = arith.constant 1 : i32
      %add3A_621 = arith.addi %mul3A_616, %add3A_620 : i32
      %add3A_622 = vector.broadcast %add3A_621 : i32 to vector<16xi32>
      %add3A_623 = arith.addi %add3A_622, %iota3A : vector<16xi32>
      %convert_element_type3A_624 = arith.sitofp %add3A_623 : vector<16xi32> to vector<16xf32>
      tpu.vector_store_idx %arg14[%get3A_619], %convert_element_type3A_624 : memref<512xf32, #tpu.memory_space<vmem>>[vector<16xi32>], vector<16xf32>,
      %get3A_625 = arith.constant 16 : index
      %get3A_626 = tpu.vector_load %arg10[%get3A_625] {strides = array<i32>} : memref<128xi32, #tpu.memory_space<vmem>>, vector<16xi32>,
      %add3A_627 = arith.constant 17 : i32
      %add3A_628 = arith.addi %mul3A_616, %add3A_627 : i32
      %add3A_629 = vector.broadcast %add3A_628 : i32 to vector<16xi32>
      %add3A_630 = arith.addi %add3A_629, %iota3A : vector<16xi32>
      %convert_element_type3A_631 = arith.sitofp %add3A_630 : vector<16xi32> to vector<16xf32>
      tpu.vector_store_idx %arg14[%get3A_626], %convert_element_type3A_631 : memref<512xf32, #tpu.memory_space<vmem>>[vector<16xi32>], vector<16xf32>,
      %get3A_632 = arith.constant 32 : index
      %get3A_633 = tpu.vector_load %arg10[%get3A_632] {strides = array<i32>} : memref<128xi32, #tpu.memory_space<vmem>>, vector<16xi32>,
      %add3A_634 = arith.constant 33 : i32
      %add3A_635 = arith.addi %mul3A_616, %add3A_634 : i32
      %add3A_636 = vector.broadcast %add3A_635 : i32 to vector<16xi32>
      %add3A_637 = arith.addi %add3A_636, %iota3A : vector<16xi32>
      %convert_element_type3A_638 = arith.sitofp %add3A_637 : vector<16xi32> to vector<16xf32>
      tpu.vector_store_idx %arg14[%get3A_633], %convert_element_type3A_638 : memref<512xf32, #tpu.memory_space<vmem>>[vector<16xi32>], vector<16xf32>,
      %get3A_639 = arith.constant 48 : index
      %get3A_640 = tpu.vector_load %arg10[%get3A_639] {strides = array<i32>} : memref<128xi32, #tpu.memory_space<vmem>>, vector<16xi32>,
      %add3A_641 = arith.constant 49 : i32
      %add3A_642 = arith.addi %mul3A_616, %add3A_641 : i32
      %add3A_643 = vector.broadcast %add3A_642 : i32 to vector<16xi32>
      %add3A_644 = arith.addi %add3A_643, %iota3A : vector<16xi32>
      %convert_element_type3A_645 = arith.sitofp %add3A_644 : vector<16xi32> to vector<16xf32>
      tpu.vector_store_idx %arg14[%get3A_640], %convert_element_type3A_645 : memref<512xf32, #tpu.memory_space<vmem>>[vector<16xi32>], vector<16xf32>,
      %get3A_646 = arith.constant 64 : index
      %get3A_647 = tpu.vector_load %arg10[%get3A_646] {strides = array<i32>} : memref<128xi32, #tpu.memory_space<vmem>>, vector<16xi32>,
      %add3A_648 = arith.constant 65 : i32
      %add3A_649 = arith.addi %mul3A_616, %add3A_648 : i32
      %add3A_650 = vector.broadcast %add3A_649 : i32 to vector<16xi32>
      %add3A_651 = arith.addi %add3A_650, %iota3A : vector<16xi32>
      %convert_element_type3A_652 = arith.sitofp %add3A_651 : vector<16xi32> to vector<16xf32>
      tpu.vector_store_idx %arg14[%get3A_647], %convert_element_type3A_652 : memref<512xf32, #tpu.memory_space<vmem>>[vector<16xi32>], vector<16xf32>,
      %get3A_653 = arith.constant 80 : index
      %get3A_654 = tpu.vector_load %arg10[%get3A_653] {strides = array<i32>} : memref<128xi32, #tpu.memory_space<vmem>>, vector<16xi32>,
      %add3A_655 = arith.constant 81 : i32
      %add3A_656 = arith.addi %mul3A_616, %add3A_655 : i32
      %add3A_657 = vector.broadcast %add3A_656 : i32 to vector<16xi32>
      %add3A_658 = arith.addi %add3A_657, %iota3A : vector<16xi32>
      %convert_element_type3A_659 = arith.sitofp %add3A_658 : vector<16xi32> to vector<16xf32>
      tpu.vector_store_idx %arg14[%get3A_654], %convert_element_type3A_659 : memref<512xf32, #tpu.memory_space<vmem>>[vector<16xi32>], vector<16xf32>,
      %get3A_660 = arith.constant 96 : index
      %get3A_661 = tpu.vector_load %arg10[%get3A_660] {strides = array<i32>} : memref<128xi32, #tpu.memory_space<vmem>>, vector<16xi32>,
      %add3A_662 = arith.constant 97 : i32
      %add3A_663 = arith.addi %mul3A_616, %add3A_662 : i32
      %add3A_664 = vector.broadcast %add3A_663 : i32 to vector<16xi32>
      %add3A_665 = arith.addi %add3A_664, %iota3A : vector<16xi32>
      %convert_element_type3A_666 = arith.sitofp %add3A_665 : vector<16xi32> to vector<16xf32>
      tpu.vector_store_idx %arg14[%get3A_661], %convert_element_type3A_666 : memref<512xf32, #tpu.memory_space<vmem>>[vector<16xi32>], vector<16xf32>,
      %get3A_667 = arith.constant 112 : index
      %get3A_668 = tpu.vector_load %arg10[%get3A_667] {strides = array<i32>} : memref<128xi32, #tpu.memory_space<vmem>>, vector<16xi32>,
      %add3A_669 = arith.constant 113 : i32
      %add3A_670 = arith.addi %mul3A_616, %add3A_669 : i32
      %add3A_671 = vector.broadcast %add3A_670 : i32 to vector<16xi32>
      %add3A_672 = arith.addi %add3A_671, %iota3A : vector<16xi32>
      %convert_element_type3A_673 = arith.sitofp %add3A_672 : vector<16xi32> to vector<16xf32>
      tpu.vector_store_idx %arg14[%get3A_668], %convert_element_type3A_673 : memref<512xf32, #tpu.memory_space<vmem>>[vector<16xi32>], vector<16xf32>,
    } else {
    }
    %add3A_220 = arith.constant 288 : i32
    %add3A_221 = arith.addi %add3A_220, %add3A : i32
    %add3A_222 = arith.constant 256 : i32
    %add3A_223 = arith.addi %add3A_222, %add3A : i32
    %lt3A_224 = arith.constant 781 : i32
    %lt3A_225 = arith.cmpi slt, %add3A_223, %lt3A_224 : i32
    %convert_element_type3A_226 = arith.extui %lt3A_225 : i1 to i32
    %cond3A_227 = arith.constant 0 : i32
    %cond3A_228 = arith.cmpi ne, %convert_element_type3A_226, %cond3A_227 : i32
    scf.if %cond3A_228 {
      %dma_wait3A = arith.constant 0 : i32
      %dma_wait3A_610 = arith.constant 0 : i32
      %dma_wait3A_611 = tpu.memref_slice %arg15[%dma_wait3A, %dma_wait3A_610] : memref<512x128xf32, #tpu.memory_space<vmem_shared>> -> memref<512x128xf32, #tpu.memory_space<vmem_shared>>
      tpu.wait_indirect_dma semaphore(%arg18 : memref<!tpu.dma_semaphore, #tpu.memory_space<semaphore_mem>>) src(%arg8 : memref<128x128xf32, #tpu.memory_space<vmem>>) dst(%dma_wait3A_611 : memref<512x128xf32, #tpu.memory_space<vmem_shared>>)
    } else {
    }
    %add3A_229 = arith.constant 320 : i32
    %add3A_230 = arith.addi %add3A_229, %add3A : i32
    %mul3A_231 = arith.constant 128 : i32
    %mul3A_232 = arith.muli %add3A_230, %mul3A_231 : i32
    %multiple_of3A_233 = tpu.assume_multiple %mul3A_232, 128 : i32
    %lt3A_234 = arith.constant 781 : i32
    %lt3A_235 = arith.cmpi slt, %add3A_230, %lt3A_234 : i32
    %convert_element_type3A_236 = arith.extui %lt3A_235 : i1 to i32
    %cond3A_237 = arith.constant 0 : i32
    %cond3A_238 = arith.cmpi ne, %convert_element_type3A_236, %cond3A_237 : i32
    scf.if %cond3A_238 {
      %dma_start3A = arith.constant 0 : i32
      %dma_start3A_610 = tpu.memref_slice %arg2[%multiple_of3A_233, %dma_start3A] : memref<100000x128xf32, #tpu.memory_space<hbm>> -> memref<128x128xf32, #tpu.memory_space<hbm>>
      %dma_start3A_611 = arith.constant 0 : i32
      %dma_start3A_612 = tpu.memref_slice %arg2[%multiple_of3A_233, %dma_start3A_611] : memref<100000x128xf32, #tpu.memory_space<hbm>> -> memref<128x128xf32, #tpu.memory_space<hbm>>
      tpu.enqueue_dma source(%dma_start3A_612 : memref<128x128xf32, #tpu.memory_space<hbm>>) target(%arg8 : memref<128x128xf32, #tpu.memory_space<vmem>>) target_semaphore(%arg16 : memref<!tpu.dma_semaphore, #tpu.memory_space<semaphore_mem>>)
      %dma_start3A_613 = tpu.memref_slice %arg3[%multiple_of3A_233] : memref<100000xi32, #tpu.memory_space<hbm>> -> memref<128xi32, #tpu.memory_space<hbm>>
      %dma_start3A_614 = tpu.memref_slice %arg3[%multiple_of3A_233] : memref<100000xi32, #tpu.memory_space<hbm>> -> memref<128xi32, #tpu.memory_space<hbm>>
      tpu.enqueue_dma source(%dma_start3A_614 : memref<128xi32, #tpu.memory_space<hbm>>) target(%arg10 : memref<128xi32, #tpu.memory_space<vmem>>) target_semaphore(%arg20 : memref<!tpu.dma_semaphore, #tpu.memory_space<semaphore_mem>>)
    } else {
    }
    %lt3A_239 = arith.constant 781 : i32
    %lt3A_240 = arith.cmpi slt, %add3A_221, %lt3A_239 : i32
    %convert_element_type3A_241 = arith.extui %lt3A_240 : i1 to i32
    %cond3A_242 = arith.constant 0 : i32
    %cond3A_243 = arith.cmpi ne, %convert_element_type3A_241, %cond3A_242 : i32
    scf.if %cond3A_243 {
      %dma_wait3A = arith.constant 0 : i32
      %dma_wait3A_610 = tpu.memref_slice %arg2[%multiple_of3A_209, %dma_wait3A] : memref<100000x128xf32, #tpu.memory_space<hbm>> -> memref<128x128xf32, #tpu.memory_space<hbm>>
      %dma_wait3A_611 = arith.constant 0 : i32
      %dma_wait3A_612 = tpu.memref_slice %arg2[%multiple_of3A_209, %dma_wait3A_611] : memref<100000x128xf32, #tpu.memory_space<hbm>> -> memref<128x128xf32, #tpu.memory_space<hbm>>
      tpu.wait_dma2 semaphore(%arg17 : memref<!tpu.dma_semaphore, #tpu.memory_space<semaphore_mem>>) src(%dma_wait3A_612 : memref<128x128xf32, #tpu.memory_space<hbm>>) dst(%arg9 : memref<128x128xf32, #tpu.memory_space<vmem>>)
      %dma_wait3A_613 = tpu.memref_slice %arg3[%multiple_of3A_209] : memref<100000xi32, #tpu.memory_space<hbm>> -> memref<128xi32, #tpu.memory_space<hbm>>
      %dma_wait3A_614 = tpu.memref_slice %arg3[%multiple_of3A_209] : memref<100000xi32, #tpu.memory_space<hbm>> -> memref<128xi32, #tpu.memory_space<hbm>>
      tpu.wait_dma2 semaphore(%arg21 : memref<!tpu.dma_semaphore, #tpu.memory_space<semaphore_mem>>) src(%dma_wait3A_614 : memref<128xi32, #tpu.memory_space<hbm>>) dst(%arg11 : memref<128xi32, #tpu.memory_space<vmem>>)
      %mul3A_615 = arith.constant 128 : i32
      %mul3A_616 = arith.muli %add3A_221, %mul3A_615 : i32
      %dma_start3A = arith.constant 0 : i32
      %dma_start3A_617 = arith.constant 0 : i32
      %dma_start3A_618 = tpu.memref_slice %arg15[%dma_start3A, %dma_start3A_617] : memref<512x128xf32, #tpu.memory_space<vmem_shared>> -> memref<512x128xf32, #tpu.memory_space<vmem_shared>>
      tpu.enqueue_indirect_dma source(%arg9 : memref<128x128xf32, #tpu.memory_space<vmem>>) target(%dma_start3A_618 : memref<512x128xf32, #tpu.memory_space<vmem_shared>>) offsets(%arg11 : memref<128xi32, #tpu.memory_space<vmem>>) semaphore(%arg19 : memref<!tpu.dma_semaphore, #tpu.memory_space<semaphore_mem>>) {add = true}
      %get3A = arith.constant 0 : index
      %get3A_619 = tpu.vector_load %arg11[%get3A] {strides = array<i32>} : memref<128xi32, #tpu.memory_space<vmem>>, vector<16xi32>,
      %add3A_620 = arith.constant 1 : i32
      %add3A_621 = arith.addi %mul3A_616, %add3A_620 : i32
      %add3A_622 = vector.broadcast %add3A_621 : i32 to vector<16xi32>
      %add3A_623 = arith.addi %add3A_622, %iota3A : vector<16xi32>
      %convert_element_type3A_624 = arith.sitofp %add3A_623 : vector<16xi32> to vector<16xf32>
      tpu.vector_store_idx %arg14[%get3A_619], %convert_element_type3A_624 : memref<512xf32, #tpu.memory_space<vmem>>[vector<16xi32>], vector<16xf32>,
      %get3A_625 = arith.constant 16 : index
      %get3A_626 = tpu.vector_load %arg11[%get3A_625] {strides = array<i32>} : memref<128xi32, #tpu.memory_space<vmem>>, vector<16xi32>,
      %add3A_627 = arith.constant 17 : i32
      %add3A_628 = arith.addi %mul3A_616, %add3A_627 : i32
      %add3A_629 = vector.broadcast %add3A_628 : i32 to vector<16xi32>
      %add3A_630 = arith.addi %add3A_629, %iota3A : vector<16xi32>
      %convert_element_type3A_631 = arith.sitofp %add3A_630 : vector<16xi32> to vector<16xf32>
      tpu.vector_store_idx %arg14[%get3A_626], %convert_element_type3A_631 : memref<512xf32, #tpu.memory_space<vmem>>[vector<16xi32>], vector<16xf32>,
      %get3A_632 = arith.constant 32 : index
      %get3A_633 = tpu.vector_load %arg11[%get3A_632] {strides = array<i32>} : memref<128xi32, #tpu.memory_space<vmem>>, vector<16xi32>,
      %add3A_634 = arith.constant 33 : i32
      %add3A_635 = arith.addi %mul3A_616, %add3A_634 : i32
      %add3A_636 = vector.broadcast %add3A_635 : i32 to vector<16xi32>
      %add3A_637 = arith.addi %add3A_636, %iota3A : vector<16xi32>
      %convert_element_type3A_638 = arith.sitofp %add3A_637 : vector<16xi32> to vector<16xf32>
      tpu.vector_store_idx %arg14[%get3A_633], %convert_element_type3A_638 : memref<512xf32, #tpu.memory_space<vmem>>[vector<16xi32>], vector<16xf32>,
      %get3A_639 = arith.constant 48 : index
      %get3A_640 = tpu.vector_load %arg11[%get3A_639] {strides = array<i32>} : memref<128xi32, #tpu.memory_space<vmem>>, vector<16xi32>,
      %add3A_641 = arith.constant 49 : i32
      %add3A_642 = arith.addi %mul3A_616, %add3A_641 : i32
      %add3A_643 = vector.broadcast %add3A_642 : i32 to vector<16xi32>
      %add3A_644 = arith.addi %add3A_643, %iota3A : vector<16xi32>
      %convert_element_type3A_645 = arith.sitofp %add3A_644 : vector<16xi32> to vector<16xf32>
      tpu.vector_store_idx %arg14[%get3A_640], %convert_element_type3A_645 : memref<512xf32, #tpu.memory_space<vmem>>[vector<16xi32>], vector<16xf32>,
      %get3A_646 = arith.constant 64 : index
      %get3A_647 = tpu.vector_load %arg11[%get3A_646] {strides = array<i32>} : memref<128xi32, #tpu.memory_space<vmem>>, vector<16xi32>,
      %add3A_648 = arith.constant 65 : i32
      %add3A_649 = arith.addi %mul3A_616, %add3A_648 : i32
      %add3A_650 = vector.broadcast %add3A_649 : i32 to vector<16xi32>
      %add3A_651 = arith.addi %add3A_650, %iota3A : vector<16xi32>
      %convert_element_type3A_652 = arith.sitofp %add3A_651 : vector<16xi32> to vector<16xf32>
      tpu.vector_store_idx %arg14[%get3A_647], %convert_element_type3A_652 : memref<512xf32, #tpu.memory_space<vmem>>[vector<16xi32>], vector<16xf32>,
      %get3A_653 = arith.constant 80 : index
      %get3A_654 = tpu.vector_load %arg11[%get3A_653] {strides = array<i32>} : memref<128xi32, #tpu.memory_space<vmem>>, vector<16xi32>,
      %add3A_655 = arith.constant 81 : i32
      %add3A_656 = arith.addi %mul3A_616, %add3A_655 : i32
      %add3A_657 = vector.broadcast %add3A_656 : i32 to vector<16xi32>
      %add3A_658 = arith.addi %add3A_657, %iota3A : vector<16xi32>
      %convert_element_type3A_659 = arith.sitofp %add3A_658 : vector<16xi32> to vector<16xf32>
      tpu.vector_store_idx %arg14[%get3A_654], %convert_element_type3A_659 : memref<512xf32, #tpu.memory_space<vmem>>[vector<16xi32>], vector<16xf32>,
      %get3A_660 = arith.constant 96 : index
      %get3A_661 = tpu.vector_load %arg11[%get3A_660] {strides = array<i32>} : memref<128xi32, #tpu.memory_space<vmem>>, vector<16xi32>,
      %add3A_662 = arith.constant 97 : i32
      %add3A_663 = arith.addi %mul3A_616, %add3A_662 : i32
      %add3A_664 = vector.broadcast %add3A_663 : i32 to vector<16xi32>
      %add3A_665 = arith.addi %add3A_664, %iota3A : vector<16xi32>
      %convert_element_type3A_666 = arith.sitofp %add3A_665 : vector<16xi32> to vector<16xf32>
      tpu.vector_store_idx %arg14[%get3A_661], %convert_element_type3A_666 : memref<512xf32, #tpu.memory_space<vmem>>[vector<16xi32>], vector<16xf32>,
      %get3A_667 = arith.constant 112 : index
      %get3A_668 = tpu.vector_load %arg11[%get3A_667] {strides = array<i32>} : memref<128xi32, #tpu.memory_space<vmem>>, vector<16xi32>,
      %add3A_669 = arith.constant 113 : i32
      %add3A_670 = arith.addi %mul3A_616, %add3A_669 : i32
      %add3A_671 = vector.broadcast %add3A_670 : i32 to vector<16xi32>
      %add3A_672 = arith.addi %add3A_671, %iota3A : vector<16xi32>
      %convert_element_type3A_673 = arith.sitofp %add3A_672 : vector<16xi32> to vector<16xf32>
      tpu.vector_store_idx %arg14[%get3A_668], %convert_element_type3A_673 : memref<512xf32, #tpu.memory_space<vmem>>[vector<16xi32>], vector<16xf32>,
    } else {
    }
    %add3A_244 = arith.constant 320 : i32
    %add3A_245 = arith.addi %add3A_244, %add3A : i32
    %add3A_246 = arith.constant 288 : i32
    %add3A_247 = arith.addi %add3A_246, %add3A : i32
    %lt3A_248 = arith.constant 781 : i32
    %lt3A_249 = arith.cmpi slt, %add3A_247, %lt3A_248 : i32
    %convert_element_type3A_250 = arith.extui %lt3A_249 : i1 to i32
    %cond3A_251 = arith.constant 0 : i32
    %cond3A_252 = arith.cmpi ne, %convert_element_type3A_250, %cond3A_251 : i32
    scf.if %cond3A_252 {
      %dma_wait3A = arith.constant 0 : i32
      %dma_wait3A_610 = arith.constant 0 : i32
      %dma_wait3A_611 = tpu.memref_slice %arg15[%dma_wait3A, %dma_wait3A_610] : memref<512x128xf32, #tpu.memory_space<vmem_shared>> -> memref<512x128xf32, #tpu.memory_space<vmem_shared>>
      tpu.wait_indirect_dma semaphore(%arg19 : memref<!tpu.dma_semaphore, #tpu.memory_space<semaphore_mem>>) src(%arg9 : memref<128x128xf32, #tpu.memory_space<vmem>>) dst(%dma_wait3A_611 : memref<512x128xf32, #tpu.memory_space<vmem_shared>>)
    } else {
    }
    %add3A_253 = arith.constant 352 : i32
    %add3A_254 = arith.addi %add3A_253, %add3A : i32
    %mul3A_255 = arith.constant 128 : i32
    %mul3A_256 = arith.muli %add3A_254, %mul3A_255 : i32
    %multiple_of3A_257 = tpu.assume_multiple %mul3A_256, 128 : i32
    %lt3A_258 = arith.constant 781 : i32
    %lt3A_259 = arith.cmpi slt, %add3A_254, %lt3A_258 : i32
    %convert_element_type3A_260 = arith.extui %lt3A_259 : i1 to i32
    %cond3A_261 = arith.constant 0 : i32
    %cond3A_262 = arith.cmpi ne, %convert_element_type3A_260, %cond3A_261 : i32
    scf.if %cond3A_262 {
      %dma_start3A = arith.constant 0 : i32
      %dma_start3A_610 = tpu.memref_slice %arg2[%multiple_of3A_257, %dma_start3A] : memref<100000x128xf32, #tpu.memory_space<hbm>> -> memref<128x128xf32, #tpu.memory_space<hbm>>
      %dma_start3A_611 = arith.constant 0 : i32
      %dma_start3A_612 = tpu.memref_slice %arg2[%multiple_of3A_257, %dma_start3A_611] : memref<100000x128xf32, #tpu.memory_space<hbm>> -> memref<128x128xf32, #tpu.memory_space<hbm>>
      tpu.enqueue_dma source(%dma_start3A_612 : memref<128x128xf32, #tpu.memory_space<hbm>>) target(%arg9 : memref<128x128xf32, #tpu.memory_space<vmem>>) target_semaphore(%arg17 : memref<!tpu.dma_semaphore, #tpu.memory_space<semaphore_mem>>)
      %dma_start3A_613 = tpu.memref_slice %arg3[%multiple_of3A_257] : memref<100000xi32, #tpu.memory_space<hbm>> -> memref<128xi32, #tpu.memory_space<hbm>>
      %dma_start3A_614 = tpu.memref_slice %arg3[%multiple_of3A_257] : memref<100000xi32, #tpu.memory_space<hbm>> -> memref<128xi32, #tpu.memory_space<hbm>>
      tpu.enqueue_dma source(%dma_start3A_614 : memref<128xi32, #tpu.memory_space<hbm>>) target(%arg11 : memref<128xi32, #tpu.memory_space<vmem>>) target_semaphore(%arg21 : memref<!tpu.dma_semaphore, #tpu.memory_space<semaphore_mem>>)
    } else {
    }
    %lt3A_263 = arith.constant 781 : i32
    %lt3A_264 = arith.cmpi slt, %add3A_245, %lt3A_263 : i32
    %convert_element_type3A_265 = arith.extui %lt3A_264 : i1 to i32
    %cond3A_266 = arith.constant 0 : i32
    %cond3A_267 = arith.cmpi ne, %convert_element_type3A_265, %cond3A_266 : i32
    scf.if %cond3A_267 {
      %dma_wait3A = arith.constant 0 : i32
      %dma_wait3A_610 = tpu.memref_slice %arg2[%multiple_of3A_233, %dma_wait3A] : memref<100000x128xf32, #tpu.memory_space<hbm>> -> memref<128x128xf32, #tpu.memory_space<hbm>>
      %dma_wait3A_611 = arith.constant 0 : i32
      %dma_wait3A_612 = tpu.memref_slice %arg2[%multiple_of3A_233, %dma_wait3A_611] : memref<100000x128xf32, #tpu.memory_space<hbm>> -> memref<128x128xf32, #tpu.memory_space<hbm>>
      tpu.wait_dma2 semaphore(%arg16 : memref<!tpu.dma_semaphore, #tpu.memory_space<semaphore_mem>>) src(%dma_wait3A_612 : memref<128x128xf32, #tpu.memory_space<hbm>>) dst(%arg8 : memref<128x128xf32, #tpu.memory_space<vmem>>)
      %dma_wait3A_613 = tpu.memref_slice %arg3[%multiple_of3A_233] : memref<100000xi32, #tpu.memory_space<hbm>> -> memref<128xi32, #tpu.memory_space<hbm>>
      %dma_wait3A_614 = tpu.memref_slice %arg3[%multiple_of3A_233] : memref<100000xi32, #tpu.memory_space<hbm>> -> memref<128xi32, #tpu.memory_space<hbm>>
      tpu.wait_dma2 semaphore(%arg20 : memref<!tpu.dma_semaphore, #tpu.memory_space<semaphore_mem>>) src(%dma_wait3A_614 : memref<128xi32, #tpu.memory_space<hbm>>) dst(%arg10 : memref<128xi32, #tpu.memory_space<vmem>>)
      %mul3A_615 = arith.constant 128 : i32
      %mul3A_616 = arith.muli %add3A_245, %mul3A_615 : i32
      %dma_start3A = arith.constant 0 : i32
      %dma_start3A_617 = arith.constant 0 : i32
      %dma_start3A_618 = tpu.memref_slice %arg15[%dma_start3A, %dma_start3A_617] : memref<512x128xf32, #tpu.memory_space<vmem_shared>> -> memref<512x128xf32, #tpu.memory_space<vmem_shared>>
      tpu.enqueue_indirect_dma source(%arg8 : memref<128x128xf32, #tpu.memory_space<vmem>>) target(%dma_start3A_618 : memref<512x128xf32, #tpu.memory_space<vmem_shared>>) offsets(%arg10 : memref<128xi32, #tpu.memory_space<vmem>>) semaphore(%arg18 : memref<!tpu.dma_semaphore, #tpu.memory_space<semaphore_mem>>) {add = true}
      %get3A = arith.constant 0 : index
      %get3A_619 = tpu.vector_load %arg10[%get3A] {strides = array<i32>} : memref<128xi32, #tpu.memory_space<vmem>>, vector<16xi32>,
      %add3A_620 = arith.constant 1 : i32
      %add3A_621 = arith.addi %mul3A_616, %add3A_620 : i32
      %add3A_622 = vector.broadcast %add3A_621 : i32 to vector<16xi32>
      %add3A_623 = arith.addi %add3A_622, %iota3A : vector<16xi32>
      %convert_element_type3A_624 = arith.sitofp %add3A_623 : vector<16xi32> to vector<16xf32>
      tpu.vector_store_idx %arg14[%get3A_619], %convert_element_type3A_624 : memref<512xf32, #tpu.memory_space<vmem>>[vector<16xi32>], vector<16xf32>,
      %get3A_625 = arith.constant 16 : index
      %get3A_626 = tpu.vector_load %arg10[%get3A_625] {strides = array<i32>} : memref<128xi32, #tpu.memory_space<vmem>>, vector<16xi32>,
      %add3A_627 = arith.constant 17 : i32
      %add3A_628 = arith.addi %mul3A_616, %add3A_627 : i32
      %add3A_629 = vector.broadcast %add3A_628 : i32 to vector<16xi32>
      %add3A_630 = arith.addi %add3A_629, %iota3A : vector<16xi32>
      %convert_element_type3A_631 = arith.sitofp %add3A_630 : vector<16xi32> to vector<16xf32>
      tpu.vector_store_idx %arg14[%get3A_626], %convert_element_type3A_631 : memref<512xf32, #tpu.memory_space<vmem>>[vector<16xi32>], vector<16xf32>,
      %get3A_632 = arith.constant 32 : index
      %get3A_633 = tpu.vector_load %arg10[%get3A_632] {strides = array<i32>} : memref<128xi32, #tpu.memory_space<vmem>>, vector<16xi32>,
      %add3A_634 = arith.constant 33 : i32
      %add3A_635 = arith.addi %mul3A_616, %add3A_634 : i32
      %add3A_636 = vector.broadcast %add3A_635 : i32 to vector<16xi32>
      %add3A_637 = arith.addi %add3A_636, %iota3A : vector<16xi32>
      %convert_element_type3A_638 = arith.sitofp %add3A_637 : vector<16xi32> to vector<16xf32>
      tpu.vector_store_idx %arg14[%get3A_633], %convert_element_type3A_638 : memref<512xf32, #tpu.memory_space<vmem>>[vector<16xi32>], vector<16xf32>,
      %get3A_639 = arith.constant 48 : index
      %get3A_640 = tpu.vector_load %arg10[%get3A_639] {strides = array<i32>} : memref<128xi32, #tpu.memory_space<vmem>>, vector<16xi32>,
      %add3A_641 = arith.constant 49 : i32
      %add3A_642 = arith.addi %mul3A_616, %add3A_641 : i32
      %add3A_643 = vector.broadcast %add3A_642 : i32 to vector<16xi32>
      %add3A_644 = arith.addi %add3A_643, %iota3A : vector<16xi32>
      %convert_element_type3A_645 = arith.sitofp %add3A_644 : vector<16xi32> to vector<16xf32>
      tpu.vector_store_idx %arg14[%get3A_640], %convert_element_type3A_645 : memref<512xf32, #tpu.memory_space<vmem>>[vector<16xi32>], vector<16xf32>,
      %get3A_646 = arith.constant 64 : index
      %get3A_647 = tpu.vector_load %arg10[%get3A_646] {strides = array<i32>} : memref<128xi32, #tpu.memory_space<vmem>>, vector<16xi32>,
      %add3A_648 = arith.constant 65 : i32
      %add3A_649 = arith.addi %mul3A_616, %add3A_648 : i32
      %add3A_650 = vector.broadcast %add3A_649 : i32 to vector<16xi32>
      %add3A_651 = arith.addi %add3A_650, %iota3A : vector<16xi32>
      %convert_element_type3A_652 = arith.sitofp %add3A_651 : vector<16xi32> to vector<16xf32>
      tpu.vector_store_idx %arg14[%get3A_647], %convert_element_type3A_652 : memref<512xf32, #tpu.memory_space<vmem>>[vector<16xi32>], vector<16xf32>,
      %get3A_653 = arith.constant 80 : index
      %get3A_654 = tpu.vector_load %arg10[%get3A_653] {strides = array<i32>} : memref<128xi32, #tpu.memory_space<vmem>>, vector<16xi32>,
      %add3A_655 = arith.constant 81 : i32
      %add3A_656 = arith.addi %mul3A_616, %add3A_655 : i32
      %add3A_657 = vector.broadcast %add3A_656 : i32 to vector<16xi32>
      %add3A_658 = arith.addi %add3A_657, %iota3A : vector<16xi32>
      %convert_element_type3A_659 = arith.sitofp %add3A_658 : vector<16xi32> to vector<16xf32>
      tpu.vector_store_idx %arg14[%get3A_654], %convert_element_type3A_659 : memref<512xf32, #tpu.memory_space<vmem>>[vector<16xi32>], vector<16xf32>,
      %get3A_660 = arith.constant 96 : index
      %get3A_661 = tpu.vector_load %arg10[%get3A_660] {strides = array<i32>} : memref<128xi32, #tpu.memory_space<vmem>>, vector<16xi32>,
      %add3A_662 = arith.constant 97 : i32
      %add3A_663 = arith.addi %mul3A_616, %add3A_662 : i32
      %add3A_664 = vector.broadcast %add3A_663 : i32 to vector<16xi32>
      %add3A_665 = arith.addi %add3A_664, %iota3A : vector<16xi32>
      %convert_element_type3A_666 = arith.sitofp %add3A_665 : vector<16xi32> to vector<16xf32>
      tpu.vector_store_idx %arg14[%get3A_661], %convert_element_type3A_666 : memref<512xf32, #tpu.memory_space<vmem>>[vector<16xi32>], vector<16xf32>,
      %get3A_667 = arith.constant 112 : index
      %get3A_668 = tpu.vector_load %arg10[%get3A_667] {strides = array<i32>} : memref<128xi32, #tpu.memory_space<vmem>>, vector<16xi32>,
      %add3A_669 = arith.constant 113 : i32
      %add3A_670 = arith.addi %mul3A_616, %add3A_669 : i32
      %add3A_671 = vector.broadcast %add3A_670 : i32 to vector<16xi32>
      %add3A_672 = arith.addi %add3A_671, %iota3A : vector<16xi32>
      %convert_element_type3A_673 = arith.sitofp %add3A_672 : vector<16xi32> to vector<16xf32>
      tpu.vector_store_idx %arg14[%get3A_668], %convert_element_type3A_673 : memref<512xf32, #tpu.memory_space<vmem>>[vector<16xi32>], vector<16xf32>,
    } else {
    }
    %add3A_268 = arith.constant 352 : i32
    %add3A_269 = arith.addi %add3A_268, %add3A : i32
    %add3A_270 = arith.constant 320 : i32
    %add3A_271 = arith.addi %add3A_270, %add3A : i32
    %lt3A_272 = arith.constant 781 : i32
    %lt3A_273 = arith.cmpi slt, %add3A_271, %lt3A_272 : i32
    %convert_element_type3A_274 = arith.extui %lt3A_273 : i1 to i32
    %cond3A_275 = arith.constant 0 : i32
    %cond3A_276 = arith.cmpi ne, %convert_element_type3A_274, %cond3A_275 : i32
    scf.if %cond3A_276 {
      %dma_wait3A = arith.constant 0 : i32
      %dma_wait3A_610 = arith.constant 0 : i32
      %dma_wait3A_611 = tpu.memref_slice %arg15[%dma_wait3A, %dma_wait3A_610] : memref<512x128xf32, #tpu.memory_space<vmem_shared>> -> memref<512x128xf32, #tpu.memory_space<vmem_shared>>
      tpu.wait_indirect_dma semaphore(%arg18 : memref<!tpu.dma_semaphore, #tpu.memory_space<semaphore_mem>>) src(%arg8 : memref<128x128xf32, #tpu.memory_space<vmem>>) dst(%dma_wait3A_611 : memref<512x128xf32, #tpu.memory_space<vmem_shared>>)
    } else {
    }
    %add3A_277 = arith.constant 384 : i32
    %add3A_278 = arith.addi %add3A_277, %add3A : i32
    %mul3A_279 = arith.constant 128 : i32
    %mul3A_280 = arith.muli %add3A_278, %mul3A_279 : i32
    %multiple_of3A_281 = tpu.assume_multiple %mul3A_280, 128 : i32
    %lt3A_282 = arith.constant 781 : i32
    %lt3A_283 = arith.cmpi slt, %add3A_278, %lt3A_282 : i32
    %convert_element_type3A_284 = arith.extui %lt3A_283 : i1 to i32
    %cond3A_285 = arith.constant 0 : i32
    %cond3A_286 = arith.cmpi ne, %convert_element_type3A_284, %cond3A_285 : i32
    scf.if %cond3A_286 {
      %dma_start3A = arith.constant 0 : i32
      %dma_start3A_610 = tpu.memref_slice %arg2[%multiple_of3A_281, %dma_start3A] : memref<100000x128xf32, #tpu.memory_space<hbm>> -> memref<128x128xf32, #tpu.memory_space<hbm>>
      %dma_start3A_611 = arith.constant 0 : i32
      %dma_start3A_612 = tpu.memref_slice %arg2[%multiple_of3A_281, %dma_start3A_611] : memref<100000x128xf32, #tpu.memory_space<hbm>> -> memref<128x128xf32, #tpu.memory_space<hbm>>
      tpu.enqueue_dma source(%dma_start3A_612 : memref<128x128xf32, #tpu.memory_space<hbm>>) target(%arg8 : memref<128x128xf32, #tpu.memory_space<vmem>>) target_semaphore(%arg16 : memref<!tpu.dma_semaphore, #tpu.memory_space<semaphore_mem>>)
      %dma_start3A_613 = tpu.memref_slice %arg3[%multiple_of3A_281] : memref<100000xi32, #tpu.memory_space<hbm>> -> memref<128xi32, #tpu.memory_space<hbm>>
      %dma_start3A_614 = tpu.memref_slice %arg3[%multiple_of3A_281] : memref<100000xi32, #tpu.memory_space<hbm>> -> memref<128xi32, #tpu.memory_space<hbm>>
      tpu.enqueue_dma source(%dma_start3A_614 : memref<128xi32, #tpu.memory_space<hbm>>) target(%arg10 : memref<128xi32, #tpu.memory_space<vmem>>) target_semaphore(%arg20 : memref<!tpu.dma_semaphore, #tpu.memory_space<semaphore_mem>>)
    } else {
    }
    %lt3A_287 = arith.constant 781 : i32
    %lt3A_288 = arith.cmpi slt, %add3A_269, %lt3A_287 : i32
    %convert_element_type3A_289 = arith.extui %lt3A_288 : i1 to i32
    %cond3A_290 = arith.constant 0 : i32
    %cond3A_291 = arith.cmpi ne, %convert_element_type3A_289, %cond3A_290 : i32
    scf.if %cond3A_291 {
      %dma_wait3A = arith.constant 0 : i32
      %dma_wait3A_610 = tpu.memref_slice %arg2[%multiple_of3A_257, %dma_wait3A] : memref<100000x128xf32, #tpu.memory_space<hbm>> -> memref<128x128xf32, #tpu.memory_space<hbm>>
      %dma_wait3A_611 = arith.constant 0 : i32
      %dma_wait3A_612 = tpu.memref_slice %arg2[%multiple_of3A_257, %dma_wait3A_611] : memref<100000x128xf32, #tpu.memory_space<hbm>> -> memref<128x128xf32, #tpu.memory_space<hbm>>
      tpu.wait_dma2 semaphore(%arg17 : memref<!tpu.dma_semaphore, #tpu.memory_space<semaphore_mem>>) src(%dma_wait3A_612 : memref<128x128xf32, #tpu.memory_space<hbm>>) dst(%arg9 : memref<128x128xf32, #tpu.memory_space<vmem>>)
      %dma_wait3A_613 = tpu.memref_slice %arg3[%multiple_of3A_257] : memref<100000xi32, #tpu.memory_space<hbm>> -> memref<128xi32, #tpu.memory_space<hbm>>
      %dma_wait3A_614 = tpu.memref_slice %arg3[%multiple_of3A_257] : memref<100000xi32, #tpu.memory_space<hbm>> -> memref<128xi32, #tpu.memory_space<hbm>>
      tpu.wait_dma2 semaphore(%arg21 : memref<!tpu.dma_semaphore, #tpu.memory_space<semaphore_mem>>) src(%dma_wait3A_614 : memref<128xi32, #tpu.memory_space<hbm>>) dst(%arg11 : memref<128xi32, #tpu.memory_space<vmem>>)
      %mul3A_615 = arith.constant 128 : i32
      %mul3A_616 = arith.muli %add3A_269, %mul3A_615 : i32
      %dma_start3A = arith.constant 0 : i32
      %dma_start3A_617 = arith.constant 0 : i32
      %dma_start3A_618 = tpu.memref_slice %arg15[%dma_start3A, %dma_start3A_617] : memref<512x128xf32, #tpu.memory_space<vmem_shared>> -> memref<512x128xf32, #tpu.memory_space<vmem_shared>>
      tpu.enqueue_indirect_dma source(%arg9 : memref<128x128xf32, #tpu.memory_space<vmem>>) target(%dma_start3A_618 : memref<512x128xf32, #tpu.memory_space<vmem_shared>>) offsets(%arg11 : memref<128xi32, #tpu.memory_space<vmem>>) semaphore(%arg19 : memref<!tpu.dma_semaphore, #tpu.memory_space<semaphore_mem>>) {add = true}
      %get3A = arith.constant 0 : index
      %get3A_619 = tpu.vector_load %arg11[%get3A] {strides = array<i32>} : memref<128xi32, #tpu.memory_space<vmem>>, vector<16xi32>,
      %add3A_620 = arith.constant 1 : i32
      %add3A_621 = arith.addi %mul3A_616, %add3A_620 : i32
      %add3A_622 = vector.broadcast %add3A_621 : i32 to vector<16xi32>
      %add3A_623 = arith.addi %add3A_622, %iota3A : vector<16xi32>
      %convert_element_type3A_624 = arith.sitofp %add3A_623 : vector<16xi32> to vector<16xf32>
      tpu.vector_store_idx %arg14[%get3A_619], %convert_element_type3A_624 : memref<512xf32, #tpu.memory_space<vmem>>[vector<16xi32>], vector<16xf32>,
      %get3A_625 = arith.constant 16 : index
      %get3A_626 = tpu.vector_load %arg11[%get3A_625] {strides = array<i32>} : memref<128xi32, #tpu.memory_space<vmem>>, vector<16xi32>,
      %add3A_627 = arith.constant 17 : i32
      %add3A_628 = arith.addi %mul3A_616, %add3A_627 : i32
      %add3A_629 = vector.broadcast %add3A_628 : i32 to vector<16xi32>
      %add3A_630 = arith.addi %add3A_629, %iota3A : vector<16xi32>
      %convert_element_type3A_631 = arith.sitofp %add3A_630 : vector<16xi32> to vector<16xf32>
      tpu.vector_store_idx %arg14[%get3A_626], %convert_element_type3A_631 : memref<512xf32, #tpu.memory_space<vmem>>[vector<16xi32>], vector<16xf32>,
      %get3A_632 = arith.constant 32 : index
      %get3A_633 = tpu.vector_load %arg11[%get3A_632] {strides = array<i32>} : memref<128xi32, #tpu.memory_space<vmem>>, vector<16xi32>,
      %add3A_634 = arith.constant 33 : i32
      %add3A_635 = arith.addi %mul3A_616, %add3A_634 : i32
      %add3A_636 = vector.broadcast %add3A_635 : i32 to vector<16xi32>
      %add3A_637 = arith.addi %add3A_636, %iota3A : vector<16xi32>
      %convert_element_type3A_638 = arith.sitofp %add3A_637 : vector<16xi32> to vector<16xf32>
      tpu.vector_store_idx %arg14[%get3A_633], %convert_element_type3A_638 : memref<512xf32, #tpu.memory_space<vmem>>[vector<16xi32>], vector<16xf32>,
      %get3A_639 = arith.constant 48 : index
      %get3A_640 = tpu.vector_load %arg11[%get3A_639] {strides = array<i32>} : memref<128xi32, #tpu.memory_space<vmem>>, vector<16xi32>,
      %add3A_641 = arith.constant 49 : i32
      %add3A_642 = arith.addi %mul3A_616, %add3A_641 : i32
      %add3A_643 = vector.broadcast %add3A_642 : i32 to vector<16xi32>
      %add3A_644 = arith.addi %add3A_643, %iota3A : vector<16xi32>
      %convert_element_type3A_645 = arith.sitofp %add3A_644 : vector<16xi32> to vector<16xf32>
      tpu.vector_store_idx %arg14[%get3A_640], %convert_element_type3A_645 : memref<512xf32, #tpu.memory_space<vmem>>[vector<16xi32>], vector<16xf32>,
      %get3A_646 = arith.constant 64 : index
      %get3A_647 = tpu.vector_load %arg11[%get3A_646] {strides = array<i32>} : memref<128xi32, #tpu.memory_space<vmem>>, vector<16xi32>,
      %add3A_648 = arith.constant 65 : i32
      %add3A_649 = arith.addi %mul3A_616, %add3A_648 : i32
      %add3A_650 = vector.broadcast %add3A_649 : i32 to vector<16xi32>
      %add3A_651 = arith.addi %add3A_650, %iota3A : vector<16xi32>
      %convert_element_type3A_652 = arith.sitofp %add3A_651 : vector<16xi32> to vector<16xf32>
      tpu.vector_store_idx %arg14[%get3A_647], %convert_element_type3A_652 : memref<512xf32, #tpu.memory_space<vmem>>[vector<16xi32>], vector<16xf32>,
      %get3A_653 = arith.constant 80 : index
      %get3A_654 = tpu.vector_load %arg11[%get3A_653] {strides = array<i32>} : memref<128xi32, #tpu.memory_space<vmem>>, vector<16xi32>,
      %add3A_655 = arith.constant 81 : i32
      %add3A_656 = arith.addi %mul3A_616, %add3A_655 : i32
      %add3A_657 = vector.broadcast %add3A_656 : i32 to vector<16xi32>
      %add3A_658 = arith.addi %add3A_657, %iota3A : vector<16xi32>
      %convert_element_type3A_659 = arith.sitofp %add3A_658 : vector<16xi32> to vector<16xf32>
      tpu.vector_store_idx %arg14[%get3A_654], %convert_element_type3A_659 : memref<512xf32, #tpu.memory_space<vmem>>[vector<16xi32>], vector<16xf32>,
      %get3A_660 = arith.constant 96 : index
      %get3A_661 = tpu.vector_load %arg11[%get3A_660] {strides = array<i32>} : memref<128xi32, #tpu.memory_space<vmem>>, vector<16xi32>,
      %add3A_662 = arith.constant 97 : i32
      %add3A_663 = arith.addi %mul3A_616, %add3A_662 : i32
      %add3A_664 = vector.broadcast %add3A_663 : i32 to vector<16xi32>
      %add3A_665 = arith.addi %add3A_664, %iota3A : vector<16xi32>
      %convert_element_type3A_666 = arith.sitofp %add3A_665 : vector<16xi32> to vector<16xf32>
      tpu.vector_store_idx %arg14[%get3A_661], %convert_element_type3A_666 : memref<512xf32, #tpu.memory_space<vmem>>[vector<16xi32>], vector<16xf32>,
      %get3A_667 = arith.constant 112 : index
      %get3A_668 = tpu.vector_load %arg11[%get3A_667] {strides = array<i32>} : memref<128xi32, #tpu.memory_space<vmem>>, vector<16xi32>,
      %add3A_669 = arith.constant 113 : i32
      %add3A_670 = arith.addi %mul3A_616, %add3A_669 : i32
      %add3A_671 = vector.broadcast %add3A_670 : i32 to vector<16xi32>
      %add3A_672 = arith.addi %add3A_671, %iota3A : vector<16xi32>
      %convert_element_type3A_673 = arith.sitofp %add3A_672 : vector<16xi32> to vector<16xf32>
      tpu.vector_store_idx %arg14[%get3A_668], %convert_element_type3A_673 : memref<512xf32, #tpu.memory_space<vmem>>[vector<16xi32>], vector<16xf32>,
    } else {
    }
    %add3A_292 = arith.constant 384 : i32
    %add3A_293 = arith.addi %add3A_292, %add3A : i32
    %add3A_294 = arith.constant 352 : i32
    %add3A_295 = arith.addi %add3A_294, %add3A : i32
    %lt3A_296 = arith.constant 781 : i32
    %lt3A_297 = arith.cmpi slt, %add3A_295, %lt3A_296 : i32
    %convert_element_type3A_298 = arith.extui %lt3A_297 : i1 to i32
    %cond3A_299 = arith.constant 0 : i32
    %cond3A_300 = arith.cmpi ne, %convert_element_type3A_298, %cond3A_299 : i32
    scf.if %cond3A_300 {
      %dma_wait3A = arith.constant 0 : i32
      %dma_wait3A_610 = arith.constant 0 : i32
      %dma_wait3A_611 = tpu.memref_slice %arg15[%dma_wait3A, %dma_wait3A_610] : memref<512x128xf32, #tpu.memory_space<vmem_shared>> -> memref<512x128xf32, #tpu.memory_space<vmem_shared>>
      tpu.wait_indirect_dma semaphore(%arg19 : memref<!tpu.dma_semaphore, #tpu.memory_space<semaphore_mem>>) src(%arg9 : memref<128x128xf32, #tpu.memory_space<vmem>>) dst(%dma_wait3A_611 : memref<512x128xf32, #tpu.memory_space<vmem_shared>>)
    } else {
    }
    %add3A_301 = arith.constant 416 : i32
    %add3A_302 = arith.addi %add3A_301, %add3A : i32
    %mul3A_303 = arith.constant 128 : i32
    %mul3A_304 = arith.muli %add3A_302, %mul3A_303 : i32
    %multiple_of3A_305 = tpu.assume_multiple %mul3A_304, 128 : i32
    %lt3A_306 = arith.constant 781 : i32
    %lt3A_307 = arith.cmpi slt, %add3A_302, %lt3A_306 : i32
    %convert_element_type3A_308 = arith.extui %lt3A_307 : i1 to i32
    %cond3A_309 = arith.constant 0 : i32
    %cond3A_310 = arith.cmpi ne, %convert_element_type3A_308, %cond3A_309 : i32
    scf.if %cond3A_310 {
      %dma_start3A = arith.constant 0 : i32
      %dma_start3A_610 = tpu.memref_slice %arg2[%multiple_of3A_305, %dma_start3A] : memref<100000x128xf32, #tpu.memory_space<hbm>> -> memref<128x128xf32, #tpu.memory_space<hbm>>
      %dma_start3A_611 = arith.constant 0 : i32
      %dma_start3A_612 = tpu.memref_slice %arg2[%multiple_of3A_305, %dma_start3A_611] : memref<100000x128xf32, #tpu.memory_space<hbm>> -> memref<128x128xf32, #tpu.memory_space<hbm>>
      tpu.enqueue_dma source(%dma_start3A_612 : memref<128x128xf32, #tpu.memory_space<hbm>>) target(%arg9 : memref<128x128xf32, #tpu.memory_space<vmem>>) target_semaphore(%arg17 : memref<!tpu.dma_semaphore, #tpu.memory_space<semaphore_mem>>)
      %dma_start3A_613 = tpu.memref_slice %arg3[%multiple_of3A_305] : memref<100000xi32, #tpu.memory_space<hbm>> -> memref<128xi32, #tpu.memory_space<hbm>>
      %dma_start3A_614 = tpu.memref_slice %arg3[%multiple_of3A_305] : memref<100000xi32, #tpu.memory_space<hbm>> -> memref<128xi32, #tpu.memory_space<hbm>>
      tpu.enqueue_dma source(%dma_start3A_614 : memref<128xi32, #tpu.memory_space<hbm>>) target(%arg11 : memref<128xi32, #tpu.memory_space<vmem>>) target_semaphore(%arg21 : memref<!tpu.dma_semaphore, #tpu.memory_space<semaphore_mem>>)
    } else {
    }
    %lt3A_311 = arith.constant 781 : i32
    %lt3A_312 = arith.cmpi slt, %add3A_293, %lt3A_311 : i32
    %convert_element_type3A_313 = arith.extui %lt3A_312 : i1 to i32
    %cond3A_314 = arith.constant 0 : i32
    %cond3A_315 = arith.cmpi ne, %convert_element_type3A_313, %cond3A_314 : i32
    scf.if %cond3A_315 {
      %dma_wait3A = arith.constant 0 : i32
      %dma_wait3A_610 = tpu.memref_slice %arg2[%multiple_of3A_281, %dma_wait3A] : memref<100000x128xf32, #tpu.memory_space<hbm>> -> memref<128x128xf32, #tpu.memory_space<hbm>>
      %dma_wait3A_611 = arith.constant 0 : i32
      %dma_wait3A_612 = tpu.memref_slice %arg2[%multiple_of3A_281, %dma_wait3A_611] : memref<100000x128xf32, #tpu.memory_space<hbm>> -> memref<128x128xf32, #tpu.memory_space<hbm>>
      tpu.wait_dma2 semaphore(%arg16 : memref<!tpu.dma_semaphore, #tpu.memory_space<semaphore_mem>>) src(%dma_wait3A_612 : memref<128x128xf32, #tpu.memory_space<hbm>>) dst(%arg8 : memref<128x128xf32, #tpu.memory_space<vmem>>)
      %dma_wait3A_613 = tpu.memref_slice %arg3[%multiple_of3A_281] : memref<100000xi32, #tpu.memory_space<hbm>> -> memref<128xi32, #tpu.memory_space<hbm>>
      %dma_wait3A_614 = tpu.memref_slice %arg3[%multiple_of3A_281] : memref<100000xi32, #tpu.memory_space<hbm>> -> memref<128xi32, #tpu.memory_space<hbm>>
      tpu.wait_dma2 semaphore(%arg20 : memref<!tpu.dma_semaphore, #tpu.memory_space<semaphore_mem>>) src(%dma_wait3A_614 : memref<128xi32, #tpu.memory_space<hbm>>) dst(%arg10 : memref<128xi32, #tpu.memory_space<vmem>>)
      %mul3A_615 = arith.constant 128 : i32
      %mul3A_616 = arith.muli %add3A_293, %mul3A_615 : i32
      %dma_start3A = arith.constant 0 : i32
      %dma_start3A_617 = arith.constant 0 : i32
      %dma_start3A_618 = tpu.memref_slice %arg15[%dma_start3A, %dma_start3A_617] : memref<512x128xf32, #tpu.memory_space<vmem_shared>> -> memref<512x128xf32, #tpu.memory_space<vmem_shared>>
      tpu.enqueue_indirect_dma source(%arg8 : memref<128x128xf32, #tpu.memory_space<vmem>>) target(%dma_start3A_618 : memref<512x128xf32, #tpu.memory_space<vmem_shared>>) offsets(%arg10 : memref<128xi32, #tpu.memory_space<vmem>>) semaphore(%arg18 : memref<!tpu.dma_semaphore, #tpu.memory_space<semaphore_mem>>) {add = true}
      %get3A = arith.constant 0 : index
      %get3A_619 = tpu.vector_load %arg10[%get3A] {strides = array<i32>} : memref<128xi32, #tpu.memory_space<vmem>>, vector<16xi32>,
      %add3A_620 = arith.constant 1 : i32
      %add3A_621 = arith.addi %mul3A_616, %add3A_620 : i32
      %add3A_622 = vector.broadcast %add3A_621 : i32 to vector<16xi32>
      %add3A_623 = arith.addi %add3A_622, %iota3A : vector<16xi32>
      %convert_element_type3A_624 = arith.sitofp %add3A_623 : vector<16xi32> to vector<16xf32>
      tpu.vector_store_idx %arg14[%get3A_619], %convert_element_type3A_624 : memref<512xf32, #tpu.memory_space<vmem>>[vector<16xi32>], vector<16xf32>,
      %get3A_625 = arith.constant 16 : index
      %get3A_626 = tpu.vector_load %arg10[%get3A_625] {strides = array<i32>} : memref<128xi32, #tpu.memory_space<vmem>>, vector<16xi32>,
      %add3A_627 = arith.constant 17 : i32
      %add3A_628 = arith.addi %mul3A_616, %add3A_627 : i32
      %add3A_629 = vector.broadcast %add3A_628 : i32 to vector<16xi32>
      %add3A_630 = arith.addi %add3A_629, %iota3A : vector<16xi32>
      %convert_element_type3A_631 = arith.sitofp %add3A_630 : vector<16xi32> to vector<16xf32>
      tpu.vector_store_idx %arg14[%get3A_626], %convert_element_type3A_631 : memref<512xf32, #tpu.memory_space<vmem>>[vector<16xi32>], vector<16xf32>,
      %get3A_632 = arith.constant 32 : index
      %get3A_633 = tpu.vector_load %arg10[%get3A_632] {strides = array<i32>} : memref<128xi32, #tpu.memory_space<vmem>>, vector<16xi32>,
      %add3A_634 = arith.constant 33 : i32
      %add3A_635 = arith.addi %mul3A_616, %add3A_634 : i32
      %add3A_636 = vector.broadcast %add3A_635 : i32 to vector<16xi32>
      %add3A_637 = arith.addi %add3A_636, %iota3A : vector<16xi32>
      %convert_element_type3A_638 = arith.sitofp %add3A_637 : vector<16xi32> to vector<16xf32>
      tpu.vector_store_idx %arg14[%get3A_633], %convert_element_type3A_638 : memref<512xf32, #tpu.memory_space<vmem>>[vector<16xi32>], vector<16xf32>,
      %get3A_639 = arith.constant 48 : index
      %get3A_640 = tpu.vector_load %arg10[%get3A_639] {strides = array<i32>} : memref<128xi32, #tpu.memory_space<vmem>>, vector<16xi32>,
      %add3A_641 = arith.constant 49 : i32
      %add3A_642 = arith.addi %mul3A_616, %add3A_641 : i32
      %add3A_643 = vector.broadcast %add3A_642 : i32 to vector<16xi32>
      %add3A_644 = arith.addi %add3A_643, %iota3A : vector<16xi32>
      %convert_element_type3A_645 = arith.sitofp %add3A_644 : vector<16xi32> to vector<16xf32>
      tpu.vector_store_idx %arg14[%get3A_640], %convert_element_type3A_645 : memref<512xf32, #tpu.memory_space<vmem>>[vector<16xi32>], vector<16xf32>,
      %get3A_646 = arith.constant 64 : index
      %get3A_647 = tpu.vector_load %arg10[%get3A_646] {strides = array<i32>} : memref<128xi32, #tpu.memory_space<vmem>>, vector<16xi32>,
      %add3A_648 = arith.constant 65 : i32
      %add3A_649 = arith.addi %mul3A_616, %add3A_648 : i32
      %add3A_650 = vector.broadcast %add3A_649 : i32 to vector<16xi32>
      %add3A_651 = arith.addi %add3A_650, %iota3A : vector<16xi32>
      %convert_element_type3A_652 = arith.sitofp %add3A_651 : vector<16xi32> to vector<16xf32>
      tpu.vector_store_idx %arg14[%get3A_647], %convert_element_type3A_652 : memref<512xf32, #tpu.memory_space<vmem>>[vector<16xi32>], vector<16xf32>,
      %get3A_653 = arith.constant 80 : index
      %get3A_654 = tpu.vector_load %arg10[%get3A_653] {strides = array<i32>} : memref<128xi32, #tpu.memory_space<vmem>>, vector<16xi32>,
      %add3A_655 = arith.constant 81 : i32
      %add3A_656 = arith.addi %mul3A_616, %add3A_655 : i32
      %add3A_657 = vector.broadcast %add3A_656 : i32 to vector<16xi32>
      %add3A_658 = arith.addi %add3A_657, %iota3A : vector<16xi32>
      %convert_element_type3A_659 = arith.sitofp %add3A_658 : vector<16xi32> to vector<16xf32>
      tpu.vector_store_idx %arg14[%get3A_654], %convert_element_type3A_659 : memref<512xf32, #tpu.memory_space<vmem>>[vector<16xi32>], vector<16xf32>,
      %get3A_660 = arith.constant 96 : index
      %get3A_661 = tpu.vector_load %arg10[%get3A_660] {strides = array<i32>} : memref<128xi32, #tpu.memory_space<vmem>>, vector<16xi32>,
      %add3A_662 = arith.constant 97 : i32
      %add3A_663 = arith.addi %mul3A_616, %add3A_662 : i32
      %add3A_664 = vector.broadcast %add3A_663 : i32 to vector<16xi32>
      %add3A_665 = arith.addi %add3A_664, %iota3A : vector<16xi32>
      %convert_element_type3A_666 = arith.sitofp %add3A_665 : vector<16xi32> to vector<16xf32>
      tpu.vector_store_idx %arg14[%get3A_661], %convert_element_type3A_666 : memref<512xf32, #tpu.memory_space<vmem>>[vector<16xi32>], vector<16xf32>,
      %get3A_667 = arith.constant 112 : index
      %get3A_668 = tpu.vector_load %arg10[%get3A_667] {strides = array<i32>} : memref<128xi32, #tpu.memory_space<vmem>>, vector<16xi32>,
      %add3A_669 = arith.constant 113 : i32
      %add3A_670 = arith.addi %mul3A_616, %add3A_669 : i32
      %add3A_671 = vector.broadcast %add3A_670 : i32 to vector<16xi32>
      %add3A_672 = arith.addi %add3A_671, %iota3A : vector<16xi32>
      %convert_element_type3A_673 = arith.sitofp %add3A_672 : vector<16xi32> to vector<16xf32>
      tpu.vector_store_idx %arg14[%get3A_668], %convert_element_type3A_673 : memref<512xf32, #tpu.memory_space<vmem>>[vector<16xi32>], vector<16xf32>,
    } else {
    }
    %add3A_316 = arith.constant 416 : i32
    %add3A_317 = arith.addi %add3A_316, %add3A : i32
    %add3A_318 = arith.constant 384 : i32
    %add3A_319 = arith.addi %add3A_318, %add3A : i32
    %lt3A_320 = arith.constant 781 : i32
    %lt3A_321 = arith.cmpi slt, %add3A_319, %lt3A_320 : i32
    %convert_element_type3A_322 = arith.extui %lt3A_321 : i1 to i32
    %cond3A_323 = arith.constant 0 : i32
    %cond3A_324 = arith.cmpi ne, %convert_element_type3A_322, %cond3A_323 : i32
    scf.if %cond3A_324 {
      %dma_wait3A = arith.constant 0 : i32
      %dma_wait3A_610 = arith.constant 0 : i32
      %dma_wait3A_611 = tpu.memref_slice %arg15[%dma_wait3A, %dma_wait3A_610] : memref<512x128xf32, #tpu.memory_space<vmem_shared>> -> memref<512x128xf32, #tpu.memory_space<vmem_shared>>
      tpu.wait_indirect_dma semaphore(%arg18 : memref<!tpu.dma_semaphore, #tpu.memory_space<semaphore_mem>>) src(%arg8 : memref<128x128xf32, #tpu.memory_space<vmem>>) dst(%dma_wait3A_611 : memref<512x128xf32, #tpu.memory_space<vmem_shared>>)
    } else {
    }
    %add3A_325 = arith.constant 448 : i32
    %add3A_326 = arith.addi %add3A_325, %add3A : i32
    %mul3A_327 = arith.constant 128 : i32
    %mul3A_328 = arith.muli %add3A_326, %mul3A_327 : i32
    %multiple_of3A_329 = tpu.assume_multiple %mul3A_328, 128 : i32
    %lt3A_330 = arith.constant 781 : i32
    %lt3A_331 = arith.cmpi slt, %add3A_326, %lt3A_330 : i32
    %convert_element_type3A_332 = arith.extui %lt3A_331 : i1 to i32
    %cond3A_333 = arith.constant 0 : i32
    %cond3A_334 = arith.cmpi ne, %convert_element_type3A_332, %cond3A_333 : i32
    scf.if %cond3A_334 {
      %dma_start3A = arith.constant 0 : i32
      %dma_start3A_610 = tpu.memref_slice %arg2[%multiple_of3A_329, %dma_start3A] : memref<100000x128xf32, #tpu.memory_space<hbm>> -> memref<128x128xf32, #tpu.memory_space<hbm>>
      %dma_start3A_611 = arith.constant 0 : i32
      %dma_start3A_612 = tpu.memref_slice %arg2[%multiple_of3A_329, %dma_start3A_611] : memref<100000x128xf32, #tpu.memory_space<hbm>> -> memref<128x128xf32, #tpu.memory_space<hbm>>
      tpu.enqueue_dma source(%dma_start3A_612 : memref<128x128xf32, #tpu.memory_space<hbm>>) target(%arg8 : memref<128x128xf32, #tpu.memory_space<vmem>>) target_semaphore(%arg16 : memref<!tpu.dma_semaphore, #tpu.memory_space<semaphore_mem>>)
      %dma_start3A_613 = tpu.memref_slice %arg3[%multiple_of3A_329] : memref<100000xi32, #tpu.memory_space<hbm>> -> memref<128xi32, #tpu.memory_space<hbm>>
      %dma_start3A_614 = tpu.memref_slice %arg3[%multiple_of3A_329] : memref<100000xi32, #tpu.memory_space<hbm>> -> memref<128xi32, #tpu.memory_space<hbm>>
      tpu.enqueue_dma source(%dma_start3A_614 : memref<128xi32, #tpu.memory_space<hbm>>) target(%arg10 : memref<128xi32, #tpu.memory_space<vmem>>) target_semaphore(%arg20 : memref<!tpu.dma_semaphore, #tpu.memory_space<semaphore_mem>>)
    } else {
    }
    %lt3A_335 = arith.constant 781 : i32
    %lt3A_336 = arith.cmpi slt, %add3A_317, %lt3A_335 : i32
    %convert_element_type3A_337 = arith.extui %lt3A_336 : i1 to i32
    %cond3A_338 = arith.constant 0 : i32
    %cond3A_339 = arith.cmpi ne, %convert_element_type3A_337, %cond3A_338 : i32
    scf.if %cond3A_339 {
      %dma_wait3A = arith.constant 0 : i32
      %dma_wait3A_610 = tpu.memref_slice %arg2[%multiple_of3A_305, %dma_wait3A] : memref<100000x128xf32, #tpu.memory_space<hbm>> -> memref<128x128xf32, #tpu.memory_space<hbm>>
      %dma_wait3A_611 = arith.constant 0 : i32
      %dma_wait3A_612 = tpu.memref_slice %arg2[%multiple_of3A_305, %dma_wait3A_611] : memref<100000x128xf32, #tpu.memory_space<hbm>> -> memref<128x128xf32, #tpu.memory_space<hbm>>
      tpu.wait_dma2 semaphore(%arg17 : memref<!tpu.dma_semaphore, #tpu.memory_space<semaphore_mem>>) src(%dma_wait3A_612 : memref<128x128xf32, #tpu.memory_space<hbm>>) dst(%arg9 : memref<128x128xf32, #tpu.memory_space<vmem>>)
      %dma_wait3A_613 = tpu.memref_slice %arg3[%multiple_of3A_305] : memref<100000xi32, #tpu.memory_space<hbm>> -> memref<128xi32, #tpu.memory_space<hbm>>
      %dma_wait3A_614 = tpu.memref_slice %arg3[%multiple_of3A_305] : memref<100000xi32, #tpu.memory_space<hbm>> -> memref<128xi32, #tpu.memory_space<hbm>>
      tpu.wait_dma2 semaphore(%arg21 : memref<!tpu.dma_semaphore, #tpu.memory_space<semaphore_mem>>) src(%dma_wait3A_614 : memref<128xi32, #tpu.memory_space<hbm>>) dst(%arg11 : memref<128xi32, #tpu.memory_space<vmem>>)
      %mul3A_615 = arith.constant 128 : i32
      %mul3A_616 = arith.muli %add3A_317, %mul3A_615 : i32
      %dma_start3A = arith.constant 0 : i32
      %dma_start3A_617 = arith.constant 0 : i32
      %dma_start3A_618 = tpu.memref_slice %arg15[%dma_start3A, %dma_start3A_617] : memref<512x128xf32, #tpu.memory_space<vmem_shared>> -> memref<512x128xf32, #tpu.memory_space<vmem_shared>>
      tpu.enqueue_indirect_dma source(%arg9 : memref<128x128xf32, #tpu.memory_space<vmem>>) target(%dma_start3A_618 : memref<512x128xf32, #tpu.memory_space<vmem_shared>>) offsets(%arg11 : memref<128xi32, #tpu.memory_space<vmem>>) semaphore(%arg19 : memref<!tpu.dma_semaphore, #tpu.memory_space<semaphore_mem>>) {add = true}
      %get3A = arith.constant 0 : index
      %get3A_619 = tpu.vector_load %arg11[%get3A] {strides = array<i32>} : memref<128xi32, #tpu.memory_space<vmem>>, vector<16xi32>,
      %add3A_620 = arith.constant 1 : i32
      %add3A_621 = arith.addi %mul3A_616, %add3A_620 : i32
      %add3A_622 = vector.broadcast %add3A_621 : i32 to vector<16xi32>
      %add3A_623 = arith.addi %add3A_622, %iota3A : vector<16xi32>
      %convert_element_type3A_624 = arith.sitofp %add3A_623 : vector<16xi32> to vector<16xf32>
      tpu.vector_store_idx %arg14[%get3A_619], %convert_element_type3A_624 : memref<512xf32, #tpu.memory_space<vmem>>[vector<16xi32>], vector<16xf32>,
      %get3A_625 = arith.constant 16 : index
      %get3A_626 = tpu.vector_load %arg11[%get3A_625] {strides = array<i32>} : memref<128xi32, #tpu.memory_space<vmem>>, vector<16xi32>,
      %add3A_627 = arith.constant 17 : i32
      %add3A_628 = arith.addi %mul3A_616, %add3A_627 : i32
      %add3A_629 = vector.broadcast %add3A_628 : i32 to vector<16xi32>
      %add3A_630 = arith.addi %add3A_629, %iota3A : vector<16xi32>
      %convert_element_type3A_631 = arith.sitofp %add3A_630 : vector<16xi32> to vector<16xf32>
      tpu.vector_store_idx %arg14[%get3A_626], %convert_element_type3A_631 : memref<512xf32, #tpu.memory_space<vmem>>[vector<16xi32>], vector<16xf32>,
      %get3A_632 = arith.constant 32 : index
      %get3A_633 = tpu.vector_load %arg11[%get3A_632] {strides = array<i32>} : memref<128xi32, #tpu.memory_space<vmem>>, vector<16xi32>,
      %add3A_634 = arith.constant 33 : i32
      %add3A_635 = arith.addi %mul3A_616, %add3A_634 : i32
      %add3A_636 = vector.broadcast %add3A_635 : i32 to vector<16xi32>
      %add3A_637 = arith.addi %add3A_636, %iota3A : vector<16xi32>
      %convert_element_type3A_638 = arith.sitofp %add3A_637 : vector<16xi32> to vector<16xf32>
      tpu.vector_store_idx %arg14[%get3A_633], %convert_element_type3A_638 : memref<512xf32, #tpu.memory_space<vmem>>[vector<16xi32>], vector<16xf32>,
      %get3A_639 = arith.constant 48 : index
      %get3A_640 = tpu.vector_load %arg11[%get3A_639] {strides = array<i32>} : memref<128xi32, #tpu.memory_space<vmem>>, vector<16xi32>,
      %add3A_641 = arith.constant 49 : i32
      %add3A_642 = arith.addi %mul3A_616, %add3A_641 : i32
      %add3A_643 = vector.broadcast %add3A_642 : i32 to vector<16xi32>
      %add3A_644 = arith.addi %add3A_643, %iota3A : vector<16xi32>
      %convert_element_type3A_645 = arith.sitofp %add3A_644 : vector<16xi32> to vector<16xf32>
      tpu.vector_store_idx %arg14[%get3A_640], %convert_element_type3A_645 : memref<512xf32, #tpu.memory_space<vmem>>[vector<16xi32>], vector<16xf32>,
      %get3A_646 = arith.constant 64 : index
      %get3A_647 = tpu.vector_load %arg11[%get3A_646] {strides = array<i32>} : memref<128xi32, #tpu.memory_space<vmem>>, vector<16xi32>,
      %add3A_648 = arith.constant 65 : i32
      %add3A_649 = arith.addi %mul3A_616, %add3A_648 : i32
      %add3A_650 = vector.broadcast %add3A_649 : i32 to vector<16xi32>
      %add3A_651 = arith.addi %add3A_650, %iota3A : vector<16xi32>
      %convert_element_type3A_652 = arith.sitofp %add3A_651 : vector<16xi32> to vector<16xf32>
      tpu.vector_store_idx %arg14[%get3A_647], %convert_element_type3A_652 : memref<512xf32, #tpu.memory_space<vmem>>[vector<16xi32>], vector<16xf32>,
      %get3A_653 = arith.constant 80 : index
      %get3A_654 = tpu.vector_load %arg11[%get3A_653] {strides = array<i32>} : memref<128xi32, #tpu.memory_space<vmem>>, vector<16xi32>,
      %add3A_655 = arith.constant 81 : i32
      %add3A_656 = arith.addi %mul3A_616, %add3A_655 : i32
      %add3A_657 = vector.broadcast %add3A_656 : i32 to vector<16xi32>
      %add3A_658 = arith.addi %add3A_657, %iota3A : vector<16xi32>
      %convert_element_type3A_659 = arith.sitofp %add3A_658 : vector<16xi32> to vector<16xf32>
      tpu.vector_store_idx %arg14[%get3A_654], %convert_element_type3A_659 : memref<512xf32, #tpu.memory_space<vmem>>[vector<16xi32>], vector<16xf32>,
      %get3A_660 = arith.constant 96 : index
      %get3A_661 = tpu.vector_load %arg11[%get3A_660] {strides = array<i32>} : memref<128xi32, #tpu.memory_space<vmem>>, vector<16xi32>,
      %add3A_662 = arith.constant 97 : i32
      %add3A_663 = arith.addi %mul3A_616, %add3A_662 : i32
      %add3A_664 = vector.broadcast %add3A_663 : i32 to vector<16xi32>
      %add3A_665 = arith.addi %add3A_664, %iota3A : vector<16xi32>
      %convert_element_type3A_666 = arith.sitofp %add3A_665 : vector<16xi32> to vector<16xf32>
      tpu.vector_store_idx %arg14[%get3A_661], %convert_element_type3A_666 : memref<512xf32, #tpu.memory_space<vmem>>[vector<16xi32>], vector<16xf32>,
      %get3A_667 = arith.constant 112 : index
      %get3A_668 = tpu.vector_load %arg11[%get3A_667] {strides = array<i32>} : memref<128xi32, #tpu.memory_space<vmem>>, vector<16xi32>,
      %add3A_669 = arith.constant 113 : i32
      %add3A_670 = arith.addi %mul3A_616, %add3A_669 : i32
      %add3A_671 = vector.broadcast %add3A_670 : i32 to vector<16xi32>
      %add3A_672 = arith.addi %add3A_671, %iota3A : vector<16xi32>
      %convert_element_type3A_673 = arith.sitofp %add3A_672 : vector<16xi32> to vector<16xf32>
      tpu.vector_store_idx %arg14[%get3A_668], %convert_element_type3A_673 : memref<512xf32, #tpu.memory_space<vmem>>[vector<16xi32>], vector<16xf32>,
    } else {
    }
    %add3A_340 = arith.constant 448 : i32
    %add3A_341 = arith.addi %add3A_340, %add3A : i32
    %add3A_342 = arith.constant 416 : i32
    %add3A_343 = arith.addi %add3A_342, %add3A : i32
    %lt3A_344 = arith.constant 781 : i32
    %lt3A_345 = arith.cmpi slt, %add3A_343, %lt3A_344 : i32
    %convert_element_type3A_346 = arith.extui %lt3A_345 : i1 to i32
    %cond3A_347 = arith.constant 0 : i32
    %cond3A_348 = arith.cmpi ne, %convert_element_type3A_346, %cond3A_347 : i32
    scf.if %cond3A_348 {
      %dma_wait3A = arith.constant 0 : i32
      %dma_wait3A_610 = arith.constant 0 : i32
      %dma_wait3A_611 = tpu.memref_slice %arg15[%dma_wait3A, %dma_wait3A_610] : memref<512x128xf32, #tpu.memory_space<vmem_shared>> -> memref<512x128xf32, #tpu.memory_space<vmem_shared>>
      tpu.wait_indirect_dma semaphore(%arg19 : memref<!tpu.dma_semaphore, #tpu.memory_space<semaphore_mem>>) src(%arg9 : memref<128x128xf32, #tpu.memory_space<vmem>>) dst(%dma_wait3A_611 : memref<512x128xf32, #tpu.memory_space<vmem_shared>>)
    } else {
    }
    %add3A_349 = arith.constant 480 : i32
    %add3A_350 = arith.addi %add3A_349, %add3A : i32
    %mul3A_351 = arith.constant 128 : i32
    %mul3A_352 = arith.muli %add3A_350, %mul3A_351 : i32
    %multiple_of3A_353 = tpu.assume_multiple %mul3A_352, 128 : i32
    %lt3A_354 = arith.constant 781 : i32
    %lt3A_355 = arith.cmpi slt, %add3A_350, %lt3A_354 : i32
    %convert_element_type3A_356 = arith.extui %lt3A_355 : i1 to i32
    %cond3A_357 = arith.constant 0 : i32
    %cond3A_358 = arith.cmpi ne, %convert_element_type3A_356, %cond3A_357 : i32
    scf.if %cond3A_358 {
      %dma_start3A = arith.constant 0 : i32
      %dma_start3A_610 = tpu.memref_slice %arg2[%multiple_of3A_353, %dma_start3A] : memref<100000x128xf32, #tpu.memory_space<hbm>> -> memref<128x128xf32, #tpu.memory_space<hbm>>
      %dma_start3A_611 = arith.constant 0 : i32
      %dma_start3A_612 = tpu.memref_slice %arg2[%multiple_of3A_353, %dma_start3A_611] : memref<100000x128xf32, #tpu.memory_space<hbm>> -> memref<128x128xf32, #tpu.memory_space<hbm>>
      tpu.enqueue_dma source(%dma_start3A_612 : memref<128x128xf32, #tpu.memory_space<hbm>>) target(%arg9 : memref<128x128xf32, #tpu.memory_space<vmem>>) target_semaphore(%arg17 : memref<!tpu.dma_semaphore, #tpu.memory_space<semaphore_mem>>)
      %dma_start3A_613 = tpu.memref_slice %arg3[%multiple_of3A_353] : memref<100000xi32, #tpu.memory_space<hbm>> -> memref<128xi32, #tpu.memory_space<hbm>>
      %dma_start3A_614 = tpu.memref_slice %arg3[%multiple_of3A_353] : memref<100000xi32, #tpu.memory_space<hbm>> -> memref<128xi32, #tpu.memory_space<hbm>>
      tpu.enqueue_dma source(%dma_start3A_614 : memref<128xi32, #tpu.memory_space<hbm>>) target(%arg11 : memref<128xi32, #tpu.memory_space<vmem>>) target_semaphore(%arg21 : memref<!tpu.dma_semaphore, #tpu.memory_space<semaphore_mem>>)
    } else {
    }
    %lt3A_359 = arith.constant 781 : i32
    %lt3A_360 = arith.cmpi slt, %add3A_341, %lt3A_359 : i32
    %convert_element_type3A_361 = arith.extui %lt3A_360 : i1 to i32
    %cond3A_362 = arith.constant 0 : i32
    %cond3A_363 = arith.cmpi ne, %convert_element_type3A_361, %cond3A_362 : i32
    scf.if %cond3A_363 {
      %dma_wait3A = arith.constant 0 : i32
      %dma_wait3A_610 = tpu.memref_slice %arg2[%multiple_of3A_329, %dma_wait3A] : memref<100000x128xf32, #tpu.memory_space<hbm>> -> memref<128x128xf32, #tpu.memory_space<hbm>>
      %dma_wait3A_611 = arith.constant 0 : i32
      %dma_wait3A_612 = tpu.memref_slice %arg2[%multiple_of3A_329, %dma_wait3A_611] : memref<100000x128xf32, #tpu.memory_space<hbm>> -> memref<128x128xf32, #tpu.memory_space<hbm>>
      tpu.wait_dma2 semaphore(%arg16 : memref<!tpu.dma_semaphore, #tpu.memory_space<semaphore_mem>>) src(%dma_wait3A_612 : memref<128x128xf32, #tpu.memory_space<hbm>>) dst(%arg8 : memref<128x128xf32, #tpu.memory_space<vmem>>)
      %dma_wait3A_613 = tpu.memref_slice %arg3[%multiple_of3A_329] : memref<100000xi32, #tpu.memory_space<hbm>> -> memref<128xi32, #tpu.memory_space<hbm>>
      %dma_wait3A_614 = tpu.memref_slice %arg3[%multiple_of3A_329] : memref<100000xi32, #tpu.memory_space<hbm>> -> memref<128xi32, #tpu.memory_space<hbm>>
      tpu.wait_dma2 semaphore(%arg20 : memref<!tpu.dma_semaphore, #tpu.memory_space<semaphore_mem>>) src(%dma_wait3A_614 : memref<128xi32, #tpu.memory_space<hbm>>) dst(%arg10 : memref<128xi32, #tpu.memory_space<vmem>>)
      %mul3A_615 = arith.constant 128 : i32
      %mul3A_616 = arith.muli %add3A_341, %mul3A_615 : i32
      %dma_start3A = arith.constant 0 : i32
      %dma_start3A_617 = arith.constant 0 : i32
      %dma_start3A_618 = tpu.memref_slice %arg15[%dma_start3A, %dma_start3A_617] : memref<512x128xf32, #tpu.memory_space<vmem_shared>> -> memref<512x128xf32, #tpu.memory_space<vmem_shared>>
      tpu.enqueue_indirect_dma source(%arg8 : memref<128x128xf32, #tpu.memory_space<vmem>>) target(%dma_start3A_618 : memref<512x128xf32, #tpu.memory_space<vmem_shared>>) offsets(%arg10 : memref<128xi32, #tpu.memory_space<vmem>>) semaphore(%arg18 : memref<!tpu.dma_semaphore, #tpu.memory_space<semaphore_mem>>) {add = true}
      %get3A = arith.constant 0 : index
      %get3A_619 = tpu.vector_load %arg10[%get3A] {strides = array<i32>} : memref<128xi32, #tpu.memory_space<vmem>>, vector<16xi32>,
      %add3A_620 = arith.constant 1 : i32
      %add3A_621 = arith.addi %mul3A_616, %add3A_620 : i32
      %add3A_622 = vector.broadcast %add3A_621 : i32 to vector<16xi32>
      %add3A_623 = arith.addi %add3A_622, %iota3A : vector<16xi32>
      %convert_element_type3A_624 = arith.sitofp %add3A_623 : vector<16xi32> to vector<16xf32>
      tpu.vector_store_idx %arg14[%get3A_619], %convert_element_type3A_624 : memref<512xf32, #tpu.memory_space<vmem>>[vector<16xi32>], vector<16xf32>,
      %get3A_625 = arith.constant 16 : index
      %get3A_626 = tpu.vector_load %arg10[%get3A_625] {strides = array<i32>} : memref<128xi32, #tpu.memory_space<vmem>>, vector<16xi32>,
      %add3A_627 = arith.constant 17 : i32
      %add3A_628 = arith.addi %mul3A_616, %add3A_627 : i32
      %add3A_629 = vector.broadcast %add3A_628 : i32 to vector<16xi32>
      %add3A_630 = arith.addi %add3A_629, %iota3A : vector<16xi32>
      %convert_element_type3A_631 = arith.sitofp %add3A_630 : vector<16xi32> to vector<16xf32>
      tpu.vector_store_idx %arg14[%get3A_626], %convert_element_type3A_631 : memref<512xf32, #tpu.memory_space<vmem>>[vector<16xi32>], vector<16xf32>,
      %get3A_632 = arith.constant 32 : index
      %get3A_633 = tpu.vector_load %arg10[%get3A_632] {strides = array<i32>} : memref<128xi32, #tpu.memory_space<vmem>>, vector<16xi32>,
      %add3A_634 = arith.constant 33 : i32
      %add3A_635 = arith.addi %mul3A_616, %add3A_634 : i32
      %add3A_636 = vector.broadcast %add3A_635 : i32 to vector<16xi32>
      %add3A_637 = arith.addi %add3A_636, %iota3A : vector<16xi32>
      %convert_element_type3A_638 = arith.sitofp %add3A_637 : vector<16xi32> to vector<16xf32>
      tpu.vector_store_idx %arg14[%get3A_633], %convert_element_type3A_638 : memref<512xf32, #tpu.memory_space<vmem>>[vector<16xi32>], vector<16xf32>,
      %get3A_639 = arith.constant 48 : index
      %get3A_640 = tpu.vector_load %arg10[%get3A_639] {strides = array<i32>} : memref<128xi32, #tpu.memory_space<vmem>>, vector<16xi32>,
      %add3A_641 = arith.constant 49 : i32
      %add3A_642 = arith.addi %mul3A_616, %add3A_641 : i32
      %add3A_643 = vector.broadcast %add3A_642 : i32 to vector<16xi32>
      %add3A_644 = arith.addi %add3A_643, %iota3A : vector<16xi32>
      %convert_element_type3A_645 = arith.sitofp %add3A_644 : vector<16xi32> to vector<16xf32>
      tpu.vector_store_idx %arg14[%get3A_640], %convert_element_type3A_645 : memref<512xf32, #tpu.memory_space<vmem>>[vector<16xi32>], vector<16xf32>,
      %get3A_646 = arith.constant 64 : index
      %get3A_647 = tpu.vector_load %arg10[%get3A_646] {strides = array<i32>} : memref<128xi32, #tpu.memory_space<vmem>>, vector<16xi32>,
      %add3A_648 = arith.constant 65 : i32
      %add3A_649 = arith.addi %mul3A_616, %add3A_648 : i32
      %add3A_650 = vector.broadcast %add3A_649 : i32 to vector<16xi32>
      %add3A_651 = arith.addi %add3A_650, %iota3A : vector<16xi32>
      %convert_element_type3A_652 = arith.sitofp %add3A_651 : vector<16xi32> to vector<16xf32>
      tpu.vector_store_idx %arg14[%get3A_647], %convert_element_type3A_652 : memref<512xf32, #tpu.memory_space<vmem>>[vector<16xi32>], vector<16xf32>,
      %get3A_653 = arith.constant 80 : index
      %get3A_654 = tpu.vector_load %arg10[%get3A_653] {strides = array<i32>} : memref<128xi32, #tpu.memory_space<vmem>>, vector<16xi32>,
      %add3A_655 = arith.constant 81 : i32
      %add3A_656 = arith.addi %mul3A_616, %add3A_655 : i32
      %add3A_657 = vector.broadcast %add3A_656 : i32 to vector<16xi32>
      %add3A_658 = arith.addi %add3A_657, %iota3A : vector<16xi32>
      %convert_element_type3A_659 = arith.sitofp %add3A_658 : vector<16xi32> to vector<16xf32>
      tpu.vector_store_idx %arg14[%get3A_654], %convert_element_type3A_659 : memref<512xf32, #tpu.memory_space<vmem>>[vector<16xi32>], vector<16xf32>,
      %get3A_660 = arith.constant 96 : index
      %get3A_661 = tpu.vector_load %arg10[%get3A_660] {strides = array<i32>} : memref<128xi32, #tpu.memory_space<vmem>>, vector<16xi32>,
      %add3A_662 = arith.constant 97 : i32
      %add3A_663 = arith.addi %mul3A_616, %add3A_662 : i32
      %add3A_664 = vector.broadcast %add3A_663 : i32 to vector<16xi32>
      %add3A_665 = arith.addi %add3A_664, %iota3A : vector<16xi32>
      %convert_element_type3A_666 = arith.sitofp %add3A_665 : vector<16xi32> to vector<16xf32>
      tpu.vector_store_idx %arg14[%get3A_661], %convert_element_type3A_666 : memref<512xf32, #tpu.memory_space<vmem>>[vector<16xi32>], vector<16xf32>,
      %get3A_667 = arith.constant 112 : index
      %get3A_668 = tpu.vector_load %arg10[%get3A_667] {strides = array<i32>} : memref<128xi32, #tpu.memory_space<vmem>>, vector<16xi32>,
      %add3A_669 = arith.constant 113 : i32
      %add3A_670 = arith.addi %mul3A_616, %add3A_669 : i32
      %add3A_671 = vector.broadcast %add3A_670 : i32 to vector<16xi32>
      %add3A_672 = arith.addi %add3A_671, %iota3A : vector<16xi32>
      %convert_element_type3A_673 = arith.sitofp %add3A_672 : vector<16xi32> to vector<16xf32>
      tpu.vector_store_idx %arg14[%get3A_668], %convert_element_type3A_673 : memref<512xf32, #tpu.memory_space<vmem>>[vector<16xi32>], vector<16xf32>,
    } else {
    }
    %add3A_364 = arith.constant 480 : i32
    %add3A_365 = arith.addi %add3A_364, %add3A : i32
    %add3A_366 = arith.constant 448 : i32
    %add3A_367 = arith.addi %add3A_366, %add3A : i32
    %lt3A_368 = arith.constant 781 : i32
    %lt3A_369 = arith.cmpi slt, %add3A_367, %lt3A_368 : i32
    %convert_element_type3A_370 = arith.extui %lt3A_369 : i1 to i32
    %cond3A_371 = arith.constant 0 : i32
    %cond3A_372 = arith.cmpi ne, %convert_element_type3A_370, %cond3A_371 : i32
    scf.if %cond3A_372 {
      %dma_wait3A = arith.constant 0 : i32
      %dma_wait3A_610 = arith.constant 0 : i32
      %dma_wait3A_611 = tpu.memref_slice %arg15[%dma_wait3A, %dma_wait3A_610] : memref<512x128xf32, #tpu.memory_space<vmem_shared>> -> memref<512x128xf32, #tpu.memory_space<vmem_shared>>
      tpu.wait_indirect_dma semaphore(%arg18 : memref<!tpu.dma_semaphore, #tpu.memory_space<semaphore_mem>>) src(%arg8 : memref<128x128xf32, #tpu.memory_space<vmem>>) dst(%dma_wait3A_611 : memref<512x128xf32, #tpu.memory_space<vmem_shared>>)
    } else {
    }
    %add3A_373 = arith.constant 512 : i32
    %add3A_374 = arith.addi %add3A_373, %add3A : i32
    %mul3A_375 = arith.constant 128 : i32
    %mul3A_376 = arith.muli %add3A_374, %mul3A_375 : i32
    %multiple_of3A_377 = tpu.assume_multiple %mul3A_376, 128 : i32
    %lt3A_378 = arith.constant 781 : i32
    %lt3A_379 = arith.cmpi slt, %add3A_374, %lt3A_378 : i32
    %convert_element_type3A_380 = arith.extui %lt3A_379 : i1 to i32
    %cond3A_381 = arith.constant 0 : i32
    %cond3A_382 = arith.cmpi ne, %convert_element_type3A_380, %cond3A_381 : i32
    scf.if %cond3A_382 {
      %dma_start3A = arith.constant 0 : i32
      %dma_start3A_610 = tpu.memref_slice %arg2[%multiple_of3A_377, %dma_start3A] : memref<100000x128xf32, #tpu.memory_space<hbm>> -> memref<128x128xf32, #tpu.memory_space<hbm>>
      %dma_start3A_611 = arith.constant 0 : i32
      %dma_start3A_612 = tpu.memref_slice %arg2[%multiple_of3A_377, %dma_start3A_611] : memref<100000x128xf32, #tpu.memory_space<hbm>> -> memref<128x128xf32, #tpu.memory_space<hbm>>
      tpu.enqueue_dma source(%dma_start3A_612 : memref<128x128xf32, #tpu.memory_space<hbm>>) target(%arg8 : memref<128x128xf32, #tpu.memory_space<vmem>>) target_semaphore(%arg16 : memref<!tpu.dma_semaphore, #tpu.memory_space<semaphore_mem>>)
      %dma_start3A_613 = tpu.memref_slice %arg3[%multiple_of3A_377] : memref<100000xi32, #tpu.memory_space<hbm>> -> memref<128xi32, #tpu.memory_space<hbm>>
      %dma_start3A_614 = tpu.memref_slice %arg3[%multiple_of3A_377] : memref<100000xi32, #tpu.memory_space<hbm>> -> memref<128xi32, #tpu.memory_space<hbm>>
      tpu.enqueue_dma source(%dma_start3A_614 : memref<128xi32, #tpu.memory_space<hbm>>) target(%arg10 : memref<128xi32, #tpu.memory_space<vmem>>) target_semaphore(%arg20 : memref<!tpu.dma_semaphore, #tpu.memory_space<semaphore_mem>>)
    } else {
    }
    %lt3A_383 = arith.constant 781 : i32
    %lt3A_384 = arith.cmpi slt, %add3A_365, %lt3A_383 : i32
    %convert_element_type3A_385 = arith.extui %lt3A_384 : i1 to i32
    %cond3A_386 = arith.constant 0 : i32
    %cond3A_387 = arith.cmpi ne, %convert_element_type3A_385, %cond3A_386 : i32
    scf.if %cond3A_387 {
      %dma_wait3A = arith.constant 0 : i32
      %dma_wait3A_610 = tpu.memref_slice %arg2[%multiple_of3A_353, %dma_wait3A] : memref<100000x128xf32, #tpu.memory_space<hbm>> -> memref<128x128xf32, #tpu.memory_space<hbm>>
      %dma_wait3A_611 = arith.constant 0 : i32
      %dma_wait3A_612 = tpu.memref_slice %arg2[%multiple_of3A_353, %dma_wait3A_611] : memref<100000x128xf32, #tpu.memory_space<hbm>> -> memref<128x128xf32, #tpu.memory_space<hbm>>
      tpu.wait_dma2 semaphore(%arg17 : memref<!tpu.dma_semaphore, #tpu.memory_space<semaphore_mem>>) src(%dma_wait3A_612 : memref<128x128xf32, #tpu.memory_space<hbm>>) dst(%arg9 : memref<128x128xf32, #tpu.memory_space<vmem>>)
      %dma_wait3A_613 = tpu.memref_slice %arg3[%multiple_of3A_353] : memref<100000xi32, #tpu.memory_space<hbm>> -> memref<128xi32, #tpu.memory_space<hbm>>
      %dma_wait3A_614 = tpu.memref_slice %arg3[%multiple_of3A_353] : memref<100000xi32, #tpu.memory_space<hbm>> -> memref<128xi32, #tpu.memory_space<hbm>>
      tpu.wait_dma2 semaphore(%arg21 : memref<!tpu.dma_semaphore, #tpu.memory_space<semaphore_mem>>) src(%dma_wait3A_614 : memref<128xi32, #tpu.memory_space<hbm>>) dst(%arg11 : memref<128xi32, #tpu.memory_space<vmem>>)
      %mul3A_615 = arith.constant 128 : i32
      %mul3A_616 = arith.muli %add3A_365, %mul3A_615 : i32
      %dma_start3A = arith.constant 0 : i32
      %dma_start3A_617 = arith.constant 0 : i32
      %dma_start3A_618 = tpu.memref_slice %arg15[%dma_start3A, %dma_start3A_617] : memref<512x128xf32, #tpu.memory_space<vmem_shared>> -> memref<512x128xf32, #tpu.memory_space<vmem_shared>>
      tpu.enqueue_indirect_dma source(%arg9 : memref<128x128xf32, #tpu.memory_space<vmem>>) target(%dma_start3A_618 : memref<512x128xf32, #tpu.memory_space<vmem_shared>>) offsets(%arg11 : memref<128xi32, #tpu.memory_space<vmem>>) semaphore(%arg19 : memref<!tpu.dma_semaphore, #tpu.memory_space<semaphore_mem>>) {add = true}
      %get3A = arith.constant 0 : index
      %get3A_619 = tpu.vector_load %arg11[%get3A] {strides = array<i32>} : memref<128xi32, #tpu.memory_space<vmem>>, vector<16xi32>,
      %add3A_620 = arith.constant 1 : i32
      %add3A_621 = arith.addi %mul3A_616, %add3A_620 : i32
      %add3A_622 = vector.broadcast %add3A_621 : i32 to vector<16xi32>
      %add3A_623 = arith.addi %add3A_622, %iota3A : vector<16xi32>
      %convert_element_type3A_624 = arith.sitofp %add3A_623 : vector<16xi32> to vector<16xf32>
      tpu.vector_store_idx %arg14[%get3A_619], %convert_element_type3A_624 : memref<512xf32, #tpu.memory_space<vmem>>[vector<16xi32>], vector<16xf32>,
      %get3A_625 = arith.constant 16 : index
      %get3A_626 = tpu.vector_load %arg11[%get3A_625] {strides = array<i32>} : memref<128xi32, #tpu.memory_space<vmem>>, vector<16xi32>,
      %add3A_627 = arith.constant 17 : i32
      %add3A_628 = arith.addi %mul3A_616, %add3A_627 : i32
      %add3A_629 = vector.broadcast %add3A_628 : i32 to vector<16xi32>
      %add3A_630 = arith.addi %add3A_629, %iota3A : vector<16xi32>
      %convert_element_type3A_631 = arith.sitofp %add3A_630 : vector<16xi32> to vector<16xf32>
      tpu.vector_store_idx %arg14[%get3A_626], %convert_element_type3A_631 : memref<512xf32, #tpu.memory_space<vmem>>[vector<16xi32>], vector<16xf32>,
      %get3A_632 = arith.constant 32 : index
      %get3A_633 = tpu.vector_load %arg11[%get3A_632] {strides = array<i32>} : memref<128xi32, #tpu.memory_space<vmem>>, vector<16xi32>,
      %add3A_634 = arith.constant 33 : i32
      %add3A_635 = arith.addi %mul3A_616, %add3A_634 : i32
      %add3A_636 = vector.broadcast %add3A_635 : i32 to vector<16xi32>
      %add3A_637 = arith.addi %add3A_636, %iota3A : vector<16xi32>
      %convert_element_type3A_638 = arith.sitofp %add3A_637 : vector<16xi32> to vector<16xf32>
      tpu.vector_store_idx %arg14[%get3A_633], %convert_element_type3A_638 : memref<512xf32, #tpu.memory_space<vmem>>[vector<16xi32>], vector<16xf32>,
      %get3A_639 = arith.constant 48 : index
      %get3A_640 = tpu.vector_load %arg11[%get3A_639] {strides = array<i32>} : memref<128xi32, #tpu.memory_space<vmem>>, vector<16xi32>,
      %add3A_641 = arith.constant 49 : i32
      %add3A_642 = arith.addi %mul3A_616, %add3A_641 : i32
      %add3A_643 = vector.broadcast %add3A_642 : i32 to vector<16xi32>
      %add3A_644 = arith.addi %add3A_643, %iota3A : vector<16xi32>
      %convert_element_type3A_645 = arith.sitofp %add3A_644 : vector<16xi32> to vector<16xf32>
      tpu.vector_store_idx %arg14[%get3A_640], %convert_element_type3A_645 : memref<512xf32, #tpu.memory_space<vmem>>[vector<16xi32>], vector<16xf32>,
      %get3A_646 = arith.constant 64 : index
      %get3A_647 = tpu.vector_load %arg11[%get3A_646] {strides = array<i32>} : memref<128xi32, #tpu.memory_space<vmem>>, vector<16xi32>,
      %add3A_648 = arith.constant 65 : i32
      %add3A_649 = arith.addi %mul3A_616, %add3A_648 : i32
      %add3A_650 = vector.broadcast %add3A_649 : i32 to vector<16xi32>
      %add3A_651 = arith.addi %add3A_650, %iota3A : vector<16xi32>
      %convert_element_type3A_652 = arith.sitofp %add3A_651 : vector<16xi32> to vector<16xf32>
      tpu.vector_store_idx %arg14[%get3A_647], %convert_element_type3A_652 : memref<512xf32, #tpu.memory_space<vmem>>[vector<16xi32>], vector<16xf32>,
      %get3A_653 = arith.constant 80 : index
      %get3A_654 = tpu.vector_load %arg11[%get3A_653] {strides = array<i32>} : memref<128xi32, #tpu.memory_space<vmem>>, vector<16xi32>,
      %add3A_655 = arith.constant 81 : i32
      %add3A_656 = arith.addi %mul3A_616, %add3A_655 : i32
      %add3A_657 = vector.broadcast %add3A_656 : i32 to vector<16xi32>
      %add3A_658 = arith.addi %add3A_657, %iota3A : vector<16xi32>
      %convert_element_type3A_659 = arith.sitofp %add3A_658 : vector<16xi32> to vector<16xf32>
      tpu.vector_store_idx %arg14[%get3A_654], %convert_element_type3A_659 : memref<512xf32, #tpu.memory_space<vmem>>[vector<16xi32>], vector<16xf32>,
      %get3A_660 = arith.constant 96 : index
      %get3A_661 = tpu.vector_load %arg11[%get3A_660] {strides = array<i32>} : memref<128xi32, #tpu.memory_space<vmem>>, vector<16xi32>,
      %add3A_662 = arith.constant 97 : i32
      %add3A_663 = arith.addi %mul3A_616, %add3A_662 : i32
      %add3A_664 = vector.broadcast %add3A_663 : i32 to vector<16xi32>
      %add3A_665 = arith.addi %add3A_664, %iota3A : vector<16xi32>
      %convert_element_type3A_666 = arith.sitofp %add3A_665 : vector<16xi32> to vector<16xf32>
      tpu.vector_store_idx %arg14[%get3A_661], %convert_element_type3A_666 : memref<512xf32, #tpu.memory_space<vmem>>[vector<16xi32>], vector<16xf32>,
      %get3A_667 = arith.constant 112 : index
      %get3A_668 = tpu.vector_load %arg11[%get3A_667] {strides = array<i32>} : memref<128xi32, #tpu.memory_space<vmem>>, vector<16xi32>,
      %add3A_669 = arith.constant 113 : i32
      %add3A_670 = arith.addi %mul3A_616, %add3A_669 : i32
      %add3A_671 = vector.broadcast %add3A_670 : i32 to vector<16xi32>
      %add3A_672 = arith.addi %add3A_671, %iota3A : vector<16xi32>
      %convert_element_type3A_673 = arith.sitofp %add3A_672 : vector<16xi32> to vector<16xf32>
      tpu.vector_store_idx %arg14[%get3A_668], %convert_element_type3A_673 : memref<512xf32, #tpu.memory_space<vmem>>[vector<16xi32>], vector<16xf32>,
    } else {
    }
    %add3A_388 = arith.constant 512 : i32
    %add3A_389 = arith.addi %add3A_388, %add3A : i32
    %add3A_390 = arith.constant 480 : i32
    %add3A_391 = arith.addi %add3A_390, %add3A : i32
    %lt3A_392 = arith.constant 781 : i32
    %lt3A_393 = arith.cmpi slt, %add3A_391, %lt3A_392 : i32
    %convert_element_type3A_394 = arith.extui %lt3A_393 : i1 to i32
    %cond3A_395 = arith.constant 0 : i32
    %cond3A_396 = arith.cmpi ne, %convert_element_type3A_394, %cond3A_395 : i32
    scf.if %cond3A_396 {
      %dma_wait3A = arith.constant 0 : i32
      %dma_wait3A_610 = arith.constant 0 : i32
      %dma_wait3A_611 = tpu.memref_slice %arg15[%dma_wait3A, %dma_wait3A_610] : memref<512x128xf32, #tpu.memory_space<vmem_shared>> -> memref<512x128xf32, #tpu.memory_space<vmem_shared>>
      tpu.wait_indirect_dma semaphore(%arg19 : memref<!tpu.dma_semaphore, #tpu.memory_space<semaphore_mem>>) src(%arg9 : memref<128x128xf32, #tpu.memory_space<vmem>>) dst(%dma_wait3A_611 : memref<512x128xf32, #tpu.memory_space<vmem_shared>>)
    } else {
    }
    %add3A_397 = arith.constant 544 : i32
    %add3A_398 = arith.addi %add3A_397, %add3A : i32
    %mul3A_399 = arith.constant 128 : i32
    %mul3A_400 = arith.muli %add3A_398, %mul3A_399 : i32
    %multiple_of3A_401 = tpu.assume_multiple %mul3A_400, 128 : i32
    %lt3A_402 = arith.constant 781 : i32
    %lt3A_403 = arith.cmpi slt, %add3A_398, %lt3A_402 : i32
    %convert_element_type3A_404 = arith.extui %lt3A_403 : i1 to i32
    %cond3A_405 = arith.constant 0 : i32
    %cond3A_406 = arith.cmpi ne, %convert_element_type3A_404, %cond3A_405 : i32
    scf.if %cond3A_406 {
      %dma_start3A = arith.constant 0 : i32
      %dma_start3A_610 = tpu.memref_slice %arg2[%multiple_of3A_401, %dma_start3A] : memref<100000x128xf32, #tpu.memory_space<hbm>> -> memref<128x128xf32, #tpu.memory_space<hbm>>
      %dma_start3A_611 = arith.constant 0 : i32
      %dma_start3A_612 = tpu.memref_slice %arg2[%multiple_of3A_401, %dma_start3A_611] : memref<100000x128xf32, #tpu.memory_space<hbm>> -> memref<128x128xf32, #tpu.memory_space<hbm>>
      tpu.enqueue_dma source(%dma_start3A_612 : memref<128x128xf32, #tpu.memory_space<hbm>>) target(%arg9 : memref<128x128xf32, #tpu.memory_space<vmem>>) target_semaphore(%arg17 : memref<!tpu.dma_semaphore, #tpu.memory_space<semaphore_mem>>)
      %dma_start3A_613 = tpu.memref_slice %arg3[%multiple_of3A_401] : memref<100000xi32, #tpu.memory_space<hbm>> -> memref<128xi32, #tpu.memory_space<hbm>>
      %dma_start3A_614 = tpu.memref_slice %arg3[%multiple_of3A_401] : memref<100000xi32, #tpu.memory_space<hbm>> -> memref<128xi32, #tpu.memory_space<hbm>>
      tpu.enqueue_dma source(%dma_start3A_614 : memref<128xi32, #tpu.memory_space<hbm>>) target(%arg11 : memref<128xi32, #tpu.memory_space<vmem>>) target_semaphore(%arg21 : memref<!tpu.dma_semaphore, #tpu.memory_space<semaphore_mem>>)
    } else {
    }
    %lt3A_407 = arith.constant 781 : i32
    %lt3A_408 = arith.cmpi slt, %add3A_389, %lt3A_407 : i32
    %convert_element_type3A_409 = arith.extui %lt3A_408 : i1 to i32
    %cond3A_410 = arith.constant 0 : i32
    %cond3A_411 = arith.cmpi ne, %convert_element_type3A_409, %cond3A_410 : i32
    scf.if %cond3A_411 {
      %dma_wait3A = arith.constant 0 : i32
      %dma_wait3A_610 = tpu.memref_slice %arg2[%multiple_of3A_377, %dma_wait3A] : memref<100000x128xf32, #tpu.memory_space<hbm>> -> memref<128x128xf32, #tpu.memory_space<hbm>>
      %dma_wait3A_611 = arith.constant 0 : i32
      %dma_wait3A_612 = tpu.memref_slice %arg2[%multiple_of3A_377, %dma_wait3A_611] : memref<100000x128xf32, #tpu.memory_space<hbm>> -> memref<128x128xf32, #tpu.memory_space<hbm>>
      tpu.wait_dma2 semaphore(%arg16 : memref<!tpu.dma_semaphore, #tpu.memory_space<semaphore_mem>>) src(%dma_wait3A_612 : memref<128x128xf32, #tpu.memory_space<hbm>>) dst(%arg8 : memref<128x128xf32, #tpu.memory_space<vmem>>)
      %dma_wait3A_613 = tpu.memref_slice %arg3[%multiple_of3A_377] : memref<100000xi32, #tpu.memory_space<hbm>> -> memref<128xi32, #tpu.memory_space<hbm>>
      %dma_wait3A_614 = tpu.memref_slice %arg3[%multiple_of3A_377] : memref<100000xi32, #tpu.memory_space<hbm>> -> memref<128xi32, #tpu.memory_space<hbm>>
      tpu.wait_dma2 semaphore(%arg20 : memref<!tpu.dma_semaphore, #tpu.memory_space<semaphore_mem>>) src(%dma_wait3A_614 : memref<128xi32, #tpu.memory_space<hbm>>) dst(%arg10 : memref<128xi32, #tpu.memory_space<vmem>>)
      %mul3A_615 = arith.constant 128 : i32
      %mul3A_616 = arith.muli %add3A_389, %mul3A_615 : i32
      %dma_start3A = arith.constant 0 : i32
      %dma_start3A_617 = arith.constant 0 : i32
      %dma_start3A_618 = tpu.memref_slice %arg15[%dma_start3A, %dma_start3A_617] : memref<512x128xf32, #tpu.memory_space<vmem_shared>> -> memref<512x128xf32, #tpu.memory_space<vmem_shared>>
      tpu.enqueue_indirect_dma source(%arg8 : memref<128x128xf32, #tpu.memory_space<vmem>>) target(%dma_start3A_618 : memref<512x128xf32, #tpu.memory_space<vmem_shared>>) offsets(%arg10 : memref<128xi32, #tpu.memory_space<vmem>>) semaphore(%arg18 : memref<!tpu.dma_semaphore, #tpu.memory_space<semaphore_mem>>) {add = true}
      %get3A = arith.constant 0 : index
      %get3A_619 = tpu.vector_load %arg10[%get3A] {strides = array<i32>} : memref<128xi32, #tpu.memory_space<vmem>>, vector<16xi32>,
      %add3A_620 = arith.constant 1 : i32
      %add3A_621 = arith.addi %mul3A_616, %add3A_620 : i32
      %add3A_622 = vector.broadcast %add3A_621 : i32 to vector<16xi32>
      %add3A_623 = arith.addi %add3A_622, %iota3A : vector<16xi32>
      %convert_element_type3A_624 = arith.sitofp %add3A_623 : vector<16xi32> to vector<16xf32>
      tpu.vector_store_idx %arg14[%get3A_619], %convert_element_type3A_624 : memref<512xf32, #tpu.memory_space<vmem>>[vector<16xi32>], vector<16xf32>,
      %get3A_625 = arith.constant 16 : index
      %get3A_626 = tpu.vector_load %arg10[%get3A_625] {strides = array<i32>} : memref<128xi32, #tpu.memory_space<vmem>>, vector<16xi32>,
      %add3A_627 = arith.constant 17 : i32
      %add3A_628 = arith.addi %mul3A_616, %add3A_627 : i32
      %add3A_629 = vector.broadcast %add3A_628 : i32 to vector<16xi32>
      %add3A_630 = arith.addi %add3A_629, %iota3A : vector<16xi32>
      %convert_element_type3A_631 = arith.sitofp %add3A_630 : vector<16xi32> to vector<16xf32>
      tpu.vector_store_idx %arg14[%get3A_626], %convert_element_type3A_631 : memref<512xf32, #tpu.memory_space<vmem>>[vector<16xi32>], vector<16xf32>,
      %get3A_632 = arith.constant 32 : index
      %get3A_633 = tpu.vector_load %arg10[%get3A_632] {strides = array<i32>} : memref<128xi32, #tpu.memory_space<vmem>>, vector<16xi32>,
      %add3A_634 = arith.constant 33 : i32
      %add3A_635 = arith.addi %mul3A_616, %add3A_634 : i32
      %add3A_636 = vector.broadcast %add3A_635 : i32 to vector<16xi32>
      %add3A_637 = arith.addi %add3A_636, %iota3A : vector<16xi32>
      %convert_element_type3A_638 = arith.sitofp %add3A_637 : vector<16xi32> to vector<16xf32>
      tpu.vector_store_idx %arg14[%get3A_633], %convert_element_type3A_638 : memref<512xf32, #tpu.memory_space<vmem>>[vector<16xi32>], vector<16xf32>,
      %get3A_639 = arith.constant 48 : index
      %get3A_640 = tpu.vector_load %arg10[%get3A_639] {strides = array<i32>} : memref<128xi32, #tpu.memory_space<vmem>>, vector<16xi32>,
      %add3A_641 = arith.constant 49 : i32
      %add3A_642 = arith.addi %mul3A_616, %add3A_641 : i32
      %add3A_643 = vector.broadcast %add3A_642 : i32 to vector<16xi32>
      %add3A_644 = arith.addi %add3A_643, %iota3A : vector<16xi32>
      %convert_element_type3A_645 = arith.sitofp %add3A_644 : vector<16xi32> to vector<16xf32>
      tpu.vector_store_idx %arg14[%get3A_640], %convert_element_type3A_645 : memref<512xf32, #tpu.memory_space<vmem>>[vector<16xi32>], vector<16xf32>,
      %get3A_646 = arith.constant 64 : index
      %get3A_647 = tpu.vector_load %arg10[%get3A_646] {strides = array<i32>} : memref<128xi32, #tpu.memory_space<vmem>>, vector<16xi32>,
      %add3A_648 = arith.constant 65 : i32
      %add3A_649 = arith.addi %mul3A_616, %add3A_648 : i32
      %add3A_650 = vector.broadcast %add3A_649 : i32 to vector<16xi32>
      %add3A_651 = arith.addi %add3A_650, %iota3A : vector<16xi32>
      %convert_element_type3A_652 = arith.sitofp %add3A_651 : vector<16xi32> to vector<16xf32>
      tpu.vector_store_idx %arg14[%get3A_647], %convert_element_type3A_652 : memref<512xf32, #tpu.memory_space<vmem>>[vector<16xi32>], vector<16xf32>,
      %get3A_653 = arith.constant 80 : index
      %get3A_654 = tpu.vector_load %arg10[%get3A_653] {strides = array<i32>} : memref<128xi32, #tpu.memory_space<vmem>>, vector<16xi32>,
      %add3A_655 = arith.constant 81 : i32
      %add3A_656 = arith.addi %mul3A_616, %add3A_655 : i32
      %add3A_657 = vector.broadcast %add3A_656 : i32 to vector<16xi32>
      %add3A_658 = arith.addi %add3A_657, %iota3A : vector<16xi32>
      %convert_element_type3A_659 = arith.sitofp %add3A_658 : vector<16xi32> to vector<16xf32>
      tpu.vector_store_idx %arg14[%get3A_654], %convert_element_type3A_659 : memref<512xf32, #tpu.memory_space<vmem>>[vector<16xi32>], vector<16xf32>,
      %get3A_660 = arith.constant 96 : index
      %get3A_661 = tpu.vector_load %arg10[%get3A_660] {strides = array<i32>} : memref<128xi32, #tpu.memory_space<vmem>>, vector<16xi32>,
      %add3A_662 = arith.constant 97 : i32
      %add3A_663 = arith.addi %mul3A_616, %add3A_662 : i32
      %add3A_664 = vector.broadcast %add3A_663 : i32 to vector<16xi32>
      %add3A_665 = arith.addi %add3A_664, %iota3A : vector<16xi32>
      %convert_element_type3A_666 = arith.sitofp %add3A_665 : vector<16xi32> to vector<16xf32>
      tpu.vector_store_idx %arg14[%get3A_661], %convert_element_type3A_666 : memref<512xf32, #tpu.memory_space<vmem>>[vector<16xi32>], vector<16xf32>,
      %get3A_667 = arith.constant 112 : index
      %get3A_668 = tpu.vector_load %arg10[%get3A_667] {strides = array<i32>} : memref<128xi32, #tpu.memory_space<vmem>>, vector<16xi32>,
      %add3A_669 = arith.constant 113 : i32
      %add3A_670 = arith.addi %mul3A_616, %add3A_669 : i32
      %add3A_671 = vector.broadcast %add3A_670 : i32 to vector<16xi32>
      %add3A_672 = arith.addi %add3A_671, %iota3A : vector<16xi32>
      %convert_element_type3A_673 = arith.sitofp %add3A_672 : vector<16xi32> to vector<16xf32>
      tpu.vector_store_idx %arg14[%get3A_668], %convert_element_type3A_673 : memref<512xf32, #tpu.memory_space<vmem>>[vector<16xi32>], vector<16xf32>,
    } else {
    }
    %add3A_412 = arith.constant 544 : i32
    %add3A_413 = arith.addi %add3A_412, %add3A : i32
    %add3A_414 = arith.constant 512 : i32
    %add3A_415 = arith.addi %add3A_414, %add3A : i32
    %lt3A_416 = arith.constant 781 : i32
    %lt3A_417 = arith.cmpi slt, %add3A_415, %lt3A_416 : i32
    %convert_element_type3A_418 = arith.extui %lt3A_417 : i1 to i32
    %cond3A_419 = arith.constant 0 : i32
    %cond3A_420 = arith.cmpi ne, %convert_element_type3A_418, %cond3A_419 : i32
    scf.if %cond3A_420 {
      %dma_wait3A = arith.constant 0 : i32
      %dma_wait3A_610 = arith.constant 0 : i32
      %dma_wait3A_611 = tpu.memref_slice %arg15[%dma_wait3A, %dma_wait3A_610] : memref<512x128xf32, #tpu.memory_space<vmem_shared>> -> memref<512x128xf32, #tpu.memory_space<vmem_shared>>
      tpu.wait_indirect_dma semaphore(%arg18 : memref<!tpu.dma_semaphore, #tpu.memory_space<semaphore_mem>>) src(%arg8 : memref<128x128xf32, #tpu.memory_space<vmem>>) dst(%dma_wait3A_611 : memref<512x128xf32, #tpu.memory_space<vmem_shared>>)
    } else {
    }
    %add3A_421 = arith.constant 576 : i32
    %add3A_422 = arith.addi %add3A_421, %add3A : i32
    %mul3A_423 = arith.constant 128 : i32
    %mul3A_424 = arith.muli %add3A_422, %mul3A_423 : i32
    %multiple_of3A_425 = tpu.assume_multiple %mul3A_424, 128 : i32
    %lt3A_426 = arith.constant 781 : i32
    %lt3A_427 = arith.cmpi slt, %add3A_422, %lt3A_426 : i32
    %convert_element_type3A_428 = arith.extui %lt3A_427 : i1 to i32
    %cond3A_429 = arith.constant 0 : i32
    %cond3A_430 = arith.cmpi ne, %convert_element_type3A_428, %cond3A_429 : i32
    scf.if %cond3A_430 {
      %dma_start3A = arith.constant 0 : i32
      %dma_start3A_610 = tpu.memref_slice %arg2[%multiple_of3A_425, %dma_start3A] : memref<100000x128xf32, #tpu.memory_space<hbm>> -> memref<128x128xf32, #tpu.memory_space<hbm>>
      %dma_start3A_611 = arith.constant 0 : i32
      %dma_start3A_612 = tpu.memref_slice %arg2[%multiple_of3A_425, %dma_start3A_611] : memref<100000x128xf32, #tpu.memory_space<hbm>> -> memref<128x128xf32, #tpu.memory_space<hbm>>
      tpu.enqueue_dma source(%dma_start3A_612 : memref<128x128xf32, #tpu.memory_space<hbm>>) target(%arg8 : memref<128x128xf32, #tpu.memory_space<vmem>>) target_semaphore(%arg16 : memref<!tpu.dma_semaphore, #tpu.memory_space<semaphore_mem>>)
      %dma_start3A_613 = tpu.memref_slice %arg3[%multiple_of3A_425] : memref<100000xi32, #tpu.memory_space<hbm>> -> memref<128xi32, #tpu.memory_space<hbm>>
      %dma_start3A_614 = tpu.memref_slice %arg3[%multiple_of3A_425] : memref<100000xi32, #tpu.memory_space<hbm>> -> memref<128xi32, #tpu.memory_space<hbm>>
      tpu.enqueue_dma source(%dma_start3A_614 : memref<128xi32, #tpu.memory_space<hbm>>) target(%arg10 : memref<128xi32, #tpu.memory_space<vmem>>) target_semaphore(%arg20 : memref<!tpu.dma_semaphore, #tpu.memory_space<semaphore_mem>>)
    } else {
    }
    %lt3A_431 = arith.constant 781 : i32
    %lt3A_432 = arith.cmpi slt, %add3A_413, %lt3A_431 : i32
    %convert_element_type3A_433 = arith.extui %lt3A_432 : i1 to i32
    %cond3A_434 = arith.constant 0 : i32
    %cond3A_435 = arith.cmpi ne, %convert_element_type3A_433, %cond3A_434 : i32
    scf.if %cond3A_435 {
      %dma_wait3A = arith.constant 0 : i32
      %dma_wait3A_610 = tpu.memref_slice %arg2[%multiple_of3A_401, %dma_wait3A] : memref<100000x128xf32, #tpu.memory_space<hbm>> -> memref<128x128xf32, #tpu.memory_space<hbm>>
      %dma_wait3A_611 = arith.constant 0 : i32
      %dma_wait3A_612 = tpu.memref_slice %arg2[%multiple_of3A_401, %dma_wait3A_611] : memref<100000x128xf32, #tpu.memory_space<hbm>> -> memref<128x128xf32, #tpu.memory_space<hbm>>
      tpu.wait_dma2 semaphore(%arg17 : memref<!tpu.dma_semaphore, #tpu.memory_space<semaphore_mem>>) src(%dma_wait3A_612 : memref<128x128xf32, #tpu.memory_space<hbm>>) dst(%arg9 : memref<128x128xf32, #tpu.memory_space<vmem>>)
      %dma_wait3A_613 = tpu.memref_slice %arg3[%multiple_of3A_401] : memref<100000xi32, #tpu.memory_space<hbm>> -> memref<128xi32, #tpu.memory_space<hbm>>
      %dma_wait3A_614 = tpu.memref_slice %arg3[%multiple_of3A_401] : memref<100000xi32, #tpu.memory_space<hbm>> -> memref<128xi32, #tpu.memory_space<hbm>>
      tpu.wait_dma2 semaphore(%arg21 : memref<!tpu.dma_semaphore, #tpu.memory_space<semaphore_mem>>) src(%dma_wait3A_614 : memref<128xi32, #tpu.memory_space<hbm>>) dst(%arg11 : memref<128xi32, #tpu.memory_space<vmem>>)
      %mul3A_615 = arith.constant 128 : i32
      %mul3A_616 = arith.muli %add3A_413, %mul3A_615 : i32
      %dma_start3A = arith.constant 0 : i32
      %dma_start3A_617 = arith.constant 0 : i32
      %dma_start3A_618 = tpu.memref_slice %arg15[%dma_start3A, %dma_start3A_617] : memref<512x128xf32, #tpu.memory_space<vmem_shared>> -> memref<512x128xf32, #tpu.memory_space<vmem_shared>>
      tpu.enqueue_indirect_dma source(%arg9 : memref<128x128xf32, #tpu.memory_space<vmem>>) target(%dma_start3A_618 : memref<512x128xf32, #tpu.memory_space<vmem_shared>>) offsets(%arg11 : memref<128xi32, #tpu.memory_space<vmem>>) semaphore(%arg19 : memref<!tpu.dma_semaphore, #tpu.memory_space<semaphore_mem>>) {add = true}
      %get3A = arith.constant 0 : index
      %get3A_619 = tpu.vector_load %arg11[%get3A] {strides = array<i32>} : memref<128xi32, #tpu.memory_space<vmem>>, vector<16xi32>,
      %add3A_620 = arith.constant 1 : i32
      %add3A_621 = arith.addi %mul3A_616, %add3A_620 : i32
      %add3A_622 = vector.broadcast %add3A_621 : i32 to vector<16xi32>
      %add3A_623 = arith.addi %add3A_622, %iota3A : vector<16xi32>
      %convert_element_type3A_624 = arith.sitofp %add3A_623 : vector<16xi32> to vector<16xf32>
      tpu.vector_store_idx %arg14[%get3A_619], %convert_element_type3A_624 : memref<512xf32, #tpu.memory_space<vmem>>[vector<16xi32>], vector<16xf32>,
      %get3A_625 = arith.constant 16 : index
      %get3A_626 = tpu.vector_load %arg11[%get3A_625] {strides = array<i32>} : memref<128xi32, #tpu.memory_space<vmem>>, vector<16xi32>,
      %add3A_627 = arith.constant 17 : i32
      %add3A_628 = arith.addi %mul3A_616, %add3A_627 : i32
      %add3A_629 = vector.broadcast %add3A_628 : i32 to vector<16xi32>
      %add3A_630 = arith.addi %add3A_629, %iota3A : vector<16xi32>
      %convert_element_type3A_631 = arith.sitofp %add3A_630 : vector<16xi32> to vector<16xf32>
      tpu.vector_store_idx %arg14[%get3A_626], %convert_element_type3A_631 : memref<512xf32, #tpu.memory_space<vmem>>[vector<16xi32>], vector<16xf32>,
      %get3A_632 = arith.constant 32 : index
      %get3A_633 = tpu.vector_load %arg11[%get3A_632] {strides = array<i32>} : memref<128xi32, #tpu.memory_space<vmem>>, vector<16xi32>,
      %add3A_634 = arith.constant 33 : i32
      %add3A_635 = arith.addi %mul3A_616, %add3A_634 : i32
      %add3A_636 = vector.broadcast %add3A_635 : i32 to vector<16xi32>
      %add3A_637 = arith.addi %add3A_636, %iota3A : vector<16xi32>
      %convert_element_type3A_638 = arith.sitofp %add3A_637 : vector<16xi32> to vector<16xf32>
      tpu.vector_store_idx %arg14[%get3A_633], %convert_element_type3A_638 : memref<512xf32, #tpu.memory_space<vmem>>[vector<16xi32>], vector<16xf32>,
      %get3A_639 = arith.constant 48 : index
      %get3A_640 = tpu.vector_load %arg11[%get3A_639] {strides = array<i32>} : memref<128xi32, #tpu.memory_space<vmem>>, vector<16xi32>,
      %add3A_641 = arith.constant 49 : i32
      %add3A_642 = arith.addi %mul3A_616, %add3A_641 : i32
      %add3A_643 = vector.broadcast %add3A_642 : i32 to vector<16xi32>
      %add3A_644 = arith.addi %add3A_643, %iota3A : vector<16xi32>
      %convert_element_type3A_645 = arith.sitofp %add3A_644 : vector<16xi32> to vector<16xf32>
      tpu.vector_store_idx %arg14[%get3A_640], %convert_element_type3A_645 : memref<512xf32, #tpu.memory_space<vmem>>[vector<16xi32>], vector<16xf32>,
      %get3A_646 = arith.constant 64 : index
      %get3A_647 = tpu.vector_load %arg11[%get3A_646] {strides = array<i32>} : memref<128xi32, #tpu.memory_space<vmem>>, vector<16xi32>,
      %add3A_648 = arith.constant 65 : i32
      %add3A_649 = arith.addi %mul3A_616, %add3A_648 : i32
      %add3A_650 = vector.broadcast %add3A_649 : i32 to vector<16xi32>
      %add3A_651 = arith.addi %add3A_650, %iota3A : vector<16xi32>
      %convert_element_type3A_652 = arith.sitofp %add3A_651 : vector<16xi32> to vector<16xf32>
      tpu.vector_store_idx %arg14[%get3A_647], %convert_element_type3A_652 : memref<512xf32, #tpu.memory_space<vmem>>[vector<16xi32>], vector<16xf32>,
      %get3A_653 = arith.constant 80 : index
      %get3A_654 = tpu.vector_load %arg11[%get3A_653] {strides = array<i32>} : memref<128xi32, #tpu.memory_space<vmem>>, vector<16xi32>,
      %add3A_655 = arith.constant 81 : i32
      %add3A_656 = arith.addi %mul3A_616, %add3A_655 : i32
      %add3A_657 = vector.broadcast %add3A_656 : i32 to vector<16xi32>
      %add3A_658 = arith.addi %add3A_657, %iota3A : vector<16xi32>
      %convert_element_type3A_659 = arith.sitofp %add3A_658 : vector<16xi32> to vector<16xf32>
      tpu.vector_store_idx %arg14[%get3A_654], %convert_element_type3A_659 : memref<512xf32, #tpu.memory_space<vmem>>[vector<16xi32>], vector<16xf32>,
      %get3A_660 = arith.constant 96 : index
      %get3A_661 = tpu.vector_load %arg11[%get3A_660] {strides = array<i32>} : memref<128xi32, #tpu.memory_space<vmem>>, vector<16xi32>,
      %add3A_662 = arith.constant 97 : i32
      %add3A_663 = arith.addi %mul3A_616, %add3A_662 : i32
      %add3A_664 = vector.broadcast %add3A_663 : i32 to vector<16xi32>
      %add3A_665 = arith.addi %add3A_664, %iota3A : vector<16xi32>
      %convert_element_type3A_666 = arith.sitofp %add3A_665 : vector<16xi32> to vector<16xf32>
      tpu.vector_store_idx %arg14[%get3A_661], %convert_element_type3A_666 : memref<512xf32, #tpu.memory_space<vmem>>[vector<16xi32>], vector<16xf32>,
      %get3A_667 = arith.constant 112 : index
      %get3A_668 = tpu.vector_load %arg11[%get3A_667] {strides = array<i32>} : memref<128xi32, #tpu.memory_space<vmem>>, vector<16xi32>,
      %add3A_669 = arith.constant 113 : i32
      %add3A_670 = arith.addi %mul3A_616, %add3A_669 : i32
      %add3A_671 = vector.broadcast %add3A_670 : i32 to vector<16xi32>
      %add3A_672 = arith.addi %add3A_671, %iota3A : vector<16xi32>
      %convert_element_type3A_673 = arith.sitofp %add3A_672 : vector<16xi32> to vector<16xf32>
      tpu.vector_store_idx %arg14[%get3A_668], %convert_element_type3A_673 : memref<512xf32, #tpu.memory_space<vmem>>[vector<16xi32>], vector<16xf32>,
    } else {
    }
    %add3A_436 = arith.constant 576 : i32
    %add3A_437 = arith.addi %add3A_436, %add3A : i32
    %add3A_438 = arith.constant 544 : i32
    %add3A_439 = arith.addi %add3A_438, %add3A : i32
    %lt3A_440 = arith.constant 781 : i32
    %lt3A_441 = arith.cmpi slt, %add3A_439, %lt3A_440 : i32
    %convert_element_type3A_442 = arith.extui %lt3A_441 : i1 to i32
    %cond3A_443 = arith.constant 0 : i32
    %cond3A_444 = arith.cmpi ne, %convert_element_type3A_442, %cond3A_443 : i32
    scf.if %cond3A_444 {
      %dma_wait3A = arith.constant 0 : i32
      %dma_wait3A_610 = arith.constant 0 : i32
      %dma_wait3A_611 = tpu.memref_slice %arg15[%dma_wait3A, %dma_wait3A_610] : memref<512x128xf32, #tpu.memory_space<vmem_shared>> -> memref<512x128xf32, #tpu.memory_space<vmem_shared>>
      tpu.wait_indirect_dma semaphore(%arg19 : memref<!tpu.dma_semaphore, #tpu.memory_space<semaphore_mem>>) src(%arg9 : memref<128x128xf32, #tpu.memory_space<vmem>>) dst(%dma_wait3A_611 : memref<512x128xf32, #tpu.memory_space<vmem_shared>>)
    } else {
    }
    %add3A_445 = arith.constant 608 : i32
    %add3A_446 = arith.addi %add3A_445, %add3A : i32
    %mul3A_447 = arith.constant 128 : i32
    %mul3A_448 = arith.muli %add3A_446, %mul3A_447 : i32
    %multiple_of3A_449 = tpu.assume_multiple %mul3A_448, 128 : i32
    %lt3A_450 = arith.constant 781 : i32
    %lt3A_451 = arith.cmpi slt, %add3A_446, %lt3A_450 : i32
    %convert_element_type3A_452 = arith.extui %lt3A_451 : i1 to i32
    %cond3A_453 = arith.constant 0 : i32
    %cond3A_454 = arith.cmpi ne, %convert_element_type3A_452, %cond3A_453 : i32
    scf.if %cond3A_454 {
      %dma_start3A = arith.constant 0 : i32
      %dma_start3A_610 = tpu.memref_slice %arg2[%multiple_of3A_449, %dma_start3A] : memref<100000x128xf32, #tpu.memory_space<hbm>> -> memref<128x128xf32, #tpu.memory_space<hbm>>
      %dma_start3A_611 = arith.constant 0 : i32
      %dma_start3A_612 = tpu.memref_slice %arg2[%multiple_of3A_449, %dma_start3A_611] : memref<100000x128xf32, #tpu.memory_space<hbm>> -> memref<128x128xf32, #tpu.memory_space<hbm>>
      tpu.enqueue_dma source(%dma_start3A_612 : memref<128x128xf32, #tpu.memory_space<hbm>>) target(%arg9 : memref<128x128xf32, #tpu.memory_space<vmem>>) target_semaphore(%arg17 : memref<!tpu.dma_semaphore, #tpu.memory_space<semaphore_mem>>)
      %dma_start3A_613 = tpu.memref_slice %arg3[%multiple_of3A_449] : memref<100000xi32, #tpu.memory_space<hbm>> -> memref<128xi32, #tpu.memory_space<hbm>>
      %dma_start3A_614 = tpu.memref_slice %arg3[%multiple_of3A_449] : memref<100000xi32, #tpu.memory_space<hbm>> -> memref<128xi32, #tpu.memory_space<hbm>>
      tpu.enqueue_dma source(%dma_start3A_614 : memref<128xi32, #tpu.memory_space<hbm>>) target(%arg11 : memref<128xi32, #tpu.memory_space<vmem>>) target_semaphore(%arg21 : memref<!tpu.dma_semaphore, #tpu.memory_space<semaphore_mem>>)
    } else {
    }
    %lt3A_455 = arith.constant 781 : i32
    %lt3A_456 = arith.cmpi slt, %add3A_437, %lt3A_455 : i32
    %convert_element_type3A_457 = arith.extui %lt3A_456 : i1 to i32
    %cond3A_458 = arith.constant 0 : i32
    %cond3A_459 = arith.cmpi ne, %convert_element_type3A_457, %cond3A_458 : i32
    scf.if %cond3A_459 {
      %dma_wait3A = arith.constant 0 : i32
      %dma_wait3A_610 = tpu.memref_slice %arg2[%multiple_of3A_425, %dma_wait3A] : memref<100000x128xf32, #tpu.memory_space<hbm>> -> memref<128x128xf32, #tpu.memory_space<hbm>>
      %dma_wait3A_611 = arith.constant 0 : i32
      %dma_wait3A_612 = tpu.memref_slice %arg2[%multiple_of3A_425, %dma_wait3A_611] : memref<100000x128xf32, #tpu.memory_space<hbm>> -> memref<128x128xf32, #tpu.memory_space<hbm>>
      tpu.wait_dma2 semaphore(%arg16 : memref<!tpu.dma_semaphore, #tpu.memory_space<semaphore_mem>>) src(%dma_wait3A_612 : memref<128x128xf32, #tpu.memory_space<hbm>>) dst(%arg8 : memref<128x128xf32, #tpu.memory_space<vmem>>)
      %dma_wait3A_613 = tpu.memref_slice %arg3[%multiple_of3A_425] : memref<100000xi32, #tpu.memory_space<hbm>> -> memref<128xi32, #tpu.memory_space<hbm>>
      %dma_wait3A_614 = tpu.memref_slice %arg3[%multiple_of3A_425] : memref<100000xi32, #tpu.memory_space<hbm>> -> memref<128xi32, #tpu.memory_space<hbm>>
      tpu.wait_dma2 semaphore(%arg20 : memref<!tpu.dma_semaphore, #tpu.memory_space<semaphore_mem>>) src(%dma_wait3A_614 : memref<128xi32, #tpu.memory_space<hbm>>) dst(%arg10 : memref<128xi32, #tpu.memory_space<vmem>>)
      %mul3A_615 = arith.constant 128 : i32
      %mul3A_616 = arith.muli %add3A_437, %mul3A_615 : i32
      %dma_start3A = arith.constant 0 : i32
      %dma_start3A_617 = arith.constant 0 : i32
      %dma_start3A_618 = tpu.memref_slice %arg15[%dma_start3A, %dma_start3A_617] : memref<512x128xf32, #tpu.memory_space<vmem_shared>> -> memref<512x128xf32, #tpu.memory_space<vmem_shared>>
      tpu.enqueue_indirect_dma source(%arg8 : memref<128x128xf32, #tpu.memory_space<vmem>>) target(%dma_start3A_618 : memref<512x128xf32, #tpu.memory_space<vmem_shared>>) offsets(%arg10 : memref<128xi32, #tpu.memory_space<vmem>>) semaphore(%arg18 : memref<!tpu.dma_semaphore, #tpu.memory_space<semaphore_mem>>) {add = true}
      %get3A = arith.constant 0 : index
      %get3A_619 = tpu.vector_load %arg10[%get3A] {strides = array<i32>} : memref<128xi32, #tpu.memory_space<vmem>>, vector<16xi32>,
      %add3A_620 = arith.constant 1 : i32
      %add3A_621 = arith.addi %mul3A_616, %add3A_620 : i32
      %add3A_622 = vector.broadcast %add3A_621 : i32 to vector<16xi32>
      %add3A_623 = arith.addi %add3A_622, %iota3A : vector<16xi32>
      %convert_element_type3A_624 = arith.sitofp %add3A_623 : vector<16xi32> to vector<16xf32>
      tpu.vector_store_idx %arg14[%get3A_619], %convert_element_type3A_624 : memref<512xf32, #tpu.memory_space<vmem>>[vector<16xi32>], vector<16xf32>,
      %get3A_625 = arith.constant 16 : index
      %get3A_626 = tpu.vector_load %arg10[%get3A_625] {strides = array<i32>} : memref<128xi32, #tpu.memory_space<vmem>>, vector<16xi32>,
      %add3A_627 = arith.constant 17 : i32
      %add3A_628 = arith.addi %mul3A_616, %add3A_627 : i32
      %add3A_629 = vector.broadcast %add3A_628 : i32 to vector<16xi32>
      %add3A_630 = arith.addi %add3A_629, %iota3A : vector<16xi32>
      %convert_element_type3A_631 = arith.sitofp %add3A_630 : vector<16xi32> to vector<16xf32>
      tpu.vector_store_idx %arg14[%get3A_626], %convert_element_type3A_631 : memref<512xf32, #tpu.memory_space<vmem>>[vector<16xi32>], vector<16xf32>,
      %get3A_632 = arith.constant 32 : index
      %get3A_633 = tpu.vector_load %arg10[%get3A_632] {strides = array<i32>} : memref<128xi32, #tpu.memory_space<vmem>>, vector<16xi32>,
      %add3A_634 = arith.constant 33 : i32
      %add3A_635 = arith.addi %mul3A_616, %add3A_634 : i32
      %add3A_636 = vector.broadcast %add3A_635 : i32 to vector<16xi32>
      %add3A_637 = arith.addi %add3A_636, %iota3A : vector<16xi32>
      %convert_element_type3A_638 = arith.sitofp %add3A_637 : vector<16xi32> to vector<16xf32>
      tpu.vector_store_idx %arg14[%get3A_633], %convert_element_type3A_638 : memref<512xf32, #tpu.memory_space<vmem>>[vector<16xi32>], vector<16xf32>,
      %get3A_639 = arith.constant 48 : index
      %get3A_640 = tpu.vector_load %arg10[%get3A_639] {strides = array<i32>} : memref<128xi32, #tpu.memory_space<vmem>>, vector<16xi32>,
      %add3A_641 = arith.constant 49 : i32
      %add3A_642 = arith.addi %mul3A_616, %add3A_641 : i32
      %add3A_643 = vector.broadcast %add3A_642 : i32 to vector<16xi32>
      %add3A_644 = arith.addi %add3A_643, %iota3A : vector<16xi32>
      %convert_element_type3A_645 = arith.sitofp %add3A_644 : vector<16xi32> to vector<16xf32>
      tpu.vector_store_idx %arg14[%get3A_640], %convert_element_type3A_645 : memref<512xf32, #tpu.memory_space<vmem>>[vector<16xi32>], vector<16xf32>,
      %get3A_646 = arith.constant 64 : index
      %get3A_647 = tpu.vector_load %arg10[%get3A_646] {strides = array<i32>} : memref<128xi32, #tpu.memory_space<vmem>>, vector<16xi32>,
      %add3A_648 = arith.constant 65 : i32
      %add3A_649 = arith.addi %mul3A_616, %add3A_648 : i32
      %add3A_650 = vector.broadcast %add3A_649 : i32 to vector<16xi32>
      %add3A_651 = arith.addi %add3A_650, %iota3A : vector<16xi32>
      %convert_element_type3A_652 = arith.sitofp %add3A_651 : vector<16xi32> to vector<16xf32>
      tpu.vector_store_idx %arg14[%get3A_647], %convert_element_type3A_652 : memref<512xf32, #tpu.memory_space<vmem>>[vector<16xi32>], vector<16xf32>,
      %get3A_653 = arith.constant 80 : index
      %get3A_654 = tpu.vector_load %arg10[%get3A_653] {strides = array<i32>} : memref<128xi32, #tpu.memory_space<vmem>>, vector<16xi32>,
      %add3A_655 = arith.constant 81 : i32
      %add3A_656 = arith.addi %mul3A_616, %add3A_655 : i32
      %add3A_657 = vector.broadcast %add3A_656 : i32 to vector<16xi32>
      %add3A_658 = arith.addi %add3A_657, %iota3A : vector<16xi32>
      %convert_element_type3A_659 = arith.sitofp %add3A_658 : vector<16xi32> to vector<16xf32>
      tpu.vector_store_idx %arg14[%get3A_654], %convert_element_type3A_659 : memref<512xf32, #tpu.memory_space<vmem>>[vector<16xi32>], vector<16xf32>,
      %get3A_660 = arith.constant 96 : index
      %get3A_661 = tpu.vector_load %arg10[%get3A_660] {strides = array<i32>} : memref<128xi32, #tpu.memory_space<vmem>>, vector<16xi32>,
      %add3A_662 = arith.constant 97 : i32
      %add3A_663 = arith.addi %mul3A_616, %add3A_662 : i32
      %add3A_664 = vector.broadcast %add3A_663 : i32 to vector<16xi32>
      %add3A_665 = arith.addi %add3A_664, %iota3A : vector<16xi32>
      %convert_element_type3A_666 = arith.sitofp %add3A_665 : vector<16xi32> to vector<16xf32>
      tpu.vector_store_idx %arg14[%get3A_661], %convert_element_type3A_666 : memref<512xf32, #tpu.memory_space<vmem>>[vector<16xi32>], vector<16xf32>,
      %get3A_667 = arith.constant 112 : index
      %get3A_668 = tpu.vector_load %arg10[%get3A_667] {strides = array<i32>} : memref<128xi32, #tpu.memory_space<vmem>>, vector<16xi32>,
      %add3A_669 = arith.constant 113 : i32
      %add3A_670 = arith.addi %mul3A_616, %add3A_669 : i32
      %add3A_671 = vector.broadcast %add3A_670 : i32 to vector<16xi32>
      %add3A_672 = arith.addi %add3A_671, %iota3A : vector<16xi32>
      %convert_element_type3A_673 = arith.sitofp %add3A_672 : vector<16xi32> to vector<16xf32>
      tpu.vector_store_idx %arg14[%get3A_668], %convert_element_type3A_673 : memref<512xf32, #tpu.memory_space<vmem>>[vector<16xi32>], vector<16xf32>,
    } else {
    }
    %add3A_460 = arith.constant 608 : i32
    %add3A_461 = arith.addi %add3A_460, %add3A : i32
    %add3A_462 = arith.constant 576 : i32
    %add3A_463 = arith.addi %add3A_462, %add3A : i32
    %lt3A_464 = arith.constant 781 : i32
    %lt3A_465 = arith.cmpi slt, %add3A_463, %lt3A_464 : i32
    %convert_element_type3A_466 = arith.extui %lt3A_465 : i1 to i32
    %cond3A_467 = arith.constant 0 : i32
    %cond3A_468 = arith.cmpi ne, %convert_element_type3A_466, %cond3A_467 : i32
    scf.if %cond3A_468 {
      %dma_wait3A = arith.constant 0 : i32
      %dma_wait3A_610 = arith.constant 0 : i32
      %dma_wait3A_611 = tpu.memref_slice %arg15[%dma_wait3A, %dma_wait3A_610] : memref<512x128xf32, #tpu.memory_space<vmem_shared>> -> memref<512x128xf32, #tpu.memory_space<vmem_shared>>
      tpu.wait_indirect_dma semaphore(%arg18 : memref<!tpu.dma_semaphore, #tpu.memory_space<semaphore_mem>>) src(%arg8 : memref<128x128xf32, #tpu.memory_space<vmem>>) dst(%dma_wait3A_611 : memref<512x128xf32, #tpu.memory_space<vmem_shared>>)
    } else {
    }
    %add3A_469 = arith.constant 640 : i32
    %add3A_470 = arith.addi %add3A_469, %add3A : i32
    %mul3A_471 = arith.constant 128 : i32
    %mul3A_472 = arith.muli %add3A_470, %mul3A_471 : i32
    %multiple_of3A_473 = tpu.assume_multiple %mul3A_472, 128 : i32
    %lt3A_474 = arith.constant 781 : i32
    %lt3A_475 = arith.cmpi slt, %add3A_470, %lt3A_474 : i32
    %convert_element_type3A_476 = arith.extui %lt3A_475 : i1 to i32
    %cond3A_477 = arith.constant 0 : i32
    %cond3A_478 = arith.cmpi ne, %convert_element_type3A_476, %cond3A_477 : i32
    scf.if %cond3A_478 {
      %dma_start3A = arith.constant 0 : i32
      %dma_start3A_610 = tpu.memref_slice %arg2[%multiple_of3A_473, %dma_start3A] : memref<100000x128xf32, #tpu.memory_space<hbm>> -> memref<128x128xf32, #tpu.memory_space<hbm>>
      %dma_start3A_611 = arith.constant 0 : i32
      %dma_start3A_612 = tpu.memref_slice %arg2[%multiple_of3A_473, %dma_start3A_611] : memref<100000x128xf32, #tpu.memory_space<hbm>> -> memref<128x128xf32, #tpu.memory_space<hbm>>
      tpu.enqueue_dma source(%dma_start3A_612 : memref<128x128xf32, #tpu.memory_space<hbm>>) target(%arg8 : memref<128x128xf32, #tpu.memory_space<vmem>>) target_semaphore(%arg16 : memref<!tpu.dma_semaphore, #tpu.memory_space<semaphore_mem>>)
      %dma_start3A_613 = tpu.memref_slice %arg3[%multiple_of3A_473] : memref<100000xi32, #tpu.memory_space<hbm>> -> memref<128xi32, #tpu.memory_space<hbm>>
      %dma_start3A_614 = tpu.memref_slice %arg3[%multiple_of3A_473] : memref<100000xi32, #tpu.memory_space<hbm>> -> memref<128xi32, #tpu.memory_space<hbm>>
      tpu.enqueue_dma source(%dma_start3A_614 : memref<128xi32, #tpu.memory_space<hbm>>) target(%arg10 : memref<128xi32, #tpu.memory_space<vmem>>) target_semaphore(%arg20 : memref<!tpu.dma_semaphore, #tpu.memory_space<semaphore_mem>>)
    } else {
    }
    %lt3A_479 = arith.constant 781 : i32
    %lt3A_480 = arith.cmpi slt, %add3A_461, %lt3A_479 : i32
    %convert_element_type3A_481 = arith.extui %lt3A_480 : i1 to i32
    %cond3A_482 = arith.constant 0 : i32
    %cond3A_483 = arith.cmpi ne, %convert_element_type3A_481, %cond3A_482 : i32
    scf.if %cond3A_483 {
      %dma_wait3A = arith.constant 0 : i32
      %dma_wait3A_610 = tpu.memref_slice %arg2[%multiple_of3A_449, %dma_wait3A] : memref<100000x128xf32, #tpu.memory_space<hbm>> -> memref<128x128xf32, #tpu.memory_space<hbm>>
      %dma_wait3A_611 = arith.constant 0 : i32
      %dma_wait3A_612 = tpu.memref_slice %arg2[%multiple_of3A_449, %dma_wait3A_611] : memref<100000x128xf32, #tpu.memory_space<hbm>> -> memref<128x128xf32, #tpu.memory_space<hbm>>
      tpu.wait_dma2 semaphore(%arg17 : memref<!tpu.dma_semaphore, #tpu.memory_space<semaphore_mem>>) src(%dma_wait3A_612 : memref<128x128xf32, #tpu.memory_space<hbm>>) dst(%arg9 : memref<128x128xf32, #tpu.memory_space<vmem>>)
      %dma_wait3A_613 = tpu.memref_slice %arg3[%multiple_of3A_449] : memref<100000xi32, #tpu.memory_space<hbm>> -> memref<128xi32, #tpu.memory_space<hbm>>
      %dma_wait3A_614 = tpu.memref_slice %arg3[%multiple_of3A_449] : memref<100000xi32, #tpu.memory_space<hbm>> -> memref<128xi32, #tpu.memory_space<hbm>>
      tpu.wait_dma2 semaphore(%arg21 : memref<!tpu.dma_semaphore, #tpu.memory_space<semaphore_mem>>) src(%dma_wait3A_614 : memref<128xi32, #tpu.memory_space<hbm>>) dst(%arg11 : memref<128xi32, #tpu.memory_space<vmem>>)
      %mul3A_615 = arith.constant 128 : i32
      %mul3A_616 = arith.muli %add3A_461, %mul3A_615 : i32
      %dma_start3A = arith.constant 0 : i32
      %dma_start3A_617 = arith.constant 0 : i32
      %dma_start3A_618 = tpu.memref_slice %arg15[%dma_start3A, %dma_start3A_617] : memref<512x128xf32, #tpu.memory_space<vmem_shared>> -> memref<512x128xf32, #tpu.memory_space<vmem_shared>>
      tpu.enqueue_indirect_dma source(%arg9 : memref<128x128xf32, #tpu.memory_space<vmem>>) target(%dma_start3A_618 : memref<512x128xf32, #tpu.memory_space<vmem_shared>>) offsets(%arg11 : memref<128xi32, #tpu.memory_space<vmem>>) semaphore(%arg19 : memref<!tpu.dma_semaphore, #tpu.memory_space<semaphore_mem>>) {add = true}
      %get3A = arith.constant 0 : index
      %get3A_619 = tpu.vector_load %arg11[%get3A] {strides = array<i32>} : memref<128xi32, #tpu.memory_space<vmem>>, vector<16xi32>,
      %add3A_620 = arith.constant 1 : i32
      %add3A_621 = arith.addi %mul3A_616, %add3A_620 : i32
      %add3A_622 = vector.broadcast %add3A_621 : i32 to vector<16xi32>
      %add3A_623 = arith.addi %add3A_622, %iota3A : vector<16xi32>
      %convert_element_type3A_624 = arith.sitofp %add3A_623 : vector<16xi32> to vector<16xf32>
      tpu.vector_store_idx %arg14[%get3A_619], %convert_element_type3A_624 : memref<512xf32, #tpu.memory_space<vmem>>[vector<16xi32>], vector<16xf32>,
      %get3A_625 = arith.constant 16 : index
      %get3A_626 = tpu.vector_load %arg11[%get3A_625] {strides = array<i32>} : memref<128xi32, #tpu.memory_space<vmem>>, vector<16xi32>,
      %add3A_627 = arith.constant 17 : i32
      %add3A_628 = arith.addi %mul3A_616, %add3A_627 : i32
      %add3A_629 = vector.broadcast %add3A_628 : i32 to vector<16xi32>
      %add3A_630 = arith.addi %add3A_629, %iota3A : vector<16xi32>
      %convert_element_type3A_631 = arith.sitofp %add3A_630 : vector<16xi32> to vector<16xf32>
      tpu.vector_store_idx %arg14[%get3A_626], %convert_element_type3A_631 : memref<512xf32, #tpu.memory_space<vmem>>[vector<16xi32>], vector<16xf32>,
      %get3A_632 = arith.constant 32 : index
      %get3A_633 = tpu.vector_load %arg11[%get3A_632] {strides = array<i32>} : memref<128xi32, #tpu.memory_space<vmem>>, vector<16xi32>,
      %add3A_634 = arith.constant 33 : i32
      %add3A_635 = arith.addi %mul3A_616, %add3A_634 : i32
      %add3A_636 = vector.broadcast %add3A_635 : i32 to vector<16xi32>
      %add3A_637 = arith.addi %add3A_636, %iota3A : vector<16xi32>
      %convert_element_type3A_638 = arith.sitofp %add3A_637 : vector<16xi32> to vector<16xf32>
      tpu.vector_store_idx %arg14[%get3A_633], %convert_element_type3A_638 : memref<512xf32, #tpu.memory_space<vmem>>[vector<16xi32>], vector<16xf32>,
      %get3A_639 = arith.constant 48 : index
      %get3A_640 = tpu.vector_load %arg11[%get3A_639] {strides = array<i32>} : memref<128xi32, #tpu.memory_space<vmem>>, vector<16xi32>,
      %add3A_641 = arith.constant 49 : i32
      %add3A_642 = arith.addi %mul3A_616, %add3A_641 : i32
      %add3A_643 = vector.broadcast %add3A_642 : i32 to vector<16xi32>
      %add3A_644 = arith.addi %add3A_643, %iota3A : vector<16xi32>
      %convert_element_type3A_645 = arith.sitofp %add3A_644 : vector<16xi32> to vector<16xf32>
      tpu.vector_store_idx %arg14[%get3A_640], %convert_element_type3A_645 : memref<512xf32, #tpu.memory_space<vmem>>[vector<16xi32>], vector<16xf32>,
      %get3A_646 = arith.constant 64 : index
      %get3A_647 = tpu.vector_load %arg11[%get3A_646] {strides = array<i32>} : memref<128xi32, #tpu.memory_space<vmem>>, vector<16xi32>,
      %add3A_648 = arith.constant 65 : i32
      %add3A_649 = arith.addi %mul3A_616, %add3A_648 : i32
      %add3A_650 = vector.broadcast %add3A_649 : i32 to vector<16xi32>
      %add3A_651 = arith.addi %add3A_650, %iota3A : vector<16xi32>
      %convert_element_type3A_652 = arith.sitofp %add3A_651 : vector<16xi32> to vector<16xf32>
      tpu.vector_store_idx %arg14[%get3A_647], %convert_element_type3A_652 : memref<512xf32, #tpu.memory_space<vmem>>[vector<16xi32>], vector<16xf32>,
      %get3A_653 = arith.constant 80 : index
      %get3A_654 = tpu.vector_load %arg11[%get3A_653] {strides = array<i32>} : memref<128xi32, #tpu.memory_space<vmem>>, vector<16xi32>,
      %add3A_655 = arith.constant 81 : i32
      %add3A_656 = arith.addi %mul3A_616, %add3A_655 : i32
      %add3A_657 = vector.broadcast %add3A_656 : i32 to vector<16xi32>
      %add3A_658 = arith.addi %add3A_657, %iota3A : vector<16xi32>
      %convert_element_type3A_659 = arith.sitofp %add3A_658 : vector<16xi32> to vector<16xf32>
      tpu.vector_store_idx %arg14[%get3A_654], %convert_element_type3A_659 : memref<512xf32, #tpu.memory_space<vmem>>[vector<16xi32>], vector<16xf32>,
      %get3A_660 = arith.constant 96 : index
      %get3A_661 = tpu.vector_load %arg11[%get3A_660] {strides = array<i32>} : memref<128xi32, #tpu.memory_space<vmem>>, vector<16xi32>,
      %add3A_662 = arith.constant 97 : i32
      %add3A_663 = arith.addi %mul3A_616, %add3A_662 : i32
      %add3A_664 = vector.broadcast %add3A_663 : i32 to vector<16xi32>
      %add3A_665 = arith.addi %add3A_664, %iota3A : vector<16xi32>
      %convert_element_type3A_666 = arith.sitofp %add3A_665 : vector<16xi32> to vector<16xf32>
      tpu.vector_store_idx %arg14[%get3A_661], %convert_element_type3A_666 : memref<512xf32, #tpu.memory_space<vmem>>[vector<16xi32>], vector<16xf32>,
      %get3A_667 = arith.constant 112 : index
      %get3A_668 = tpu.vector_load %arg11[%get3A_667] {strides = array<i32>} : memref<128xi32, #tpu.memory_space<vmem>>, vector<16xi32>,
      %add3A_669 = arith.constant 113 : i32
      %add3A_670 = arith.addi %mul3A_616, %add3A_669 : i32
      %add3A_671 = vector.broadcast %add3A_670 : i32 to vector<16xi32>
      %add3A_672 = arith.addi %add3A_671, %iota3A : vector<16xi32>
      %convert_element_type3A_673 = arith.sitofp %add3A_672 : vector<16xi32> to vector<16xf32>
      tpu.vector_store_idx %arg14[%get3A_668], %convert_element_type3A_673 : memref<512xf32, #tpu.memory_space<vmem>>[vector<16xi32>], vector<16xf32>,
    } else {
    }
    %add3A_484 = arith.constant 640 : i32
    %add3A_485 = arith.addi %add3A_484, %add3A : i32
    %add3A_486 = arith.constant 608 : i32
    %add3A_487 = arith.addi %add3A_486, %add3A : i32
    %lt3A_488 = arith.constant 781 : i32
    %lt3A_489 = arith.cmpi slt, %add3A_487, %lt3A_488 : i32
    %convert_element_type3A_490 = arith.extui %lt3A_489 : i1 to i32
    %cond3A_491 = arith.constant 0 : i32
    %cond3A_492 = arith.cmpi ne, %convert_element_type3A_490, %cond3A_491 : i32
    scf.if %cond3A_492 {
      %dma_wait3A = arith.constant 0 : i32
      %dma_wait3A_610 = arith.constant 0 : i32
      %dma_wait3A_611 = tpu.memref_slice %arg15[%dma_wait3A, %dma_wait3A_610] : memref<512x128xf32, #tpu.memory_space<vmem_shared>> -> memref<512x128xf32, #tpu.memory_space<vmem_shared>>
      tpu.wait_indirect_dma semaphore(%arg19 : memref<!tpu.dma_semaphore, #tpu.memory_space<semaphore_mem>>) src(%arg9 : memref<128x128xf32, #tpu.memory_space<vmem>>) dst(%dma_wait3A_611 : memref<512x128xf32, #tpu.memory_space<vmem_shared>>)
    } else {
    }
    %add3A_493 = arith.constant 672 : i32
    %add3A_494 = arith.addi %add3A_493, %add3A : i32
    %mul3A_495 = arith.constant 128 : i32
    %mul3A_496 = arith.muli %add3A_494, %mul3A_495 : i32
    %multiple_of3A_497 = tpu.assume_multiple %mul3A_496, 128 : i32
    %lt3A_498 = arith.constant 781 : i32
    %lt3A_499 = arith.cmpi slt, %add3A_494, %lt3A_498 : i32
    %convert_element_type3A_500 = arith.extui %lt3A_499 : i1 to i32
    %cond3A_501 = arith.constant 0 : i32
    %cond3A_502 = arith.cmpi ne, %convert_element_type3A_500, %cond3A_501 : i32
    scf.if %cond3A_502 {
      %dma_start3A = arith.constant 0 : i32
      %dma_start3A_610 = tpu.memref_slice %arg2[%multiple_of3A_497, %dma_start3A] : memref<100000x128xf32, #tpu.memory_space<hbm>> -> memref<128x128xf32, #tpu.memory_space<hbm>>
      %dma_start3A_611 = arith.constant 0 : i32
      %dma_start3A_612 = tpu.memref_slice %arg2[%multiple_of3A_497, %dma_start3A_611] : memref<100000x128xf32, #tpu.memory_space<hbm>> -> memref<128x128xf32, #tpu.memory_space<hbm>>
      tpu.enqueue_dma source(%dma_start3A_612 : memref<128x128xf32, #tpu.memory_space<hbm>>) target(%arg9 : memref<128x128xf32, #tpu.memory_space<vmem>>) target_semaphore(%arg17 : memref<!tpu.dma_semaphore, #tpu.memory_space<semaphore_mem>>)
      %dma_start3A_613 = tpu.memref_slice %arg3[%multiple_of3A_497] : memref<100000xi32, #tpu.memory_space<hbm>> -> memref<128xi32, #tpu.memory_space<hbm>>
      %dma_start3A_614 = tpu.memref_slice %arg3[%multiple_of3A_497] : memref<100000xi32, #tpu.memory_space<hbm>> -> memref<128xi32, #tpu.memory_space<hbm>>
      tpu.enqueue_dma source(%dma_start3A_614 : memref<128xi32, #tpu.memory_space<hbm>>) target(%arg11 : memref<128xi32, #tpu.memory_space<vmem>>) target_semaphore(%arg21 : memref<!tpu.dma_semaphore, #tpu.memory_space<semaphore_mem>>)
    } else {
    }
    %lt3A_503 = arith.constant 781 : i32
    %lt3A_504 = arith.cmpi slt, %add3A_485, %lt3A_503 : i32
    %convert_element_type3A_505 = arith.extui %lt3A_504 : i1 to i32
    %cond3A_506 = arith.constant 0 : i32
    %cond3A_507 = arith.cmpi ne, %convert_element_type3A_505, %cond3A_506 : i32
    scf.if %cond3A_507 {
      %dma_wait3A = arith.constant 0 : i32
      %dma_wait3A_610 = tpu.memref_slice %arg2[%multiple_of3A_473, %dma_wait3A] : memref<100000x128xf32, #tpu.memory_space<hbm>> -> memref<128x128xf32, #tpu.memory_space<hbm>>
      %dma_wait3A_611 = arith.constant 0 : i32
      %dma_wait3A_612 = tpu.memref_slice %arg2[%multiple_of3A_473, %dma_wait3A_611] : memref<100000x128xf32, #tpu.memory_space<hbm>> -> memref<128x128xf32, #tpu.memory_space<hbm>>
      tpu.wait_dma2 semaphore(%arg16 : memref<!tpu.dma_semaphore, #tpu.memory_space<semaphore_mem>>) src(%dma_wait3A_612 : memref<128x128xf32, #tpu.memory_space<hbm>>) dst(%arg8 : memref<128x128xf32, #tpu.memory_space<vmem>>)
      %dma_wait3A_613 = tpu.memref_slice %arg3[%multiple_of3A_473] : memref<100000xi32, #tpu.memory_space<hbm>> -> memref<128xi32, #tpu.memory_space<hbm>>
      %dma_wait3A_614 = tpu.memref_slice %arg3[%multiple_of3A_473] : memref<100000xi32, #tpu.memory_space<hbm>> -> memref<128xi32, #tpu.memory_space<hbm>>
      tpu.wait_dma2 semaphore(%arg20 : memref<!tpu.dma_semaphore, #tpu.memory_space<semaphore_mem>>) src(%dma_wait3A_614 : memref<128xi32, #tpu.memory_space<hbm>>) dst(%arg10 : memref<128xi32, #tpu.memory_space<vmem>>)
      %mul3A_615 = arith.constant 128 : i32
      %mul3A_616 = arith.muli %add3A_485, %mul3A_615 : i32
      %dma_start3A = arith.constant 0 : i32
      %dma_start3A_617 = arith.constant 0 : i32
      %dma_start3A_618 = tpu.memref_slice %arg15[%dma_start3A, %dma_start3A_617] : memref<512x128xf32, #tpu.memory_space<vmem_shared>> -> memref<512x128xf32, #tpu.memory_space<vmem_shared>>
      tpu.enqueue_indirect_dma source(%arg8 : memref<128x128xf32, #tpu.memory_space<vmem>>) target(%dma_start3A_618 : memref<512x128xf32, #tpu.memory_space<vmem_shared>>) offsets(%arg10 : memref<128xi32, #tpu.memory_space<vmem>>) semaphore(%arg18 : memref<!tpu.dma_semaphore, #tpu.memory_space<semaphore_mem>>) {add = true}
      %get3A = arith.constant 0 : index
      %get3A_619 = tpu.vector_load %arg10[%get3A] {strides = array<i32>} : memref<128xi32, #tpu.memory_space<vmem>>, vector<16xi32>,
      %add3A_620 = arith.constant 1 : i32
      %add3A_621 = arith.addi %mul3A_616, %add3A_620 : i32
      %add3A_622 = vector.broadcast %add3A_621 : i32 to vector<16xi32>
      %add3A_623 = arith.addi %add3A_622, %iota3A : vector<16xi32>
      %convert_element_type3A_624 = arith.sitofp %add3A_623 : vector<16xi32> to vector<16xf32>
      tpu.vector_store_idx %arg14[%get3A_619], %convert_element_type3A_624 : memref<512xf32, #tpu.memory_space<vmem>>[vector<16xi32>], vector<16xf32>,
      %get3A_625 = arith.constant 16 : index
      %get3A_626 = tpu.vector_load %arg10[%get3A_625] {strides = array<i32>} : memref<128xi32, #tpu.memory_space<vmem>>, vector<16xi32>,
      %add3A_627 = arith.constant 17 : i32
      %add3A_628 = arith.addi %mul3A_616, %add3A_627 : i32
      %add3A_629 = vector.broadcast %add3A_628 : i32 to vector<16xi32>
      %add3A_630 = arith.addi %add3A_629, %iota3A : vector<16xi32>
      %convert_element_type3A_631 = arith.sitofp %add3A_630 : vector<16xi32> to vector<16xf32>
      tpu.vector_store_idx %arg14[%get3A_626], %convert_element_type3A_631 : memref<512xf32, #tpu.memory_space<vmem>>[vector<16xi32>], vector<16xf32>,
      %get3A_632 = arith.constant 32 : index
      %get3A_633 = tpu.vector_load %arg10[%get3A_632] {strides = array<i32>} : memref<128xi32, #tpu.memory_space<vmem>>, vector<16xi32>,
      %add3A_634 = arith.constant 33 : i32
      %add3A_635 = arith.addi %mul3A_616, %add3A_634 : i32
      %add3A_636 = vector.broadcast %add3A_635 : i32 to vector<16xi32>
      %add3A_637 = arith.addi %add3A_636, %iota3A : vector<16xi32>
      %convert_element_type3A_638 = arith.sitofp %add3A_637 : vector<16xi32> to vector<16xf32>
      tpu.vector_store_idx %arg14[%get3A_633], %convert_element_type3A_638 : memref<512xf32, #tpu.memory_space<vmem>>[vector<16xi32>], vector<16xf32>,
      %get3A_639 = arith.constant 48 : index
      %get3A_640 = tpu.vector_load %arg10[%get3A_639] {strides = array<i32>} : memref<128xi32, #tpu.memory_space<vmem>>, vector<16xi32>,
      %add3A_641 = arith.constant 49 : i32
      %add3A_642 = arith.addi %mul3A_616, %add3A_641 : i32
      %add3A_643 = vector.broadcast %add3A_642 : i32 to vector<16xi32>
      %add3A_644 = arith.addi %add3A_643, %iota3A : vector<16xi32>
      %convert_element_type3A_645 = arith.sitofp %add3A_644 : vector<16xi32> to vector<16xf32>
      tpu.vector_store_idx %arg14[%get3A_640], %convert_element_type3A_645 : memref<512xf32, #tpu.memory_space<vmem>>[vector<16xi32>], vector<16xf32>,
      %get3A_646 = arith.constant 64 : index
      %get3A_647 = tpu.vector_load %arg10[%get3A_646] {strides = array<i32>} : memref<128xi32, #tpu.memory_space<vmem>>, vector<16xi32>,
      %add3A_648 = arith.constant 65 : i32
      %add3A_649 = arith.addi %mul3A_616, %add3A_648 : i32
      %add3A_650 = vector.broadcast %add3A_649 : i32 to vector<16xi32>
      %add3A_651 = arith.addi %add3A_650, %iota3A : vector<16xi32>
      %convert_element_type3A_652 = arith.sitofp %add3A_651 : vector<16xi32> to vector<16xf32>
      tpu.vector_store_idx %arg14[%get3A_647], %convert_element_type3A_652 : memref<512xf32, #tpu.memory_space<vmem>>[vector<16xi32>], vector<16xf32>,
      %get3A_653 = arith.constant 80 : index
      %get3A_654 = tpu.vector_load %arg10[%get3A_653] {strides = array<i32>} : memref<128xi32, #tpu.memory_space<vmem>>, vector<16xi32>,
      %add3A_655 = arith.constant 81 : i32
      %add3A_656 = arith.addi %mul3A_616, %add3A_655 : i32
      %add3A_657 = vector.broadcast %add3A_656 : i32 to vector<16xi32>
      %add3A_658 = arith.addi %add3A_657, %iota3A : vector<16xi32>
      %convert_element_type3A_659 = arith.sitofp %add3A_658 : vector<16xi32> to vector<16xf32>
      tpu.vector_store_idx %arg14[%get3A_654], %convert_element_type3A_659 : memref<512xf32, #tpu.memory_space<vmem>>[vector<16xi32>], vector<16xf32>,
      %get3A_660 = arith.constant 96 : index
      %get3A_661 = tpu.vector_load %arg10[%get3A_660] {strides = array<i32>} : memref<128xi32, #tpu.memory_space<vmem>>, vector<16xi32>,
      %add3A_662 = arith.constant 97 : i32
      %add3A_663 = arith.addi %mul3A_616, %add3A_662 : i32
      %add3A_664 = vector.broadcast %add3A_663 : i32 to vector<16xi32>
      %add3A_665 = arith.addi %add3A_664, %iota3A : vector<16xi32>
      %convert_element_type3A_666 = arith.sitofp %add3A_665 : vector<16xi32> to vector<16xf32>
      tpu.vector_store_idx %arg14[%get3A_661], %convert_element_type3A_666 : memref<512xf32, #tpu.memory_space<vmem>>[vector<16xi32>], vector<16xf32>,
      %get3A_667 = arith.constant 112 : index
      %get3A_668 = tpu.vector_load %arg10[%get3A_667] {strides = array<i32>} : memref<128xi32, #tpu.memory_space<vmem>>, vector<16xi32>,
      %add3A_669 = arith.constant 113 : i32
      %add3A_670 = arith.addi %mul3A_616, %add3A_669 : i32
      %add3A_671 = vector.broadcast %add3A_670 : i32 to vector<16xi32>
      %add3A_672 = arith.addi %add3A_671, %iota3A : vector<16xi32>
      %convert_element_type3A_673 = arith.sitofp %add3A_672 : vector<16xi32> to vector<16xf32>
      tpu.vector_store_idx %arg14[%get3A_668], %convert_element_type3A_673 : memref<512xf32, #tpu.memory_space<vmem>>[vector<16xi32>], vector<16xf32>,
    } else {
    }
    %add3A_508 = arith.constant 672 : i32
    %add3A_509 = arith.addi %add3A_508, %add3A : i32
    %add3A_510 = arith.constant 640 : i32
    %add3A_511 = arith.addi %add3A_510, %add3A : i32
    %lt3A_512 = arith.constant 781 : i32
    %lt3A_513 = arith.cmpi slt, %add3A_511, %lt3A_512 : i32
    %convert_element_type3A_514 = arith.extui %lt3A_513 : i1 to i32
    %cond3A_515 = arith.constant 0 : i32
    %cond3A_516 = arith.cmpi ne, %convert_element_type3A_514, %cond3A_515 : i32
    scf.if %cond3A_516 {
      %dma_wait3A = arith.constant 0 : i32
      %dma_wait3A_610 = arith.constant 0 : i32
      %dma_wait3A_611 = tpu.memref_slice %arg15[%dma_wait3A, %dma_wait3A_610] : memref<512x128xf32, #tpu.memory_space<vmem_shared>> -> memref<512x128xf32, #tpu.memory_space<vmem_shared>>
      tpu.wait_indirect_dma semaphore(%arg18 : memref<!tpu.dma_semaphore, #tpu.memory_space<semaphore_mem>>) src(%arg8 : memref<128x128xf32, #tpu.memory_space<vmem>>) dst(%dma_wait3A_611 : memref<512x128xf32, #tpu.memory_space<vmem_shared>>)
    } else {
    }
    %add3A_517 = arith.constant 704 : i32
    %add3A_518 = arith.addi %add3A_517, %add3A : i32
    %mul3A_519 = arith.constant 128 : i32
    %mul3A_520 = arith.muli %add3A_518, %mul3A_519 : i32
    %multiple_of3A_521 = tpu.assume_multiple %mul3A_520, 128 : i32
    %lt3A_522 = arith.constant 781 : i32
    %lt3A_523 = arith.cmpi slt, %add3A_518, %lt3A_522 : i32
    %convert_element_type3A_524 = arith.extui %lt3A_523 : i1 to i32
    %cond3A_525 = arith.constant 0 : i32
    %cond3A_526 = arith.cmpi ne, %convert_element_type3A_524, %cond3A_525 : i32
    scf.if %cond3A_526 {
      %dma_start3A = arith.constant 0 : i32
      %dma_start3A_610 = tpu.memref_slice %arg2[%multiple_of3A_521, %dma_start3A] : memref<100000x128xf32, #tpu.memory_space<hbm>> -> memref<128x128xf32, #tpu.memory_space<hbm>>
      %dma_start3A_611 = arith.constant 0 : i32
      %dma_start3A_612 = tpu.memref_slice %arg2[%multiple_of3A_521, %dma_start3A_611] : memref<100000x128xf32, #tpu.memory_space<hbm>> -> memref<128x128xf32, #tpu.memory_space<hbm>>
      tpu.enqueue_dma source(%dma_start3A_612 : memref<128x128xf32, #tpu.memory_space<hbm>>) target(%arg8 : memref<128x128xf32, #tpu.memory_space<vmem>>) target_semaphore(%arg16 : memref<!tpu.dma_semaphore, #tpu.memory_space<semaphore_mem>>)
      %dma_start3A_613 = tpu.memref_slice %arg3[%multiple_of3A_521] : memref<100000xi32, #tpu.memory_space<hbm>> -> memref<128xi32, #tpu.memory_space<hbm>>
      %dma_start3A_614 = tpu.memref_slice %arg3[%multiple_of3A_521] : memref<100000xi32, #tpu.memory_space<hbm>> -> memref<128xi32, #tpu.memory_space<hbm>>
      tpu.enqueue_dma source(%dma_start3A_614 : memref<128xi32, #tpu.memory_space<hbm>>) target(%arg10 : memref<128xi32, #tpu.memory_space<vmem>>) target_semaphore(%arg20 : memref<!tpu.dma_semaphore, #tpu.memory_space<semaphore_mem>>)
    } else {
    }
    %lt3A_527 = arith.constant 781 : i32
    %lt3A_528 = arith.cmpi slt, %add3A_509, %lt3A_527 : i32
    %convert_element_type3A_529 = arith.extui %lt3A_528 : i1 to i32
    %cond3A_530 = arith.constant 0 : i32
    %cond3A_531 = arith.cmpi ne, %convert_element_type3A_529, %cond3A_530 : i32
    scf.if %cond3A_531 {
      %dma_wait3A = arith.constant 0 : i32
      %dma_wait3A_610 = tpu.memref_slice %arg2[%multiple_of3A_497, %dma_wait3A] : memref<100000x128xf32, #tpu.memory_space<hbm>> -> memref<128x128xf32, #tpu.memory_space<hbm>>
      %dma_wait3A_611 = arith.constant 0 : i32
      %dma_wait3A_612 = tpu.memref_slice %arg2[%multiple_of3A_497, %dma_wait3A_611] : memref<100000x128xf32, #tpu.memory_space<hbm>> -> memref<128x128xf32, #tpu.memory_space<hbm>>
      tpu.wait_dma2 semaphore(%arg17 : memref<!tpu.dma_semaphore, #tpu.memory_space<semaphore_mem>>) src(%dma_wait3A_612 : memref<128x128xf32, #tpu.memory_space<hbm>>) dst(%arg9 : memref<128x128xf32, #tpu.memory_space<vmem>>)
      %dma_wait3A_613 = tpu.memref_slice %arg3[%multiple_of3A_497] : memref<100000xi32, #tpu.memory_space<hbm>> -> memref<128xi32, #tpu.memory_space<hbm>>
      %dma_wait3A_614 = tpu.memref_slice %arg3[%multiple_of3A_497] : memref<100000xi32, #tpu.memory_space<hbm>> -> memref<128xi32, #tpu.memory_space<hbm>>
      tpu.wait_dma2 semaphore(%arg21 : memref<!tpu.dma_semaphore, #tpu.memory_space<semaphore_mem>>) src(%dma_wait3A_614 : memref<128xi32, #tpu.memory_space<hbm>>) dst(%arg11 : memref<128xi32, #tpu.memory_space<vmem>>)
      %mul3A_615 = arith.constant 128 : i32
      %mul3A_616 = arith.muli %add3A_509, %mul3A_615 : i32
      %dma_start3A = arith.constant 0 : i32
      %dma_start3A_617 = arith.constant 0 : i32
      %dma_start3A_618 = tpu.memref_slice %arg15[%dma_start3A, %dma_start3A_617] : memref<512x128xf32, #tpu.memory_space<vmem_shared>> -> memref<512x128xf32, #tpu.memory_space<vmem_shared>>
      tpu.enqueue_indirect_dma source(%arg9 : memref<128x128xf32, #tpu.memory_space<vmem>>) target(%dma_start3A_618 : memref<512x128xf32, #tpu.memory_space<vmem_shared>>) offsets(%arg11 : memref<128xi32, #tpu.memory_space<vmem>>) semaphore(%arg19 : memref<!tpu.dma_semaphore, #tpu.memory_space<semaphore_mem>>) {add = true}
      %get3A = arith.constant 0 : index
      %get3A_619 = tpu.vector_load %arg11[%get3A] {strides = array<i32>} : memref<128xi32, #tpu.memory_space<vmem>>, vector<16xi32>,
      %add3A_620 = arith.constant 1 : i32
      %add3A_621 = arith.addi %mul3A_616, %add3A_620 : i32
      %add3A_622 = vector.broadcast %add3A_621 : i32 to vector<16xi32>
      %add3A_623 = arith.addi %add3A_622, %iota3A : vector<16xi32>
      %convert_element_type3A_624 = arith.sitofp %add3A_623 : vector<16xi32> to vector<16xf32>
      tpu.vector_store_idx %arg14[%get3A_619], %convert_element_type3A_624 : memref<512xf32, #tpu.memory_space<vmem>>[vector<16xi32>], vector<16xf32>,
      %get3A_625 = arith.constant 16 : index
      %get3A_626 = tpu.vector_load %arg11[%get3A_625] {strides = array<i32>} : memref<128xi32, #tpu.memory_space<vmem>>, vector<16xi32>,
      %add3A_627 = arith.constant 17 : i32
      %add3A_628 = arith.addi %mul3A_616, %add3A_627 : i32
      %add3A_629 = vector.broadcast %add3A_628 : i32 to vector<16xi32>
      %add3A_630 = arith.addi %add3A_629, %iota3A : vector<16xi32>
      %convert_element_type3A_631 = arith.sitofp %add3A_630 : vector<16xi32> to vector<16xf32>
      tpu.vector_store_idx %arg14[%get3A_626], %convert_element_type3A_631 : memref<512xf32, #tpu.memory_space<vmem>>[vector<16xi32>], vector<16xf32>,
      %get3A_632 = arith.constant 32 : index
      %get3A_633 = tpu.vector_load %arg11[%get3A_632] {strides = array<i32>} : memref<128xi32, #tpu.memory_space<vmem>>, vector<16xi32>,
      %add3A_634 = arith.constant 33 : i32
      %add3A_635 = arith.addi %mul3A_616, %add3A_634 : i32
      %add3A_636 = vector.broadcast %add3A_635 : i32 to vector<16xi32>
      %add3A_637 = arith.addi %add3A_636, %iota3A : vector<16xi32>
      %convert_element_type3A_638 = arith.sitofp %add3A_637 : vector<16xi32> to vector<16xf32>
      tpu.vector_store_idx %arg14[%get3A_633], %convert_element_type3A_638 : memref<512xf32, #tpu.memory_space<vmem>>[vector<16xi32>], vector<16xf32>,
      %get3A_639 = arith.constant 48 : index
      %get3A_640 = tpu.vector_load %arg11[%get3A_639] {strides = array<i32>} : memref<128xi32, #tpu.memory_space<vmem>>, vector<16xi32>,
      %add3A_641 = arith.constant 49 : i32
      %add3A_642 = arith.addi %mul3A_616, %add3A_641 : i32
      %add3A_643 = vector.broadcast %add3A_642 : i32 to vector<16xi32>
      %add3A_644 = arith.addi %add3A_643, %iota3A : vector<16xi32>
      %convert_element_type3A_645 = arith.sitofp %add3A_644 : vector<16xi32> to vector<16xf32>
      tpu.vector_store_idx %arg14[%get3A_640], %convert_element_type3A_645 : memref<512xf32, #tpu.memory_space<vmem>>[vector<16xi32>], vector<16xf32>,
      %get3A_646 = arith.constant 64 : index
      %get3A_647 = tpu.vector_load %arg11[%get3A_646] {strides = array<i32>} : memref<128xi32, #tpu.memory_space<vmem>>, vector<16xi32>,
      %add3A_648 = arith.constant 65 : i32
      %add3A_649 = arith.addi %mul3A_616, %add3A_648 : i32
      %add3A_650 = vector.broadcast %add3A_649 : i32 to vector<16xi32>
      %add3A_651 = arith.addi %add3A_650, %iota3A : vector<16xi32>
      %convert_element_type3A_652 = arith.sitofp %add3A_651 : vector<16xi32> to vector<16xf32>
      tpu.vector_store_idx %arg14[%get3A_647], %convert_element_type3A_652 : memref<512xf32, #tpu.memory_space<vmem>>[vector<16xi32>], vector<16xf32>,
      %get3A_653 = arith.constant 80 : index
      %get3A_654 = tpu.vector_load %arg11[%get3A_653] {strides = array<i32>} : memref<128xi32, #tpu.memory_space<vmem>>, vector<16xi32>,
      %add3A_655 = arith.constant 81 : i32
      %add3A_656 = arith.addi %mul3A_616, %add3A_655 : i32
      %add3A_657 = vector.broadcast %add3A_656 : i32 to vector<16xi32>
      %add3A_658 = arith.addi %add3A_657, %iota3A : vector<16xi32>
      %convert_element_type3A_659 = arith.sitofp %add3A_658 : vector<16xi32> to vector<16xf32>
      tpu.vector_store_idx %arg14[%get3A_654], %convert_element_type3A_659 : memref<512xf32, #tpu.memory_space<vmem>>[vector<16xi32>], vector<16xf32>,
      %get3A_660 = arith.constant 96 : index
      %get3A_661 = tpu.vector_load %arg11[%get3A_660] {strides = array<i32>} : memref<128xi32, #tpu.memory_space<vmem>>, vector<16xi32>,
      %add3A_662 = arith.constant 97 : i32
      %add3A_663 = arith.addi %mul3A_616, %add3A_662 : i32
      %add3A_664 = vector.broadcast %add3A_663 : i32 to vector<16xi32>
      %add3A_665 = arith.addi %add3A_664, %iota3A : vector<16xi32>
      %convert_element_type3A_666 = arith.sitofp %add3A_665 : vector<16xi32> to vector<16xf32>
      tpu.vector_store_idx %arg14[%get3A_661], %convert_element_type3A_666 : memref<512xf32, #tpu.memory_space<vmem>>[vector<16xi32>], vector<16xf32>,
      %get3A_667 = arith.constant 112 : index
      %get3A_668 = tpu.vector_load %arg11[%get3A_667] {strides = array<i32>} : memref<128xi32, #tpu.memory_space<vmem>>, vector<16xi32>,
      %add3A_669 = arith.constant 113 : i32
      %add3A_670 = arith.addi %mul3A_616, %add3A_669 : i32
      %add3A_671 = vector.broadcast %add3A_670 : i32 to vector<16xi32>
      %add3A_672 = arith.addi %add3A_671, %iota3A : vector<16xi32>
      %convert_element_type3A_673 = arith.sitofp %add3A_672 : vector<16xi32> to vector<16xf32>
      tpu.vector_store_idx %arg14[%get3A_668], %convert_element_type3A_673 : memref<512xf32, #tpu.memory_space<vmem>>[vector<16xi32>], vector<16xf32>,
    } else {
    }
    %add3A_532 = arith.constant 704 : i32
    %add3A_533 = arith.addi %add3A_532, %add3A : i32
    %add3A_534 = arith.constant 672 : i32
    %add3A_535 = arith.addi %add3A_534, %add3A : i32
    %lt3A_536 = arith.constant 781 : i32
    %lt3A_537 = arith.cmpi slt, %add3A_535, %lt3A_536 : i32
    %convert_element_type3A_538 = arith.extui %lt3A_537 : i1 to i32
    %cond3A_539 = arith.constant 0 : i32
    %cond3A_540 = arith.cmpi ne, %convert_element_type3A_538, %cond3A_539 : i32
    scf.if %cond3A_540 {
      %dma_wait3A = arith.constant 0 : i32
      %dma_wait3A_610 = arith.constant 0 : i32
      %dma_wait3A_611 = tpu.memref_slice %arg15[%dma_wait3A, %dma_wait3A_610] : memref<512x128xf32, #tpu.memory_space<vmem_shared>> -> memref<512x128xf32, #tpu.memory_space<vmem_shared>>
      tpu.wait_indirect_dma semaphore(%arg19 : memref<!tpu.dma_semaphore, #tpu.memory_space<semaphore_mem>>) src(%arg9 : memref<128x128xf32, #tpu.memory_space<vmem>>) dst(%dma_wait3A_611 : memref<512x128xf32, #tpu.memory_space<vmem_shared>>)
    } else {
    }
    %add3A_541 = arith.constant 736 : i32
    %add3A_542 = arith.addi %add3A_541, %add3A : i32
    %mul3A_543 = arith.constant 128 : i32
    %mul3A_544 = arith.muli %add3A_542, %mul3A_543 : i32
    %multiple_of3A_545 = tpu.assume_multiple %mul3A_544, 128 : i32
    %lt3A_546 = arith.constant 781 : i32
    %lt3A_547 = arith.cmpi slt, %add3A_542, %lt3A_546 : i32
    %convert_element_type3A_548 = arith.extui %lt3A_547 : i1 to i32
    %cond3A_549 = arith.constant 0 : i32
    %cond3A_550 = arith.cmpi ne, %convert_element_type3A_548, %cond3A_549 : i32
    scf.if %cond3A_550 {
      %dma_start3A = arith.constant 0 : i32
      %dma_start3A_610 = tpu.memref_slice %arg2[%multiple_of3A_545, %dma_start3A] : memref<100000x128xf32, #tpu.memory_space<hbm>> -> memref<128x128xf32, #tpu.memory_space<hbm>>
      %dma_start3A_611 = arith.constant 0 : i32
      %dma_start3A_612 = tpu.memref_slice %arg2[%multiple_of3A_545, %dma_start3A_611] : memref<100000x128xf32, #tpu.memory_space<hbm>> -> memref<128x128xf32, #tpu.memory_space<hbm>>
      tpu.enqueue_dma source(%dma_start3A_612 : memref<128x128xf32, #tpu.memory_space<hbm>>) target(%arg9 : memref<128x128xf32, #tpu.memory_space<vmem>>) target_semaphore(%arg17 : memref<!tpu.dma_semaphore, #tpu.memory_space<semaphore_mem>>)
      %dma_start3A_613 = tpu.memref_slice %arg3[%multiple_of3A_545] : memref<100000xi32, #tpu.memory_space<hbm>> -> memref<128xi32, #tpu.memory_space<hbm>>
      %dma_start3A_614 = tpu.memref_slice %arg3[%multiple_of3A_545] : memref<100000xi32, #tpu.memory_space<hbm>> -> memref<128xi32, #tpu.memory_space<hbm>>
      tpu.enqueue_dma source(%dma_start3A_614 : memref<128xi32, #tpu.memory_space<hbm>>) target(%arg11 : memref<128xi32, #tpu.memory_space<vmem>>) target_semaphore(%arg21 : memref<!tpu.dma_semaphore, #tpu.memory_space<semaphore_mem>>)
    } else {
    }
    %lt3A_551 = arith.constant 781 : i32
    %lt3A_552 = arith.cmpi slt, %add3A_533, %lt3A_551 : i32
    %convert_element_type3A_553 = arith.extui %lt3A_552 : i1 to i32
    %cond3A_554 = arith.constant 0 : i32
    %cond3A_555 = arith.cmpi ne, %convert_element_type3A_553, %cond3A_554 : i32
    scf.if %cond3A_555 {
      %dma_wait3A = arith.constant 0 : i32
      %dma_wait3A_610 = tpu.memref_slice %arg2[%multiple_of3A_521, %dma_wait3A] : memref<100000x128xf32, #tpu.memory_space<hbm>> -> memref<128x128xf32, #tpu.memory_space<hbm>>
      %dma_wait3A_611 = arith.constant 0 : i32
      %dma_wait3A_612 = tpu.memref_slice %arg2[%multiple_of3A_521, %dma_wait3A_611] : memref<100000x128xf32, #tpu.memory_space<hbm>> -> memref<128x128xf32, #tpu.memory_space<hbm>>
      tpu.wait_dma2 semaphore(%arg16 : memref<!tpu.dma_semaphore, #tpu.memory_space<semaphore_mem>>) src(%dma_wait3A_612 : memref<128x128xf32, #tpu.memory_space<hbm>>) dst(%arg8 : memref<128x128xf32, #tpu.memory_space<vmem>>)
      %dma_wait3A_613 = tpu.memref_slice %arg3[%multiple_of3A_521] : memref<100000xi32, #tpu.memory_space<hbm>> -> memref<128xi32, #tpu.memory_space<hbm>>
      %dma_wait3A_614 = tpu.memref_slice %arg3[%multiple_of3A_521] : memref<100000xi32, #tpu.memory_space<hbm>> -> memref<128xi32, #tpu.memory_space<hbm>>
      tpu.wait_dma2 semaphore(%arg20 : memref<!tpu.dma_semaphore, #tpu.memory_space<semaphore_mem>>) src(%dma_wait3A_614 : memref<128xi32, #tpu.memory_space<hbm>>) dst(%arg10 : memref<128xi32, #tpu.memory_space<vmem>>)
      %mul3A_615 = arith.constant 128 : i32
      %mul3A_616 = arith.muli %add3A_533, %mul3A_615 : i32
      %dma_start3A = arith.constant 0 : i32
      %dma_start3A_617 = arith.constant 0 : i32
      %dma_start3A_618 = tpu.memref_slice %arg15[%dma_start3A, %dma_start3A_617] : memref<512x128xf32, #tpu.memory_space<vmem_shared>> -> memref<512x128xf32, #tpu.memory_space<vmem_shared>>
      tpu.enqueue_indirect_dma source(%arg8 : memref<128x128xf32, #tpu.memory_space<vmem>>) target(%dma_start3A_618 : memref<512x128xf32, #tpu.memory_space<vmem_shared>>) offsets(%arg10 : memref<128xi32, #tpu.memory_space<vmem>>) semaphore(%arg18 : memref<!tpu.dma_semaphore, #tpu.memory_space<semaphore_mem>>) {add = true}
      %get3A = arith.constant 0 : index
      %get3A_619 = tpu.vector_load %arg10[%get3A] {strides = array<i32>} : memref<128xi32, #tpu.memory_space<vmem>>, vector<16xi32>,
      %add3A_620 = arith.constant 1 : i32
      %add3A_621 = arith.addi %mul3A_616, %add3A_620 : i32
      %add3A_622 = vector.broadcast %add3A_621 : i32 to vector<16xi32>
      %add3A_623 = arith.addi %add3A_622, %iota3A : vector<16xi32>
      %convert_element_type3A_624 = arith.sitofp %add3A_623 : vector<16xi32> to vector<16xf32>
      tpu.vector_store_idx %arg14[%get3A_619], %convert_element_type3A_624 : memref<512xf32, #tpu.memory_space<vmem>>[vector<16xi32>], vector<16xf32>,
      %get3A_625 = arith.constant 16 : index
      %get3A_626 = tpu.vector_load %arg10[%get3A_625] {strides = array<i32>} : memref<128xi32, #tpu.memory_space<vmem>>, vector<16xi32>,
      %add3A_627 = arith.constant 17 : i32
      %add3A_628 = arith.addi %mul3A_616, %add3A_627 : i32
      %add3A_629 = vector.broadcast %add3A_628 : i32 to vector<16xi32>
      %add3A_630 = arith.addi %add3A_629, %iota3A : vector<16xi32>
      %convert_element_type3A_631 = arith.sitofp %add3A_630 : vector<16xi32> to vector<16xf32>
      tpu.vector_store_idx %arg14[%get3A_626], %convert_element_type3A_631 : memref<512xf32, #tpu.memory_space<vmem>>[vector<16xi32>], vector<16xf32>,
      %get3A_632 = arith.constant 32 : index
      %get3A_633 = tpu.vector_load %arg10[%get3A_632] {strides = array<i32>} : memref<128xi32, #tpu.memory_space<vmem>>, vector<16xi32>,
      %add3A_634 = arith.constant 33 : i32
      %add3A_635 = arith.addi %mul3A_616, %add3A_634 : i32
      %add3A_636 = vector.broadcast %add3A_635 : i32 to vector<16xi32>
      %add3A_637 = arith.addi %add3A_636, %iota3A : vector<16xi32>
      %convert_element_type3A_638 = arith.sitofp %add3A_637 : vector<16xi32> to vector<16xf32>
      tpu.vector_store_idx %arg14[%get3A_633], %convert_element_type3A_638 : memref<512xf32, #tpu.memory_space<vmem>>[vector<16xi32>], vector<16xf32>,
      %get3A_639 = arith.constant 48 : index
      %get3A_640 = tpu.vector_load %arg10[%get3A_639] {strides = array<i32>} : memref<128xi32, #tpu.memory_space<vmem>>, vector<16xi32>,
      %add3A_641 = arith.constant 49 : i32
      %add3A_642 = arith.addi %mul3A_616, %add3A_641 : i32
      %add3A_643 = vector.broadcast %add3A_642 : i32 to vector<16xi32>
      %add3A_644 = arith.addi %add3A_643, %iota3A : vector<16xi32>
      %convert_element_type3A_645 = arith.sitofp %add3A_644 : vector<16xi32> to vector<16xf32>
      tpu.vector_store_idx %arg14[%get3A_640], %convert_element_type3A_645 : memref<512xf32, #tpu.memory_space<vmem>>[vector<16xi32>], vector<16xf32>,
      %get3A_646 = arith.constant 64 : index
      %get3A_647 = tpu.vector_load %arg10[%get3A_646] {strides = array<i32>} : memref<128xi32, #tpu.memory_space<vmem>>, vector<16xi32>,
      %add3A_648 = arith.constant 65 : i32
      %add3A_649 = arith.addi %mul3A_616, %add3A_648 : i32
      %add3A_650 = vector.broadcast %add3A_649 : i32 to vector<16xi32>
      %add3A_651 = arith.addi %add3A_650, %iota3A : vector<16xi32>
      %convert_element_type3A_652 = arith.sitofp %add3A_651 : vector<16xi32> to vector<16xf32>
      tpu.vector_store_idx %arg14[%get3A_647], %convert_element_type3A_652 : memref<512xf32, #tpu.memory_space<vmem>>[vector<16xi32>], vector<16xf32>,
      %get3A_653 = arith.constant 80 : index
      %get3A_654 = tpu.vector_load %arg10[%get3A_653] {strides = array<i32>} : memref<128xi32, #tpu.memory_space<vmem>>, vector<16xi32>,
      %add3A_655 = arith.constant 81 : i32
      %add3A_656 = arith.addi %mul3A_616, %add3A_655 : i32
      %add3A_657 = vector.broadcast %add3A_656 : i32 to vector<16xi32>
      %add3A_658 = arith.addi %add3A_657, %iota3A : vector<16xi32>
      %convert_element_type3A_659 = arith.sitofp %add3A_658 : vector<16xi32> to vector<16xf32>
      tpu.vector_store_idx %arg14[%get3A_654], %convert_element_type3A_659 : memref<512xf32, #tpu.memory_space<vmem>>[vector<16xi32>], vector<16xf32>,
      %get3A_660 = arith.constant 96 : index
      %get3A_661 = tpu.vector_load %arg10[%get3A_660] {strides = array<i32>} : memref<128xi32, #tpu.memory_space<vmem>>, vector<16xi32>,
      %add3A_662 = arith.constant 97 : i32
      %add3A_663 = arith.addi %mul3A_616, %add3A_662 : i32
      %add3A_664 = vector.broadcast %add3A_663 : i32 to vector<16xi32>
      %add3A_665 = arith.addi %add3A_664, %iota3A : vector<16xi32>
      %convert_element_type3A_666 = arith.sitofp %add3A_665 : vector<16xi32> to vector<16xf32>
      tpu.vector_store_idx %arg14[%get3A_661], %convert_element_type3A_666 : memref<512xf32, #tpu.memory_space<vmem>>[vector<16xi32>], vector<16xf32>,
      %get3A_667 = arith.constant 112 : index
      %get3A_668 = tpu.vector_load %arg10[%get3A_667] {strides = array<i32>} : memref<128xi32, #tpu.memory_space<vmem>>, vector<16xi32>,
      %add3A_669 = arith.constant 113 : i32
      %add3A_670 = arith.addi %mul3A_616, %add3A_669 : i32
      %add3A_671 = vector.broadcast %add3A_670 : i32 to vector<16xi32>
      %add3A_672 = arith.addi %add3A_671, %iota3A : vector<16xi32>
      %convert_element_type3A_673 = arith.sitofp %add3A_672 : vector<16xi32> to vector<16xf32>
      tpu.vector_store_idx %arg14[%get3A_668], %convert_element_type3A_673 : memref<512xf32, #tpu.memory_space<vmem>>[vector<16xi32>], vector<16xf32>,
    } else {
    }
    %add3A_556 = arith.constant 736 : i32
    %add3A_557 = arith.addi %add3A_556, %add3A : i32
    %add3A_558 = arith.constant 704 : i32
    %add3A_559 = arith.addi %add3A_558, %add3A : i32
    %lt3A_560 = arith.constant 781 : i32
    %lt3A_561 = arith.cmpi slt, %add3A_559, %lt3A_560 : i32
    %convert_element_type3A_562 = arith.extui %lt3A_561 : i1 to i32
    %cond3A_563 = arith.constant 0 : i32
    %cond3A_564 = arith.cmpi ne, %convert_element_type3A_562, %cond3A_563 : i32
    scf.if %cond3A_564 {
      %dma_wait3A = arith.constant 0 : i32
      %dma_wait3A_610 = arith.constant 0 : i32
      %dma_wait3A_611 = tpu.memref_slice %arg15[%dma_wait3A, %dma_wait3A_610] : memref<512x128xf32, #tpu.memory_space<vmem_shared>> -> memref<512x128xf32, #tpu.memory_space<vmem_shared>>
      tpu.wait_indirect_dma semaphore(%arg18 : memref<!tpu.dma_semaphore, #tpu.memory_space<semaphore_mem>>) src(%arg8 : memref<128x128xf32, #tpu.memory_space<vmem>>) dst(%dma_wait3A_611 : memref<512x128xf32, #tpu.memory_space<vmem_shared>>)
    } else {
    }
    %add3A_565 = arith.constant 768 : i32
    %add3A_566 = arith.addi %add3A_565, %add3A : i32
    %mul3A_567 = arith.constant 128 : i32
    %mul3A_568 = arith.muli %add3A_566, %mul3A_567 : i32
    %multiple_of3A_569 = tpu.assume_multiple %mul3A_568, 128 : i32
    %lt3A_570 = arith.constant 781 : i32
    %lt3A_571 = arith.cmpi slt, %add3A_566, %lt3A_570 : i32
    %convert_element_type3A_572 = arith.extui %lt3A_571 : i1 to i32
    %cond3A_573 = arith.constant 0 : i32
    %cond3A_574 = arith.cmpi ne, %convert_element_type3A_572, %cond3A_573 : i32
    scf.if %cond3A_574 {
      %dma_start3A = arith.constant 0 : i32
      %dma_start3A_610 = tpu.memref_slice %arg2[%multiple_of3A_569, %dma_start3A] : memref<100000x128xf32, #tpu.memory_space<hbm>> -> memref<128x128xf32, #tpu.memory_space<hbm>>
      %dma_start3A_611 = arith.constant 0 : i32
      %dma_start3A_612 = tpu.memref_slice %arg2[%multiple_of3A_569, %dma_start3A_611] : memref<100000x128xf32, #tpu.memory_space<hbm>> -> memref<128x128xf32, #tpu.memory_space<hbm>>
      tpu.enqueue_dma source(%dma_start3A_612 : memref<128x128xf32, #tpu.memory_space<hbm>>) target(%arg8 : memref<128x128xf32, #tpu.memory_space<vmem>>) target_semaphore(%arg16 : memref<!tpu.dma_semaphore, #tpu.memory_space<semaphore_mem>>)
      %dma_start3A_613 = tpu.memref_slice %arg3[%multiple_of3A_569] : memref<100000xi32, #tpu.memory_space<hbm>> -> memref<128xi32, #tpu.memory_space<hbm>>
      %dma_start3A_614 = tpu.memref_slice %arg3[%multiple_of3A_569] : memref<100000xi32, #tpu.memory_space<hbm>> -> memref<128xi32, #tpu.memory_space<hbm>>
      tpu.enqueue_dma source(%dma_start3A_614 : memref<128xi32, #tpu.memory_space<hbm>>) target(%arg10 : memref<128xi32, #tpu.memory_space<vmem>>) target_semaphore(%arg20 : memref<!tpu.dma_semaphore, #tpu.memory_space<semaphore_mem>>)
    } else {
    }
    %lt3A_575 = arith.constant 781 : i32
    %lt3A_576 = arith.cmpi slt, %add3A_557, %lt3A_575 : i32
    %convert_element_type3A_577 = arith.extui %lt3A_576 : i1 to i32
    %cond3A_578 = arith.constant 0 : i32
    %cond3A_579 = arith.cmpi ne, %convert_element_type3A_577, %cond3A_578 : i32
    scf.if %cond3A_579 {
      %dma_wait3A = arith.constant 0 : i32
      %dma_wait3A_610 = tpu.memref_slice %arg2[%multiple_of3A_545, %dma_wait3A] : memref<100000x128xf32, #tpu.memory_space<hbm>> -> memref<128x128xf32, #tpu.memory_space<hbm>>
      %dma_wait3A_611 = arith.constant 0 : i32
      %dma_wait3A_612 = tpu.memref_slice %arg2[%multiple_of3A_545, %dma_wait3A_611] : memref<100000x128xf32, #tpu.memory_space<hbm>> -> memref<128x128xf32, #tpu.memory_space<hbm>>
      tpu.wait_dma2 semaphore(%arg17 : memref<!tpu.dma_semaphore, #tpu.memory_space<semaphore_mem>>) src(%dma_wait3A_612 : memref<128x128xf32, #tpu.memory_space<hbm>>) dst(%arg9 : memref<128x128xf32, #tpu.memory_space<vmem>>)
      %dma_wait3A_613 = tpu.memref_slice %arg3[%multiple_of3A_545] : memref<100000xi32, #tpu.memory_space<hbm>> -> memref<128xi32, #tpu.memory_space<hbm>>
      %dma_wait3A_614 = tpu.memref_slice %arg3[%multiple_of3A_545] : memref<100000xi32, #tpu.memory_space<hbm>> -> memref<128xi32, #tpu.memory_space<hbm>>
      tpu.wait_dma2 semaphore(%arg21 : memref<!tpu.dma_semaphore, #tpu.memory_space<semaphore_mem>>) src(%dma_wait3A_614 : memref<128xi32, #tpu.memory_space<hbm>>) dst(%arg11 : memref<128xi32, #tpu.memory_space<vmem>>)
      %mul3A_615 = arith.constant 128 : i32
      %mul3A_616 = arith.muli %add3A_557, %mul3A_615 : i32
      %dma_start3A = arith.constant 0 : i32
      %dma_start3A_617 = arith.constant 0 : i32
      %dma_start3A_618 = tpu.memref_slice %arg15[%dma_start3A, %dma_start3A_617] : memref<512x128xf32, #tpu.memory_space<vmem_shared>> -> memref<512x128xf32, #tpu.memory_space<vmem_shared>>
      tpu.enqueue_indirect_dma source(%arg9 : memref<128x128xf32, #tpu.memory_space<vmem>>) target(%dma_start3A_618 : memref<512x128xf32, #tpu.memory_space<vmem_shared>>) offsets(%arg11 : memref<128xi32, #tpu.memory_space<vmem>>) semaphore(%arg19 : memref<!tpu.dma_semaphore, #tpu.memory_space<semaphore_mem>>) {add = true}
      %get3A = arith.constant 0 : index
      %get3A_619 = tpu.vector_load %arg11[%get3A] {strides = array<i32>} : memref<128xi32, #tpu.memory_space<vmem>>, vector<16xi32>,
      %add3A_620 = arith.constant 1 : i32
      %add3A_621 = arith.addi %mul3A_616, %add3A_620 : i32
      %add3A_622 = vector.broadcast %add3A_621 : i32 to vector<16xi32>
      %add3A_623 = arith.addi %add3A_622, %iota3A : vector<16xi32>
      %convert_element_type3A_624 = arith.sitofp %add3A_623 : vector<16xi32> to vector<16xf32>
      tpu.vector_store_idx %arg14[%get3A_619], %convert_element_type3A_624 : memref<512xf32, #tpu.memory_space<vmem>>[vector<16xi32>], vector<16xf32>,
      %get3A_625 = arith.constant 16 : index
      %get3A_626 = tpu.vector_load %arg11[%get3A_625] {strides = array<i32>} : memref<128xi32, #tpu.memory_space<vmem>>, vector<16xi32>,
      %add3A_627 = arith.constant 17 : i32
      %add3A_628 = arith.addi %mul3A_616, %add3A_627 : i32
      %add3A_629 = vector.broadcast %add3A_628 : i32 to vector<16xi32>
      %add3A_630 = arith.addi %add3A_629, %iota3A : vector<16xi32>
      %convert_element_type3A_631 = arith.sitofp %add3A_630 : vector<16xi32> to vector<16xf32>
      tpu.vector_store_idx %arg14[%get3A_626], %convert_element_type3A_631 : memref<512xf32, #tpu.memory_space<vmem>>[vector<16xi32>], vector<16xf32>,
      %get3A_632 = arith.constant 32 : index
      %get3A_633 = tpu.vector_load %arg11[%get3A_632] {strides = array<i32>} : memref<128xi32, #tpu.memory_space<vmem>>, vector<16xi32>,
      %add3A_634 = arith.constant 33 : i32
      %add3A_635 = arith.addi %mul3A_616, %add3A_634 : i32
      %add3A_636 = vector.broadcast %add3A_635 : i32 to vector<16xi32>
      %add3A_637 = arith.addi %add3A_636, %iota3A : vector<16xi32>
      %convert_element_type3A_638 = arith.sitofp %add3A_637 : vector<16xi32> to vector<16xf32>
      tpu.vector_store_idx %arg14[%get3A_633], %convert_element_type3A_638 : memref<512xf32, #tpu.memory_space<vmem>>[vector<16xi32>], vector<16xf32>,
      %get3A_639 = arith.constant 48 : index
      %get3A_640 = tpu.vector_load %arg11[%get3A_639] {strides = array<i32>} : memref<128xi32, #tpu.memory_space<vmem>>, vector<16xi32>,
      %add3A_641 = arith.constant 49 : i32
      %add3A_642 = arith.addi %mul3A_616, %add3A_641 : i32
      %add3A_643 = vector.broadcast %add3A_642 : i32 to vector<16xi32>
      %add3A_644 = arith.addi %add3A_643, %iota3A : vector<16xi32>
      %convert_element_type3A_645 = arith.sitofp %add3A_644 : vector<16xi32> to vector<16xf32>
      tpu.vector_store_idx %arg14[%get3A_640], %convert_element_type3A_645 : memref<512xf32, #tpu.memory_space<vmem>>[vector<16xi32>], vector<16xf32>,
      %get3A_646 = arith.constant 64 : index
      %get3A_647 = tpu.vector_load %arg11[%get3A_646] {strides = array<i32>} : memref<128xi32, #tpu.memory_space<vmem>>, vector<16xi32>,
      %add3A_648 = arith.constant 65 : i32
      %add3A_649 = arith.addi %mul3A_616, %add3A_648 : i32
      %add3A_650 = vector.broadcast %add3A_649 : i32 to vector<16xi32>
      %add3A_651 = arith.addi %add3A_650, %iota3A : vector<16xi32>
      %convert_element_type3A_652 = arith.sitofp %add3A_651 : vector<16xi32> to vector<16xf32>
      tpu.vector_store_idx %arg14[%get3A_647], %convert_element_type3A_652 : memref<512xf32, #tpu.memory_space<vmem>>[vector<16xi32>], vector<16xf32>,
      %get3A_653 = arith.constant 80 : index
      %get3A_654 = tpu.vector_load %arg11[%get3A_653] {strides = array<i32>} : memref<128xi32, #tpu.memory_space<vmem>>, vector<16xi32>,
      %add3A_655 = arith.constant 81 : i32
      %add3A_656 = arith.addi %mul3A_616, %add3A_655 : i32
      %add3A_657 = vector.broadcast %add3A_656 : i32 to vector<16xi32>
      %add3A_658 = arith.addi %add3A_657, %iota3A : vector<16xi32>
      %convert_element_type3A_659 = arith.sitofp %add3A_658 : vector<16xi32> to vector<16xf32>
      tpu.vector_store_idx %arg14[%get3A_654], %convert_element_type3A_659 : memref<512xf32, #tpu.memory_space<vmem>>[vector<16xi32>], vector<16xf32>,
      %get3A_660 = arith.constant 96 : index
      %get3A_661 = tpu.vector_load %arg11[%get3A_660] {strides = array<i32>} : memref<128xi32, #tpu.memory_space<vmem>>, vector<16xi32>,
      %add3A_662 = arith.constant 97 : i32
      %add3A_663 = arith.addi %mul3A_616, %add3A_662 : i32
      %add3A_664 = vector.broadcast %add3A_663 : i32 to vector<16xi32>
      %add3A_665 = arith.addi %add3A_664, %iota3A : vector<16xi32>
      %convert_element_type3A_666 = arith.sitofp %add3A_665 : vector<16xi32> to vector<16xf32>
      tpu.vector_store_idx %arg14[%get3A_661], %convert_element_type3A_666 : memref<512xf32, #tpu.memory_space<vmem>>[vector<16xi32>], vector<16xf32>,
      %get3A_667 = arith.constant 112 : index
      %get3A_668 = tpu.vector_load %arg11[%get3A_667] {strides = array<i32>} : memref<128xi32, #tpu.memory_space<vmem>>, vector<16xi32>,
      %add3A_669 = arith.constant 113 : i32
      %add3A_670 = arith.addi %mul3A_616, %add3A_669 : i32
      %add3A_671 = vector.broadcast %add3A_670 : i32 to vector<16xi32>
      %add3A_672 = arith.addi %add3A_671, %iota3A : vector<16xi32>
      %convert_element_type3A_673 = arith.sitofp %add3A_672 : vector<16xi32> to vector<16xf32>
      tpu.vector_store_idx %arg14[%get3A_668], %convert_element_type3A_673 : memref<512xf32, #tpu.memory_space<vmem>>[vector<16xi32>], vector<16xf32>,
    } else {
    }
    %add3A_580 = arith.constant 768 : i32
    %add3A_581 = arith.addi %add3A_580, %add3A : i32
    %add3A_582 = arith.constant 736 : i32
    %add3A_583 = arith.addi %add3A_582, %add3A : i32
    %lt3A_584 = arith.constant 781 : i32
    %lt3A_585 = arith.cmpi slt, %add3A_583, %lt3A_584 : i32
    %convert_element_type3A_586 = arith.extui %lt3A_585 : i1 to i32
    %cond3A_587 = arith.constant 0 : i32
    %cond3A_588 = arith.cmpi ne, %convert_element_type3A_586, %cond3A_587 : i32
    scf.if %cond3A_588 {
      %dma_wait3A = arith.constant 0 : i32
      %dma_wait3A_610 = arith.constant 0 : i32
      %dma_wait3A_611 = tpu.memref_slice %arg15[%dma_wait3A, %dma_wait3A_610] : memref<512x128xf32, #tpu.memory_space<vmem_shared>> -> memref<512x128xf32, #tpu.memory_space<vmem_shared>>
      tpu.wait_indirect_dma semaphore(%arg19 : memref<!tpu.dma_semaphore, #tpu.memory_space<semaphore_mem>>) src(%arg9 : memref<128x128xf32, #tpu.memory_space<vmem>>) dst(%dma_wait3A_611 : memref<512x128xf32, #tpu.memory_space<vmem_shared>>)
    } else {
    }
    %lt3A_589 = arith.constant 781 : i32
    %lt3A_590 = arith.cmpi slt, %add3A_581, %lt3A_589 : i32
    %convert_element_type3A_591 = arith.extui %lt3A_590 : i1 to i32
    %cond3A_592 = arith.constant 0 : i32
    %cond3A_593 = arith.cmpi ne, %convert_element_type3A_591, %cond3A_592 : i32
    scf.if %cond3A_593 {
      %dma_wait3A = arith.constant 0 : i32
      %dma_wait3A_610 = tpu.memref_slice %arg2[%multiple_of3A_569, %dma_wait3A] : memref<100000x128xf32, #tpu.memory_space<hbm>> -> memref<128x128xf32, #tpu.memory_space<hbm>>
      %dma_wait3A_611 = arith.constant 0 : i32
      %dma_wait3A_612 = tpu.memref_slice %arg2[%multiple_of3A_569, %dma_wait3A_611] : memref<100000x128xf32, #tpu.memory_space<hbm>> -> memref<128x128xf32, #tpu.memory_space<hbm>>
      tpu.wait_dma2 semaphore(%arg16 : memref<!tpu.dma_semaphore, #tpu.memory_space<semaphore_mem>>) src(%dma_wait3A_612 : memref<128x128xf32, #tpu.memory_space<hbm>>) dst(%arg8 : memref<128x128xf32, #tpu.memory_space<vmem>>)
      %dma_wait3A_613 = tpu.memref_slice %arg3[%multiple_of3A_569] : memref<100000xi32, #tpu.memory_space<hbm>> -> memref<128xi32, #tpu.memory_space<hbm>>
      %dma_wait3A_614 = tpu.memref_slice %arg3[%multiple_of3A_569] : memref<100000xi32, #tpu.memory_space<hbm>> -> memref<128xi32, #tpu.memory_space<hbm>>
      tpu.wait_dma2 semaphore(%arg20 : memref<!tpu.dma_semaphore, #tpu.memory_space<semaphore_mem>>) src(%dma_wait3A_614 : memref<128xi32, #tpu.memory_space<hbm>>) dst(%arg10 : memref<128xi32, #tpu.memory_space<vmem>>)
      %mul3A_615 = arith.constant 128 : i32
      %mul3A_616 = arith.muli %add3A_581, %mul3A_615 : i32
      %dma_start3A = arith.constant 0 : i32
      %dma_start3A_617 = arith.constant 0 : i32
      %dma_start3A_618 = tpu.memref_slice %arg15[%dma_start3A, %dma_start3A_617] : memref<512x128xf32, #tpu.memory_space<vmem_shared>> -> memref<512x128xf32, #tpu.memory_space<vmem_shared>>
      tpu.enqueue_indirect_dma source(%arg8 : memref<128x128xf32, #tpu.memory_space<vmem>>) target(%dma_start3A_618 : memref<512x128xf32, #tpu.memory_space<vmem_shared>>) offsets(%arg10 : memref<128xi32, #tpu.memory_space<vmem>>) semaphore(%arg18 : memref<!tpu.dma_semaphore, #tpu.memory_space<semaphore_mem>>) {add = true}
      %get3A = arith.constant 0 : index
      %get3A_619 = tpu.vector_load %arg10[%get3A] {strides = array<i32>} : memref<128xi32, #tpu.memory_space<vmem>>, vector<16xi32>,
      %add3A_620 = arith.constant 1 : i32
      %add3A_621 = arith.addi %mul3A_616, %add3A_620 : i32
      %add3A_622 = vector.broadcast %add3A_621 : i32 to vector<16xi32>
      %add3A_623 = arith.addi %add3A_622, %iota3A : vector<16xi32>
      %convert_element_type3A_624 = arith.sitofp %add3A_623 : vector<16xi32> to vector<16xf32>
      tpu.vector_store_idx %arg14[%get3A_619], %convert_element_type3A_624 : memref<512xf32, #tpu.memory_space<vmem>>[vector<16xi32>], vector<16xf32>,
      %get3A_625 = arith.constant 16 : index
      %get3A_626 = tpu.vector_load %arg10[%get3A_625] {strides = array<i32>} : memref<128xi32, #tpu.memory_space<vmem>>, vector<16xi32>,
      %add3A_627 = arith.constant 17 : i32
      %add3A_628 = arith.addi %mul3A_616, %add3A_627 : i32
      %add3A_629 = vector.broadcast %add3A_628 : i32 to vector<16xi32>
      %add3A_630 = arith.addi %add3A_629, %iota3A : vector<16xi32>
      %convert_element_type3A_631 = arith.sitofp %add3A_630 : vector<16xi32> to vector<16xf32>
      tpu.vector_store_idx %arg14[%get3A_626], %convert_element_type3A_631 : memref<512xf32, #tpu.memory_space<vmem>>[vector<16xi32>], vector<16xf32>,
      %get3A_632 = arith.constant 32 : index
      %get3A_633 = tpu.vector_load %arg10[%get3A_632] {strides = array<i32>} : memref<128xi32, #tpu.memory_space<vmem>>, vector<16xi32>,
      %add3A_634 = arith.constant 33 : i32
      %add3A_635 = arith.addi %mul3A_616, %add3A_634 : i32
      %add3A_636 = vector.broadcast %add3A_635 : i32 to vector<16xi32>
      %add3A_637 = arith.addi %add3A_636, %iota3A : vector<16xi32>
      %convert_element_type3A_638 = arith.sitofp %add3A_637 : vector<16xi32> to vector<16xf32>
      tpu.vector_store_idx %arg14[%get3A_633], %convert_element_type3A_638 : memref<512xf32, #tpu.memory_space<vmem>>[vector<16xi32>], vector<16xf32>,
      %get3A_639 = arith.constant 48 : index
      %get3A_640 = tpu.vector_load %arg10[%get3A_639] {strides = array<i32>} : memref<128xi32, #tpu.memory_space<vmem>>, vector<16xi32>,
      %add3A_641 = arith.constant 49 : i32
      %add3A_642 = arith.addi %mul3A_616, %add3A_641 : i32
      %add3A_643 = vector.broadcast %add3A_642 : i32 to vector<16xi32>
      %add3A_644 = arith.addi %add3A_643, %iota3A : vector<16xi32>
      %convert_element_type3A_645 = arith.sitofp %add3A_644 : vector<16xi32> to vector<16xf32>
      tpu.vector_store_idx %arg14[%get3A_640], %convert_element_type3A_645 : memref<512xf32, #tpu.memory_space<vmem>>[vector<16xi32>], vector<16xf32>,
      %get3A_646 = arith.constant 64 : index
      %get3A_647 = tpu.vector_load %arg10[%get3A_646] {strides = array<i32>} : memref<128xi32, #tpu.memory_space<vmem>>, vector<16xi32>,
      %add3A_648 = arith.constant 65 : i32
      %add3A_649 = arith.addi %mul3A_616, %add3A_648 : i32
      %add3A_650 = vector.broadcast %add3A_649 : i32 to vector<16xi32>
      %add3A_651 = arith.addi %add3A_650, %iota3A : vector<16xi32>
      %convert_element_type3A_652 = arith.sitofp %add3A_651 : vector<16xi32> to vector<16xf32>
      tpu.vector_store_idx %arg14[%get3A_647], %convert_element_type3A_652 : memref<512xf32, #tpu.memory_space<vmem>>[vector<16xi32>], vector<16xf32>,
      %get3A_653 = arith.constant 80 : index
      %get3A_654 = tpu.vector_load %arg10[%get3A_653] {strides = array<i32>} : memref<128xi32, #tpu.memory_space<vmem>>, vector<16xi32>,
      %add3A_655 = arith.constant 81 : i32
      %add3A_656 = arith.addi %mul3A_616, %add3A_655 : i32
      %add3A_657 = vector.broadcast %add3A_656 : i32 to vector<16xi32>
      %add3A_658 = arith.addi %add3A_657, %iota3A : vector<16xi32>
      %convert_element_type3A_659 = arith.sitofp %add3A_658 : vector<16xi32> to vector<16xf32>
      tpu.vector_store_idx %arg14[%get3A_654], %convert_element_type3A_659 : memref<512xf32, #tpu.memory_space<vmem>>[vector<16xi32>], vector<16xf32>,
      %get3A_660 = arith.constant 96 : index
      %get3A_661 = tpu.vector_load %arg10[%get3A_660] {strides = array<i32>} : memref<128xi32, #tpu.memory_space<vmem>>, vector<16xi32>,
      %add3A_662 = arith.constant 97 : i32
      %add3A_663 = arith.addi %mul3A_616, %add3A_662 : i32
      %add3A_664 = vector.broadcast %add3A_663 : i32 to vector<16xi32>
      %add3A_665 = arith.addi %add3A_664, %iota3A : vector<16xi32>
      %convert_element_type3A_666 = arith.sitofp %add3A_665 : vector<16xi32> to vector<16xf32>
      tpu.vector_store_idx %arg14[%get3A_661], %convert_element_type3A_666 : memref<512xf32, #tpu.memory_space<vmem>>[vector<16xi32>], vector<16xf32>,
      %get3A_667 = arith.constant 112 : index
      %get3A_668 = tpu.vector_load %arg10[%get3A_667] {strides = array<i32>} : memref<128xi32, #tpu.memory_space<vmem>>, vector<16xi32>,
      %add3A_669 = arith.constant 113 : i32
      %add3A_670 = arith.addi %mul3A_616, %add3A_669 : i32
      %add3A_671 = vector.broadcast %add3A_670 : i32 to vector<16xi32>
      %add3A_672 = arith.addi %add3A_671, %iota3A : vector<16xi32>
      %convert_element_type3A_673 = arith.sitofp %add3A_672 : vector<16xi32> to vector<16xf32>
      tpu.vector_store_idx %arg14[%get3A_668], %convert_element_type3A_673 : memref<512xf32, #tpu.memory_space<vmem>>[vector<16xi32>], vector<16xf32>,
    } else {
    }
    %add3A_594 = arith.constant 768 : i32
    %add3A_595 = arith.addi %add3A_594, %add3A : i32
    %lt3A_596 = arith.constant 781 : i32
    %lt3A_597 = arith.cmpi slt, %add3A_595, %lt3A_596 : i32
    %convert_element_type3A_598 = arith.extui %lt3A_597 : i1 to i32
    %cond3A_599 = arith.constant 0 : i32
    %cond3A_600 = arith.cmpi ne, %convert_element_type3A_598, %cond3A_599 : i32
    scf.if %cond3A_600 {
      %dma_wait3A = arith.constant 0 : i32
      %dma_wait3A_610 = arith.constant 0 : i32
      %dma_wait3A_611 = tpu.memref_slice %arg15[%dma_wait3A, %dma_wait3A_610] : memref<512x128xf32, #tpu.memory_space<vmem_shared>> -> memref<512x128xf32, #tpu.memory_space<vmem_shared>>
      tpu.wait_indirect_dma semaphore(%arg18 : memref<!tpu.dma_semaphore, #tpu.memory_space<semaphore_mem>>) src(%arg8 : memref<128x128xf32, #tpu.memory_space<vmem>>) dst(%dma_wait3A_611 : memref<512x128xf32, #tpu.memory_space<vmem_shared>>)
    } else {
    }
    %eq3A = arith.constant 31 : i32
    %eq3A_601 = arith.cmpi eq, %add3A, %eq3A : i32
    %convert_element_type3A_602 = arith.extui %eq3A_601 : i1 to i32
    %cond3A_603 = arith.constant 0 : i32
    %cond3A_604 = arith.cmpi ne, %convert_element_type3A_602, %cond3A_603 : i32
    scf.if %cond3A_604 {
      "tpu.region"() ({
        %run_scoped3A = tpu.sem_alloc : memref<!tpu.dma_semaphore, #tpu.memory_space<semaphore_mem>>
        %dma_start3A = arith.constant 99968 : i32
        %dma_start3A_621 = arith.constant 0 : i32
        %dma_start3A_622 = tpu.memref_slice %arg2[%dma_start3A, %dma_start3A_621] : memref<100000x128xf32, #tpu.memory_space<hbm>> -> memref<32x128xf32, #tpu.memory_space<hbm>>
        %dma_start3A_623 = arith.constant 99968 : i32
        %dma_start3A_624 = arith.constant 0 : i32
        %dma_start3A_625 = tpu.memref_slice %arg2[%dma_start3A_623, %dma_start3A_624] : memref<100000x128xf32, #tpu.memory_space<hbm>> -> memref<32x128xf32, #tpu.memory_space<hbm>>
        tpu.enqueue_dma source(%dma_start3A_625 : memref<32x128xf32, #tpu.memory_space<hbm>>) target(%arg12 : memref<32x128xf32, #tpu.memory_space<vmem>>) target_semaphore(%run_scoped3A : memref<!tpu.dma_semaphore, #tpu.memory_space<semaphore_mem>>)
        %dma_wait3A = arith.constant 99968 : i32
        %dma_wait3A_626 = arith.constant 0 : i32
        %dma_wait3A_627 = tpu.memref_slice %arg2[%dma_wait3A, %dma_wait3A_626] : memref<100000x128xf32, #tpu.memory_space<hbm>> -> memref<32x128xf32, #tpu.memory_space<hbm>>
        %dma_wait3A_628 = arith.constant 99968 : i32
        %dma_wait3A_629 = arith.constant 0 : i32
        %dma_wait3A_630 = tpu.memref_slice %arg2[%dma_wait3A_628, %dma_wait3A_629] : memref<100000x128xf32, #tpu.memory_space<hbm>> -> memref<32x128xf32, #tpu.memory_space<hbm>>
        tpu.wait_dma2 semaphore(%run_scoped3A : memref<!tpu.dma_semaphore, #tpu.memory_space<semaphore_mem>>) src(%dma_wait3A_630 : memref<32x128xf32, #tpu.memory_space<hbm>>) dst(%arg12 : memref<32x128xf32, #tpu.memory_space<vmem>>)
        tpu.yield
      }) : () -> ()
      "tpu.region"() ({
        %run_scoped3A = tpu.sem_alloc : memref<!tpu.dma_semaphore, #tpu.memory_space<semaphore_mem>>
        %dma_start3A = arith.constant 99968 : i32
        %dma_start3A_621 = tpu.memref_slice %arg3[%dma_start3A] : memref<100000xi32, #tpu.memory_space<hbm>> -> memref<32xi32, #tpu.memory_space<hbm>>
        %dma_start3A_622 = arith.constant 99968 : i32
        %dma_start3A_623 = tpu.memref_slice %arg3[%dma_start3A_622] : memref<100000xi32, #tpu.memory_space<hbm>> -> memref<32xi32, #tpu.memory_space<hbm>>
        tpu.enqueue_dma source(%dma_start3A_623 : memref<32xi32, #tpu.memory_space<hbm>>) target(%arg13 : memref<32xi32, #tpu.memory_space<vmem>>) target_semaphore(%run_scoped3A : memref<!tpu.dma_semaphore, #tpu.memory_space<semaphore_mem>>)
        %dma_wait3A = arith.constant 99968 : i32
        %dma_wait3A_624 = tpu.memref_slice %arg3[%dma_wait3A] : memref<100000xi32, #tpu.memory_space<hbm>> -> memref<32xi32, #tpu.memory_space<hbm>>
        %dma_wait3A_625 = arith.constant 99968 : i32
        %dma_wait3A_626 = tpu.memref_slice %arg3[%dma_wait3A_625] : memref<100000xi32, #tpu.memory_space<hbm>> -> memref<32xi32, #tpu.memory_space<hbm>>
        tpu.wait_dma2 semaphore(%run_scoped3A : memref<!tpu.dma_semaphore, #tpu.memory_space<semaphore_mem>>) src(%dma_wait3A_626 : memref<32xi32, #tpu.memory_space<hbm>>) dst(%arg13 : memref<32xi32, #tpu.memory_space<vmem>>)
        tpu.yield
      }) : () -> ()
      "tpu.region"() ({
        %run_scoped3A = tpu.sem_alloc : memref<!tpu.dma_semaphore, #tpu.memory_space<semaphore_mem>>
        %dma_start3A = arith.constant 0 : i32
        %dma_start3A_621 = arith.constant 0 : i32
        %dma_start3A_622 = tpu.memref_slice %arg15[%dma_start3A, %dma_start3A_621] : memref<512x128xf32, #tpu.memory_space<vmem_shared>> -> memref<512x128xf32, #tpu.memory_space<vmem_shared>>
        tpu.enqueue_indirect_dma source(%arg12 : memref<32x128xf32, #tpu.memory_space<vmem>>) target(%dma_start3A_622 : memref<512x128xf32, #tpu.memory_space<vmem_shared>>) offsets(%arg13 : memref<32xi32, #tpu.memory_space<vmem>>) semaphore(%run_scoped3A : memref<!tpu.dma_semaphore, #tpu.memory_space<semaphore_mem>>) {add = true}
        %dma_wait3A = arith.constant 0 : i32
        %dma_wait3A_623 = arith.constant 0 : i32
        %dma_wait3A_624 = tpu.memref_slice %arg15[%dma_wait3A, %dma_wait3A_623] : memref<512x128xf32, #tpu.memory_space<vmem_shared>> -> memref<512x128xf32, #tpu.memory_space<vmem_shared>>
        tpu.wait_indirect_dma semaphore(%run_scoped3A : memref<!tpu.dma_semaphore, #tpu.memory_space<semaphore_mem>>) src(%arg12 : memref<32x128xf32, #tpu.memory_space<vmem>>) dst(%dma_wait3A_624 : memref<512x128xf32, #tpu.memory_space<vmem_shared>>)
        tpu.yield
      }) : () -> ()
      %get3A = arith.constant 0 : index
      %get3A_610 = tpu.vector_load %arg13[%get3A] {strides = array<i32>} : memref<32xi32, #tpu.memory_space<vmem>>, vector<16xi32>,
      %add3A_611 = arith.constant 99969 : i32
      %add3A_612 = vector.broadcast %add3A_611 : i32 to vector<16xi32>
      %add3A_613 = arith.addi %add3A_612, %iota3A : vector<16xi32>
      %convert_element_type3A_614 = arith.sitofp %add3A_613 : vector<16xi32> to vector<16xf32>
      tpu.vector_store_idx %arg14[%get3A_610], %convert_element_type3A_614 : memref<512xf32, #tpu.memory_space<vmem>>[vector<16xi32>], vector<16xf32>,
      %get3A_615 = arith.constant 16 : index
      %get3A_616 = tpu.vector_load %arg13[%get3A_615] {strides = array<i32>} : memref<32xi32, #tpu.memory_space<vmem>>, vector<16xi32>,
      %add3A_617 = arith.constant 99985 : i32
      %add3A_618 = vector.broadcast %add3A_617 : i32 to vector<16xi32>
      %add3A_619 = arith.addi %add3A_618, %iota3A : vector<16xi32>
      %convert_element_type3A_620 = arith.sitofp %add3A_619 : vector<16xi32> to vector<16xf32>
      tpu.vector_store_idx %arg14[%get3A_616], %convert_element_type3A_620 : memref<512xf32, #tpu.memory_space<vmem>>[vector<16xi32>], vector<16xf32>,
    } else {
    }
    %barrier3A_605 = arith.constant 0 : index
    tpu.barrier barrier_id(%barrier3A_605)
    %mul3A_606 = arith.constant 32 : i32
    %mul3A_607 = arith.muli %arg1, %mul3A_606 : i32
    %mul3A_608 = arith.constant 32 : i32
    %mul3A_609 = arith.muli %arg1, %mul3A_608 : i32
    "tpu.region"() ({
      %run_scoped3A = tpu.sem_alloc : memref<!tpu.dma_semaphore, #tpu.memory_space<semaphore_mem>>
      %dma_start3A = arith.constant 0 : i32
      %dma_start3A_610 = tpu.memref_slice %arg6[%arg0, %mul3A_609, %dma_start3A] : memref<2x512x128xf32, #tpu.memory_space<hbm>> -> memref<1x32x128xf32, #tpu.memory_space<hbm>>
      %dma_start3A_611 = tpu.memref_squeeze %dma_start3A_610 : memref<1x32x128xf32, #tpu.memory_space<hbm>> -> memref<32x128xf32, #tpu.memory_space<hbm>>
      %dma_start3A_612 = arith.constant 0 : i32
      %dma_start3A_613 = tpu.memref_slice %arg15[%mul3A_607, %dma_start3A_612] : memref<512x128xf32, #tpu.memory_space<vmem_shared>> -> memref<32x128xf32, #tpu.memory_space<vmem_shared>>
      tpu.enqueue_dma source(%dma_start3A_613 : memref<32x128xf32, #tpu.memory_space<vmem_shared>>) target(%dma_start3A_611 : memref<32x128xf32, #tpu.memory_space<hbm>>) target_semaphore(%run_scoped3A : memref<!tpu.dma_semaphore, #tpu.memory_space<semaphore_mem>>)
      %dma_wait3A = arith.constant 0 : i32
      %dma_wait3A_614 = tpu.memref_slice %arg6[%arg0, %mul3A_609, %dma_wait3A] : memref<2x512x128xf32, #tpu.memory_space<hbm>> -> memref<1x32x128xf32, #tpu.memory_space<hbm>>
      %dma_wait3A_615 = tpu.memref_squeeze %dma_wait3A_614 : memref<1x32x128xf32, #tpu.memory_space<hbm>> -> memref<32x128xf32, #tpu.memory_space<hbm>>
      %dma_wait3A_616 = arith.constant 0 : i32
      %dma_wait3A_617 = tpu.memref_slice %arg15[%mul3A_607, %dma_wait3A_616] : memref<512x128xf32, #tpu.memory_space<vmem_shared>> -> memref<32x128xf32, #tpu.memory_space<vmem_shared>>
      tpu.wait_dma2 semaphore(%run_scoped3A : memref<!tpu.dma_semaphore, #tpu.memory_space<semaphore_mem>>) src(%dma_wait3A_617 : memref<32x128xf32, #tpu.memory_space<vmem_shared>>) dst(%dma_wait3A_615 : memref<32x128xf32, #tpu.memory_space<hbm>>)
      tpu.yield
    }) : () -> ()
    "tpu.region"() ({
      %run_scoped3A = tpu.sem_alloc : memref<!tpu.dma_semaphore, #tpu.memory_space<semaphore_mem>>
      %dma_start3A = arith.constant 0 : i32
      %dma_start3A_610 = tpu.memref_slice %arg7[%add3A, %dma_start3A] : memref<32x512xf32, #tpu.memory_space<hbm>> -> memref<1x512xf32, #tpu.memory_space<hbm>>
      %dma_start3A_611 = tpu.memref_squeeze %dma_start3A_610 : memref<1x512xf32, #tpu.memory_space<hbm>> -> memref<512xf32, #tpu.memory_space<hbm>>
      %dma_start3A_612 = arith.constant 0 : i32
      %dma_start3A_613 = tpu.memref_slice %arg7[%add3A, %dma_start3A_612] : memref<32x512xf32, #tpu.memory_space<hbm>> -> memref<1x512xf32, #tpu.memory_space<hbm>>
      %dma_start3A_614 = tpu.memref_squeeze %dma_start3A_613 : memref<1x512xf32, #tpu.memory_space<hbm>> -> memref<512xf32, #tpu.memory_space<hbm>>
      tpu.enqueue_dma source(%arg14 : memref<512xf32, #tpu.memory_space<vmem>>) target(%dma_start3A_614 : memref<512xf32, #tpu.memory_space<hbm>>) target_semaphore(%run_scoped3A : memref<!tpu.dma_semaphore, #tpu.memory_space<semaphore_mem>>)
      %dma_wait3A = arith.constant 0 : i32
      %dma_wait3A_615 = tpu.memref_slice %arg7[%add3A, %dma_wait3A] : memref<32x512xf32, #tpu.memory_space<hbm>> -> memref<1x512xf32, #tpu.memory_space<hbm>>
      %dma_wait3A_616 = tpu.memref_squeeze %dma_wait3A_615 : memref<1x512xf32, #tpu.memory_space<hbm>> -> memref<512xf32, #tpu.memory_space<hbm>>
      %dma_wait3A_617 = arith.constant 0 : i32
      %dma_wait3A_618 = tpu.memref_slice %arg7[%add3A, %dma_wait3A_617] : memref<32x512xf32, #tpu.memory_space<hbm>> -> memref<1x512xf32, #tpu.memory_space<hbm>>
      %dma_wait3A_619 = tpu.memref_squeeze %dma_wait3A_618 : memref<1x512xf32, #tpu.memory_space<hbm>> -> memref<512xf32, #tpu.memory_space<hbm>>
      tpu.wait_dma2 semaphore(%run_scoped3A : memref<!tpu.dma_semaphore, #tpu.memory_space<semaphore_mem>>) src(%arg14 : memref<512xf32, #tpu.memory_space<vmem>>) dst(%dma_wait3A_619 : memref<512xf32, #tpu.memory_space<hbm>>)
      tpu.yield
    }) : () -> ()
    return
  }
}

module attributes {stable_mosaic.version = 14 : i64} {
  func.func @_head_body(%arg0: memref<2x512x128xf32, #tpu.memory_space<vmem>>, %arg1: memref<32x512xf32, #tpu.memory_space<vmem>>, %arg2: memref<128x128xf32, #tpu.memory_space<vmem>>, %arg3: memref<1x128xf32, #tpu.memory_space<vmem>>, %arg4: memref<512x128xf32, #tpu.memory_space<vmem>>) attributes {dimension_semantics = [], scalar_prefetch = 0 : i64, scratch_operands = 0 : i64, tpu.core_type = #tpu.core_type<tc>} {
    %get3A = arith.constant 0 : index
    %get3A_0 = arith.constant 0 : index
    %get3A_1 = vector.load %arg1[%get3A, %get3A_0] : memref<32x512xf32, #tpu.memory_space<vmem>>, vector<32x512xf32>
    %reduce_max3A = arith.constant dense<0xFF800000> : vector<512xf32>
    %reduce_max3A_2 = vector.multi_reduction <maximumf>, %get3A_1, %reduce_max3A [0] : vector<32x512xf32> to vector<512xf32>
    %iota3A = tpu.iota {dimensions = array<i32: 0>} : vector<512x512xi32>
    %iota3A_3 = tpu.iota {dimensions = array<i32: 1>} : vector<512x512xi32>
    %lt3A = arith.cmpi slt, %iota3A, %iota3A_3 : vector<512x512xi32>
    %broadcast_in_dim3A = vector.shape_cast %reduce_max3A_2 : vector<512xf32> to vector<512x1xf32>
    %jit3A = arith.constant 0.000000e+00 : f32
    %broadcast_in_dim3A_4 = vector.shape_cast %broadcast_in_dim3A : vector<512x1xf32> to vector<512x1xf32>
    %broadcast_in_dim3A_5 = vector.broadcast %broadcast_in_dim3A_4 : vector<512x1xf32> to vector<512x512xf32>
    %broadcast_in_dim3A_6 = vector.broadcast %jit3A : f32 to vector<512x512xf32>
    %select_n3A = arith.select %lt3A, %broadcast_in_dim3A_5, %broadcast_in_dim3A_6 : vector<512x512xi1>, vector<512x512xf32>
    %reduce_max3A_7 = arith.constant dense<0xFF800000> : vector<512xf32>
    %reduce_max3A_8 = vector.multi_reduction <maximumf>, %select_n3A, %reduce_max3A_7 [0] : vector<512x512xf32> to vector<512xf32>
    %sub3A = arith.subf %reduce_max3A_2, %reduce_max3A_8 : vector<512xf32>
    %max3A = arith.constant 1.000000e+00 : f32
    %max3A_9 = vector.broadcast %max3A : f32 to vector<512xf32>
    %max3A_10 = arith.maximumf %sub3A, %max3A_9 : vector<512xf32>
    %broadcast_in_dim3A_11 = vector.shape_cast %max3A_10 : vector<512xf32> to vector<512x1xf32>
    %get3A_12 = arith.constant 0 : index
    %get3A_13 = arith.constant 0 : index
    %get3A_14 = arith.constant 0 : index
    %get3A_15 = vector.load %arg0[%get3A_12, %get3A_13, %get3A_14] : memref<2x512x128xf32, #tpu.memory_space<vmem>>, vector<1x512x128xf32>
    %get3A_16 = vector.shape_cast %get3A_15 : vector<1x512x128xf32> to vector<512x128xf32>
    %get3A_17 = arith.constant 1 : index
    %get3A_18 = arith.constant 0 : index
    %get3A_19 = arith.constant 0 : index
    %get3A_20 = vector.load %arg0[%get3A_17, %get3A_18, %get3A_19] : memref<2x512x128xf32, #tpu.memory_space<vmem>>, vector<1x512x128xf32>
    %get3A_21 = vector.shape_cast %get3A_20 : vector<1x512x128xf32> to vector<512x128xf32>
    %add3A = arith.addf %get3A_16, %get3A_21 : vector<512x128xf32>
    %div3A = vector.broadcast %broadcast_in_dim3A_11 : vector<512x1xf32> to vector<512x128xf32>
    %div3A_22 = arith.divf %add3A, %div3A : vector<512x128xf32>
    %get3A_23 = arith.constant 0 : index
    %get3A_24 = arith.constant 0 : index
    %get3A_25 = vector.load %arg2[%get3A_23, %get3A_24] : memref<128x128xf32, #tpu.memory_space<vmem>>, vector<128x128xf32>
    %dot_general3A = arith.constant dense<0.000000e+00> : vector<512x128xf32>
    %dot_general3A_26 = tpu.matmul %div3A_22, %get3A_25, %dot_general3A {dimension_numbers = #tpu.dot_dimension_numbers<[1], [0], [0], [1], [0, 0, 1, 1], [], []>, transpose_lhs_hint = false} : vector<512x128xf32>, vector<128x128xf32>, vector<512x128xf32> -> vector<512x128xf32>
    %get3A_27 = arith.constant 0 : index
    %get3A_28 = arith.constant 0 : index
    %get3A_29 = vector.load %arg3[%get3A_27, %get3A_28] : memref<1x128xf32, #tpu.memory_space<vmem>>, vector<1x128xf32>
    %add3A_30 = vector.broadcast %get3A_29 : vector<1x128xf32> to vector<512x128xf32>
    %add3A_31 = arith.addf %dot_general3A_26, %add3A_30 : vector<512x128xf32>
    %swap3A = arith.constant 0 : index
    %swap3A_32 = arith.constant 0 : index
    %swap3A_33 = vector.load %arg4[%swap3A, %swap3A_32] : memref<512x128xf32, #tpu.memory_space<vmem>>, vector<512x128xf32>
    tpu.vector_store %arg4[%swap3A, %swap3A_32], %add3A_31 {strides = array<i32>} : memref<512x128xf32, #tpu.memory_space<vmem>>, vector<512x128xf32>,
    return
  }
}

</mosaic_0001>

<sc_bundles>
// kernel: kernel.4.cloned.1.call-start
scs
__scs_entry_jumppad:
0x0: {  	(pc) =	sbr.rel $0x88, $3  }
0x1: {  	(tag) =	ssettag $0x0;
	lr =	simm.s32 $0x1  }
0x2: {  	[smem:$0x3F9C] =	sst lr;
	_ =	strace $0xD0000000  }
0x3: {  	_ = 	snop  }
0x4: {  	_ = 	snop  }
0x5: {  	_ = 	snop  }
0x6: {  	_ = 	snop  }
0x7: {  	_ = 	snop  }
__scs_overlays_trampoline_lowered:
0x8: {  	[smem:$0x3FAB] =	sst s0  }
0x9: {  	[smem:$0x3FAC] =	sst s1  }
0xa: {  	[smem:$0x3FAD] =	sst s2  }
0xb: {  	[smem:$0x3FAE] =	sst s3  }
0xc: {  	[smem:$0x3FAF] =	sst s4  }
0xd: {  	[smem:$0x3FB0] =	sst s5  }
0xe: {  	[smem:$0x3FB1] =	sst s6  }
0xf: {  	[smem:$0x3FB2] =	sst s7  }
0x10: {  	[smem:$0x3FB3] =	sst s8  }
0x11: {  	[smem:$0x3FB4] =	sst s9;
	s0 =	simm.s32 @!p0 $0x0  }
0x12: {  	s1 =	sld [smem:$0x3F9A];
	s0 =	simm.s32 @p0 $0x1  }
0x13: {  	[smem:$0x3FB5] =	sst s0;
	s0 =	simm.s32 @!p1 $0x0  }
0x14: {  	s2 =	sld [smem:$0x3F99];
	s0 =	simm.s32 @p1 $0x1  }
0x15: {  	[smem:$0x3FB6] =	sst s0;
	s0 =	simm.s32 @!p2 $0x0  }
0x16: {  	s3 =	sld [smem:$0x3FDB];
	s0 =	simm.s32 @p2 $0x1  }
0x17: {  	s4 =	simm.s32 $0x1BF5;
	[smem:$0x3FB8] =	sst s0  }
0x18: {  	s0 =	sld [smem:$0x3F9B];
	_ =	swait.ge [sflag:s4], $0x0  }
0x19: {  	s7 =	sld [smem:$0x3F9C]  }
0x1a: {  	s8 =	sadd.s32 $0xFFFFE003, lr  }
0x1b: {  	s9 =	sadd.s32 $0xFFFFFEF7, lr;
	s5 =	simm.s32 $0xFFFFFFFF;
	p2 =	slt.u32 s8, $0xFFFFF086  }
0x1c: {  	p1 =	slt.u32 s9, $0xF7A;
	s5 =	simm.s32 @!p2 $0x0  }
0x1d: {  	s5 =	simm.s32 @p1 $0x1;
	p0 =	seq.s32 s7, s2  }
0x1e: {  	s7 =	smul.u32 @!p0 $0xF7A, s2;
	p2 =	seq.s32 @!p0 s5, $0x0  }
0x1f: {  	s9 =	smul.u32 $0xF7A, s1;
	s8 =	simm.s32 @!p0 $0x1BF5;
	p2 =	por !p2, p0  }
0x20: {  	[sflag:s8] =	ssyncset.s32 @!p0 $0xFFFFF086;
	s6 =	sadd.s32 @!p0 s3, s7;
	s7 =	simm.s32 @!p0 $0x108  }
0x21: {  	s3 =	sadd.s32 s3, s9;
	s6 =	sadd.s32 @!p0 $0x88, s6;
	s7 =	simm.s32 @p2 $0x1082  }
0x22: {  	[simem:s7], [sflag:s8] =	dma.local @!p0 [hbm:s6], $0xF7A  }
0x23: {  	s9 =	sor.u32 $0xD0000000, s2;
	s6 =	simm.s32 $0x108;
	_ =	swait.ge @!p0 [sflag:s8], $0x0  }
0x24: {  	s3 =	sadd.s32 $0x88, s3;
	s6 =	simm.s32 @!p1 $0x1082;
	[sflag:s4] =	ssyncset.s32 $0xFFFFF086  }
0x25: {  	[simem:s6], [sflag:s4] =	dma.local [hbm:s3], $0xF7A  }
0x26: {  	[smem:$0x3F9C] =	sst s1;
	(tag) =	ssettag s2;
	_ =	strace s9  }
0x27: {  	s1 =	sld [smem:$0x3FAC]  }
0x28: {  	s2 =	sld [smem:$0x3FAD]  }
0x29: {  	s4 =	sld [smem:$0x3FAF]  }
0x2a: {  	p0 =	seq.s32 s5, $0x0;
	s5 =	sld [smem:$0x3FB0]  }
0x2b: {  	s6 =	sld [smem:$0x3FB1]  }
0x2c: {  	s7 =	sld [smem:$0x3FB2]  }
0x2d: {  	s3 =	simm.s32 $0x108;
	s8 =	sld [smem:$0x3FB3]  }
0x2e: {  	s3 =	simm.s32 @!p0 $0x1082;
	s9 =	sld [smem:$0x3FB4]  }
0x2f: {  	lr =	sadd.s32 s0, s3;
	s0 =	sld [smem:$0x3FAB]  }
0x30: {  	s3 =	sld [smem:$0x3FAE]  }
0x31: {  	[smem:$0x3FB7] =	sst s10  }
0x32: {  	s10 =	sld [smem:$0x3FB5];
	_ =	sdelay $0x3  }
0x33: {  	p0 =	seq.s32 s10, $0x1;
	s10 =	sld [smem:$0x3FB7];
	_ =	sdelay $0x3  }
0x34: {  	[smem:$0x3FB7] =	sst s10  }
0x35: {  	s10 =	sld [smem:$0x3FB6];
	_ =	sdelay $0x3  }
0x36: {  	p1 =	seq.s32 s10, $0x1;
	s10 =	sld [smem:$0x3FB7];
	_ =	sdelay $0x3  }
0x37: {  	[smem:$0x3FB7] =	sst s10  }
0x38: {  	s10 =	sld [smem:$0x3FB8]  }
0x39: {  	_ = 	snop;
	(pc) =	sbr.ind lr, $3  }
0x3a: {  	_ = 	snop  }
0x3b: {  	_ = 	snop  }
0x3c: {  	p2 =	seq.s32 s10, $0x1;
	s10 =	sld [smem:$0x3FB7]  }
0x3d: {  	_ =	shalt  }
0x3e: {  	_ =	shalt  }
0x3f: {  	_ =	shalt  }
0x40: {  	_ =	shalt  }
0x41: {  	_ =	shalt  }
0x42: {  	_ =	shalt  }
0x43: {  	_ =	shalt  }
0x44: {  	_ =	shalt  }
0x45: {  	_ =	shalt  }
0x46: {  	_ =	shalt  }
0x47: {  	_ =	shalt  }
0x48: {  	_ =	shalt  }
0x49: {  	_ =	shalt  }
0x4a: {  	_ =	shalt  }
0x4b: {  	_ =	shalt  }
0x4c: {  	_ =	shalt  }
0x4d: {  	_ =	shalt  }
0x4e: {  	_ =	shalt  }
0x4f: {  	_ =	shalt  }
0x50: {  	_ =	shalt  }
0x51: {  	_ =	shalt  }
0x52: {  	_ =	shalt  }
0x53: {  	_ =	shalt  }
0x54: {  	_ =	shalt  }
0x55: {  	_ =	shalt  }
0x56: {  	_ =	shalt  }
0x57: {  	_ =	shalt  }
0x58: {  	_ =	shalt  }
0x59: {  	_ =	shalt  }
0x5a: {  	_ =	shalt  }
0x5b: {  	_ =	shalt  }
0x5c: {  	_ =	shalt  }
0x5d: {  	_ =	shalt  }
0x5e: {  	_ =	shalt  }
0x5f: {  	_ =	shalt  }
0x60: {  	_ =	shalt  }
0x61: {  	_ =	shalt  }
0x62: {  	_ =	shalt  }
0x63: {  	_ =	shalt  }
0x64: {  	_ =	shalt  }
0x65: {  	_ =	shalt  }
0x66: {  	_ =	shalt  }
0x67: {  	_ =	shalt  }
0x68: {  	_ =	shalt  }
0x69: {  	_ =	shalt  }
0x6a: {  	_ =	shalt  }
0x6b: {  	_ =	shalt  }
0x6c: {  	_ =	shalt  }
0x6d: {  	_ =	shalt  }
0x6e: {  	_ =	shalt  }
0x6f: {  	_ =	shalt  }
0x70: {  	_ =	shalt  }
0x71: {  	_ =	shalt  }
0x72: {  	_ =	shalt  }
0x73: {  	_ =	shalt  }
0x74: {  	_ =	shalt  }
0x75: {  	_ =	shalt  }
0x76: {  	_ =	shalt  }
0x77: {  	_ =	shalt  }
0x78: {  	_ =	shalt  }
0x79: {  	_ =	shalt  }
0x7a: {  	_ =	shalt  }
0x7b: {  	_ =	shalt  }
0x7c: {  	_ =	shalt  }
0x7d: {  	_ =	shalt  }
0x7e: {  	_ =	shalt  }
0x7f: {  	_ =	shalt  }
0x80: {  	_ =	shalt  }
0x81: {  	_ =	shalt  }
0x82: {  	_ =	shalt  }
0x83: {  	_ =	shalt  }
0x84: {  	_ =	shalt  }
0x85: {  	_ =	shalt  }
0x86: {  	_ =	shalt  }
0x87: {  	_ =	shalt  }
.Lfunc_end0:
.L_simem_size_0:
called_computation_lowered:
.L_overlay_start_0:
0x88: {  	s2 =	sld [smem:$0x3FD9]  }
0x89: {  	s3 =	sld [smem:$0x3FFE];
	_ =	sdelay $0x1  }
0x8a: {  	s1 =	srdreg.scid  }
0x8b: {  	s0 =	sand.u32 $0x1, s1  }
0x8c: {  	s14 =	sshll.u32 s0, $0xA;
	s2 =	sadd.s32 s3, s2  }
0x8d: {  	s2 =	sadd.s32 s2, s14  }
0x8e: {  	[smem:$0x3FC3] =	sst s2  }
0x8f: {  	_ = 	snop  }
0x90: {  	s2 =	sld [smem:$0x3FD0];
	_ =	sdelay $0x1  }
0x91: {  	s15 =	sld [smem:$0x3FC9]  }
0x92: {  	s5 =	simm.s32 $0xA;
	s6 =	simm.s32 $0x10;
	s4 =	sld [smem:$0x3FC8]  }
0x93: {  	[smem:s6], [sflag:s5] =	dma.local [hbm:s2], $0x1  }
0x94: {  	_ =	swait.eq [sflag:s5], $0x1  }
0x95: {  	[sflag:s5] =	ssyncset.done $0x0  }
0x96: {  	s16 =	sld [smem:$0x10];
	[sflag:s5] =	ssyncadd.s32 $0xFFFFFFFF  }
0x97: {  	s17 =	sld [smem:$0x11];
	(tm) =	ssettm $0x1  }
0x98: {  	s18 =	sld [smem:$0x3FFB];
	_ =	sdelay $0x3  }
0x99: {  	_ =	strace s18  }
0x9a: {  	s6 =	sld [smem:$0x3FFC];
	_ =	sdelay $0x3  }
0x9b: {  	_ =	strace s6  }
0x9c: {  	s6 =	sld [smem:$0x3FFD];
	_ =	sdelay $0x3  }
0x9d: {  	_ =	strace s6  }
0x9e: {  	_ =	strace $0x8FFFFFFF  }
0x9f: {  	s19 =	sld [smem:$0x3FDB];
	_ =	sdelay $0x1  }
0xa0: {  	s7 =	simm.s32 $_scs_section_size  }
0xa1: {  	s8 =	simm.s32 $_size__tile_overlayer_lowered;
	s9 =	simm.s32 $_tile_overlayer_lowered  }
0xa2: {  	s22 =	simm.s32 $0x1BFF;
	s21 =	sshll.u32 s9, $0x1;
	s6 =	sadd.s32 s7, s19  }
0xa3: {  	s10 =	simm.s32 $0x0;
	s20 =	sshll.u32 s8, $0x1;
	s8 =	sadd.s32 s21, s6  }
0xa4: {  	[timem:s10], [sflag:s22] =	dma.local [hbm:s8], s20  }
0xa5: {  	_ =	swait.ge [sflag:s22], s20  }
0xa6: {  	s7 =	ssub.s32 $0x0, s20;
	[sflag:s22] =	ssyncset.done $0x0  }
0xa7: {  	[sflag:s22] =	ssyncadd.s32 s7;
	_ =	sdelay $0x1  }
0xa8: {  	s23 =	simm.s32 $0x1B8B  }
0xa9: {  	_ =	swait.ge [sflag:s23], $0x1  }
0xaa: {  	[sflag:s23] =	ssyncset.done $0x0  }
0xab: {  	s25 =	simm.s32 $0x1B8E;
	s24 =	sld [smem:$0x3FFE];
	[sflag:s23] =	ssyncadd.s32 $0xFFFFFFFF  }
0xac: {  	s26 =	simm.s32 $execute0_lowered;
	[smem:$0x3FD2] =	sst s25  }
0xad: {  	s8 =	sshll.u32 s26, $0x1;
	_ =	strace $0x80000046;
	[dreg:$0x1] =	wrdreg $0xFFFFFFFF  }
0xae: {  	s28 =	simm.s32 $_size_execute0_lowered;
	s6 =	sadd.s32 s6, s8;
	[dreg:$0x0] =	wrdreg $0x0  }
0xaf: {  	s8 =	sshll.u32 s28, $0x1;
	[dreg:$0x2] =	wrdreg s6  }
0xb0: {  	[dreg:$0x3] =	wrdreg s8  }
0xb1: {  	[dreg:$0x4] =	wrdreg $0xC0  }
0xb2: {  	_ =	task [dreg:s10], $0x5FFFF  }
0xb3: {  	[dreg:$0x1] =	wrdreg $0xFFFFFFFF  }
0xb4: {  	[dreg:$0x0] =	wrdreg $0x60  }
0xb5: {  	[dreg:$0x2] =	wrdreg s15  }
0xb6: {  	[dreg:$0x3] =	wrdreg s4  }
0xb7: {  	[dreg:$0x4] =	wrdreg s16  }
0xb8: {  	[dreg:$0x5] =	wrdreg s17  }
0xb9: {  	[dreg:$0x6] =	wrdreg s24  }
0xba: {  	[dreg:$0x7] =	wrdreg $0x93800  }
0xbb: {  	[dreg:$0x8] =	wrdreg $0x9  }
0xbc: {  	_ =	task.clear_ibuf [dreg:s10], $0x9FFFF;
	_ =	strace $0x90000046  }
0xbd: {  	s29 =	simm.s32 $0x9;
	_ =	strace $0x80000048  }
0xbe: {  	_ =	swait.ge [sflag:s29], $0x1  }
0xbf: {  	[sflag:s29] =	ssyncadd.s32 $0xFFFFFFFF  }
0xc0: {  	_ =	strace $0x90000048  }
0xc1: {  	_ =	sfence  }
0xc2: {  	s30 =	sld [smem:$0x0];
	_ =	sdelay $0x2  }
0xc3: {  	s31 =	sshll.u32 s1, $0xD;
	s1 =	sshrl.u32 s1, $0x2  }
0xc4: {  	s3 =	sand.u32 $0x4000, s31;
	s1 =	sadd.s32 s1, s30  }
0xc5: {  	s0 =	sor.u32 s3, s0;
	s1 =	sshll.u32 s1, $0x11  }
0xc6: {  	s0 =	sor.u32 s1, s0  }
0xc7: {  	s0 =	sadd.s32 $0x8F2B, s0  }
0xc8: {  	[sflag:s0] =	ssyncadd.remote.s32 $0x1  }
0xc9: {  	_ =	sfence.sel $0xFFFF  }
0xca: {  	[dreg:$0x0] =	wrdreg $0xFFFFFFFF;
	(pc) =	sbr.abs _section_cstart, $3  }
0xcb: {  	[dreg:$0x1] =	wrdreg $0xFFFFFFFF  }
0xcc: {  	_ =	task.clear_ibuf [dreg:s10], $0x2FFFF;
	_ =	strace $0x9FFFFFFF  }
0xcd: {  	(tm) =	ssettm $0x7FFFFFFF  }
tec
execute0_lowered:
.L_overlay_start_1:
0x0: {  	(tag) =	ssettag $0x1  }
0x1: {  	s0 =	srdreg.scid  }
0x2: {  	s5 =	sand.u32 $0x1, s0  }
0x3: {  	s1 =	stileid.u32;
	s0 =	sshll.u32 s5, $0x4  }
0x4: {  	s11 =	sor.u32 s1, s0  }
0x5: {  	s0 =	sshll.u32 s11, $0x7  }
0x6: {  	v0 =	vlaneseq.u32;
	s19 =	sor.u32 $0x1, s0  }
0x7: {  	v1 =	vadd.s32 s19, v0  }
0x8: {  	v1 =	vcvt.s32.f32 v1  }
0x9: {  	s20 =	sor.u32 $0x11, s0  }
0xa: {  	[tilespmem:$0x1FFA0] =	vst v1;
	v1 =	vadd.s32 s20, v0  }
0xb: {  	v1 =	vcvt.s32.f32 v1  }
0xc: {  	s21 =	sor.u32 $0x21, s0  }
0xd: {  	[tilespmem:$0x1F190] =	vst v1;
	v1 =	vadd.s32 s21, v0  }
0xe: {  	s2 =	sor.u32 $0x31, s0;
	v1 =	vcvt.s32.f32 v1  }
0xf: {  	v2 =	vadd.s32 s2, v0  }
0x10: {  	[tilespmem:$0x1F1A0] =	vst v1;
	v1 =	vcvt.s32.f32 v2  }
0x11: {  	s22 =	sor.u32 $0x41, s0  }
0x12: {  	[tilespmem:$0x1F1B0] =	vst v1;
	v1 =	vadd.s32 s22, v0  }
0x13: {  	v1 =	vcvt.s32.f32 v1  }
0x14: {  	s23 =	sor.u32 $0x51, s0  }
0x15: {  	[tilespmem:$0x1F1C0] =	vst v1;
	v1 =	vadd.s32 s23, v0  }
0x16: {  	s24 =	sor.u32 $0x61, s0;
	v1 =	vcvt.s32.f32 v1  }
0x17: {  	v2 =	vadd.s32 s24, v0  }
0x18: {  	[tilespmem:$0x1F1D0] =	vst v1;
	v1 =	vcvt.s32.f32 v2  }
0x19: {  	s0 =	sor.u32 $0x71, s0  }
0x1a: {  	s3 =	sor.u32 $0x20, s11;
	[tilespmem:$0x1F1E0] =	vst v1;
	v1 =	vadd.s32 s0, v0  }
0x1b: {  	s6 =	sshll.u32 s3, $0x7;
	v1 =	vcvt.s32.f32 v1  }
0x1c: {  	s13 =	sor.u32 $0x1, s6  }
0x1d: {  	[tilespmem:$0x1F1F0] =	vst v1;
	v1 =	vadd.s32 s13, v0  }
0x1e: {  	s4 =	sor.u32 $0x11, s6;
	v1 =	vcvt.s32.f32 v1  }
0x1f: {  	v2 =	vadd.s32 s4, v0  }
0x20: {  	[tilespmem:$0x1F200] =	vst v1;
	v1 =	vcvt.s32.f32 v2  }
0x21: {  	s14 =	sor.u32 $0x21, s6  }
0x22: {  	[tilespmem:$0x1F210] =	vst v1;
	v1 =	vadd.s32 s14, v0  }
0x23: {  	v1 =	vcvt.s32.f32 v1  }
0x24: {  	s7 =	sor.u32 $0x31, s6  }
0x25: {  	[tilespmem:$0x1F220] =	vst v1;
	v1 =	vadd.s32 s7, v0  }
0x26: {  	s8 =	sor.u32 $0x41, s6;
	v1 =	vcvt.s32.f32 v1  }
0x27: {  	v2 =	vadd.s32 s8, v0  }
0x28: {  	[tilespmem:$0x1F230] =	vst v1;
	v1 =	vcvt.s32.f32 v2  }
0x29: {  	s15 =	sor.u32 $0x51, s6  }
0x2a: {  	[tilespmem:$0x1F240] =	vst v1;
	v1 =	vadd.s32 s15, v0  }
0x2b: {  	v1 =	vcvt.s32.f32 v1  }
0x2c: {  	s9 =	sor.u32 $0x61, s6  }
0x2d: {  	[tilespmem:$0x1F250] =	vst v1;
	v1 =	vadd.s32 s9, v0  }
0x2e: {  	s17 =	sor.u32 $0x71, s6;
	v1 =	vcvt.s32.f32 v1  }
0x2f: {  	s25 =	sor.u32 $0x40, s11;
	v2 =	vadd.s32 s17, v0  }
0x30: {  	s26 =	sshll.u32 s25, $0x7;
	[tilespmem:$0x1F260] =	vst v1;
	v1 =	vcvt.s32.f32 v2  }
0x31: {  	s18 =	sor.u32 $0x1, s26  }
0x32: {  	[tilespmem:$0x1F270] =	vst v1;
	v1 =	vadd.s32 s18, v0  }
0x33: {  	v1 =	vcvt.s32.f32 v1  }
0x34: {  	[smem:$0x7E7] =	sst s3;
	s19 =	sor.u32 $0x11, s26  }
0x35: {  	s16 =	sor.u32 $0x60, s11;
	[smem:$0x7E8] =	sst s25;
	[tilespmem:$0x1F280] =	vst v1;
	v1 =	vadd.s32 s19, v0  }
0x36: {  	[smem:$0x7E9] =	sst s16;
	s10 =	sshll.u32 s16, $0x7;
	s20 =	sor.u32 $0x21, s26;
	v1 =	vcvt.s32.f32 v1  }
0x37: {  	s12 =	sor.u32 $0x31, s26;
	s6 =	sor.u32 $0x80, s11;
	s1 =	sor.u32 $0x71, s26;
	v2 =	vadd.s32 s20, v0  }
0x38: {  	s25 =	sor.u32 $0x1, s10;
	s16 =	sor.u32 $0x31, s10;
	s23 =	sshll.u32 s6, $0x7;
	[tilespmem:$0x1F290] =	vst v1;
	v1 =	vcvt.s32.f32 v2  }
0x39: {  	s21 =	sor.u32 $0x41, s26;
	s22 =	sor.u32 $0x61, s26;
	s24 =	sor.u32 $0x51, s23  }
0x3a: {  	s4 =	sor.u32 $0x1, s23;
	s13 =	sor.u32 $0x51, s26;
	s26 =	sor.u32 $0xA0, s11;
	[tilespmem:$0x1F2A0] =	vst v1;
	v1 =	vadd.s32 s12, v0  }
0x3b: {  	[smem:$0x7EA] =	sst s26;
	s2 =	sshll.u32 s26, $0x7;
	s26 =	sor.u32 $0x71, s23;
	v1 =	vcvt.s32.f32 v1  }
0x3c: {  	v11 =	vadd.s32 s16, v0;
	s16 =	sor.u32 $0x21, s2;
	s8 =	sor.u32 $0x21, s23;
	s14 =	sor.u32 $0x11, s10  }
0x3d: {  	v11 =	vcvt.s32.f32 v11;
	v4 =	vadd.s32 s24, v0;
	s7 =	sor.u32 $0xC0, s11;
	s17 =	sor.u32 $0x41, s10;
	s15 =	sor.u32 $0x21, s10;
	[tilespmem:$0x1F2B0] =	vst v1;
	v1 =	vadd.s32 s21, v0  }
0x3e: {  	v12 =	vadd.s32 s17, v0;
	s17 =	sor.u32 $0x31, s2;
	v7 =	vadd.s32 s15, v0;
	s15 =	sor.u32 $0x11, s2;
	s9 =	sor.u32 $0xE0, s11;
	v1 =	vcvt.s32.f32 v1  }
0x3f: {  	[tilespmem:$0x1F330] =	vst v11;
	v10 =	vadd.s32 s4, v0;
	v7 =	vcvt.s32.f32 v7;
	s20 =	sor.u32 $0x31, s23;
	s18 =	sor.u32 $0x51, s10;
	s19 =	sor.u32 $0x11, s23;
	v2 =	vadd.s32 s13, v0  }
0x40: {  	v13 =	vadd.s32 s18, v0;
	s18 =	sor.u32 $0x51, s2;
	v42 =	vadd.s32 s19, v0;
	s19 =	sshll.u32 s9, $0x7;
	s12 =	sor.u32 $0x61, s10;
	[tilespmem:$0x1F2C0] =	vst v1;
	v1 =	vcvt.s32.f32 v2  }
0x41: {  	v43 =	vadd.s32 s17, v0;
	[tilespmem:$0x1F320] =	vst v7;
	v57 =	vadd.s32 s18, v0;
	s17 =	sor.u32 $0x11, s19;
	s10 =	sor.u32 $0x71, s10;
	v14 =	vadd.s32 s12, v0;
	s12 =	sor.u32 $0x41, s2  }
0x42: {  	s18 =	sor.u32 $0x21, s19;
	s13 =	sor.u32 $0x61, s2;
	v15 =	vadd.s32 s10, v0;
	s10 =	sor.u32 $0x100, s11;
	v16 =	vadd.s32 s12, v0;
	[tilespmem:$0x1F2D0] =	vst v1;
	v1 =	vadd.s32 s22, v0  }
0x43: {  	s12 =	sor.u32 $0x1, s19;
	s21 =	sor.u32 $0x41, s23;
	[tilespmem:$0x1F440] =	vst v16;
	v16 =	vadd.s32 s13, v0;
	v2 =	vadd.s32 s25, v0;
	s25 =	sor.u32 $0x61, s23;
	v1 =	vcvt.s32.f32 v1  }
0x44: {  	v6 =	vadd.s32 s26, v0;
	v9 =	vadd.s32 s16, v0;
	v61 =	vadd.s32 s17, v0;
	[tilespmem:$0x1F470] =	vst v16;
	s23 =	sor.u32 $0x1, s2;
	s2 =	sor.u32 $0x71, s2;
	s22 =	sshll.u32 s7, $0x7  }
0x45: {  	s3 =	sor.u32 $0x41, s19;
	s16 =	sshll.u32 s10, $0x7;
	v60 =	vadd.s32 s12, v0;
	v16 =	vadd.s32 s2, v0;
	s26 =	sor.u32 $0x41, s22;
	[tilespmem:$0x1F2E0] =	vst v1;
	v1 =	vadd.s32 s1, v0  }
0x46: {  	s17 =	sor.u32 $0x51, s16;
	s12 =	sor.u32 $0x140, s11;
	v7 =	vadd.s32 s23, v0;
	s23 =	sor.u32 $0x31, s19;
	[tilespmem:$0x1F490] =	vst v16;
	v11 =	vadd.s32 s26, v0;
	v1 =	vcvt.s32.f32 v1  }
0x47: {  	v8 =	vadd.s32 s15, v0;
	s13 =	sor.u32 $0x160, s11;
	v3 =	vadd.s32 s21, v0;
	s2 =	sor.u32 $0x41, s16;
	v27 =	vadd.s32 s23, v0;
	s23 =	sshll.u32 s12, $0x7;
	[tilespmem:$0x1F520] =	vst v11  }
0x48: {  	v47 =	vadd.s32 s2, v0;
	s2 =	sshll.u32 s13, $0x7;
	s21 =	sor.u32 $0x1, s22;
	s4 =	sor.u32 $0x11, s22;
	v11 =	vadd.s32 s18, v0;
	[tilespmem:$0x1F2F0] =	vst v1;
	v1 =	vcvt.s32.f32 v2  }
0x49: {  	v28 =	vadd.s32 s17, v0;
	v5 =	vadd.s32 s25, v0;
	s25 =	sor.u32 $0x31, s22;
	s24 =	sor.u32 $0x51, s22;
	s15 =	sor.u32 $0x61, s22;
	v16 =	vadd.s32 s21, v0;
	[tilespmem:$0x1F590] =	vst v11  }
0x4a: {  	s17 =	sor.u32 $0x1, s23;
	v59 =	vadd.s32 s25, v0;
	s25 =	sor.u32 $0x71, s19;
	s26 =	sor.u32 $0x1, s16;
	v11 =	vcvt.s32.f32 v12;
	[tilespmem:$0x1F300] =	vst v1;
	v1 =	vadd.s32 s14, v0  }
0x4b: {  	v44 =	vadd.s32 s24, v0;
	s21 =	sor.u32 $0x11, s16;
	s24 =	sor.u32 $0x31, s16;
	v39 =	vadd.s32 s17, v0;
	s17 =	sor.u32 $0x11, s2;
	[tilespmem:$0x1F4B0] =	vst v16;
	v1 =	vcvt.s32.f32 v1  }
0x4c: {  	v53 =	vadd.s32 s15, v0;
	s15 =	sor.u32 $0x1A0, s11;
	v16 =	vadd.s32 s4, v0;
	s4 =	sor.u32 $0x61, s19;
	s18 =	sor.u32 $0x31, s23;
	[tilespmem:$0x1F340] =	vst v11  }
0x4d: {  	v2 =	vadd.s32 s20, v0;
	s20 =	sor.u32 $0x51, s19;
	v11 =	vadd.s32 s3, v0;
	s3 =	sor.u32 $0x61, s16;
	[tilespmem:$0x1F310] =	vst v1;
	v1 =	vadd.s32 s8, v0;
	s8 =	sor.u32 $0x21, s22  }
0x4e: {  	v10 =	vcvt.s32.f32 v10;
	[tilespmem:$0x1F4D0] =	vst v16;
	v48 =	vadd.s32 s3, v0;
	s3 =	sor.u32 $0x11, s23;
	s22 =	sor.u32 $0x71, s22;
	v16 =	vadd.s32 s8, v0;
	s8 =	sor.u32 $0x120, s11  }
0x4f: {  	v42 =	vcvt.s32.f32 v42;
	v62 =	vadd.s32 s25, v0;
	v54 =	vadd.s32 s22, v0;
	s22 =	sor.u32 $0x21, s16;
	s16 =	sor.u32 $0x71, s16;
	s14 =	sshll.u32 s8, $0x7  }
0x50: {  	v52 =	vadd.s32 s4, v0;
	v33 =	vadd.s32 s3, v0;
	s3 =	sor.u32 $0x21, s2;
	v29 =	vadd.s32 s16, v0;
	s16 =	sor.u32 $0x1C0, s11;
	s4 =	sor.u32 $0x1, s14  }
0x51: {  	v55 =	vadd.s32 s26, v0;
	[tilespmem:$0x1F5C0] =	vst v11;
	v45 =	vadd.s32 s20, v0;
	v11 =	vcvt.s32.f32 v13;
	s20 =	sor.u32 $0x11, s14;
	s25 =	sor.u32 $0x21, s14;
	s19 =	sor.u32 $0x31, s14  }
0x52: {  	v63 =	vadd.s32 s21, v0;
	v46 =	vadd.s32 s24, v0;
	v56 =	vadd.s32 s22, v0;
	s26 =	sor.u32 $0x41, s14;
	s21 =	sor.u32 $0x51, s14;
	s22 =	sor.u32 $0x61, s14  }
0x53: {  	[tilespmem:$0x1F350] =	vst v11;
	v11 =	vcvt.s32.f32 v14;
	v20 =	vadd.s32 s3, v0;
	s24 =	sor.u32 $0x71, s14;
	s14 =	sor.u32 $0x180, s11;
	v35 =	vadd.s32 s4, v0;
	s4 =	sor.u32 $0x21, s23  }
0x54: {  	[tilespmem:$0x1F380] =	vst v10;
	v30 =	vadd.s32 s20, v0;
	v36 =	vadd.s32 s25, v0;
	s25 =	sor.u32 $0x41, s23;
	s20 =	sor.u32 $0x51, s23;
	v49 =	vadd.s32 s26, v0;
	s26 =	sor.u32 $0x61, s23  }
0x55: {  	[tilespmem:$0x1F360] =	vst v11;
	v11 =	vcvt.s32.f32 v15;
	v37 =	vadd.s32 s21, v0;
	s21 =	sor.u32 $0x71, s23;
	v38 =	vadd.s32 s22, v0;
	s22 =	sshll.u32 s14, $0x7;
	s23 =	sor.u32 $0x1, s2  }
0x56: {  	[tilespmem:$0x1F390] =	vst v42;
	v32 =	vadd.s32 s24, v0;
	s24 =	sor.u32 $0x41, s2;
	v40 =	vadd.s32 s4, v0;
	s4 =	sor.u32 $0x31, s2;
	v41 =	vadd.s32 s25, v0;
	s25 =	sor.u32 $0x51, s2  }
0x57: {  	v1 =	vcvt.s32.f32 v1;
	[tilespmem:$0x1F4F0] =	vst v16;
	v22 =	vadd.s32 s20, v0;
	v23 =	vadd.s32 s26, v0;
	s26 =	sor.u32 $0x61, s2;
	s20 =	sshll.u32 s15, $0x7;
	s3 =	sor.u32 $0x21, s22  }
0x58: {  	[tilespmem:$0x1F370] =	vst v11;
	s2 =	sor.u32 $0x71, s2;
	v15 =	vadd.s32 s4, v0;
	s4 =	sor.u32 $0x31, s22;
	v17 =	vadd.s32 s3, v0;
	s3 =	sor.u32 $0x21, s20  }
0x59: {  	[tilespmem:$0x1F3A0] =	vst v1;
	v10 =	vadd.s32 s2, v0;
	s2 =	sshll.u32 s16, $0x7;
	v12 =	vadd.s32 s4, v0;
	s4 =	sor.u32 $0x31, s20;
	v51 =	vadd.s32 s3, v0  }
0x5a: {  	v24 =	vadd.s32 s24, v0;
	s24 =	sor.u32 $0x41, s22;
	s3 =	sor.u32 $0x11, s2;
	[tilespmem:$0x1F8C0] =	vst v51;
	v51 =	vadd.s32 s4, v0  }
0x5b: {  	v26 =	vadd.s32 s24, v0;
	s24 =	sor.u32 $0x41, s20;
	v1 =	vadd.s32 s3, v0;
	[tilespmem:$0x1F8E0] =	vst v51  }
0x5c: {  	v21 =	vadd.s32 s25, v0;
	s25 =	sor.u32 $0x51, s22;
	s4 =	sor.u32 $0x21, s2;
	v51 =	vadd.s32 s24, v0;
	[tilespmem:$0x1F9A0] =	vst v1  }
0x5d: {  	v18 =	vadd.s32 s25, v0;
	s25 =	sor.u32 $0x51, s20;
	v1 =	vadd.s32 s4, v0;
	[tilespmem:$0x1F900] =	vst v51  }
0x5e: {  	v25 =	vadd.s32 s26, v0;
	s26 =	sor.u32 $0x61, s22;
	s24 =	sor.u32 $0x31, s2;
	v51 =	vadd.s32 s25, v0;
	[tilespmem:$0x1F9C0] =	vst v1  }
0x5f: {  	v50 =	vadd.s32 s26, v0;
	s26 =	sor.u32 $0x61, s20;
	v1 =	vadd.s32 s24, v0;
	[tilespmem:$0x1F920] =	vst v51  }
0x60: {  	v14 =	vadd.s32 s17, v0;
	s17 =	sor.u32 $0x1E0, s11;
	s25 =	sor.u32 $0x41, s2;
	v51 =	vadd.s32 s26, v0;
	[tilespmem:$0x1F9E0] =	vst v1  }
0x61: {  	v13 =	vadd.s32 s21, v0;
	v19 =	vadd.s32 s23, v0;
	s21 =	sor.u32 $0x1, s22;
	s23 =	sor.u32 $0x11, s22;
	s26 =	sor.u32 $0x51, s2;
	v1 =	vadd.s32 s25, v0;
	[tilespmem:$0x1F940] =	vst v51  }
0x62: {  	v16 =	vadd.s32 s21, v0;
	v11 =	vadd.s32 s23, v0;
	s21 =	sor.u32 $0x1, s20;
	s23 =	sor.u32 $0x11, s20;
	s3 =	sor.u32 $0x61, s2;
	[tilespmem:$0x1FA00] =	vst v1;
	v1 =	vadd.s32 s26, v0  }
0x63: {  	v58 =	vadd.s32 s21, v0;
	v42 =	vadd.s32 s23, v0;
	s21 =	sshll.u32 s17, $0x7;
	s23 =	sor.u32 $0x1, s2;
	s2 =	sor.u32 $0x71, s2;
	[tilespmem:$0x1FA20] =	vst v1;
	v1 =	vadd.s32 s3, v0  }
0x64: {  	s4 =	sor.u32 $0x1, s21;
	[tilespmem:$0x1FA40] =	vst v1;
	v1 =	vadd.s32 s2, v0  }
0x65: {  	s20 =	sor.u32 $0x71, s20;
	[tilespmem:$0x1FA60] =	vst v1;
	v1 =	vadd.s32 s4, v0  }
0x66: {  	v51 =	vadd.s32 s20, v0;
	[tilespmem:$0x1FA80] =	vst v1;
	v1 =	vcvt.s32.f32 v2  }
0x67: {  	[tilespmem:$0x1F960] =	vst v51;
	v51 =	vadd.s32 s23, v0;
	s23 =	sor.u32 $0x11, s21  }
0x68: {  	s24 =	sor.u32 $0x21, s21;
	[tilespmem:$0x1F3B0] =	vst v1;
	v1 =	vadd.s32 s23, v0  }
0x69: {  	s25 =	sor.u32 $0x31, s21;
	[tilespmem:$0x1FAA0] =	vst v1;
	v1 =	vadd.s32 s24, v0  }
0x6a: {  	s26 =	sor.u32 $0x41, s21;
	[tilespmem:$0x1FAC0] =	vst v1;
	v1 =	vadd.s32 s25, v0  }
0x6b: {  	s3 =	sor.u32 $0x51, s21;
	[tilespmem:$0x1FAE0] =	vst v1;
	v1 =	vadd.s32 s26, v0  }
0x6c: {  	v34 =	vadd.s32 s18, v0;
	s18 =	sor.u32 $0x200, s11;
	s4 =	sor.u32 $0x61, s21;
	[tilespmem:$0x1FB00] =	vst v1;
	v1 =	vadd.s32 s3, v0  }
0x6d: {  	s1 =	sshll.u32 s18, $0x7;
	s21 =	sor.u32 $0x71, s21;
	[tilespmem:$0x1FB20] =	vst v1;
	v1 =	vadd.s32 s4, v0  }
0x6e: {  	s20 =	sor.u32 $0x1, s1;
	[tilespmem:$0x1FB40] =	vst v1;
	v1 =	vadd.s32 s21, v0  }
0x6f: {  	s24 =	sor.u32 $0x11, s1;
	[tilespmem:$0x1FB60] =	vst v1;
	v1 =	vadd.s32 s20, v0  }
0x70: {  	s25 =	sor.u32 $0x21, s1;
	[tilespmem:$0x1FB80] =	vst v1;
	v1 =	vadd.s32 s24, v0  }
0x71: {  	s26 =	sor.u32 $0x31, s1;
	[tilespmem:$0x1FBA0] =	vst v1;
	v1 =	vadd.s32 s25, v0  }
0x72: {  	[tilespmem:$0x1FBC0] =	vst v1;
	v1 =	vadd.s32 s26, v0  }
0x73: {  	[tilespmem:$0x1FBE0] =	vst v1;
	v1 =	vcvt.s32.f32 v3  }
0x74: {  	s3 =	sor.u32 $0x41, s1  }
0x75: {  	s4 =	sor.u32 $0x51, s1;
	[tilespmem:$0x1F3C0] =	vst v1;
	v1 =	vadd.s32 s3, v0  }
0x76: {  	v31 =	vadd.s32 s19, v0;
	s19 =	sor.u32 $0x220, s11;
	s24 =	sor.u32 $0x61, s1;
	[tilespmem:$0x1FBF0] =	vst v1;
	v1 =	vadd.s32 s4, v0  }
0x77: {  	s0 =	sshll.u32 s19, $0x7;
	s1 =	sor.u32 $0x71, s1;
	[tilespmem:$0x1FC00] =	vst v1;
	v1 =	vadd.s32 s24, v0  }
0x78: {  	s25 =	sor.u32 $0x1, s0;
	[tilespmem:$0x1FC10] =	vst v1;
	v1 =	vadd.s32 s1, v0  }
0x79: {  	s26 =	sor.u32 $0x11, s0;
	[tilespmem:$0x1FC20] =	vst v1;
	v1 =	vadd.s32 s25, v0  }
0x7a: {  	s3 =	sor.u32 $0x21, s0;
	[tilespmem:$0x1FC30] =	vst v1;
	v1 =	vadd.s32 s26, v0  }
0x7b: {  	s4 =	sor.u32 $0x31, s0;
	[tilespmem:$0x1FC40] =	vst v1;
	v1 =	vadd.s32 s3, v0  }
0x7c: {  	[tilespmem:$0x1FC50] =	vst v1;
	v1 =	vadd.s32 s4, v0  }
0x7d: {  	[tilespmem:$0x1FC60] =	vst v1;
	v1 =	vcvt.s32.f32 v4  }
0x7e: {  	s23 =	sor.u32 $0x41, s0  }
0x7f: {  	s24 =	sor.u32 $0x51, s0;
	[tilespmem:$0x1F3D0] =	vst v1;
	v1 =	vadd.s32 s23, v0  }
0x80: {  	s20 =	sor.u32 $0x240, s11;
	s25 =	sor.u32 $0x61, s0;
	[tilespmem:$0x1FC70] =	vst v1;
	v1 =	vadd.s32 s24, v0  }
0x81: {  	s2 =	sshll.u32 s20, $0x7;
	s0 =	sor.u32 $0x71, s0;
	[tilespmem:$0x1FC80] =	vst v1;
	v1 =	vadd.s32 s25, v0  }
0x82: {  	s26 =	sor.u32 $0x1, s2;
	[tilespmem:$0x1FC90] =	vst v1;
	v1 =	vadd.s32 s0, v0  }
0x83: {  	s3 =	sor.u32 $0x11, s2;
	[tilespmem:$0x1FCA0] =	vst v1;
	v1 =	vadd.s32 s26, v0  }
0x84: {  	s4 =	sor.u32 $0x21, s2;
	[tilespmem:$0x1FCB0] =	vst v1;
	v1 =	vadd.s32 s3, v0  }
0x85: {  	s24 =	sor.u32 $0x31, s2;
	[tilespmem:$0x1FCC0] =	vst v1;
	v1 =	vadd.s32 s4, v0  }
0x86: {  	[tilespmem:$0x1FCD0] =	vst v1;
	v1 =	vadd.s32 s24, v0  }
0x87: {  	[tilespmem:$0x1FCE0] =	vst v1;
	v1 =	vcvt.s32.f32 v5  }
0x88: {  	[tilespmem:$0x1F870] =	vst v50;
	s25 =	sor.u32 $0x41, s2  }
0x89: {  	s26 =	sor.u32 $0x51, s2;
	[tilespmem:$0x1F3E0] =	vst v1;
	v1 =	vadd.s32 s25, v0  }
0x8a: {  	s21 =	sor.u32 $0x260, s11;
	s3 =	sor.u32 $0x61, s2;
	[tilespmem:$0x1FCF0] =	vst v1;
	v1 =	vadd.s32 s26, v0  }
0x8b: {  	s23 =	sshll.u32 s21, $0x7;
	s2 =	sor.u32 $0x71, s2;
	[tilespmem:$0x1FD00] =	vst v1;
	v1 =	vadd.s32 s3, v0  }
0x8c: {  	s22 =	sor.u32 $0x71, s22;
	s4 =	sor.u32 $0x1, s23;
	[tilespmem:$0x1FD10] =	vst v1;
	v1 =	vadd.s32 s2, v0  }
0x8d: {  	v50 =	vadd.s32 s22, v0;
	s22 =	sor.u32 $0x11, s23;
	[tilespmem:$0x1FD20] =	vst v1;
	v1 =	vadd.s32 s4, v0  }
0x8e: {  	s24 =	sor.u32 $0x21, s23;
	[tilespmem:$0x1FD30] =	vst v1;
	v1 =	vadd.s32 s22, v0  }
0x8f: {  	s25 =	sor.u32 $0x31, s23;
	[tilespmem:$0x1FD40] =	vst v1;
	v1 =	vadd.s32 s24, v0  }
0x90: {  	[tilespmem:$0x1FD50] =	vst v1;
	v1 =	vadd.s32 s25, v0  }
0x91: {  	[tilespmem:$0x1FD60] =	vst v1;
	v1 =	vcvt.s32.f32 v6  }
0x92: {  	s26 =	sor.u32 $0x41, s23  }
0x93: {  	s2 =	sor.u32 $0x51, s23;
	[tilespmem:$0x1F3F0] =	vst v1;
	v1 =	vadd.s32 s26, v0  }
0x94: {  	[tilespmem:$0x1FD70] =	vst v1;
	v1 =	vadd.s32 s2, v0  }
0x95: {  	[tilespmem:$0x1FD80] =	vst v1;
	v1 =	vcvt.s32.f32 v7  }
0x96: {  	s3 =	sor.u32 $0x61, s23  }
0x97: {  	s4 =	sor.u32 $0x71, s23;
	[tilespmem:$0x1F400] =	vst v1;
	v1 =	vadd.s32 s3, v0  }
0x98: {  	s22 =	sor.u32 $0x280, s11;
	[tilespmem:$0x1FD90] =	vst v1;
	v1 =	vadd.s32 s4, v0  }
0x99: {  	s0 =	sshll.u32 s22, $0x7;
	[tilespmem:$0x1FDA0] =	vst v1;
	v1 =	vcvt.s32.f32 v8  }
0x9a: {  	s23 =	sor.u32 $0x1, s0  }
0x9b: {  	s24 =	sor.u32 $0x11, s0;
	[tilespmem:$0x1F410] =	vst v1;
	v1 =	vadd.s32 s23, v0  }
0x9c: {  	[tilespmem:$0x1FDB0] =	vst v1;
	v1 =	vadd.s32 s24, v0  }
0x9d: {  	[tilespmem:$0x1FDC0] =	vst v1;
	v1 =	vcvt.s32.f32 v9  }
0x9e: {  	s25 =	sor.u32 $0x21, s0  }
0x9f: {  	s26 =	sor.u32 $0x31, s0;
	[tilespmem:$0x1F420] =	vst v1;
	v1 =	vadd.s32 s25, v0  }
0xa0: {  	[tilespmem:$0x1FDD0] =	vst v1;
	v1 =	vadd.s32 s26, v0  }
0xa1: {  	[tilespmem:$0x1FDE0] =	vst v1;
	v1 =	vcvt.s32.f32 v43  }
0xa2: {  	s4 =	sor.u32 $0x51, s0  }
0xa3: {  	[tilespmem:$0x1F430] =	vst v1;
	v1 =	vadd.s32 s4, v0  }
0xa4: {  	[tilespmem:$0x1FDF0] =	vst v1;
	v1 =	vld [tilespmem:$0x1F440];
	_ =	sdelay $0x4  }
0xa5: {  	v1 =	vcvt.s32.f32 v1;
	_ =	sdelay $0x1  }
0xa6: {  	[tilespmem:$0x1F450] =	vst v1;
	v1 =	vcvt.s32.f32 v57  }
0xa7: {  	s24 =	sor.u32 $0x61, s0  }
0xa8: {  	[tilespmem:$0x1F460] =	vst v1;
	v1 =	vadd.s32 s24, v0  }
0xa9: {  	[tilespmem:$0x1FE00] =	vst v1;
	v1 =	vld [tilespmem:$0x1F470];
	_ =	sdelay $0x4  }
0xaa: {  	v1 =	vcvt.s32.f32 v1;
	_ =	sdelay $0x1  }
0xab: {  	[tilespmem:$0x1F480] =	vst v1;
	v1 =	vld [tilespmem:$0x1F490];
	_ =	sdelay $0x4  }
0xac: {  	v1 =	vcvt.s32.f32 v1  }
0xad: {  	s3 =	sor.u32 $0x41, s0;
	s0 =	sor.u32 $0x71, s0  }
0xae: {  	[tilespmem:$0x1F4A0] =	vst v1;
	v1 =	vadd.s32 s0, v0  }
0xaf: {  	[tilespmem:$0x1FE10] =	vst v1;
	v1 =	vld [tilespmem:$0x1F4B0];
	_ =	sdelay $0x4  }
0xb0: {  	v1 =	vcvt.s32.f32 v1;
	_ =	sdelay $0x1  }
0xb1: {  	[tilespmem:$0x1F4C0] =	vst v1;
	v1 =	vld [tilespmem:$0x1F4D0];
	_ =	sdelay $0x3  }
0xb2: {  	s23 =	sor.u32 $0x2A0, s11  }
0xb3: {  	s1 =	sshll.u32 s23, $0x7;
	v1 =	vcvt.s32.f32 v1  }
0xb4: {  	s25 =	sor.u32 $0x1, s1  }
0xb5: {  	[tilespmem:$0x1F4E0] =	vst v1;
	v1 =	vadd.s32 s25, v0  }
0xb6: {  	[tilespmem:$0x1FE20] =	vst v1;
	v1 =	vld [tilespmem:$0x1F4F0];
	_ =	sdelay $0x4  }
0xb7: {  	v1 =	vcvt.s32.f32 v1;
	_ =	sdelay $0x1  }
0xb8: {  	[tilespmem:$0x1F500] =	vst v1;
	v1 =	vcvt.s32.f32 v59  }
0xb9: {  	s26 =	sor.u32 $0x11, s1  }
0xba: {  	[tilespmem:$0x1F510] =	vst v1;
	v1 =	vadd.s32 s26, v0  }
0xbb: {  	[tilespmem:$0x1FE30] =	vst v1;
	v1 =	vld [tilespmem:$0x1F520];
	_ =	sdelay $0x4  }
0xbc: {  	v1 =	vcvt.s32.f32 v1;
	_ =	sdelay $0x1  }
0xbd: {  	[tilespmem:$0x1F530] =	vst v1;
	v1 =	vcvt.s32.f32 v44;
	_ =	sdelay $0x1  }
0xbe: {  	[tilespmem:$0x1F540] =	vst v1;
	v1 =	vcvt.s32.f32 v53;
	_ =	sdelay $0x1  }
0xbf: {  	[tilespmem:$0x1F550] =	vst v1;
	v1 =	vcvt.s32.f32 v54  }
0xc0: {  	v43 =	vadd.s32 s3, v0;
	s3 =	sor.u32 $0x31, s1  }
0xc1: {  	[tilespmem:$0x1F560] =	vst v1;
	v1 =	vadd.s32 s3, v0  }
0xc2: {  	[tilespmem:$0x1FE40] =	vst v1;
	v1 =	vcvt.s32.f32 v60;
	_ =	sdelay $0x1  }
0xc3: {  	[tilespmem:$0x1F570] =	vst v1;
	v1 =	vcvt.s32.f32 v61  }
0xc4: {  	s4 =	sor.u32 $0x41, s1  }
0xc5: {  	[tilespmem:$0x1F580] =	vst v1;
	v1 =	vadd.s32 s4, v0  }
0xc6: {  	[tilespmem:$0x1FE50] =	vst v1;
	v1 =	vld [tilespmem:$0x1F590];
	_ =	sdelay $0x4  }
0xc7: {  	v1 =	vcvt.s32.f32 v1;
	_ =	sdelay $0x1  }
0xc8: {  	[tilespmem:$0x1F5A0] =	vst v1;
	v1 =	vcvt.s32.f32 v27  }
0xc9: {  	s24 =	sor.u32 $0x51, s1  }
0xca: {  	s25 =	sor.u32 $0x61, s1;
	[tilespmem:$0x1F5B0] =	vst v1;
	v1 =	vadd.s32 s24, v0  }
0xcb: {  	[tilespmem:$0x1FE60] =	vst v1;
	v1 =	vadd.s32 s25, v0  }
0xcc: {  	[tilespmem:$0x1FE70] =	vst v1;
	v1 =	vld [tilespmem:$0x1F5C0];
	_ =	sdelay $0x4  }
0xcd: {  	v1 =	vcvt.s32.f32 v1;
	_ =	sdelay $0x1  }
0xce: {  	[tilespmem:$0x1F5D0] =	vst v1;
	v1 =	vcvt.s32.f32 v45  }
0xcf: {  	s26 =	sor.u32 $0x71, s1  }
0xd0: {  	[tilespmem:$0x1F5E0] =	vst v1;
	v1 =	vadd.s32 s26, v0  }
0xd1: {  	[tilespmem:$0x1FE80] =	vst v1;
	v1 =	vcvt.s32.f32 v52  }
0xd2: {  	s24 =	sor.u32 $0x2C0, s11  }
0xd3: {  	s2 =	sor.u32 $0x21, s1;
	s1 =	sshll.u32 s24, $0x7;
	[tilespmem:$0x1F5F0] =	vst v1;
	v1 =	vcvt.s32.f32 v62  }
0xd4: {  	v44 =	vadd.s32 s2, v0;
	s2 =	sor.u32 $0x1, s1  }
0xd5: {  	[tilespmem:$0x1F600] =	vst v1;
	v1 =	vadd.s32 s2, v0  }
0xd6: {  	[tilespmem:$0x1FE90] =	vst v1;
	v1 =	vcvt.s32.f32 v55;
	_ =	sdelay $0x1  }
0xd7: {  	[tilespmem:$0x1F610] =	vst v1;
	v1 =	vcvt.s32.f32 v63  }
0xd8: {  	s3 =	sor.u32 $0x11, s1  }
0xd9: {  	[tilespmem:$0x1F620] =	vst v1;
	v1 =	vadd.s32 s3, v0  }
0xda: {  	[tilespmem:$0x1FEA0] =	vst v1;
	v1 =	vcvt.s32.f32 v56;
	_ =	sdelay $0x1  }
0xdb: {  	[tilespmem:$0x1F630] =	vst v1;
	v1 =	vcvt.s32.f32 v46  }
0xdc: {  	s4 =	sor.u32 $0x21, s1  }
0xdd: {  	[tilespmem:$0x1F640] =	vst v1;
	v1 =	vadd.s32 s4, v0  }
0xde: {  	[tilespmem:$0x1FEB0] =	vst v1;
	v1 =	vcvt.s32.f32 v47;
	_ =	sdelay $0x1  }
0xdf: {  	[tilespmem:$0x1F650] =	vst v1;
	v1 =	vcvt.s32.f32 v28;
	_ =	sdelay $0x1  }
0xe0: {  	[tilespmem:$0x1F660] =	vst v1;
	v1 =	vcvt.s32.f32 v48;
	_ =	sdelay $0x1  }
0xe1: {  	[tilespmem:$0x1F670] =	vst v1;
	v1 =	vcvt.s32.f32 v29;
	_ =	sdelay $0x1  }
0xe2: {  	[tilespmem:$0x1F680] =	vst v1;
	v1 =	vcvt.s32.f32 v35;
	_ =	sdelay $0x1  }
0xe3: {  	[tilespmem:$0x1F690] =	vst v1;
	v1 =	vcvt.s32.f32 v30;
	_ =	sdelay $0x1  }
0xe4: {  	[tilespmem:$0x1F6A0] =	vst v1;
	v1 =	vcvt.s32.f32 v36;
	_ =	sdelay $0x1  }
0xe5: {  	[tilespmem:$0x1F6B0] =	vst v1;
	v1 =	vcvt.s32.f32 v31;
	_ =	sdelay $0x1  }
0xe6: {  	[tilespmem:$0x1F6C0] =	vst v1;
	v1 =	vcvt.s32.f32 v49;
	_ =	sdelay $0x1  }
0xe7: {  	[tilespmem:$0x1F6D0] =	vst v1;
	v1 =	vcvt.s32.f32 v37;
	_ =	sdelay $0x1  }
0xe8: {  	[tilespmem:$0x1F6E0] =	vst v1;
	v1 =	vcvt.s32.f32 v38;
	_ =	sdelay $0x1  }
0xe9: {  	[tilespmem:$0x1F6F0] =	vst v1;
	v1 =	vcvt.s32.f32 v32;
	_ =	sdelay $0x1  }
0xea: {  	[tilespmem:$0x1F700] =	vst v1;
	v1 =	vcvt.s32.f32 v39;
	_ =	sdelay $0x1  }
0xeb: {  	[tilespmem:$0x1F710] =	vst v1;
	v1 =	vcvt.s32.f32 v33;
	_ =	sdelay $0x1  }
0xec: {  	s25 =	sor.u32 $0x31, s1;
	[tilespmem:$0x1F720] =	vst v1;
	v1 =	vcvt.s32.f32 v40  }
0xed: {  	[tilespmem:$0x1F980] =	vst v51;
	v51 =	vadd.s32 s25, v0;
	s25 =	sor.u32 $0x2E0, s11;
	s26 =	sor.u32 $0x41, s1;
	s2 =	sor.u32 $0x51, s1  }
0xee: {  	s3 =	sor.u32 $0x61, s1;
	s4 =	sor.u32 $0x71, s1;
	s1 =	sshll.u32 s25, $0x7;
	[tilespmem:$0x1F730] =	vst v1;
	v1 =	vcvt.s32.f32 v34  }
0xef: {  	v54 =	vadd.s32 s3, v0;
	s3 =	sor.u32 $0x21, s1  }
0xf0: {  	[tilespmem:$0x1F740] =	vst v1;
	v1 =	vadd.s32 s3, v0  }
0xf1: {  	[tilespmem:$0x1FEC0] =	vst v1;
	v1 =	vcvt.s32.f32 v41;
	_ =	sdelay $0x1  }
0xf2: {  	[tilespmem:$0x1F750] =	vst v1;
	v1 =	vcvt.s32.f32 v22;
	_ =	sdelay $0x1  }
0xf3: {  	[tilespmem:$0x1F760] =	vst v1;
	v1 =	vcvt.s32.f32 v23;
	_ =	sdelay $0x1  }
0xf4: {  	[tilespmem:$0x1F770] =	vst v1;
	v1 =	vcvt.s32.f32 v13;
	_ =	sdelay $0x1  }
0xf5: {  	[tilespmem:$0x1F780] =	vst v1;
	v1 =	vcvt.s32.f32 v19;
	_ =	sdelay $0x1  }
0xf6: {  	[tilespmem:$0x1F790] =	vst v1;
	v1 =	vcvt.s32.f32 v14;
	_ =	sdelay $0x1  }
0xf7: {  	[tilespmem:$0x1F7A0] =	vst v1;
	v1 =	vcvt.s32.f32 v20;
	_ =	sdelay $0x1  }
0xf8: {  	[tilespmem:$0x1F7B0] =	vst v1;
	v1 =	vcvt.s32.f32 v15;
	_ =	sdelay $0x1  }
0xf9: {  	[tilespmem:$0x1F7C0] =	vst v1;
	v1 =	vcvt.s32.f32 v24;
	_ =	sdelay $0x1  }
0xfa: {  	[tilespmem:$0x1F7D0] =	vst v1;
	v1 =	vcvt.s32.f32 v21  }
0xfb: {  	v52 =	vadd.s32 s26, v0;
	s26 =	sor.u32 $0x1, s1  }
0xfc: {  	v53 =	vadd.s32 s2, v0;
	s2 =	sor.u32 $0x11, s1;
	v56 =	vadd.s32 s26, v0;
	s26 =	sor.u32 $0x41, s1;
	[tilespmem:$0x1F7E0] =	vst v1;
	v1 =	vcvt.s32.f32 v25  }
0xfd: {  	v57 =	vadd.s32 s2, v0;
	s2 =	sor.u32 $0x51, s1;
	v60 =	vadd.s32 s26, v0;
	s26 =	sor.u32 $0x300, s11  }
0xfe: {  	v55 =	vadd.s32 s4, v0;
	s4 =	sor.u32 $0x31, s1;
	v61 =	vadd.s32 s2, v0;
	s2 =	sshll.u32 s26, $0x7;
	[tilespmem:$0x1F7F0] =	vst v1;
	v1 =	vcvt.s32.f32 v10  }
0xff: {  	v59 =	vadd.s32 s4, v0;
	s4 =	sor.u32 $0x71, s1;
	s3 =	sor.u32 $0x61, s1;
	s1 =	sor.u32 $0x1, s2  }
0x100: {  	[tilespmem:$0x1F800] =	vst v1;
	v1 =	vadd.s32 s1, v0  }
0x101: {  	[tilespmem:$0x1FED0] =	vst v1;
	v1 =	vcvt.s32.f32 v16;
	_ =	sdelay $0x1  }
0x102: {  	[tilespmem:$0x1F810] =	vst v1;
	v1 =	vcvt.s32.f32 v11  }
0x103: {  	v62 =	vadd.s32 s3, v0;
	s3 =	sor.u32 $0x11, s2  }
0x104: {  	[tilespmem:$0x1F820] =	vst v1;
	v1 =	vadd.s32 s3, v0  }
0x105: {  	[tilespmem:$0x1FEF0] =	vst v1;
	v1 =	vcvt.s32.f32 v17;
	_ =	sdelay $0x1  }
0x106: {  	[tilespmem:$0x1F830] =	vst v1;
	v1 =	vcvt.s32.f32 v12  }
0x107: {  	s3 =	sor.u32 $0x21, s2  }
0x108: {  	[tilespmem:$0x1F840] =	vst v1;
	v1 =	vadd.s32 s3, v0  }
0x109: {  	[tilespmem:$0x1FF10] =	vst v1;
	v1 =	vcvt.s32.f32 v26;
	_ =	sdelay $0x1  }
0x10a: {  	[tilespmem:$0x1F850] =	vst v1;
	v1 =	vcvt.s32.f32 v18  }
0x10b: {  	s30 =	sor.u32 $0x31, s2  }
0x10c: {  	[tilespmem:$0x1F860] =	vst v1;
	v1 =	vadd.s32 s30, v0  }
0x10d: {  	[tilespmem:$0x1FF30] =	vst v1;
	v1 =	vld [tilespmem:$0x1F870];
	_ =	sdelay $0x4  }
0x10e: {  	v1 =	vcvt.s32.f32 v1  }
0x10f: {  	v63 =	vadd.s32 s4, v0;
	s4 =	ssub.s32 $0x2, s5  }
0x110: {  	s29 =	sshrl.u32 s4, $0x1;
	[tilespmem:$0x1F880] =	vst v1;
	v1 =	vcvt.s32.f32 v50  }
0x111: {  	s31 =	ssub.s32 s4, s29;
	s4 =	sor.u32 $0x41, s2  }
0x112: {  	[tilespmem:$0x1F890] =	vst v1;
	v1 =	vadd.s32 s4, v0  }
0x113: {  	[tilespmem:$0x1FF50] =	vst v1;
	v1 =	vcvt.s32.f32 v58;
	_ =	sdelay $0x1  }
0x114: {  	[tilespmem:$0x1F8A0] =	vst v1;
	v1 =	vcvt.s32.f32 v42  }
0x115: {  	s30 =	sor.u32 $0x51, s2  }
0x116: {  	[tilespmem:$0x1F8B0] =	vst v1;
	v1 =	vadd.s32 s30, v0  }
0x117: {  	[tilespmem:$0x1FF70] =	vst v1;
	v1 =	vld [tilespmem:$0x1F8C0];
	_ =	sdelay $0x4  }
0x118: {  	v1 =	vcvt.s32.f32 v1;
	_ =	sdelay $0x1  }
0x119: {  	[tilespmem:$0x1F8D0] =	vst v1;
	v1 =	vld [tilespmem:$0x1F8E0];
	_ =	sdelay $0x4  }
0x11a: {  	v1 =	vcvt.s32.f32 v1  }
0x11b: {  	s28 =	sor.u32 $0x61, s2;
	s2 =	sor.u32 $0x71, s2  }
0x11c: {  	[tilespmem:$0x1F8F0] =	vst v1;
	v1 =	vadd.s32 s28, v0;
	v0 =	vadd.s32 s2, v0  }
0x11d: {  	[tilespmem:$0x1FFE0] =	vst v0;
	v0 =	vld [tilespmem:$0x1F940]  }
0x11e: {  	[tilespmem:$0x1FFC0] =	vst v1;
	v1 =	vld [tilespmem:$0x1F900];
	_ =	sdelay $0x3  }
0x11f: {  	v0 =	vcvt.s32.f32 v0  }
0x120: {  	v2 =	vld [tilespmem:$0x1F9C0];
	v1 =	vcvt.s32.f32 v1  }
0x121: {  	[tilespmem:$0x1F950] =	vst v0;
	v0 =	vld [tilespmem:$0x1F960]  }
0x122: {  	[tilespmem:$0x1F910] =	vst v1;
	v1 =	vld [tilespmem:$0x1F920];
	_ =	sdelay $0x2  }
0x123: {  	v2 =	vcvt.s32.f32 v2  }
0x124: {  	v0 =	vcvt.s32.f32 v0  }
0x125: {  	[tilespmem:$0x1F9D0] =	vst v2;
	v2 =	vld [tilespmem:$0x1F9E0];
	v1 =	vcvt.s32.f32 v1  }
0x126: {  	[tilespmem:$0x1F970] =	vst v0;
	v0 =	vld [tilespmem:$0x1F980]  }
0x127: {  	[tilespmem:$0x1F930] =	vst v1;
	v1 =	vld [tilespmem:$0x1F9A0];
	_ =	sdelay $0x1  }
0x128: {  	s29 =	rddreg [dreg:$0x0];
	s1 =	simm.s32 $0x0;
	s4 =	stileid.u32  }
0x129: {  	v2 =	vcvt.s32.f32 v2;
	[smem:$0x7FF] =	sst s1;
	s3 =	sshll.u32 s4, $0x4  }
0x12a: {  	s0 =	sshll.u32 s4, $0x9;
	s3 =	sand.u32 $0x70, s3;
	s28 =	rddreg [dreg:$0x4];
	v0 =	vcvt.s32.f32 v0  }
0x12b: {  	[tilespmem:$0x1F9F0] =	vst v2;
	s2 =	sadd.s32 s3, s28;
	s3 =	sadd.s32 s0, s28;
	s28 =	rddreg [dreg:$0x2];
	v1 =	vcvt.s32.f32 v1  }
0x12c: {  	vm0 =	vcmask $0x300;
	s30 =	rddreg [dreg:$0x1];
	s0 =	sadd.s32 s28, s0;
	[tilespmem:$0x1F990] =	vst v0;
	v0 =	vimm.f32 $9.998400000e+04  }
0x12d: {  	vm14 =	vcmask $0x704;
	[dreg:$0x7] =	wrdreg s0;
	[tilespmem:$0x1F9B0] =	vst v1;
	v0 =	vsel vm0, $0x47C34080, v0  }
0x12e: {  	vm15 =	vcmask $0xB08;
	s28 =	sshll.u32 s5, $0xD;
	s5 =	rddreg [dreg:$0x5];
	_ =	strace $0x80000047;
	v0 =	vsel vm14, $0x47C34100, v0  }
0x12f: {  	v4 =	vsel vm15, $0x47C34180, v0;
	v0 =	vld [tilespmem:$0x1FB40];
	_ =	sdelay $0x4  }
0x130: {  	v0 =	vcvt.s32.f32 v0;
	_ =	sdelay $0x1  }
0x131: {  	[tilespmem:$0x1FB50] =	vst v0;
	v0 =	vld [tilespmem:$0x1FB60];
	_ =	sdelay $0x4  }
0x132: {  	v0 =	vcvt.s32.f32 v0;
	_ =	sdelay $0x1  }
0x133: {  	[tilespmem:$0x1FB70] =	vst v0;
	v0 =	vld [tilespmem:$0x1FB80];
	_ =	sdelay $0x4  }
0x134: {  	v0 =	vcvt.s32.f32 v0;
	_ =	sdelay $0x1  }
0x135: {  	[tilespmem:$0x1FB90] =	vst v0;
	v0 =	vld [tilespmem:$0x1FBA0];
	_ =	sdelay $0x4  }
0x136: {  	v0 =	vcvt.s32.f32 v0;
	_ =	sdelay $0x1  }
0x137: {  	[tilespmem:$0x1FBB0] =	vst v0;
	v0 =	vld [tilespmem:$0x1FBC0];
	_ =	sdelay $0x4  }
0x138: {  	v0 =	vcvt.s32.f32 v0;
	_ =	sdelay $0x1  }
0x139: {  	[tilespmem:$0x1FBD0] =	vst v0;
	v0 =	vld [tilespmem:$0x1FBE0];
	_ =	sdelay $0x4  }
0x13a: {  	v3 =	vcvt.s32.f32 v0;
	v0 =	vld [tilespmem:$0x1FBF0];
	_ =	sdelay $0x3  }
0x13b: {  	vm4 =	vcmask $0xF0C  }
0x13c: {  	v10 =	vsel vm4, $0x47C34200, v4;
	v4 =	vcvt.s32.f32 v0;
	v0 =	vld [tilespmem:$0x1FC00]  }
0x13d: {  	v1 =	vimm.f32 $1.000000000e+05  }
0x13e: {  	v1 =	vsel vm0, $0x47C34880, v1  }
0x13f: {  	v1 =	vsel vm14, $0x47C34900, v1  }
0x140: {  	v5 =	vsel vm15, $0x47C34980, v1  }
0x141: {  	v11 =	vsel vm4, $0x47C34A00, v5;
	v5 =	vcvt.s32.f32 v0;
	v0 =	vld [tilespmem:$0x1FC10];
	_ =	sdelay $0x4  }
0x142: {  	v6 =	vcvt.s32.f32 v0;
	v0 =	vld [tilespmem:$0x1FC20];
	_ =	sdelay $0x4  }
0x143: {  	v7 =	vcvt.s32.f32 v0;
	v0 =	vld [tilespmem:$0x1FC30];
	_ =	sdelay $0x4  }
0x144: {  	v8 =	vcvt.s32.f32 v0;
	v0 =	vld [tilespmem:$0x1FC40];
	_ =	sdelay $0x4  }
0x145: {  	v9 =	vcvt.s32.f32 v0;
	v0 =	vld [tilespmem:$0x1FC50];
	_ =	sdelay $0x3  }
0x146: {  	vm5 =	vcmask $0x1310  }
0x147: {  	v16 =	vsel vm5, $0x47C34280, v10;
	v10 =	vcvt.s32.f32 v0;
	v0 =	vld [tilespmem:$0x1FC60];
	_ =	sdelay $0x4  }
0x148: {  	v17 =	vsel vm5, $0x47C34A80, v11;
	v11 =	vcvt.s32.f32 v0;
	v0 =	vld [tilespmem:$0x1FC70];
	_ =	sdelay $0x4  }
0x149: {  	v12 =	vcvt.s32.f32 v0;
	v0 =	vld [tilespmem:$0x1FC80];
	_ =	sdelay $0x4  }
0x14a: {  	v13 =	vcvt.s32.f32 v0;
	v0 =	vld [tilespmem:$0x1FC90];
	_ =	sdelay $0x4  }
0x14b: {  	v14 =	vcvt.s32.f32 v0;
	v0 =	vld [tilespmem:$0x1FCA0];
	_ =	sdelay $0x4  }
0x14c: {  	v15 =	vcvt.s32.f32 v0;
	v0 =	vld [tilespmem:$0x1FCB0];
	_ =	sdelay $0x3  }
0x14d: {  	vm6 =	vcmask $0x1714  }
0x14e: {  	v22 =	vsel vm6, $0x47C34300, v16;
	v16 =	vcvt.s32.f32 v0;
	v0 =	vld [tilespmem:$0x1FCC0];
	_ =	sdelay $0x4  }
0x14f: {  	v23 =	vsel vm6, $0x47C34B00, v17;
	v17 =	vcvt.s32.f32 v0;
	v0 =	vld [tilespmem:$0x1FCD0];
	_ =	sdelay $0x4  }
0x150: {  	v18 =	vcvt.s32.f32 v0;
	v0 =	vld [tilespmem:$0x1FCE0];
	_ =	sdelay $0x4  }
0x151: {  	v19 =	vcvt.s32.f32 v0;
	v0 =	vld [tilespmem:$0x1FCF0];
	_ =	sdelay $0x4  }
0x152: {  	v20 =	vcvt.s32.f32 v0;
	v0 =	vld [tilespmem:$0x1FD00];
	_ =	sdelay $0x4  }
0x153: {  	v21 =	vcvt.s32.f32 v0;
	v0 =	vld [tilespmem:$0x1FD10];
	_ =	sdelay $0x3  }
0x154: {  	vm7 =	vcmask $0x1B18  }
0x155: {  	v28 =	vsel vm7, $0x47C34380, v22;
	v22 =	vcvt.s32.f32 v0;
	v0 =	vld [tilespmem:$0x1FD20];
	_ =	sdelay $0x4  }
0x156: {  	v29 =	vsel vm7, $0x47C34B80, v23;
	v23 =	vcvt.s32.f32 v0;
	v0 =	vld [tilespmem:$0x1FD30];
	_ =	sdelay $0x4  }
0x157: {  	v24 =	vcvt.s32.f32 v0;
	v0 =	vld [tilespmem:$0x1FD40];
	_ =	sdelay $0x4  }
0x158: {  	v25 =	vcvt.s32.f32 v0;
	v0 =	vld [tilespmem:$0x1FD50];
	_ =	sdelay $0x4  }
0x159: {  	v26 =	vcvt.s32.f32 v0;
	v0 =	vld [tilespmem:$0x1FD60];
	_ =	sdelay $0x4  }
0x15a: {  	v27 =	vcvt.s32.f32 v0;
	v0 =	vld [tilespmem:$0x1FD70];
	_ =	sdelay $0x1  }
0x15b: {  	v2 =	vld [tilespmem:$0x1FA00];
	_ =	sdelay $0x1  }
0x15c: {  	vm8 =	vcmask $0x1F1C  }
0x15d: {  	v45 =	vsel vm8, $0x47C34400, v28;
	v28 =	vcvt.s32.f32 v0;
	v0 =	vld [tilespmem:$0x1FD80];
	_ =	sdelay $0x1  }
0x15e: {  	v2 =	vcvt.s32.f32 v2;
	_ =	sdelay $0x1  }
0x15f: {  	[tilespmem:$0x1FA10] =	vst v2;
	v2 =	vld [tilespmem:$0x1FA20]  }
0x160: {  	v46 =	vsel vm8, $0x47C34C00, v29;
	v29 =	vcvt.s32.f32 v0;
	v0 =	vld [tilespmem:$0x1FD90];
	_ =	sdelay $0x4  }
0x161: {  	v2 =	vcvt.s32.f32 v2;
	v30 =	vcvt.s32.f32 v0;
	v0 =	vld [tilespmem:$0x1FDA0];
	_ =	sdelay $0x1  }
0x162: {  	[tilespmem:$0x1FA30] =	vst v2;
	v2 =	vld [tilespmem:$0x1FA40];
	_ =	sdelay $0x2  }
0x163: {  	v31 =	vcvt.s32.f32 v0;
	v0 =	vld [tilespmem:$0x1FDB0];
	_ =	sdelay $0x1  }
0x164: {  	v2 =	vcvt.s32.f32 v2;
	_ =	sdelay $0x1  }
0x165: {  	[tilespmem:$0x1FA50] =	vst v2;
	v2 =	vld [tilespmem:$0x1FA60]  }
0x166: {  	v32 =	vcvt.s32.f32 v0;
	v0 =	vld [tilespmem:$0x1FDC0];
	_ =	sdelay $0x4  }
0x167: {  	v2 =	vcvt.s32.f32 v2;
	v33 =	vcvt.s32.f32 v0;
	v0 =	vld [tilespmem:$0x1FDD0];
	_ =	sdelay $0x1  }
0x168: {  	[tilespmem:$0x1FA70] =	vst v2;
	v2 =	vld [tilespmem:$0x1FA80];
	_ =	sdelay $0x2  }
0x169: {  	v34 =	vcvt.s32.f32 v0;
	v0 =	vld [tilespmem:$0x1FDE0];
	_ =	sdelay $0x1  }
0x16a: {  	v2 =	vcvt.s32.f32 v2;
	_ =	sdelay $0x1  }
0x16b: {  	[tilespmem:$0x1FA90] =	vst v2;
	v2 =	vld [tilespmem:$0x1FAA0]  }
0x16c: {  	v35 =	vcvt.s32.f32 v0;
	v0 =	vld [tilespmem:$0x1FDF0];
	_ =	sdelay $0x4  }
0x16d: {  	v2 =	vcvt.s32.f32 v2;
	v37 =	vcvt.s32.f32 v0;
	v0 =	vld [tilespmem:$0x1FE00];
	_ =	sdelay $0x1  }
0x16e: {  	[tilespmem:$0x1FAB0] =	vst v2;
	v2 =	vld [tilespmem:$0x1FAC0];
	_ =	sdelay $0x2  }
0x16f: {  	v38 =	vcvt.s32.f32 v0;
	v0 =	vld [tilespmem:$0x1FE10];
	_ =	sdelay $0x1  }
0x170: {  	v2 =	vcvt.s32.f32 v2  }
0x171: {  	v1 =	vld [tilespmem:$0x1FE70]  }
0x172: {  	[tilespmem:$0x1FAD0] =	vst v2;
	v2 =	vld [tilespmem:$0x1FAE0]  }
0x173: {  	v39 =	vcvt.s32.f32 v0;
	v0 =	vld [tilespmem:$0x1FE20];
	_ =	sdelay $0x1  }
0x174: {  	vm9 =	vcmask $0x2320  }
0x175: {  	v48 =	vsel vm9, $0x47C34C80, v46;
	v46 =	vcvt.s32.f32 v1;
	v1 =	vld [tilespmem:$0x1FE80];
	_ =	sdelay $0x1  }
0x176: {  	v2 =	vcvt.s32.f32 v2;
	v40 =	vcvt.s32.f32 v0;
	v0 =	vld [tilespmem:$0x1FE30]  }
0x177: {  	vm10 =	vcmask $0x2724  }
0x178: {  	p0 =	sgt.u32 s11, $0xC;
	p1 =	sne.s32 s11, $0x1F;
	s0 =	sshll.u32 s11, $0x6;
	v47 =	vsel vm9, $0x47C34480, v45;
	[tilespmem:$0x1FAF0] =	vst v2;
	v2 =	vld [tilespmem:$0x1FB00]  }
0x179: {  	s4 =	stileid.u32;
	s3 =	sadd.s32 s28, s3;
	s0 =	sand.u32 $0x600, s0;
	v49 =	vsel vm10, $0x47C34500, v47;
	v47 =	vcvt.s32.f32 v1;
	v1 =	vld [tilespmem:$0x1FE90]  }
0x17a: {  	s28 =	sshll.u32 s4, $0xC;
	s2 =	sadd.s32 s0, s2;
	s0 =	sshll.u32 s11, $0xB  }
0x17b: {  	s11 =	sshll.u32 s11, $0x4;
	s0 =	sadd.s32 s29, s0;
	s4 =	sld [smem:$0x7E7];
	v41 =	vcvt.s32.f32 v0;
	v0 =	vld [tilespmem:$0x1FE40]  }
0x17c: {  	s11 =	sadd.s32 s30, s11;
	[dreg:$0x9] =	wrdreg s0  }
0x17d: {  	s28 =	sadd.s32 s28, s5;
	[dreg:$0xa] =	wrdreg s11;
	v2 =	vcvt.s32.f32 v2  }
0x17e: {  	s0 =	sshll.u32 s4, $0xB;
	s11 =	sshll.u32 s4, $0x4;
	s4 =	sld [smem:$0x7E8];
	v50 =	vsel vm10, $0x47C34D00, v48;
	v48 =	vcvt.s32.f32 v1;
	v1 =	vld [tilespmem:$0x1FEA0]  }
0x17f: {  	[dreg:$0x8] =	wrdreg s28;
	s0 =	sadd.s32 s29, s0;
	[tilespmem:$0x1FB10] =	vst v2;
	v2 =	vld [tilespmem:$0x1FB20]  }
0x180: {  	v36 =	vcvt.s32.f32 v43;
	[dreg:$0xb] =	wrdreg s0;
	v43 =	vcvt.s32.f32 v0;
	v0 =	vld [tilespmem:$0x1FE50]  }
0x181: {  	s28 =	sshll.u32 s4, $0xB;
	s0 =	sshll.u32 s4, $0x4;
	s4 =	sld [smem:$0x7E9]  }
0x182: {  	s11 =	sadd.s32 s30, s11  }
0x183: {  	vm11 =	vcmask $0x2B28;
	[dreg:$0xc] =	wrdreg s11;
	s11 =	sadd.s32 s29, s28  }
0x184: {  	s0 =	sadd.s32 s30, s0;
	[dreg:$0xd] =	wrdreg s11;
	s28 =	sshll.u32 s4, $0x4;
	v58 =	vsel vm11, $0x47C34580, v49;
	v49 =	vcvt.s32.f32 v1;
	v1 =	vld [tilespmem:$0x1FEB0];
	v2 =	vcvt.s32.f32 v2  }
0x185: {  	v42 =	vcvt.s32.f32 v44;
	[dreg:$0xe] =	wrdreg s0;
	s11 =	sshll.u32 s4, $0xB;
	s4 =	sadd.s32 s30, s28;
	v44 =	vcvt.s32.f32 v0;
	v0 =	vld [tilespmem:$0x1FE60]  }
0x186: {  	[dreg:$0x10] =	wrdreg s4;
	[tilespmem:$0x1FB30] =	vst v2;
	v2 =	vld [tilespmem:$0x1FEC0]  }
0x187: {  	s0 =	sshll.u32 s6, $0xB;
	s4 =	sld [smem:$0x7EA]  }
0x188: {  	s31 =	smax.u32 s31, $0x1;
	s0 =	sadd.s32 s29, s0  }
0x189: {  	vm12 =	vcmask $0x2F2C;
	vm13 =	vcmask $0x3330;
	s6 =	sshll.u32 s6, $0x4;
	s11 =	sadd.s32 s29, s11;
	[dreg:$0x11] =	wrdreg s0  }
0x18a: {  	s6 =	sadd.s32 s30, s6;
	v58 =	vsel vm12, $0x47C34600, v58;
	[dreg:$0xf] =	wrdreg s11;
	s11 =	sshll.u32 s4, $0xB;
	v45 =	vcvt.s32.f32 v0;
	v0 =	vsel vm11, $0x47C34D80, v50  }
0x18b: {  	[dreg:$0x12] =	wrdreg s6;
	s6 =	sshll.u32 s4, $0x4;
	s11 =	sadd.s32 s29, s11;
	v50 =	vcvt.s32.f32 v1;
	v1 =	vsel vm13, $0x47C34680, v58;
	v58 =	vcvt.s32.f32 v2;
	v2 =	vld [tilespmem:$0x1FED0]  }
0x18c: {  	s0 =	sadd.s32 s30, s6;
	[dreg:$0x13] =	wrdreg s11;
	s11 =	sshll.u32 s7, $0xB  }
0x18d: {  	s7 =	sshll.u32 s7, $0x4;
	[dreg:$0x14] =	wrdreg s0;
	s4 =	sadd.s32 s29, s11  }
0x18e: {  	s6 =	sadd.s32 s30, s7;
	s7 =	sshll.u32 s9, $0xB;
	[dreg:$0x15] =	wrdreg s4  }
0x18f: {  	s11 =	sshll.u32 s9, $0x4;
	[dreg:$0x16] =	wrdreg s6;
	s0 =	sadd.s32 s29, s7  }
0x190: {  	s4 =	sshll.u32 s10, $0xB;
	s6 =	sadd.s32 s30, s11;
	[dreg:$0x17] =	wrdreg s0;
	v2 =	vcvt.s32.f32 v2  }
0x191: {  	s9 =	sshll.u32 s10, $0x4;
	[dreg:$0x18] =	wrdreg s6;
	s7 =	sadd.s32 s29, s4  }
0x192: {  	s10 =	sshll.u32 s8, $0xB;
	s0 =	sadd.s32 s30, s9;
	[dreg:$0x19] =	wrdreg s7;
	[tilespmem:$0x1FEE0] =	vst v2;
	v2 =	vld [tilespmem:$0x1FEF0]  }
0x193: {  	s11 =	sshll.u32 s8, $0x4;
	s6 =	sadd.s32 s29, s10;
	[dreg:$0x1a] =	wrdreg s0  }
0x194: {  	s8 =	sshll.u32 s12, $0xB;
	[dreg:$0x1b] =	wrdreg s6;
	s7 =	sadd.s32 s30, s11  }
0x195: {  	s9 =	sshll.u32 s12, $0x4;
	s0 =	sadd.s32 s29, s8;
	[dreg:$0x1c] =	wrdreg s7  }
0x196: {  	s10 =	sshll.u32 s13, $0xB;
	s11 =	sadd.s32 s30, s9;
	[dreg:$0x1d] =	wrdreg s0  }
0x197: {  	s4 =	sshll.u32 s13, $0x4;
	s12 =	sadd.s32 s29, s10;
	[dreg:$0x1e] =	wrdreg s11;
	v2 =	vcvt.s32.f32 v2  }
0x198: {  	s6 =	sshll.u32 s14, $0xB;
	s10 =	sshll.u32 s15, $0xB;
	[dreg:$0x1f] =	wrdreg s12  }
0x199: {  	s7 =	sshll.u32 s14, $0x4;
	s0 =	sadd.s32 s30, s4;
	s8 =	sadd.s32 s29, s6;
	[tilespmem:$0x1FF00] =	vst v2;
	v2 =	vld [tilespmem:$0x1FF10]  }
0x19a: {  	s11 =	sshll.u32 s15, $0x4;
	s12 =	sshll.u32 s16, $0xB;
	[smem:$0x7EB] =	sst s0  }
0x19b: {  	s15 =	sshll.u32 s16, $0x4;
	[smem:$0x7EC] =	sst s8;
	s9 =	sadd.s32 s30, s7  }
0x19c: {  	s16 =	sshll.u32 s17, $0xB;
	s0 =	sadd.s32 s29, s10;
	[smem:$0x7ED] =	sst s9  }
0x19d: {  	s17 =	sshll.u32 s17, $0x4;
	s13 =	sadd.s32 s30, s11;
	[smem:$0x7EE] =	sst s0  }
0x19e: {  	s6 =	simm.s32 $0x8080;
	s14 =	sadd.s32 s29, s12;
	[smem:$0x7EF] =	sst s13;
	v2 =	vcvt.s32.f32 v2  }
0x19f: {  	s7 =	sadd.s32 s29, s16;
	s8 =	sadd.s32 s30, s17;
	[smem:$0x7F0] =	sst s14  }
0x1a0: {  	s10 =	sshll.u32 s18, $0x4;
	s11 =	sshll.u32 s19, $0xB;
	[smem:$0x7F2] =	sst s7;
	[tilespmem:$0x1FF20] =	vst v2;
	v2 =	vld [tilespmem:$0x1FF30]  }
0x1a1: {  	s16 =	sshll.u32 s20, $0x4;
	s0 =	sadd.s32 s30, s15;
	[smem:$0x7F3] =	sst s8  }
0x1a2: {  	s9 =	sshll.u32 s18, $0xB;
	s12 =	sadd.s32 s30, s10;
	s13 =	sadd.s32 s29, s11;
	v0 =	vsel vm12, $0x47C34E00, v0  }
0x1a3: {  	vm14 =	vcmask $0x3734;
	s14 =	sshll.u32 s19, $0x4;
	s15 =	sshll.u32 s20, $0xB;
	s18 =	sadd.s32 s30, s16;
	v0 =	vsel vm13, $0x47C34E80, v0  }
0x1a4: {  	vm15 =	vcmask $0x3B38;
	s19 =	sshll.u32 s21, $0xB;
	s20 =	sshll.u32 s21, $0x4;
	s21 =	sshll.u32 s22, $0xB;
	v0 =	vsel vm14, $0x47C34F00, v0  }
0x1a5: {  	s7 =	sshll.u32 s22, $0x4;
	s8 =	sshll.u32 s23, $0xB;
	[smem:$0x7F1] =	sst s0;
	v0 =	vsel vm15, $0x47C34F80, v0;
	v2 =	vcvt.s32.f32 v2  }
0x1a6: {  	s10 =	sshll.u32 s24, $0xB;
	s11 =	sshll.u32 s24, $0x4;
	[smem:$0x7F5] =	sst s12;
	[tilespmem:$0x1FFB0] =	vst v0;
	v0 =	vld [tilespmem:$0x1FFC0]  }
0x1a7: {  	s16 =	sadd.s32 $0x186800, s29;
	s0 =	sadd.s32 s29, s9;
	[smem:$0x7F6] =	sst s13;
	[tilespmem:$0x1FF40] =	vst v2;
	v2 =	vld [tilespmem:$0x1FF50]  }
0x1a8: {  	s17 =	sadd.s32 s29, s15;
	[smem:$0x7F9] =	sst s18;
	s4 =	sadd.s32 s30, s20  }
0x1a9: {  	s18 =	sadd.s32 s29, s21;
	s9 =	sshll.u32 s23, $0x4;
	s20 =	sadd.s32 s29, s8  }
0x1aa: {  	s12 =	sshll.u32 s25, $0xB;
	s22 =	sadd.s32 s29, s10;
	s23 =	sadd.s32 s30, s11  }
0x1ab: {  	s13 =	sshll.u32 s25, $0x4;
	s15 =	sshll.u32 s26, $0xB;
	[smem:$0x7FC] =	sst s16;
	v0 =	vcvt.s32.f32 v0  }
0x1ac: {  	s8 =	simm.s32 $0x5;
	s10 =	simm.s32 $0x3;
	[smem:$0x7F4] =	sst s0;
	v2 =	vcvt.s32.f32 v2  }
0x1ad: {  	s11 =	simm.s32 $0x2;
	s0 =	sadd.s32 s30, s14;
	[smem:$0x7F8] =	sst s17;
	[tilespmem:$0x1FFD0] =	vst v0;
	v0 =	vld [tilespmem:$0x1FFE0]  }
0x1ae: {  	[smem:$0x7FB] =	sst s4;
	s21 =	sadd.s32 s30, s9;
	s24 =	sadd.s32 s29, s12;
	[tilespmem:$0x1FF60] =	vst v2;
	v2 =	vld [tilespmem:$0x1FF70]  }
0x1af: {  	v51 =	vcvt.s32.f32 v51;
	v52 =	vcvt.s32.f32 v52;
	s14 =	sshll.u32 s26, $0x4;
	s25 =	sadd.s32 s30, s13;
	s26 =	sadd.s32 s29, s15  }
0x1b0: {  	v53 =	vcvt.s32.f32 v53;
	v54 =	vcvt.s32.f32 v54;
	s17 =	sadd.s32 $0x30D0, s30;
	s4 =	simm.s32 $0x9180;
	s9 =	simm.s32 $0x80  }
.Ltmp0:
0x1b1: {  	v55 =	vcvt.s32.f32 v55;
	v56 =	vcvt.s32.f32 v56;
	s12 =	simm.s32 $0x6;
	s13 =	simm.s32 $0x4;
	v1 =	vsel vm14, $0x47C34700, v1;
	(pc) =	sbr.rel .LBB2_1-.Ltmp0, $4  }
0x1b2: {  	v57 =	vcvt.s32.f32 v57;
	[smem:$0x7F7] =	sst s0;
	s0 =	sadd.s32 s29, s19;
	s19 =	sadd.s32 s30, s7;
	v1 =	vsel vm15, $0x47C34780, v1;
	v0 =	vcvt.s32.f32 v0  }
0x1b3: {  	v59 =	vcvt.s32.f32 v59;
	s28 =	sadd.s32 s30, s14;
	[smem:$0x7FD] =	sst s17;
	s29 =	sadd.s32 $0x1200, s3;
	[tilespmem:$0x1FF90] =	vst v1;
	v2 =	vcvt.s32.f32 v2  }
0x1b4: {  	v60 =	vcvt.s32.f32 v60;
	v61 =	vcvt.s32.f32 v61;
	s30 =	sadd.s32 $0x5200, s2;
	s3 =	simm.s32 $0x8000;
	s2 =	simm.s32 $0x4000;
	[tilespmem:$0x1FFF0] =	vst v0  }
0x1b5: {  	v63 =	vcvt.s32.f32 v63;
	v62 =	vcvt.s32.f32 v62;
	s7 =	simm.s32 $0x1;
	[smem:$0x7FA] =	sst s0;
	s0 =	simm.s32 $0x7;
	v1 =	vld [tilespmem:$0x1FFA0];
	[tilespmem:$0x1FF80] =	vst v2  }
.LBB2_3:
0x1b6: {  	s16 =	sld @!p1 [smem:$0x7FC];
	_ =	sdelay $0x1  }
0x1b7: {  	s17 =	simm.s32 @!p1 $0x8100  }
0x1b8: {  	[tilespmem:s17], [sflag:$0x7] =	stream.linear.gather @!p1 [hbm4b:s16+s1], $0x1000, $0x38;
	[tilespmem:$0xA380] =	vst v63  }
0x1b9: {  	_ =	swait.ge @!p1 [sflag:s0], $0x1000  }
0x1ba: {  	s16 =	sld @!p1 [smem:$0x7FD]  }
0x1bb: {  	s17 =	simm.s32 @!p1 $0x9100;
	[sflag:s0] =	ssyncset.done @!p1 $0x0  }
0x1bc: {  	[sflag:s0] =	ssyncadd.s32 @!p1 $0xFFFFF000;
	s0 =	smov.u32 @!p1 s5;
	s5 =	simm.s32 @!p1 $0x7  }
0x1bd: {  	[tilespmem:s17], [sflag:$0x7] =	stream.linear.gather @!p1 [hbm4b:s16+s1], $0x20, $0x38;
	[tilespmem:$0xA380] =	vst v63  }
0x1be: {  	_ =	swait.ge @!p1 [sflag:s5], $0x20  }
0x1bf: {  	s16 =	simm.s32 @!p1 $0x20;
	[sflag:s5] =	ssyncset.done @!p1 $0x0  }
0x1c0: {  	[sflag:s5] =	ssyncadd.s32 @!p1 $0xFFFFFFE0;
	s5 =	smov.u32 @!p1 s0;
	s0 =	simm.s32 @!p1 $0x8100  }
0x1c1: {  	[spmem:s5] =	stream.indirect.scatter.add.f32 @!p1 [tilespmem:s0], [sflag:$0x7], $0x80, s17, s16, $0xb8;
	[tilespmem:$0xA380] =	vst v63  }
0x1c2: {  	s0 =	simm.s32 @!p1 $0x7  }
0x1c3: {  	_ =	swait.ge @!p1 [sflag:s0], $0x1000  }
0x1c4: {  	[sflag:s0] =	ssyncset.done @!p1 $0x0  }
0x1c5: {  	[sflag:s0] =	ssyncadd.s32 @!p1 $0xFFFFF000  }
0x1c6: {  	v0 =	vld @!p1 [tilespmem:$0x9100];
	_ =	sdelay $0x2  }
0x1c7: {  	v2 =	vld @!p1 [tilespmem:$0x1FF90];
	_ =	sdelay $0x4  }
0x1c8: {  	[tilespmem:v0+s4+$0x0] =	vst.idx.msk @!p1 $0xffff, v2  }
0x1c9: {  	v0 =	vld @!p1 [tilespmem:$0x9110];
	_ =	sdelay $0x2  }
0x1ca: {  	v2 =	vld @!p1 [tilespmem:$0x1FFB0];
	_ =	sdelay $0x4  }
0x1cb: {  	[tilespmem:v0+s4+$0x0] =	vst.idx.msk @!p1 $0xffff, v2  }
.LBB2_4:
0x1cc: {  	[bflag:$0x0] =	sbarrier.arrive $0xFFFF  }
0x1cd: {  	[hbm:s29], [sflag:s14] =	dma.local [spmem:s15], $0x200  }
0x1ce: {  	s31 =	sadd.s32 $0xFFFFFFFF, s31;
	_ =	swait.ge [sflag:s0], $0x200  }
0x1cf: {  	p2 =	sne.s32 s31, $0x0;
	[sflag:s0] =	ssyncset.done $0x0  }
.Ltmp1:
0x1d0: {  	s17 =	simm.s32 $0x400;
	[sflag:s0] =	ssyncadd.s32 $0xFFFFFE00;
	(pc) =	sbr.rel @!p2 .LBB2_5-.Ltmp1, $4  }
0x1d1: {  	[hbm4b:s30+s9] =	stream.strided.scatter [tilespmem:s4], [sflag:$0x7], $0x200, s17, s9, $0x38;
	[tilespmem:$0xA380] =	vst v63  }
0x1d2: {  	_ =	swait.ge [sflag:s0], $0x200  }
0x1d3: {  	[sflag:s0] =	ssyncset.done $0x0  }
0x1d4: {  	[sflag:s0] =	ssyncadd.s32 $0xFFFFFE00  }
.LBB2_1:
0x1d5: {  	s14 =	rddreg [dreg:$0x3];
	s16 =	stileid.u32  }
0x1d6: {  	[tilespmem:s4], [sflag:$0x7] =	stream.linear.gather [hbm4b:s14+s1], $0x200, $0x38;
	[tilespmem:$0xA380] =	vst v63  }
0x1d7: {  	s14 =	sshll.u32 s16, $0x6;
	_ =	swait.ge [sflag:s0], $0x200  }
0x1d8: {  	s14 =	sor.u32 $0x1C07, s14;
	[sflag:s0] =	ssyncset.done $0x0;
	s15 =	rddreg [dreg:$0x8]  }
0x1d9: {  	s16 =	rddreg [dreg:$0x7];
	[sflag:s0] =	ssyncadd.s32 $0xFFFFFE00;
	s15 =	sshrl.u32 s15, $0x3  }
0x1da: {  	[spmem:s15], [sflag:s14] =	dma.local [hbm:s16], $0x200  }
0x1db: {  	_ =	swait.ge [sflag:s0], $0x200  }
0x1dc: {  	[sflag:s0] =	ssyncset.done $0x0  }
0x1dd: {  	[sflag:s0] =	ssyncadd.s32 $0xFFFFFE00  }
0x1de: {  	[bflag:$0x0] =	sbarrier.arrive $0xFFFF  }
0x1df: {  	s17 =	rddreg [dreg:$0x9]  }
0x1e0: {  	[tilespmem:s1], [sflag:$0x1] =	stream.linear.gather [hbm4b:s17+s1], $0x4000, $0x38;
	[tilespmem:$0xA380] =	vst v63  }
0x1e1: {  	s17 =	rddreg [dreg:$0xa]  }
0x1e2: {  	[tilespmem:s3], [sflag:$0x5] =	stream.linear.gather [hbm4b:s17+s1], $0x80, $0x38;
	[tilespmem:$0xA380] =	vst v63  }
0x1e3: {  	s17 =	rddreg [dreg:$0xb]  }
0x1e4: {  	[tilespmem:s2], [sflag:$0x2] =	stream.linear.gather [hbm4b:s17+s1], $0x4000, $0x38;
	[tilespmem:$0xA380] =	vst v63  }
0x1e5: {  	s17 =	rddreg [dreg:$0xc]  }
0x1e6: {  	[tilespmem:s6], [sflag:$0x6] =	stream.linear.gather [hbm4b:s17+s1], $0x80, $0x38;
	[tilespmem:$0xA380] =	vst v63  }
0x1e7: {  	_ =	swait.ge [sflag:s7], $0x4000  }
0x1e8: {  	[sflag:s7] =	ssyncset.done $0x0  }
0x1e9: {  	[sflag:s7] =	ssyncadd.s32 $0xFFFFC000  }
0x1ea: {  	_ =	swait.ge [sflag:s8], $0x80  }
0x1eb: {  	[sflag:s8] =	ssyncset.done $0x0  }
0x1ec: {  	[sflag:s8] =	ssyncadd.s32 $0xFFFFFF80  }
0x1ed: {  	[spmem:s5] =	stream.indirect.scatter.add.f32 [tilespmem:s1], [sflag:$0x3], $0x80, s3, s9, $0xb8;
	[tilespmem:$0xA380] =	vst v63  }
0x1ee: {  	v0 =	vld [tilespmem:$0x8000];
	_ =	sdelay $0x7  }
0x1ef: {  	[tilespmem:v0+s4+$0x0] =	vst.idx.msk $0xffff, v1  }
0x1f0: {  	v0 =	vld [tilespmem:$0x8010];
	_ =	sdelay $0x2  }
0x1f1: {  	v2 =	vld [tilespmem:$0x1F190];
	_ =	sdelay $0x4  }
0x1f2: {  	[tilespmem:v0+s4+$0x0] =	vst.idx.msk $0xffff, v2  }
0x1f3: {  	v0 =	vld [tilespmem:$0x8020];
	_ =	sdelay $0x2  }
0x1f4: {  	v2 =	vld [tilespmem:$0x1F1A0];
	_ =	sdelay $0x4  }
0x1f5: {  	[tilespmem:v0+s4+$0x0] =	vst.idx.msk $0xffff, v2  }
0x1f6: {  	v0 =	vld [tilespmem:$0x8030];
	_ =	sdelay $0x2  }
0x1f7: {  	v2 =	vld [tilespmem:$0x1F1B0];
	_ =	sdelay $0x4  }
0x1f8: {  	[tilespmem:v0+s4+$0x0] =	vst.idx.msk $0xffff, v2  }
0x1f9: {  	v0 =	vld [tilespmem:$0x8040];
	_ =	sdelay $0x2  }
0x1fa: {  	v2 =	vld [tilespmem:$0x1F1C0];
	_ =	sdelay $0x4  }
0x1fb: {  	[tilespmem:v0+s4+$0x0] =	vst.idx.msk $0xffff, v2  }
0x1fc: {  	v0 =	vld [tilespmem:$0x8050];
	_ =	sdelay $0x2  }
0x1fd: {  	v2 =	vld [tilespmem:$0x1F1D0];
	_ =	sdelay $0x4  }
0x1fe: {  	[tilespmem:v0+s4+$0x0] =	vst.idx.msk $0xffff, v2  }
0x1ff: {  	v0 =	vld [tilespmem:$0x8060];
	_ =	sdelay $0x2  }
0x200: {  	v2 =	vld [tilespmem:$0x1F1E0];
	_ =	sdelay $0x4  }
0x201: {  	[tilespmem:v0+s4+$0x0] =	vst.idx.msk $0xffff, v2  }
0x202: {  	v0 =	vld [tilespmem:$0x8070];
	_ =	sdelay $0x2  }
0x203: {  	v2 =	vld [tilespmem:$0x1F1F0];
	_ =	sdelay $0x4  }
0x204: {  	[tilespmem:v0+s4+$0x0] =	vst.idx.msk $0xffff, v2  }
0x205: {  	_ =	swait.ge [sflag:s10], $0x4000  }
0x206: {  	[sflag:s10] =	ssyncset.done $0x0  }
0x207: {  	s17 =	rddreg [dreg:$0xd];
	[sflag:s10] =	ssyncadd.s32 $0xFFFFC000  }
0x208: {  	[tilespmem:s1], [sflag:$0x1] =	stream.linear.gather [hbm4b:s17+s1], $0x4000, $0x38;
	[tilespmem:$0xA380] =	vst v63  }
0x209: {  	s17 =	rddreg [dreg:$0xe]  }
0x20a: {  	[tilespmem:s3], [sflag:$0x5] =	stream.linear.gather [hbm4b:s17+s1], $0x80, $0x38;
	[tilespmem:$0xA380] =	vst v63  }
0x20b: {  	_ =	swait.ge [sflag:s11], $0x4000  }
0x20c: {  	[sflag:s11] =	ssyncset.done $0x0  }
0x20d: {  	[sflag:s11] =	ssyncadd.s32 $0xFFFFC000  }
0x20e: {  	_ =	swait.ge [sflag:s12], $0x80  }
0x20f: {  	[sflag:s12] =	ssyncset.done $0x0  }
0x210: {  	[sflag:s12] =	ssyncadd.s32 $0xFFFFFF80  }
0x211: {  	[spmem:s5] =	stream.indirect.scatter.add.f32 [tilespmem:s2], [sflag:$0x4], $0x80, s6, s9, $0xb8;
	[tilespmem:$0xA380] =	vst v63  }
0x212: {  	v0 =	vld [tilespmem:$0x8080];
	_ =	sdelay $0x2  }
0x213: {  	v2 =	vld [tilespmem:$0x1F200];
	_ =	sdelay $0x4  }
0x214: {  	[tilespmem:v0+s4+$0x0] =	vst.idx.msk $0xffff, v2  }
0x215: {  	v0 =	vld [tilespmem:$0x8090];
	_ =	sdelay $0x2  }
0x216: {  	v2 =	vld [tilespmem:$0x1F210];
	_ =	sdelay $0x4  }
0x217: {  	[tilespmem:v0+s4+$0x0] =	vst.idx.msk $0xffff, v2  }
0x218: {  	v0 =	vld [tilespmem:$0x80A0];
	_ =	sdelay $0x2  }
0x219: {  	v2 =	vld [tilespmem:$0x1F220];
	_ =	sdelay $0x4  }
0x21a: {  	[tilespmem:v0+s4+$0x0] =	vst.idx.msk $0xffff, v2  }
0x21b: {  	v0 =	vld [tilespmem:$0x80B0];
	_ =	sdelay $0x2  }
0x21c: {  	v2 =	vld [tilespmem:$0x1F230];
	_ =	sdelay $0x4  }
0x21d: {  	[tilespmem:v0+s4+$0x0] =	vst.idx.msk $0xffff, v2  }
0x21e: {  	v0 =	vld [tilespmem:$0x80C0];
	_ =	sdelay $0x2  }
0x21f: {  	v2 =	vld [tilespmem:$0x1F240];
	_ =	sdelay $0x4  }
0x220: {  	[tilespmem:v0+s4+$0x0] =	vst.idx.msk $0xffff, v2  }
0x221: {  	v0 =	vld [tilespmem:$0x80D0];
	_ =	sdelay $0x2  }
0x222: {  	v2 =	vld [tilespmem:$0x1F250];
	_ =	sdelay $0x4  }
0x223: {  	[tilespmem:v0+s4+$0x0] =	vst.idx.msk $0xffff, v2  }
0x224: {  	v0 =	vld [tilespmem:$0x80E0];
	_ =	sdelay $0x2  }
0x225: {  	v2 =	vld [tilespmem:$0x1F260];
	_ =	sdelay $0x4  }
0x226: {  	[tilespmem:v0+s4+$0x0] =	vst.idx.msk $0xffff, v2  }
0x227: {  	v0 =	vld [tilespmem:$0x80F0];
	_ =	sdelay $0x2  }
0x228: {  	v2 =	vld [tilespmem:$0x1F270];
	_ =	sdelay $0x4  }
0x229: {  	[tilespmem:v0+s4+$0x0] =	vst.idx.msk $0xffff, v2  }
0x22a: {  	_ =	swait.ge [sflag:s13], $0x4000  }
0x22b: {  	[sflag:s13] =	ssyncset.done $0x0  }
0x22c: {  	s17 =	rddreg [dreg:$0xf];
	[sflag:s13] =	ssyncadd.s32 $0xFFFFC000  }
0x22d: {  	[tilespmem:s2], [sflag:$0x2] =	stream.linear.gather [hbm4b:s17+s1], $0x4000, $0x38;
	[tilespmem:$0xA380] =	vst v63  }
0x22e: {  	s17 =	rddreg [dreg:$0x10]  }
0x22f: {  	[tilespmem:s6], [sflag:$0x6] =	stream.linear.gather [hbm4b:s17+s1], $0x80, $0x38;
	[tilespmem:$0xA380] =	vst v63  }
0x230: {  	_ =	swait.ge [sflag:s7], $0x4000  }
0x231: {  	[sflag:s7] =	ssyncset.done $0x0  }
0x232: {  	[sflag:s7] =	ssyncadd.s32 $0xFFFFC000  }
0x233: {  	_ =	swait.ge [sflag:s8], $0x80  }
0x234: {  	[sflag:s8] =	ssyncset.done $0x0  }
0x235: {  	[sflag:s8] =	ssyncadd.s32 $0xFFFFFF80  }
0x236: {  	[spmem:s5] =	stream.indirect.scatter.add.f32 [tilespmem:s1], [sflag:$0x3], $0x80, s3, s9, $0xb8;
	[tilespmem:$0xA380] =	vst v63  }
0x237: {  	v0 =	vld [tilespmem:$0x8000];
	_ =	sdelay $0x2  }
0x238: {  	v2 =	vld [tilespmem:$0x1F280];
	_ =	sdelay $0x4  }
0x239: {  	[tilespmem:v0+s4+$0x0] =	vst.idx.msk $0xffff, v2  }
0x23a: {  	v0 =	vld [tilespmem:$0x8010];
	_ =	sdelay $0x2  }
0x23b: {  	v2 =	vld [tilespmem:$0x1F290];
	_ =	sdelay $0x4  }
0x23c: {  	[tilespmem:v0+s4+$0x0] =	vst.idx.msk $0xffff, v2  }
0x23d: {  	v0 =	vld [tilespmem:$0x8020];
	_ =	sdelay $0x2  }
0x23e: {  	v2 =	vld [tilespmem:$0x1F2A0];
	_ =	sdelay $0x4  }
0x23f: {  	[tilespmem:v0+s4+$0x0] =	vst.idx.msk $0xffff, v2  }
0x240: {  	v0 =	vld [tilespmem:$0x8030];
	_ =	sdelay $0x2  }
0x241: {  	v2 =	vld [tilespmem:$0x1F2B0];
	_ =	sdelay $0x4  }
0x242: {  	[tilespmem:v0+s4+$0x0] =	vst.idx.msk $0xffff, v2  }
0x243: {  	v0 =	vld [tilespmem:$0x8040];
	_ =	sdelay $0x2  }
0x244: {  	v2 =	vld [tilespmem:$0x1F2C0];
	_ =	sdelay $0x4  }
0x245: {  	[tilespmem:v0+s4+$0x0] =	vst.idx.msk $0xffff, v2  }
0x246: {  	v0 =	vld [tilespmem:$0x8050];
	_ =	sdelay $0x2  }
0x247: {  	v2 =	vld [tilespmem:$0x1F2D0];
	_ =	sdelay $0x4  }
0x248: {  	[tilespmem:v0+s4+$0x0] =	vst.idx.msk $0xffff, v2  }
0x249: {  	v0 =	vld [tilespmem:$0x8060];
	_ =	sdelay $0x2  }
0x24a: {  	v2 =	vld [tilespmem:$0x1F2E0];
	_ =	sdelay $0x4  }
0x24b: {  	[tilespmem:v0+s4+$0x0] =	vst.idx.msk $0xffff, v2  }
0x24c: {  	v0 =	vld [tilespmem:$0x8070];
	_ =	sdelay $0x2  }
0x24d: {  	v2 =	vld [tilespmem:$0x1F2F0];
	_ =	sdelay $0x4  }
0x24e: {  	[tilespmem:v0+s4+$0x0] =	vst.idx.msk $0xffff, v2  }
0x24f: {  	_ =	swait.ge [sflag:s10], $0x4000  }
0x250: {  	[sflag:s10] =	ssyncset.done $0x0  }
0x251: {  	s17 =	rddreg [dreg:$0x11];
	[sflag:s10] =	ssyncadd.s32 $0xFFFFC000  }
0x252: {  	[tilespmem:s1], [sflag:$0x1] =	stream.linear.gather [hbm4b:s17+s1], $0x4000, $0x38;
	[tilespmem:$0xA380] =	vst v63  }
0x253: {  	s17 =	rddreg [dreg:$0x12]  }
0x254: {  	[tilespmem:s3], [sflag:$0x5] =	stream.linear.gather [hbm4b:s17+s1], $0x80, $0x38;
	[tilespmem:$0xA380] =	vst v63  }
0x255: {  	_ =	swait.ge [sflag:s11], $0x4000  }
0x256: {  	[sflag:s11] =	ssyncset.done $0x0  }
0x257: {  	[sflag:s11] =	ssyncadd.s32 $0xFFFFC000  }
0x258: {  	_ =	swait.ge [sflag:s12], $0x80  }
0x259: {  	[sflag:s12] =	ssyncset.done $0x0  }
0x25a: {  	[sflag:s12] =	ssyncadd.s32 $0xFFFFFF80  }
0x25b: {  	[spmem:s5] =	stream.indirect.scatter.add.f32 [tilespmem:s2], [sflag:$0x4], $0x80, s6, s9, $0xb8;
	[tilespmem:$0xA380] =	vst v63  }
0x25c: {  	v0 =	vld [tilespmem:$0x8080];
	_ =	sdelay $0x2  }
0x25d: {  	v2 =	vld [tilespmem:$0x1F300];
	_ =	sdelay $0x4  }
0x25e: {  	[tilespmem:v0+s4+$0x0] =	vst.idx.msk $0xffff, v2  }
0x25f: {  	v0 =	vld [tilespmem:$0x8090];
	_ =	sdelay $0x2  }
0x260: {  	v2 =	vld [tilespmem:$0x1F310];
	_ =	sdelay $0x4  }
0x261: {  	[tilespmem:v0+s4+$0x0] =	vst.idx.msk $0xffff, v2  }
0x262: {  	v0 =	vld [tilespmem:$0x80A0];
	_ =	sdelay $0x2  }
0x263: {  	v2 =	vld [tilespmem:$0x1F320];
	_ =	sdelay $0x4  }
0x264: {  	[tilespmem:v0+s4+$0x0] =	vst.idx.msk $0xffff, v2  }
0x265: {  	v0 =	vld [tilespmem:$0x80B0];
	_ =	sdelay $0x2  }
0x266: {  	v2 =	vld [tilespmem:$0x1F330];
	_ =	sdelay $0x4  }
0x267: {  	[tilespmem:v0+s4+$0x0] =	vst.idx.msk $0xffff, v2  }
0x268: {  	v0 =	vld [tilespmem:$0x80C0];
	_ =	sdelay $0x2  }
0x269: {  	v2 =	vld [tilespmem:$0x1F340];
	_ =	sdelay $0x4  }
0x26a: {  	[tilespmem:v0+s4+$0x0] =	vst.idx.msk $0xffff, v2  }
0x26b: {  	v0 =	vld [tilespmem:$0x80D0];
	_ =	sdelay $0x2  }
0x26c: {  	v2 =	vld [tilespmem:$0x1F350];
	_ =	sdelay $0x4  }
0x26d: {  	[tilespmem:v0+s4+$0x0] =	vst.idx.msk $0xffff, v2  }
0x26e: {  	v0 =	vld [tilespmem:$0x80E0];
	_ =	sdelay $0x2  }
0x26f: {  	v2 =	vld [tilespmem:$0x1F360];
	_ =	sdelay $0x4  }
0x270: {  	[tilespmem:v0+s4+$0x0] =	vst.idx.msk $0xffff, v2  }
0x271: {  	v0 =	vld [tilespmem:$0x80F0];
	_ =	sdelay $0x2  }
0x272: {  	v2 =	vld [tilespmem:$0x1F370];
	_ =	sdelay $0x4  }
0x273: {  	[tilespmem:v0+s4+$0x0] =	vst.idx.msk $0xffff, v2  }
0x274: {  	_ =	swait.ge [sflag:s13], $0x4000  }
0x275: {  	[sflag:s13] =	ssyncset.done $0x0  }
0x276: {  	s17 =	rddreg [dreg:$0x13];
	[sflag:s13] =	ssyncadd.s32 $0xFFFFC000  }
0x277: {  	[tilespmem:s2], [sflag:$0x2] =	stream.linear.gather [hbm4b:s17+s1], $0x4000, $0x38;
	[tilespmem:$0xA380] =	vst v63  }
0x278: {  	s17 =	rddreg [dreg:$0x14]  }
0x279: {  	[tilespmem:s6], [sflag:$0x6] =	stream.linear.gather [hbm4b:s17+s1], $0x80, $0x38;
	[tilespmem:$0xA380] =	vst v63  }
0x27a: {  	_ =	swait.ge [sflag:s7], $0x4000  }
0x27b: {  	[sflag:s7] =	ssyncset.done $0x0  }
0x27c: {  	[sflag:s7] =	ssyncadd.s32 $0xFFFFC000  }
0x27d: {  	_ =	swait.ge [sflag:s8], $0x80  }
0x27e: {  	[sflag:s8] =	ssyncset.done $0x0  }
0x27f: {  	[sflag:s8] =	ssyncadd.s32 $0xFFFFFF80  }
0x280: {  	[spmem:s5] =	stream.indirect.scatter.add.f32 [tilespmem:s1], [sflag:$0x3], $0x80, s3, s9, $0xb8;
	[tilespmem:$0xA380] =	vst v63  }
0x281: {  	v0 =	vld [tilespmem:$0x8000];
	_ =	sdelay $0x2  }
0x282: {  	v2 =	vld [tilespmem:$0x1F380];
	_ =	sdelay $0x4  }
0x283: {  	[tilespmem:v0+s4+$0x0] =	vst.idx.msk $0xffff, v2  }
0x284: {  	v0 =	vld [tilespmem:$0x8010];
	_ =	sdelay $0x2  }
0x285: {  	v2 =	vld [tilespmem:$0x1F390];
	_ =	sdelay $0x4  }
0x286: {  	[tilespmem:v0+s4+$0x0] =	vst.idx.msk $0xffff, v2  }
0x287: {  	v0 =	vld [tilespmem:$0x8020];
	_ =	sdelay $0x2  }
0x288: {  	v2 =	vld [tilespmem:$0x1F3A0];
	_ =	sdelay $0x4  }
0x289: {  	[tilespmem:v0+s4+$0x0] =	vst.idx.msk $0xffff, v2  }
0x28a: {  	v0 =	vld [tilespmem:$0x8030];
	_ =	sdelay $0x2  }
0x28b: {  	v2 =	vld [tilespmem:$0x1F3B0];
	_ =	sdelay $0x4  }
0x28c: {  	[tilespmem:v0+s4+$0x0] =	vst.idx.msk $0xffff, v2  }
0x28d: {  	v0 =	vld [tilespmem:$0x8040];
	_ =	sdelay $0x2  }
0x28e: {  	v2 =	vld [tilespmem:$0x1F3C0];
	_ =	sdelay $0x4  }
0x28f: {  	[tilespmem:v0+s4+$0x0] =	vst.idx.msk $0xffff, v2  }
0x290: {  	v0 =	vld [tilespmem:$0x8050];
	_ =	sdelay $0x2  }
0x291: {  	v2 =	vld [tilespmem:$0x1F3D0];
	_ =	sdelay $0x4  }
0x292: {  	[tilespmem:v0+s4+$0x0] =	vst.idx.msk $0xffff, v2  }
0x293: {  	v0 =	vld [tilespmem:$0x8060];
	_ =	sdelay $0x2  }
0x294: {  	v2 =	vld [tilespmem:$0x1F3E0];
	_ =	sdelay $0x4  }
0x295: {  	[tilespmem:v0+s4+$0x0] =	vst.idx.msk $0xffff, v2  }
0x296: {  	v0 =	vld [tilespmem:$0x8070];
	_ =	sdelay $0x2  }
0x297: {  	v2 =	vld [tilespmem:$0x1F3F0];
	_ =	sdelay $0x4  }
0x298: {  	[tilespmem:v0+s4+$0x0] =	vst.idx.msk $0xffff, v2  }
0x299: {  	_ =	swait.ge [sflag:s10], $0x4000  }
0x29a: {  	[sflag:s10] =	ssyncset.done $0x0  }
0x29b: {  	s17 =	rddreg [dreg:$0x15];
	[sflag:s10] =	ssyncadd.s32 $0xFFFFC000  }
0x29c: {  	[tilespmem:s1], [sflag:$0x1] =	stream.linear.gather [hbm4b:s17+s1], $0x4000, $0x38;
	[tilespmem:$0xA380] =	vst v63  }
0x29d: {  	s17 =	rddreg [dreg:$0x16]  }
0x29e: {  	[tilespmem:s3], [sflag:$0x5] =	stream.linear.gather [hbm4b:s17+s1], $0x80, $0x38;
	[tilespmem:$0xA380] =	vst v63  }
0x29f: {  	_ =	swait.ge [sflag:s11], $0x4000  }
0x2a0: {  	[sflag:s11] =	ssyncset.done $0x0  }
0x2a1: {  	[sflag:s11] =	ssyncadd.s32 $0xFFFFC000  }
0x2a2: {  	_ =	swait.ge [sflag:s12], $0x80  }
0x2a3: {  	[sflag:s12] =	ssyncset.done $0x0  }
0x2a4: {  	[sflag:s12] =	ssyncadd.s32 $0xFFFFFF80  }
0x2a5: {  	[spmem:s5] =	stream.indirect.scatter.add.f32 [tilespmem:s2], [sflag:$0x4], $0x80, s6, s9, $0xb8;
	[tilespmem:$0xA380] =	vst v63  }
0x2a6: {  	v0 =	vld [tilespmem:$0x8080];
	_ =	sdelay $0x2  }
0x2a7: {  	v2 =	vld [tilespmem:$0x1F400];
	_ =	sdelay $0x4  }
0x2a8: {  	[tilespmem:v0+s4+$0x0] =	vst.idx.msk $0xffff, v2  }
0x2a9: {  	v0 =	vld [tilespmem:$0x8090];
	_ =	sdelay $0x2  }
0x2aa: {  	v2 =	vld [tilespmem:$0x1F410];
	_ =	sdelay $0x4  }
0x2ab: {  	[tilespmem:v0+s4+$0x0] =	vst.idx.msk $0xffff, v2  }
0x2ac: {  	v0 =	vld [tilespmem:$0x80A0];
	_ =	sdelay $0x2  }
0x2ad: {  	v2 =	vld [tilespmem:$0x1F420];
	_ =	sdelay $0x4  }
0x2ae: {  	[tilespmem:v0+s4+$0x0] =	vst.idx.msk $0xffff, v2  }
0x2af: {  	v0 =	vld [tilespmem:$0x80B0];
	_ =	sdelay $0x2  }
0x2b0: {  	v2 =	vld [tilespmem:$0x1F430];
	_ =	sdelay $0x4  }
0x2b1: {  	[tilespmem:v0+s4+$0x0] =	vst.idx.msk $0xffff, v2  }
0x2b2: {  	v0 =	vld [tilespmem:$0x80C0];
	_ =	sdelay $0x2  }
0x2b3: {  	v2 =	vld [tilespmem:$0x1F450];
	_ =	sdelay $0x4  }
0x2b4: {  	[tilespmem:v0+s4+$0x0] =	vst.idx.msk $0xffff, v2  }
0x2b5: {  	v0 =	vld [tilespmem:$0x80D0];
	_ =	sdelay $0x2  }
0x2b6: {  	v2 =	vld [tilespmem:$0x1F460];
	_ =	sdelay $0x4  }
0x2b7: {  	[tilespmem:v0+s4+$0x0] =	vst.idx.msk $0xffff, v2  }
0x2b8: {  	v0 =	vld [tilespmem:$0x80E0];
	_ =	sdelay $0x2  }
0x2b9: {  	v2 =	vld [tilespmem:$0x1F480];
	_ =	sdelay $0x4  }
0x2ba: {  	[tilespmem:v0+s4+$0x0] =	vst.idx.msk $0xffff, v2  }
0x2bb: {  	v0 =	vld [tilespmem:$0x80F0];
	_ =	sdelay $0x2  }
0x2bc: {  	v2 =	vld [tilespmem:$0x1F4A0];
	_ =	sdelay $0x4  }
0x2bd: {  	[tilespmem:v0+s4+$0x0] =	vst.idx.msk $0xffff, v2  }
0x2be: {  	_ =	swait.ge [sflag:s13], $0x4000  }
0x2bf: {  	[sflag:s13] =	ssyncset.done $0x0  }
0x2c0: {  	s17 =	rddreg [dreg:$0x17];
	[sflag:s13] =	ssyncadd.s32 $0xFFFFC000  }
0x2c1: {  	[tilespmem:s2], [sflag:$0x2] =	stream.linear.gather [hbm4b:s17+s1], $0x4000, $0x38;
	[tilespmem:$0xA380] =	vst v63  }
0x2c2: {  	s17 =	rddreg [dreg:$0x18]  }
0x2c3: {  	[tilespmem:s6], [sflag:$0x6] =	stream.linear.gather [hbm4b:s17+s1], $0x80, $0x38;
	[tilespmem:$0xA380] =	vst v63  }
0x2c4: {  	_ =	swait.ge [sflag:s7], $0x4000  }
0x2c5: {  	[sflag:s7] =	ssyncset.done $0x0  }
0x2c6: {  	[sflag:s7] =	ssyncadd.s32 $0xFFFFC000  }
0x2c7: {  	_ =	swait.ge [sflag:s8], $0x80  }
0x2c8: {  	[sflag:s8] =	ssyncset.done $0x0  }
0x2c9: {  	[sflag:s8] =	ssyncadd.s32 $0xFFFFFF80  }
0x2ca: {  	[spmem:s5] =	stream.indirect.scatter.add.f32 [tilespmem:s1], [sflag:$0x3], $0x80, s3, s9, $0xb8;
	[tilespmem:$0xA380] =	vst v63  }
0x2cb: {  	v0 =	vld [tilespmem:$0x8000];
	_ =	sdelay $0x2  }
0x2cc: {  	v2 =	vld [tilespmem:$0x1F4C0];
	_ =	sdelay $0x4  }
0x2cd: {  	[tilespmem:v0+s4+$0x0] =	vst.idx.msk $0xffff, v2  }
0x2ce: {  	v0 =	vld [tilespmem:$0x8010];
	_ =	sdelay $0x2  }
0x2cf: {  	v2 =	vld [tilespmem:$0x1F4E0];
	_ =	sdelay $0x4  }
0x2d0: {  	[tilespmem:v0+s4+$0x0] =	vst.idx.msk $0xffff, v2  }
0x2d1: {  	v0 =	vld [tilespmem:$0x8020];
	_ =	sdelay $0x2  }
0x2d2: {  	v2 =	vld [tilespmem:$0x1F500];
	_ =	sdelay $0x4  }
0x2d3: {  	[tilespmem:v0+s4+$0x0] =	vst.idx.msk $0xffff, v2  }
0x2d4: {  	v0 =	vld [tilespmem:$0x8030];
	_ =	sdelay $0x2  }
0x2d5: {  	v2 =	vld [tilespmem:$0x1F510];
	_ =	sdelay $0x4  }
0x2d6: {  	[tilespmem:v0+s4+$0x0] =	vst.idx.msk $0xffff, v2  }
0x2d7: {  	v0 =	vld [tilespmem:$0x8040];
	_ =	sdelay $0x2  }
0x2d8: {  	v2 =	vld [tilespmem:$0x1F530];
	_ =	sdelay $0x4  }
0x2d9: {  	[tilespmem:v0+s4+$0x0] =	vst.idx.msk $0xffff, v2  }
0x2da: {  	v0 =	vld [tilespmem:$0x8050];
	_ =	sdelay $0x2  }
0x2db: {  	v2 =	vld [tilespmem:$0x1F540];
	_ =	sdelay $0x4  }
0x2dc: {  	[tilespmem:v0+s4+$0x0] =	vst.idx.msk $0xffff, v2  }
0x2dd: {  	v0 =	vld [tilespmem:$0x8060];
	_ =	sdelay $0x2  }
0x2de: {  	v2 =	vld [tilespmem:$0x1F550];
	_ =	sdelay $0x4  }
0x2df: {  	[tilespmem:v0+s4+$0x0] =	vst.idx.msk $0xffff, v2  }
0x2e0: {  	v0 =	vld [tilespmem:$0x8070];
	_ =	sdelay $0x2  }
0x2e1: {  	v2 =	vld [tilespmem:$0x1F560];
	_ =	sdelay $0x4  }
0x2e2: {  	[tilespmem:v0+s4+$0x0] =	vst.idx.msk $0xffff, v2  }
0x2e3: {  	_ =	swait.ge [sflag:s10], $0x4000  }
0x2e4: {  	[sflag:s10] =	ssyncset.done $0x0  }
0x2e5: {  	s17 =	rddreg [dreg:$0x19];
	[sflag:s10] =	ssyncadd.s32 $0xFFFFC000  }
0x2e6: {  	[tilespmem:s1], [sflag:$0x1] =	stream.linear.gather [hbm4b:s17+s1], $0x4000, $0x38;
	[tilespmem:$0xA380] =	vst v63  }
0x2e7: {  	s17 =	rddreg [dreg:$0x1a]  }
0x2e8: {  	[tilespmem:s3], [sflag:$0x5] =	stream.linear.gather [hbm4b:s17+s1], $0x80, $0x38;
	[tilespmem:$0xA380] =	vst v63  }
0x2e9: {  	_ =	swait.ge [sflag:s11], $0x4000  }
0x2ea: {  	[sflag:s11] =	ssyncset.done $0x0  }
0x2eb: {  	[sflag:s11] =	ssyncadd.s32 $0xFFFFC000  }
0x2ec: {  	_ =	swait.ge [sflag:s12], $0x80  }
0x2ed: {  	[sflag:s12] =	ssyncset.done $0x0  }
0x2ee: {  	[sflag:s12] =	ssyncadd.s32 $0xFFFFFF80  }
0x2ef: {  	[spmem:s5] =	stream.indirect.scatter.add.f32 [tilespmem:s2], [sflag:$0x4], $0x80, s6, s9, $0xb8;
	[tilespmem:$0xA380] =	vst v63  }
0x2f0: {  	v0 =	vld [tilespmem:$0x8080];
	_ =	sdelay $0x2  }
0x2f1: {  	v2 =	vld [tilespmem:$0x1F570];
	_ =	sdelay $0x4  }
0x2f2: {  	[tilespmem:v0+s4+$0x0] =	vst.idx.msk $0xffff, v2  }
0x2f3: {  	v0 =	vld [tilespmem:$0x8090];
	_ =	sdelay $0x2  }
0x2f4: {  	v2 =	vld [tilespmem:$0x1F580];
	_ =	sdelay $0x4  }
0x2f5: {  	[tilespmem:v0+s4+$0x0] =	vst.idx.msk $0xffff, v2  }
0x2f6: {  	v0 =	vld [tilespmem:$0x80A0];
	_ =	sdelay $0x2  }
0x2f7: {  	v2 =	vld [tilespmem:$0x1F5A0];
	_ =	sdelay $0x4  }
0x2f8: {  	[tilespmem:v0+s4+$0x0] =	vst.idx.msk $0xffff, v2  }
0x2f9: {  	v0 =	vld [tilespmem:$0x80B0];
	_ =	sdelay $0x2  }
0x2fa: {  	v2 =	vld [tilespmem:$0x1F5B0];
	_ =	sdelay $0x4  }
0x2fb: {  	[tilespmem:v0+s4+$0x0] =	vst.idx.msk $0xffff, v2  }
0x2fc: {  	v0 =	vld [tilespmem:$0x80C0];
	_ =	sdelay $0x2  }
0x2fd: {  	v2 =	vld [tilespmem:$0x1F5D0];
	_ =	sdelay $0x4  }
0x2fe: {  	[tilespmem:v0+s4+$0x0] =	vst.idx.msk $0xffff, v2  }
0x2ff: {  	v0 =	vld [tilespmem:$0x80D0];
	_ =	sdelay $0x2  }
0x300: {  	v2 =	vld [tilespmem:$0x1F5E0];
	_ =	sdelay $0x4  }
0x301: {  	[tilespmem:v0+s4+$0x0] =	vst.idx.msk $0xffff, v2  }
0x302: {  	v0 =	vld [tilespmem:$0x80E0];
	_ =	sdelay $0x2  }
0x303: {  	v2 =	vld [tilespmem:$0x1F5F0];
	_ =	sdelay $0x4  }
0x304: {  	[tilespmem:v0+s4+$0x0] =	vst.idx.msk $0xffff, v2  }
0x305: {  	v0 =	vld [tilespmem:$0x80F0];
	_ =	sdelay $0x2  }
0x306: {  	v2 =	vld [tilespmem:$0x1F600];
	_ =	sdelay $0x4  }
0x307: {  	[tilespmem:v0+s4+$0x0] =	vst.idx.msk $0xffff, v2  }
0x308: {  	_ =	swait.ge [sflag:s13], $0x4000  }
0x309: {  	[sflag:s13] =	ssyncset.done $0x0  }
0x30a: {  	s17 =	rddreg [dreg:$0x1b];
	[sflag:s13] =	ssyncadd.s32 $0xFFFFC000  }
0x30b: {  	[tilespmem:s2], [sflag:$0x2] =	stream.linear.gather [hbm4b:s17+s1], $0x4000, $0x38;
	[tilespmem:$0xA380] =	vst v63  }
0x30c: {  	s17 =	rddreg [dreg:$0x1c]  }
0x30d: {  	[tilespmem:s6], [sflag:$0x6] =	stream.linear.gather [hbm4b:s17+s1], $0x80, $0x38;
	[tilespmem:$0xA380] =	vst v63  }
0x30e: {  	_ =	swait.ge [sflag:s7], $0x4000  }
0x30f: {  	[sflag:s7] =	ssyncset.done $0x0  }
0x310: {  	[sflag:s7] =	ssyncadd.s32 $0xFFFFC000  }
0x311: {  	_ =	swait.ge [sflag:s8], $0x80  }
0x312: {  	[sflag:s8] =	ssyncset.done $0x0  }
0x313: {  	[sflag:s8] =	ssyncadd.s32 $0xFFFFFF80  }
0x314: {  	[spmem:s5] =	stream.indirect.scatter.add.f32 [tilespmem:s1], [sflag:$0x3], $0x80, s3, s9, $0xb8;
	[tilespmem:$0xA380] =	vst v63  }
0x315: {  	v0 =	vld [tilespmem:$0x8000];
	_ =	sdelay $0x2  }
0x316: {  	v2 =	vld [tilespmem:$0x1F610];
	_ =	sdelay $0x4  }
0x317: {  	[tilespmem:v0+s4+$0x0] =	vst.idx.msk $0xffff, v2  }
0x318: {  	v0 =	vld [tilespmem:$0x8010];
	_ =	sdelay $0x2  }
0x319: {  	v2 =	vld [tilespmem:$0x1F620];
	_ =	sdelay $0x4  }
0x31a: {  	[tilespmem:v0+s4+$0x0] =	vst.idx.msk $0xffff, v2  }
0x31b: {  	v0 =	vld [tilespmem:$0x8020];
	_ =	sdelay $0x2  }
0x31c: {  	v2 =	vld [tilespmem:$0x1F630];
	_ =	sdelay $0x4  }
0x31d: {  	[tilespmem:v0+s4+$0x0] =	vst.idx.msk $0xffff, v2  }
0x31e: {  	v0 =	vld [tilespmem:$0x8030];
	_ =	sdelay $0x2  }
0x31f: {  	v2 =	vld [tilespmem:$0x1F640];
	_ =	sdelay $0x4  }
0x320: {  	[tilespmem:v0+s4+$0x0] =	vst.idx.msk $0xffff, v2  }
0x321: {  	v0 =	vld [tilespmem:$0x8040];
	_ =	sdelay $0x2  }
0x322: {  	v2 =	vld [tilespmem:$0x1F650];
	_ =	sdelay $0x4  }
0x323: {  	[tilespmem:v0+s4+$0x0] =	vst.idx.msk $0xffff, v2  }
0x324: {  	v0 =	vld [tilespmem:$0x8050];
	_ =	sdelay $0x2  }
0x325: {  	v2 =	vld [tilespmem:$0x1F660];
	_ =	sdelay $0x4  }
0x326: {  	[tilespmem:v0+s4+$0x0] =	vst.idx.msk $0xffff, v2  }
0x327: {  	v0 =	vld [tilespmem:$0x8060];
	_ =	sdelay $0x2  }
0x328: {  	v2 =	vld [tilespmem:$0x1F670];
	_ =	sdelay $0x4  }
0x329: {  	[tilespmem:v0+s4+$0x0] =	vst.idx.msk $0xffff, v2  }
0x32a: {  	v0 =	vld [tilespmem:$0x8070];
	_ =	sdelay $0x2  }
0x32b: {  	v2 =	vld [tilespmem:$0x1F680];
	_ =	sdelay $0x4  }
0x32c: {  	[tilespmem:v0+s4+$0x0] =	vst.idx.msk $0xffff, v2  }
0x32d: {  	_ =	swait.ge [sflag:s10], $0x4000  }
0x32e: {  	[sflag:s10] =	ssyncset.done $0x0  }
0x32f: {  	s17 =	rddreg [dreg:$0x1d];
	[sflag:s10] =	ssyncadd.s32 $0xFFFFC000  }
0x330: {  	[tilespmem:s1], [sflag:$0x1] =	stream.linear.gather [hbm4b:s17+s1], $0x4000, $0x38;
	[tilespmem:$0xA380] =	vst v63  }
0x331: {  	s17 =	rddreg [dreg:$0x1e]  }
0x332: {  	[tilespmem:s3], [sflag:$0x5] =	stream.linear.gather [hbm4b:s17+s1], $0x80, $0x38;
	[tilespmem:$0xA380] =	vst v63  }
0x333: {  	_ =	swait.ge [sflag:s11], $0x4000  }
0x334: {  	[sflag:s11] =	ssyncset.done $0x0  }
0x335: {  	[sflag:s11] =	ssyncadd.s32 $0xFFFFC000  }
0x336: {  	_ =	swait.ge [sflag:s12], $0x80  }
0x337: {  	[sflag:s12] =	ssyncset.done $0x0  }
0x338: {  	[sflag:s12] =	ssyncadd.s32 $0xFFFFFF80  }
0x339: {  	[spmem:s5] =	stream.indirect.scatter.add.f32 [tilespmem:s2], [sflag:$0x4], $0x80, s6, s9, $0xb8;
	[tilespmem:$0xA380] =	vst v63  }
0x33a: {  	v0 =	vld [tilespmem:$0x8080];
	_ =	sdelay $0x2  }
0x33b: {  	v2 =	vld [tilespmem:$0x1F690];
	_ =	sdelay $0x4  }
0x33c: {  	[tilespmem:v0+s4+$0x0] =	vst.idx.msk $0xffff, v2  }
0x33d: {  	v0 =	vld [tilespmem:$0x8090];
	_ =	sdelay $0x2  }
0x33e: {  	v2 =	vld [tilespmem:$0x1F6A0];
	_ =	sdelay $0x4  }
0x33f: {  	[tilespmem:v0+s4+$0x0] =	vst.idx.msk $0xffff, v2  }
0x340: {  	v0 =	vld [tilespmem:$0x80A0];
	_ =	sdelay $0x2  }
0x341: {  	v2 =	vld [tilespmem:$0x1F6B0];
	_ =	sdelay $0x4  }
0x342: {  	[tilespmem:v0+s4+$0x0] =	vst.idx.msk $0xffff, v2  }
0x343: {  	v0 =	vld [tilespmem:$0x80B0];
	_ =	sdelay $0x2  }
0x344: {  	v2 =	vld [tilespmem:$0x1F6C0];
	_ =	sdelay $0x4  }
0x345: {  	[tilespmem:v0+s4+$0x0] =	vst.idx.msk $0xffff, v2  }
0x346: {  	v0 =	vld [tilespmem:$0x80C0];
	_ =	sdelay $0x2  }
0x347: {  	v2 =	vld [tilespmem:$0x1F6D0];
	_ =	sdelay $0x4  }
0x348: {  	[tilespmem:v0+s4+$0x0] =	vst.idx.msk $0xffff, v2  }
0x349: {  	v0 =	vld [tilespmem:$0x80D0];
	_ =	sdelay $0x2  }
0x34a: {  	v2 =	vld [tilespmem:$0x1F6E0];
	_ =	sdelay $0x4  }
0x34b: {  	[tilespmem:v0+s4+$0x0] =	vst.idx.msk $0xffff, v2  }
0x34c: {  	v0 =	vld [tilespmem:$0x80E0];
	_ =	sdelay $0x2  }
0x34d: {  	v2 =	vld [tilespmem:$0x1F6F0];
	_ =	sdelay $0x4  }
0x34e: {  	[tilespmem:v0+s4+$0x0] =	vst.idx.msk $0xffff, v2  }
0x34f: {  	v0 =	vld [tilespmem:$0x80F0];
	_ =	sdelay $0x2  }
0x350: {  	v2 =	vld [tilespmem:$0x1F700];
	_ =	sdelay $0x4  }
0x351: {  	[tilespmem:v0+s4+$0x0] =	vst.idx.msk $0xffff, v2  }
0x352: {  	_ =	swait.ge [sflag:s13], $0x4000  }
0x353: {  	[sflag:s13] =	ssyncset.done $0x0  }
0x354: {  	s17 =	rddreg [dreg:$0x1f];
	[sflag:s13] =	ssyncadd.s32 $0xFFFFC000  }
0x355: {  	[tilespmem:s2], [sflag:$0x2] =	stream.linear.gather [hbm4b:s17+s1], $0x4000, $0x38;
	[tilespmem:$0xA380] =	vst v63  }
0x356: {  	s17 =	sld [smem:$0x7EB];
	_ =	sdelay $0x2  }
0x357: {  	[tilespmem:s6], [sflag:$0x6] =	stream.linear.gather [hbm4b:s17+s1], $0x80, $0x38;
	[tilespmem:$0xA380] =	vst v63  }
0x358: {  	_ =	swait.ge [sflag:s7], $0x4000  }
0x359: {  	[sflag:s7] =	ssyncset.done $0x0  }
0x35a: {  	[sflag:s7] =	ssyncadd.s32 $0xFFFFC000  }
0x35b: {  	_ =	swait.ge [sflag:s8], $0x80  }
0x35c: {  	[sflag:s8] =	ssyncset.done $0x0  }
0x35d: {  	[sflag:s8] =	ssyncadd.s32 $0xFFFFFF80  }
0x35e: {  	[spmem:s5] =	stream.indirect.scatter.add.f32 [tilespmem:s1], [sflag:$0x3], $0x80, s3, s9, $0xb8;
	[tilespmem:$0xA380] =	vst v63  }
0x35f: {  	v0 =	vld [tilespmem:$0x8000];
	_ =	sdelay $0x2  }
0x360: {  	v2 =	vld [tilespmem:$0x1F710];
	_ =	sdelay $0x4  }
0x361: {  	[tilespmem:v0+s4+$0x0] =	vst.idx.msk $0xffff, v2  }
0x362: {  	v0 =	vld [tilespmem:$0x8010];
	_ =	sdelay $0x2  }
0x363: {  	v2 =	vld [tilespmem:$0x1F720];
	_ =	sdelay $0x4  }
0x364: {  	[tilespmem:v0+s4+$0x0] =	vst.idx.msk $0xffff, v2  }
0x365: {  	v0 =	vld [tilespmem:$0x8020];
	_ =	sdelay $0x2  }
0x366: {  	v2 =	vld [tilespmem:$0x1F730];
	_ =	sdelay $0x4  }
0x367: {  	[tilespmem:v0+s4+$0x0] =	vst.idx.msk $0xffff, v2  }
0x368: {  	v0 =	vld [tilespmem:$0x8030];
	_ =	sdelay $0x2  }
0x369: {  	v2 =	vld [tilespmem:$0x1F740];
	_ =	sdelay $0x4  }
0x36a: {  	[tilespmem:v0+s4+$0x0] =	vst.idx.msk $0xffff, v2  }
0x36b: {  	v0 =	vld [tilespmem:$0x8040];
	_ =	sdelay $0x2  }
0x36c: {  	v2 =	vld [tilespmem:$0x1F750];
	_ =	sdelay $0x4  }
0x36d: {  	[tilespmem:v0+s4+$0x0] =	vst.idx.msk $0xffff, v2  }
0x36e: {  	v0 =	vld [tilespmem:$0x8050];
	_ =	sdelay $0x2  }
0x36f: {  	v2 =	vld [tilespmem:$0x1F760];
	_ =	sdelay $0x4  }
0x370: {  	[tilespmem:v0+s4+$0x0] =	vst.idx.msk $0xffff, v2  }
0x371: {  	v0 =	vld [tilespmem:$0x8060];
	_ =	sdelay $0x2  }
0x372: {  	v2 =	vld [tilespmem:$0x1F770];
	_ =	sdelay $0x4  }
0x373: {  	[tilespmem:v0+s4+$0x0] =	vst.idx.msk $0xffff, v2  }
0x374: {  	v0 =	vld [tilespmem:$0x8070];
	_ =	sdelay $0x2  }
0x375: {  	v2 =	vld [tilespmem:$0x1F780];
	_ =	sdelay $0x4  }
0x376: {  	[tilespmem:v0+s4+$0x0] =	vst.idx.msk $0xffff, v2  }
0x377: {  	_ =	swait.ge [sflag:s10], $0x4000  }
0x378: {  	s17 =	sld [smem:$0x7EC]  }
0x379: {  	[sflag:s10] =	ssyncset.done $0x0  }
0x37a: {  	[sflag:s10] =	ssyncadd.s32 $0xFFFFC000  }
0x37b: {  	[tilespmem:s1], [sflag:$0x1] =	stream.linear.gather [hbm4b:s17+s1], $0x4000, $0x38;
	[tilespmem:$0xA380] =	vst v63  }
0x37c: {  	s17 =	sld [smem:$0x7ED];
	_ =	sdelay $0x2  }
0x37d: {  	[tilespmem:s3], [sflag:$0x5] =	stream.linear.gather [hbm4b:s17+s1], $0x80, $0x38;
	[tilespmem:$0xA380] =	vst v63  }
0x37e: {  	_ =	swait.ge [sflag:s11], $0x4000  }
0x37f: {  	[sflag:s11] =	ssyncset.done $0x0  }
0x380: {  	[sflag:s11] =	ssyncadd.s32 $0xFFFFC000  }
0x381: {  	_ =	swait.ge [sflag:s12], $0x80  }
0x382: {  	[sflag:s12] =	ssyncset.done $0x0  }
0x383: {  	[sflag:s12] =	ssyncadd.s32 $0xFFFFFF80  }
0x384: {  	[spmem:s5] =	stream.indirect.scatter.add.f32 [tilespmem:s2], [sflag:$0x4], $0x80, s6, s9, $0xb8;
	[tilespmem:$0xA380] =	vst v63  }
0x385: {  	v0 =	vld [tilespmem:$0x8080];
	_ =	sdelay $0x2  }
0x386: {  	v2 =	vld [tilespmem:$0x1F790];
	_ =	sdelay $0x4  }
0x387: {  	[tilespmem:v0+s4+$0x0] =	vst.idx.msk $0xffff, v2  }
0x388: {  	v0 =	vld [tilespmem:$0x8090];
	_ =	sdelay $0x2  }
0x389: {  	v2 =	vld [tilespmem:$0x1F7A0];
	_ =	sdelay $0x4  }
0x38a: {  	[tilespmem:v0+s4+$0x0] =	vst.idx.msk $0xffff, v2  }
0x38b: {  	v0 =	vld [tilespmem:$0x80A0];
	_ =	sdelay $0x2  }
0x38c: {  	v2 =	vld [tilespmem:$0x1F7B0];
	_ =	sdelay $0x4  }
0x38d: {  	[tilespmem:v0+s4+$0x0] =	vst.idx.msk $0xffff, v2  }
0x38e: {  	v0 =	vld [tilespmem:$0x80B0];
	_ =	sdelay $0x2  }
0x38f: {  	v2 =	vld [tilespmem:$0x1F7C0];
	_ =	sdelay $0x4  }
0x390: {  	[tilespmem:v0+s4+$0x0] =	vst.idx.msk $0xffff, v2  }
0x391: {  	v0 =	vld [tilespmem:$0x80C0];
	_ =	sdelay $0x2  }
0x392: {  	v2 =	vld [tilespmem:$0x1F7D0];
	_ =	sdelay $0x4  }
0x393: {  	[tilespmem:v0+s4+$0x0] =	vst.idx.msk $0xffff, v2  }
0x394: {  	v0 =	vld [tilespmem:$0x80D0];
	_ =	sdelay $0x2  }
0x395: {  	v2 =	vld [tilespmem:$0x1F7E0];
	_ =	sdelay $0x4  }
0x396: {  	[tilespmem:v0+s4+$0x0] =	vst.idx.msk $0xffff, v2  }
0x397: {  	v0 =	vld [tilespmem:$0x80E0];
	_ =	sdelay $0x2  }
0x398: {  	v2 =	vld [tilespmem:$0x1F7F0];
	_ =	sdelay $0x4  }
0x399: {  	[tilespmem:v0+s4+$0x0] =	vst.idx.msk $0xffff, v2  }
0x39a: {  	v0 =	vld [tilespmem:$0x80F0];
	_ =	sdelay $0x2  }
0x39b: {  	v2 =	vld [tilespmem:$0x1F800];
	_ =	sdelay $0x4  }
0x39c: {  	[tilespmem:v0+s4+$0x0] =	vst.idx.msk $0xffff, v2  }
0x39d: {  	_ =	swait.ge [sflag:s13], $0x4000  }
0x39e: {  	s17 =	sld [smem:$0x7EE]  }
0x39f: {  	[sflag:s13] =	ssyncset.done $0x0  }
0x3a0: {  	[sflag:s13] =	ssyncadd.s32 $0xFFFFC000  }
0x3a1: {  	[tilespmem:s2], [sflag:$0x2] =	stream.linear.gather [hbm4b:s17+s1], $0x4000, $0x38;
	[tilespmem:$0xA380] =	vst v63  }
0x3a2: {  	s17 =	sld [smem:$0x7EF];
	_ =	sdelay $0x2  }
0x3a3: {  	[tilespmem:s6], [sflag:$0x6] =	stream.linear.gather [hbm4b:s17+s1], $0x80, $0x38;
	[tilespmem:$0xA380] =	vst v63  }
0x3a4: {  	_ =	swait.ge [sflag:s7], $0x4000  }
0x3a5: {  	[sflag:s7] =	ssyncset.done $0x0  }
0x3a6: {  	[sflag:s7] =	ssyncadd.s32 $0xFFFFC000  }
0x3a7: {  	_ =	swait.ge [sflag:s8], $0x80  }
0x3a8: {  	[sflag:s8] =	ssyncset.done $0x0  }
0x3a9: {  	[sflag:s8] =	ssyncadd.s32 $0xFFFFFF80  }
0x3aa: {  	[spmem:s5] =	stream.indirect.scatter.add.f32 [tilespmem:s1], [sflag:$0x3], $0x80, s3, s9, $0xb8;
	[tilespmem:$0xA380] =	vst v63  }
0x3ab: {  	v0 =	vld [tilespmem:$0x8000];
	_ =	sdelay $0x2  }
0x3ac: {  	v2 =	vld [tilespmem:$0x1F810];
	_ =	sdelay $0x4  }
0x3ad: {  	[tilespmem:v0+s4+$0x0] =	vst.idx.msk $0xffff, v2  }
0x3ae: {  	v0 =	vld [tilespmem:$0x8010];
	_ =	sdelay $0x2  }
0x3af: {  	v2 =	vld [tilespmem:$0x1F820];
	_ =	sdelay $0x4  }
0x3b0: {  	[tilespmem:v0+s4+$0x0] =	vst.idx.msk $0xffff, v2  }
0x3b1: {  	v0 =	vld [tilespmem:$0x8020];
	_ =	sdelay $0x2  }
0x3b2: {  	v2 =	vld [tilespmem:$0x1F830];
	_ =	sdelay $0x4  }
0x3b3: {  	[tilespmem:v0+s4+$0x0] =	vst.idx.msk $0xffff, v2  }
0x3b4: {  	v0 =	vld [tilespmem:$0x8030];
	_ =	sdelay $0x2  }
0x3b5: {  	v2 =	vld [tilespmem:$0x1F840];
	_ =	sdelay $0x4  }
0x3b6: {  	[tilespmem:v0+s4+$0x0] =	vst.idx.msk $0xffff, v2  }
0x3b7: {  	v0 =	vld [tilespmem:$0x8040];
	_ =	sdelay $0x2  }
0x3b8: {  	v2 =	vld [tilespmem:$0x1F850];
	_ =	sdelay $0x4  }
0x3b9: {  	[tilespmem:v0+s4+$0x0] =	vst.idx.msk $0xffff, v2  }
0x3ba: {  	v0 =	vld [tilespmem:$0x8050];
	_ =	sdelay $0x2  }
0x3bb: {  	v2 =	vld [tilespmem:$0x1F860];
	_ =	sdelay $0x4  }
0x3bc: {  	[tilespmem:v0+s4+$0x0] =	vst.idx.msk $0xffff, v2  }
0x3bd: {  	v0 =	vld [tilespmem:$0x8060];
	_ =	sdelay $0x2  }
0x3be: {  	v2 =	vld [tilespmem:$0x1F880];
	_ =	sdelay $0x4  }
0x3bf: {  	[tilespmem:v0+s4+$0x0] =	vst.idx.msk $0xffff, v2  }
0x3c0: {  	v0 =	vld [tilespmem:$0x8070];
	_ =	sdelay $0x2  }
0x3c1: {  	v2 =	vld [tilespmem:$0x1F890];
	_ =	sdelay $0x4  }
0x3c2: {  	[tilespmem:v0+s4+$0x0] =	vst.idx.msk $0xffff, v2  }
0x3c3: {  	_ =	swait.ge [sflag:s10], $0x4000  }
0x3c4: {  	s17 =	sld [smem:$0x7F0]  }
0x3c5: {  	[sflag:s10] =	ssyncset.done $0x0  }
0x3c6: {  	[sflag:s10] =	ssyncadd.s32 $0xFFFFC000  }
0x3c7: {  	[tilespmem:s1], [sflag:$0x1] =	stream.linear.gather [hbm4b:s17+s1], $0x4000, $0x38;
	[tilespmem:$0xA380] =	vst v63  }
0x3c8: {  	s17 =	sld [smem:$0x7F1];
	_ =	sdelay $0x2  }
0x3c9: {  	[tilespmem:s3], [sflag:$0x5] =	stream.linear.gather [hbm4b:s17+s1], $0x80, $0x38;
	[tilespmem:$0xA380] =	vst v63  }
0x3ca: {  	_ =	swait.ge [sflag:s11], $0x4000  }
0x3cb: {  	[sflag:s11] =	ssyncset.done $0x0  }
0x3cc: {  	[sflag:s11] =	ssyncadd.s32 $0xFFFFC000  }
0x3cd: {  	_ =	swait.ge [sflag:s12], $0x80  }
0x3ce: {  	[sflag:s12] =	ssyncset.done $0x0  }
0x3cf: {  	[sflag:s12] =	ssyncadd.s32 $0xFFFFFF80  }
0x3d0: {  	[spmem:s5] =	stream.indirect.scatter.add.f32 [tilespmem:s2], [sflag:$0x4], $0x80, s6, s9, $0xb8;
	[tilespmem:$0xA380] =	vst v63  }
0x3d1: {  	v0 =	vld [tilespmem:$0x8080];
	_ =	sdelay $0x2  }
0x3d2: {  	v2 =	vld [tilespmem:$0x1F8A0];
	_ =	sdelay $0x4  }
0x3d3: {  	[tilespmem:v0+s4+$0x0] =	vst.idx.msk $0xffff, v2  }
0x3d4: {  	v0 =	vld [tilespmem:$0x8090];
	_ =	sdelay $0x2  }
0x3d5: {  	v2 =	vld [tilespmem:$0x1F8B0];
	_ =	sdelay $0x4  }
0x3d6: {  	[tilespmem:v0+s4+$0x0] =	vst.idx.msk $0xffff, v2  }
0x3d7: {  	v0 =	vld [tilespmem:$0x80A0];
	_ =	sdelay $0x2  }
0x3d8: {  	v2 =	vld [tilespmem:$0x1F8D0];
	_ =	sdelay $0x4  }
0x3d9: {  	[tilespmem:v0+s4+$0x0] =	vst.idx.msk $0xffff, v2  }
0x3da: {  	v0 =	vld [tilespmem:$0x80B0];
	_ =	sdelay $0x2  }
0x3db: {  	v2 =	vld [tilespmem:$0x1F8F0];
	_ =	sdelay $0x4  }
0x3dc: {  	[tilespmem:v0+s4+$0x0] =	vst.idx.msk $0xffff, v2  }
0x3dd: {  	v0 =	vld [tilespmem:$0x80C0];
	_ =	sdelay $0x2  }
0x3de: {  	v2 =	vld [tilespmem:$0x1F910];
	_ =	sdelay $0x4  }
0x3df: {  	[tilespmem:v0+s4+$0x0] =	vst.idx.msk $0xffff, v2  }
0x3e0: {  	v0 =	vld [tilespmem:$0x80D0];
	_ =	sdelay $0x2  }
0x3e1: {  	v2 =	vld [tilespmem:$0x1F930];
	_ =	sdelay $0x4  }
0x3e2: {  	[tilespmem:v0+s4+$0x0] =	vst.idx.msk $0xffff, v2  }
0x3e3: {  	v0 =	vld [tilespmem:$0x80E0];
	_ =	sdelay $0x2  }
0x3e4: {  	v2 =	vld [tilespmem:$0x1F950];
	_ =	sdelay $0x4  }
0x3e5: {  	[tilespmem:v0+s4+$0x0] =	vst.idx.msk $0xffff, v2  }
0x3e6: {  	v0 =	vld [tilespmem:$0x80F0];
	_ =	sdelay $0x2  }
0x3e7: {  	v2 =	vld [tilespmem:$0x1F970];
	_ =	sdelay $0x4  }
0x3e8: {  	[tilespmem:v0+s4+$0x0] =	vst.idx.msk $0xffff, v2  }
0x3e9: {  	_ =	swait.ge [sflag:s13], $0x4000  }
0x3ea: {  	s17 =	sld [smem:$0x7F2]  }
0x3eb: {  	[sflag:s13] =	ssyncset.done $0x0  }
0x3ec: {  	[sflag:s13] =	ssyncadd.s32 $0xFFFFC000  }
0x3ed: {  	[tilespmem:s2], [sflag:$0x2] =	stream.linear.gather [hbm4b:s17+s1], $0x4000, $0x38;
	[tilespmem:$0xA380] =	vst v63  }
0x3ee: {  	s17 =	sld [smem:$0x7F3];
	_ =	sdelay $0x2  }
0x3ef: {  	[tilespmem:s6], [sflag:$0x6] =	stream.linear.gather [hbm4b:s17+s1], $0x80, $0x38;
	[tilespmem:$0xA380] =	vst v63  }
0x3f0: {  	_ =	swait.ge [sflag:s7], $0x4000  }
0x3f1: {  	[sflag:s7] =	ssyncset.done $0x0  }
0x3f2: {  	[sflag:s7] =	ssyncadd.s32 $0xFFFFC000  }
0x3f3: {  	_ =	swait.ge [sflag:s8], $0x80  }
0x3f4: {  	[sflag:s8] =	ssyncset.done $0x0  }
0x3f5: {  	[sflag:s8] =	ssyncadd.s32 $0xFFFFFF80  }
0x3f6: {  	[spmem:s5] =	stream.indirect.scatter.add.f32 [tilespmem:s1], [sflag:$0x3], $0x80, s3, s9, $0xb8;
	[tilespmem:$0xA380] =	vst v63  }
0x3f7: {  	v0 =	vld [tilespmem:$0x8000];
	_ =	sdelay $0x2  }
0x3f8: {  	v2 =	vld [tilespmem:$0x1F990];
	_ =	sdelay $0x4  }
0x3f9: {  	[tilespmem:v0+s4+$0x0] =	vst.idx.msk $0xffff, v2  }
0x3fa: {  	v0 =	vld [tilespmem:$0x8010];
	_ =	sdelay $0x2  }
0x3fb: {  	v2 =	vld [tilespmem:$0x1F9B0];
	_ =	sdelay $0x4  }
0x3fc: {  	[tilespmem:v0+s4+$0x0] =	vst.idx.msk $0xffff, v2  }
0x3fd: {  	v0 =	vld [tilespmem:$0x8020];
	_ =	sdelay $0x2  }
0x3fe: {  	v2 =	vld [tilespmem:$0x1F9D0];
	_ =	sdelay $0x4  }
0x3ff: {  	[tilespmem:v0+s4+$0x0] =	vst.idx.msk $0xffff, v2  }
0x400: {  	v0 =	vld [tilespmem:$0x8030];
	_ =	sdelay $0x2  }
0x401: {  	v2 =	vld [tilespmem:$0x1F9F0];
	_ =	sdelay $0x4  }
0x402: {  	[tilespmem:v0+s4+$0x0] =	vst.idx.msk $0xffff, v2  }
0x403: {  	v0 =	vld [tilespmem:$0x8040];
	_ =	sdelay $0x2  }
0x404: {  	v2 =	vld [tilespmem:$0x1FA10];
	_ =	sdelay $0x4  }
0x405: {  	[tilespmem:v0+s4+$0x0] =	vst.idx.msk $0xffff, v2  }
0x406: {  	v0 =	vld [tilespmem:$0x8050];
	_ =	sdelay $0x2  }
0x407: {  	v2 =	vld [tilespmem:$0x1FA30];
	_ =	sdelay $0x4  }
0x408: {  	[tilespmem:v0+s4+$0x0] =	vst.idx.msk $0xffff, v2  }
0x409: {  	v0 =	vld [tilespmem:$0x8060];
	_ =	sdelay $0x2  }
0x40a: {  	v2 =	vld [tilespmem:$0x1FA50];
	_ =	sdelay $0x4  }
0x40b: {  	[tilespmem:v0+s4+$0x0] =	vst.idx.msk $0xffff, v2  }
0x40c: {  	v0 =	vld [tilespmem:$0x8070];
	_ =	sdelay $0x2  }
0x40d: {  	v2 =	vld [tilespmem:$0x1FA70];
	_ =	sdelay $0x4  }
0x40e: {  	[tilespmem:v0+s4+$0x0] =	vst.idx.msk $0xffff, v2  }
0x40f: {  	_ =	swait.ge [sflag:s10], $0x4000  }
0x410: {  	s17 =	sld [smem:$0x7F4]  }
0x411: {  	[sflag:s10] =	ssyncset.done $0x0  }
0x412: {  	[sflag:s10] =	ssyncadd.s32 $0xFFFFC000  }
0x413: {  	[tilespmem:s1], [sflag:$0x1] =	stream.linear.gather [hbm4b:s17+s1], $0x4000, $0x38;
	[tilespmem:$0xA380] =	vst v63  }
0x414: {  	s17 =	sld [smem:$0x7F5];
	_ =	sdelay $0x2  }
0x415: {  	[tilespmem:s3], [sflag:$0x5] =	stream.linear.gather [hbm4b:s17+s1], $0x80, $0x38;
	[tilespmem:$0xA380] =	vst v63  }
0x416: {  	_ =	swait.ge [sflag:s11], $0x4000  }
0x417: {  	[sflag:s11] =	ssyncset.done $0x0  }
0x418: {  	[sflag:s11] =	ssyncadd.s32 $0xFFFFC000  }
0x419: {  	_ =	swait.ge [sflag:s12], $0x80  }
0x41a: {  	[sflag:s12] =	ssyncset.done $0x0  }
0x41b: {  	[sflag:s12] =	ssyncadd.s32 $0xFFFFFF80  }
0x41c: {  	[spmem:s5] =	stream.indirect.scatter.add.f32 [tilespmem:s2], [sflag:$0x4], $0x80, s6, s9, $0xb8;
	[tilespmem:$0xA380] =	vst v63  }
0x41d: {  	v0 =	vld [tilespmem:$0x8080];
	_ =	sdelay $0x2  }
0x41e: {  	v2 =	vld [tilespmem:$0x1FA90];
	_ =	sdelay $0x4  }
0x41f: {  	[tilespmem:v0+s4+$0x0] =	vst.idx.msk $0xffff, v2  }
0x420: {  	v0 =	vld [tilespmem:$0x8090];
	_ =	sdelay $0x2  }
0x421: {  	v2 =	vld [tilespmem:$0x1FAB0];
	_ =	sdelay $0x4  }
0x422: {  	[tilespmem:v0+s4+$0x0] =	vst.idx.msk $0xffff, v2  }
0x423: {  	v0 =	vld [tilespmem:$0x80A0];
	_ =	sdelay $0x2  }
0x424: {  	v2 =	vld [tilespmem:$0x1FAD0];
	_ =	sdelay $0x4  }
0x425: {  	[tilespmem:v0+s4+$0x0] =	vst.idx.msk $0xffff, v2  }
0x426: {  	v0 =	vld [tilespmem:$0x80B0];
	_ =	sdelay $0x2  }
0x427: {  	v2 =	vld [tilespmem:$0x1FAF0];
	_ =	sdelay $0x4  }
0x428: {  	[tilespmem:v0+s4+$0x0] =	vst.idx.msk $0xffff, v2  }
0x429: {  	v0 =	vld [tilespmem:$0x80C0];
	_ =	sdelay $0x2  }
0x42a: {  	v2 =	vld [tilespmem:$0x1FB10];
	_ =	sdelay $0x4  }
0x42b: {  	[tilespmem:v0+s4+$0x0] =	vst.idx.msk $0xffff, v2  }
0x42c: {  	v0 =	vld [tilespmem:$0x80D0];
	_ =	sdelay $0x2  }
0x42d: {  	v2 =	vld [tilespmem:$0x1FB30];
	_ =	sdelay $0x4  }
0x42e: {  	[tilespmem:v0+s4+$0x0] =	vst.idx.msk $0xffff, v2  }
0x42f: {  	v0 =	vld [tilespmem:$0x80E0];
	_ =	sdelay $0x2  }
0x430: {  	v2 =	vld [tilespmem:$0x1FB50];
	_ =	sdelay $0x4  }
0x431: {  	[tilespmem:v0+s4+$0x0] =	vst.idx.msk $0xffff, v2  }
0x432: {  	v0 =	vld [tilespmem:$0x80F0];
	_ =	sdelay $0x2  }
0x433: {  	v2 =	vld [tilespmem:$0x1FB70];
	_ =	sdelay $0x4  }
0x434: {  	[tilespmem:v0+s4+$0x0] =	vst.idx.msk $0xffff, v2  }
0x435: {  	_ =	swait.ge [sflag:s13], $0x4000  }
0x436: {  	s17 =	sld [smem:$0x7F6]  }
0x437: {  	[sflag:s13] =	ssyncset.done $0x0  }
0x438: {  	[sflag:s13] =	ssyncadd.s32 $0xFFFFC000  }
0x439: {  	[tilespmem:s2], [sflag:$0x2] =	stream.linear.gather [hbm4b:s17+s1], $0x4000, $0x38;
	[tilespmem:$0xA380] =	vst v63  }
0x43a: {  	s17 =	sld [smem:$0x7F7];
	_ =	sdelay $0x2  }
0x43b: {  	[tilespmem:s6], [sflag:$0x6] =	stream.linear.gather [hbm4b:s17+s1], $0x80, $0x38;
	[tilespmem:$0xA380] =	vst v63  }
0x43c: {  	_ =	swait.ge [sflag:s7], $0x4000  }
0x43d: {  	[sflag:s7] =	ssyncset.done $0x0  }
0x43e: {  	[sflag:s7] =	ssyncadd.s32 $0xFFFFC000  }
0x43f: {  	_ =	swait.ge [sflag:s8], $0x80  }
0x440: {  	[sflag:s8] =	ssyncset.done $0x0  }
0x441: {  	[sflag:s8] =	ssyncadd.s32 $0xFFFFFF80  }
0x442: {  	[spmem:s5] =	stream.indirect.scatter.add.f32 [tilespmem:s1], [sflag:$0x3], $0x80, s3, s9, $0xb8;
	[tilespmem:$0xA380] =	vst v63  }
0x443: {  	v0 =	vld [tilespmem:$0x8000];
	_ =	sdelay $0x2  }
0x444: {  	v2 =	vld [tilespmem:$0x1FB90];
	_ =	sdelay $0x4  }
0x445: {  	[tilespmem:v0+s4+$0x0] =	vst.idx.msk $0xffff, v2  }
0x446: {  	v0 =	vld [tilespmem:$0x8010];
	_ =	sdelay $0x2  }
0x447: {  	v2 =	vld [tilespmem:$0x1FBB0];
	_ =	sdelay $0x4  }
0x448: {  	[tilespmem:v0+s4+$0x0] =	vst.idx.msk $0xffff, v2  }
0x449: {  	v0 =	vld [tilespmem:$0x8020];
	_ =	sdelay $0x2  }
0x44a: {  	v2 =	vld [tilespmem:$0x1FBD0];
	_ =	sdelay $0x4  }
0x44b: {  	[tilespmem:v0+s4+$0x0] =	vst.idx.msk $0xffff, v2  }
0x44c: {  	v0 =	vld [tilespmem:$0x8030];
	_ =	sdelay $0x7  }
0x44d: {  	[tilespmem:v0+s4+$0x0] =	vst.idx.msk $0xffff, v3  }
0x44e: {  	v0 =	vld [tilespmem:$0x8040];
	_ =	sdelay $0x7  }
0x44f: {  	[tilespmem:v0+s4+$0x0] =	vst.idx.msk $0xffff, v4  }
0x450: {  	v0 =	vld [tilespmem:$0x8050];
	_ =	sdelay $0x7  }
0x451: {  	[tilespmem:v0+s4+$0x0] =	vst.idx.msk $0xffff, v5  }
0x452: {  	v0 =	vld [tilespmem:$0x8060];
	_ =	sdelay $0x7  }
0x453: {  	[tilespmem:v0+s4+$0x0] =	vst.idx.msk $0xffff, v6  }
0x454: {  	v0 =	vld [tilespmem:$0x8070];
	_ =	sdelay $0x7  }
0x455: {  	[tilespmem:v0+s4+$0x0] =	vst.idx.msk $0xffff, v7  }
0x456: {  	_ =	swait.ge [sflag:s10], $0x4000  }
0x457: {  	s17 =	sld [smem:$0x7F8]  }
0x458: {  	[sflag:s10] =	ssyncset.done $0x0  }
0x459: {  	[sflag:s10] =	ssyncadd.s32 $0xFFFFC000  }
0x45a: {  	[tilespmem:s1], [sflag:$0x1] =	stream.linear.gather [hbm4b:s17+s1], $0x4000, $0x38;
	[tilespmem:$0xA380] =	vst v63  }
0x45b: {  	s17 =	sld [smem:$0x7F9];
	_ =	sdelay $0x2  }
0x45c: {  	[tilespmem:s3], [sflag:$0x5] =	stream.linear.gather [hbm4b:s17+s1], $0x80, $0x38;
	[tilespmem:$0xA380] =	vst v63  }
0x45d: {  	_ =	swait.ge [sflag:s11], $0x4000  }
0x45e: {  	[sflag:s11] =	ssyncset.done $0x0  }
0x45f: {  	[sflag:s11] =	ssyncadd.s32 $0xFFFFC000  }
0x460: {  	_ =	swait.ge [sflag:s12], $0x80  }
0x461: {  	[sflag:s12] =	ssyncset.done $0x0  }
0x462: {  	[sflag:s12] =	ssyncadd.s32 $0xFFFFFF80  }
0x463: {  	[spmem:s5] =	stream.indirect.scatter.add.f32 [tilespmem:s2], [sflag:$0x4], $0x80, s6, s9, $0xb8;
	[tilespmem:$0xA380] =	vst v63  }
0x464: {  	v0 =	vld [tilespmem:$0x8080];
	_ =	sdelay $0x7  }
0x465: {  	[tilespmem:v0+s4+$0x0] =	vst.idx.msk $0xffff, v8  }
0x466: {  	v0 =	vld [tilespmem:$0x8090];
	_ =	sdelay $0x7  }
0x467: {  	[tilespmem:v0+s4+$0x0] =	vst.idx.msk $0xffff, v9  }
0x468: {  	v0 =	vld [tilespmem:$0x80A0];
	_ =	sdelay $0x7  }
0x469: {  	[tilespmem:v0+s4+$0x0] =	vst.idx.msk $0xffff, v10  }
0x46a: {  	v0 =	vld [tilespmem:$0x80B0];
	_ =	sdelay $0x7  }
0x46b: {  	[tilespmem:v0+s4+$0x0] =	vst.idx.msk $0xffff, v11  }
0x46c: {  	v0 =	vld [tilespmem:$0x80C0];
	_ =	sdelay $0x7  }
0x46d: {  	[tilespmem:v0+s4+$0x0] =	vst.idx.msk $0xffff, v12  }
0x46e: {  	v0 =	vld [tilespmem:$0x80D0];
	_ =	sdelay $0x7  }
0x46f: {  	[tilespmem:v0+s4+$0x0] =	vst.idx.msk $0xffff, v13  }
0x470: {  	v0 =	vld [tilespmem:$0x80E0];
	_ =	sdelay $0x7  }
0x471: {  	[tilespmem:v0+s4+$0x0] =	vst.idx.msk $0xffff, v14  }
0x472: {  	v0 =	vld [tilespmem:$0x80F0];
	_ =	sdelay $0x7  }
0x473: {  	[tilespmem:v0+s4+$0x0] =	vst.idx.msk $0xffff, v15  }
0x474: {  	_ =	swait.ge [sflag:s13], $0x4000  }
0x475: {  	s17 =	sld [smem:$0x7FA]  }
0x476: {  	[sflag:s13] =	ssyncset.done $0x0  }
0x477: {  	[sflag:s13] =	ssyncadd.s32 $0xFFFFC000  }
0x478: {  	[tilespmem:s2], [sflag:$0x2] =	stream.linear.gather [hbm4b:s17+s1], $0x4000, $0x38;
	[tilespmem:$0xA380] =	vst v63  }
0x479: {  	s17 =	sld [smem:$0x7FB];
	_ =	sdelay $0x2  }
0x47a: {  	[tilespmem:s6], [sflag:$0x6] =	stream.linear.gather [hbm4b:s17+s1], $0x80, $0x38;
	[tilespmem:$0xA380] =	vst v63  }
0x47b: {  	_ =	swait.ge [sflag:s7], $0x4000  }
0x47c: {  	[sflag:s7] =	ssyncset.done $0x0  }
0x47d: {  	[sflag:s7] =	ssyncadd.s32 $0xFFFFC000  }
0x47e: {  	_ =	swait.ge [sflag:s8], $0x80  }
0x47f: {  	[sflag:s8] =	ssyncset.done $0x0  }
0x480: {  	[sflag:s8] =	ssyncadd.s32 $0xFFFFFF80  }
0x481: {  	[spmem:s5] =	stream.indirect.scatter.add.f32 [tilespmem:s1], [sflag:$0x3], $0x80, s3, s9, $0xb8;
	[tilespmem:$0xA380] =	vst v63  }
0x482: {  	v0 =	vld [tilespmem:$0x8000];
	_ =	sdelay $0x7  }
0x483: {  	[tilespmem:v0+s4+$0x0] =	vst.idx.msk $0xffff, v16  }
0x484: {  	v0 =	vld [tilespmem:$0x8010];
	_ =	sdelay $0x7  }
0x485: {  	[tilespmem:v0+s4+$0x0] =	vst.idx.msk $0xffff, v17  }
0x486: {  	v0 =	vld [tilespmem:$0x8020];
	_ =	sdelay $0x7  }
0x487: {  	[tilespmem:v0+s4+$0x0] =	vst.idx.msk $0xffff, v18  }
0x488: {  	v0 =	vld [tilespmem:$0x8030];
	_ =	sdelay $0x7  }
0x489: {  	[tilespmem:v0+s4+$0x0] =	vst.idx.msk $0xffff, v19  }
0x48a: {  	v0 =	vld [tilespmem:$0x8040];
	_ =	sdelay $0x7  }
0x48b: {  	[tilespmem:v0+s4+$0x0] =	vst.idx.msk $0xffff, v20  }
0x48c: {  	v0 =	vld [tilespmem:$0x8050];
	_ =	sdelay $0x7  }
0x48d: {  	[tilespmem:v0+s4+$0x0] =	vst.idx.msk $0xffff, v21  }
0x48e: {  	v0 =	vld [tilespmem:$0x8060];
	_ =	sdelay $0x7  }
0x48f: {  	[tilespmem:v0+s4+$0x0] =	vst.idx.msk $0xffff, v22  }
0x490: {  	v0 =	vld [tilespmem:$0x8070];
	_ =	sdelay $0x7  }
0x491: {  	[tilespmem:v0+s4+$0x0] =	vst.idx.msk $0xffff, v23  }
0x492: {  	_ =	swait.ge [sflag:s10], $0x4000  }
0x493: {  	[sflag:s10] =	ssyncset.done $0x0  }
0x494: {  	[sflag:s10] =	ssyncadd.s32 $0xFFFFC000  }
0x495: {  	[tilespmem:s1], [sflag:$0x1] =	stream.linear.gather [hbm4b:s18+s1], $0x4000, $0x38;
	[tilespmem:$0xA380] =	vst v63  }
0x496: {  	_ = 	snop  }
0x497: {  	[tilespmem:s3], [sflag:$0x5] =	stream.linear.gather [hbm4b:s19+s1], $0x80, $0x38;
	[tilespmem:$0xA380] =	vst v63  }
0x498: {  	_ =	swait.ge [sflag:s11], $0x4000  }
0x499: {  	[sflag:s11] =	ssyncset.done $0x0  }
0x49a: {  	[sflag:s11] =	ssyncadd.s32 $0xFFFFC000  }
0x49b: {  	_ =	swait.ge [sflag:s12], $0x80  }
0x49c: {  	[sflag:s12] =	ssyncset.done $0x0  }
0x49d: {  	[sflag:s12] =	ssyncadd.s32 $0xFFFFFF80  }
0x49e: {  	[spmem:s5] =	stream.indirect.scatter.add.f32 [tilespmem:s2], [sflag:$0x4], $0x80, s6, s9, $0xb8;
	[tilespmem:$0xA380] =	vst v63  }
0x49f: {  	v0 =	vld [tilespmem:$0x8080];
	_ =	sdelay $0x7  }
0x4a0: {  	[tilespmem:v0+s4+$0x0] =	vst.idx.msk $0xffff, v24  }
0x4a1: {  	v0 =	vld [tilespmem:$0x8090];
	_ =	sdelay $0x7  }
0x4a2: {  	[tilespmem:v0+s4+$0x0] =	vst.idx.msk $0xffff, v25  }
0x4a3: {  	v0 =	vld [tilespmem:$0x80A0];
	_ =	sdelay $0x7  }
0x4a4: {  	[tilespmem:v0+s4+$0x0] =	vst.idx.msk $0xffff, v26  }
0x4a5: {  	v0 =	vld [tilespmem:$0x80B0];
	_ =	sdelay $0x7  }
0x4a6: {  	[tilespmem:v0+s4+$0x0] =	vst.idx.msk $0xffff, v27  }
0x4a7: {  	v0 =	vld [tilespmem:$0x80C0];
	_ =	sdelay $0x7  }
0x4a8: {  	[tilespmem:v0+s4+$0x0] =	vst.idx.msk $0xffff, v28  }
0x4a9: {  	v0 =	vld [tilespmem:$0x80D0];
	_ =	sdelay $0x7  }
0x4aa: {  	[tilespmem:v0+s4+$0x0] =	vst.idx.msk $0xffff, v29  }
0x4ab: {  	v0 =	vld [tilespmem:$0x80E0];
	_ =	sdelay $0x7  }
0x4ac: {  	[tilespmem:v0+s4+$0x0] =	vst.idx.msk $0xffff, v30  }
0x4ad: {  	v0 =	vld [tilespmem:$0x80F0];
	_ =	sdelay $0x7  }
0x4ae: {  	[tilespmem:v0+s4+$0x0] =	vst.idx.msk $0xffff, v31  }
0x4af: {  	_ =	swait.ge [sflag:s13], $0x4000  }
0x4b0: {  	[sflag:s13] =	ssyncset.done $0x0  }
0x4b1: {  	[sflag:s13] =	ssyncadd.s32 $0xFFFFC000  }
0x4b2: {  	[tilespmem:s2], [sflag:$0x2] =	stream.linear.gather [hbm4b:s20+s1], $0x4000, $0x38;
	[tilespmem:$0xA380] =	vst v63  }
0x4b3: {  	_ = 	snop  }
0x4b4: {  	[tilespmem:s6], [sflag:$0x6] =	stream.linear.gather [hbm4b:s21+s1], $0x80, $0x38;
	[tilespmem:$0xA380] =	vst v63  }
0x4b5: {  	_ =	swait.ge [sflag:s7], $0x4000  }
0x4b6: {  	[sflag:s7] =	ssyncset.done $0x0  }
0x4b7: {  	[sflag:s7] =	ssyncadd.s32 $0xFFFFC000  }
0x4b8: {  	_ =	swait.ge [sflag:s8], $0x80  }
0x4b9: {  	[sflag:s8] =	ssyncset.done $0x0  }
0x4ba: {  	[sflag:s8] =	ssyncadd.s32 $0xFFFFFF80  }
0x4bb: {  	[spmem:s5] =	stream.indirect.scatter.add.f32 [tilespmem:s1], [sflag:$0x3], $0x80, s3, s9, $0xb8;
	[tilespmem:$0xA380] =	vst v63  }
0x4bc: {  	v0 =	vld [tilespmem:$0x8000];
	_ =	sdelay $0x7  }
0x4bd: {  	[tilespmem:v0+s4+$0x0] =	vst.idx.msk $0xffff, v32  }
0x4be: {  	v0 =	vld [tilespmem:$0x8010];
	_ =	sdelay $0x7  }
0x4bf: {  	[tilespmem:v0+s4+$0x0] =	vst.idx.msk $0xffff, v33  }
0x4c0: {  	v0 =	vld [tilespmem:$0x8020];
	_ =	sdelay $0x7  }
0x4c1: {  	[tilespmem:v0+s4+$0x0] =	vst.idx.msk $0xffff, v34  }
0x4c2: {  	v0 =	vld [tilespmem:$0x8030];
	_ =	sdelay $0x7  }
0x4c3: {  	[tilespmem:v0+s4+$0x0] =	vst.idx.msk $0xffff, v35  }
0x4c4: {  	v0 =	vld [tilespmem:$0x8040];
	_ =	sdelay $0x7  }
0x4c5: {  	[tilespmem:v0+s4+$0x0] =	vst.idx.msk $0xffff, v36  }
0x4c6: {  	v0 =	vld [tilespmem:$0x8050];
	_ =	sdelay $0x7  }
0x4c7: {  	[tilespmem:v0+s4+$0x0] =	vst.idx.msk $0xffff, v37  }
0x4c8: {  	v0 =	vld [tilespmem:$0x8060];
	_ =	sdelay $0x7  }
0x4c9: {  	[tilespmem:v0+s4+$0x0] =	vst.idx.msk $0xffff, v38  }
0x4ca: {  	v0 =	vld [tilespmem:$0x8070];
	_ =	sdelay $0x7  }
0x4cb: {  	[tilespmem:v0+s4+$0x0] =	vst.idx.msk $0xffff, v39  }
0x4cc: {  	_ =	swait.ge [sflag:s10], $0x4000  }
0x4cd: {  	[sflag:s10] =	ssyncset.done $0x0  }
0x4ce: {  	[sflag:s10] =	ssyncadd.s32 $0xFFFFC000  }
0x4cf: {  	[tilespmem:s1], [sflag:$0x1] =	stream.linear.gather [hbm4b:s22+s1], $0x4000, $0x38;
	[tilespmem:$0xA380] =	vst v63  }
0x4d0: {  	_ = 	snop  }
0x4d1: {  	[tilespmem:s3], [sflag:$0x5] =	stream.linear.gather [hbm4b:s23+s1], $0x80, $0x38;
	[tilespmem:$0xA380] =	vst v63  }
0x4d2: {  	_ =	swait.ge [sflag:s11], $0x4000  }
0x4d3: {  	[sflag:s11] =	ssyncset.done $0x0  }
0x4d4: {  	[sflag:s11] =	ssyncadd.s32 $0xFFFFC000  }
0x4d5: {  	_ =	swait.ge [sflag:s12], $0x80  }
0x4d6: {  	[sflag:s12] =	ssyncset.done $0x0  }
0x4d7: {  	[sflag:s12] =	ssyncadd.s32 $0xFFFFFF80  }
0x4d8: {  	[spmem:s5] =	stream.indirect.scatter.add.f32 [tilespmem:s2], [sflag:$0x4], $0x80, s6, s9, $0xb8;
	[tilespmem:$0xA380] =	vst v63  }
0x4d9: {  	v0 =	vld [tilespmem:$0x8080];
	_ =	sdelay $0x7  }
0x4da: {  	[tilespmem:v0+s4+$0x0] =	vst.idx.msk $0xffff, v40  }
0x4db: {  	v0 =	vld [tilespmem:$0x8090];
	_ =	sdelay $0x7  }
0x4dc: {  	[tilespmem:v0+s4+$0x0] =	vst.idx.msk $0xffff, v41  }
0x4dd: {  	v0 =	vld [tilespmem:$0x80A0];
	_ =	sdelay $0x7  }
0x4de: {  	[tilespmem:v0+s4+$0x0] =	vst.idx.msk $0xffff, v42  }
0x4df: {  	v0 =	vld [tilespmem:$0x80B0];
	_ =	sdelay $0x7  }
0x4e0: {  	[tilespmem:v0+s4+$0x0] =	vst.idx.msk $0xffff, v43  }
0x4e1: {  	v0 =	vld [tilespmem:$0x80C0];
	_ =	sdelay $0x7  }
0x4e2: {  	[tilespmem:v0+s4+$0x0] =	vst.idx.msk $0xffff, v44  }
0x4e3: {  	v0 =	vld [tilespmem:$0x80D0];
	_ =	sdelay $0x7  }
0x4e4: {  	[tilespmem:v0+s4+$0x0] =	vst.idx.msk $0xffff, v45  }
0x4e5: {  	v0 =	vld [tilespmem:$0x80E0];
	_ =	sdelay $0x7  }
0x4e6: {  	[tilespmem:v0+s4+$0x0] =	vst.idx.msk $0xffff, v46  }
0x4e7: {  	v0 =	vld [tilespmem:$0x80F0];
	_ =	sdelay $0x7  }
0x4e8: {  	[tilespmem:v0+s4+$0x0] =	vst.idx.msk $0xffff, v47  }
0x4e9: {  	_ =	swait.ge [sflag:s13], $0x4000  }
0x4ea: {  	[sflag:s13] =	ssyncset.done $0x0  }
0x4eb: {  	[sflag:s13] =	ssyncadd.s32 $0xFFFFC000  }
0x4ec: {  	[tilespmem:s2], [sflag:$0x2] =	stream.linear.gather [hbm4b:s24+s1], $0x4000, $0x38;
	[tilespmem:$0xA380] =	vst v63  }
0x4ed: {  	_ = 	snop  }
0x4ee: {  	[tilespmem:s6], [sflag:$0x6] =	stream.linear.gather [hbm4b:s25+s1], $0x80, $0x38;
	[tilespmem:$0xA380] =	vst v63  }
0x4ef: {  	_ =	swait.ge [sflag:s7], $0x4000  }
0x4f0: {  	[sflag:s7] =	ssyncset.done $0x0  }
0x4f1: {  	[sflag:s7] =	ssyncadd.s32 $0xFFFFC000  }
0x4f2: {  	_ =	swait.ge [sflag:s8], $0x80  }
0x4f3: {  	[sflag:s8] =	ssyncset.done $0x0  }
0x4f4: {  	[sflag:s8] =	ssyncadd.s32 $0xFFFFFF80  }
0x4f5: {  	[spmem:s5] =	stream.indirect.scatter.add.f32 [tilespmem:s1], [sflag:$0x3], $0x80, s3, s9, $0xb8;
	[tilespmem:$0xA380] =	vst v63  }
0x4f6: {  	v0 =	vld [tilespmem:$0x8000];
	_ =	sdelay $0x7  }
0x4f7: {  	[tilespmem:v0+s4+$0x0] =	vst.idx.msk $0xffff, v48  }
0x4f8: {  	v0 =	vld [tilespmem:$0x8010];
	_ =	sdelay $0x7  }
0x4f9: {  	[tilespmem:v0+s4+$0x0] =	vst.idx.msk $0xffff, v49  }
0x4fa: {  	v0 =	vld [tilespmem:$0x8020];
	_ =	sdelay $0x7  }
0x4fb: {  	[tilespmem:v0+s4+$0x0] =	vst.idx.msk $0xffff, v50  }
0x4fc: {  	v0 =	vld [tilespmem:$0x8030];
	_ =	sdelay $0x7  }
0x4fd: {  	[tilespmem:v0+s4+$0x0] =	vst.idx.msk $0xffff, v51  }
0x4fe: {  	v0 =	vld [tilespmem:$0x8040];
	_ =	sdelay $0x7  }
0x4ff: {  	[tilespmem:v0+s4+$0x0] =	vst.idx.msk $0xffff, v52  }
0x500: {  	v0 =	vld [tilespmem:$0x8050];
	_ =	sdelay $0x7  }
0x501: {  	[tilespmem:v0+s4+$0x0] =	vst.idx.msk $0xffff, v53  }
0x502: {  	v0 =	vld [tilespmem:$0x8060];
	_ =	sdelay $0x7  }
0x503: {  	[tilespmem:v0+s4+$0x0] =	vst.idx.msk $0xffff, v54  }
0x504: {  	v0 =	vld [tilespmem:$0x8070];
	_ =	sdelay $0x7  }
0x505: {  	[tilespmem:v0+s4+$0x0] =	vst.idx.msk $0xffff, v55  }
0x506: {  	_ =	swait.ge [sflag:s10], $0x4000  }
0x507: {  	[sflag:s10] =	ssyncset.done $0x0  }
0x508: {  	s16 =	simm.s32 @!p0 $0x0;
	[sflag:s10] =	ssyncadd.s32 $0xFFFFC000  }
0x509: {  	[tilespmem:s16], [sflag:$0x1] =	stream.linear.gather @!p0 [hbm4b:s26+s16], $0x4000, $0x38;
	[tilespmem:$0xA380] =	vst v63  }
0x50a: {  	s17 =	simm.s32 @!p0 $0x8000  }
0x50b: {  	[tilespmem:s17], [sflag:$0x5] =	stream.linear.gather @!p0 [hbm4b:s28+s16], $0x80, $0x38;
	[tilespmem:$0xA380] =	vst v63  }
0x50c: {  	_ =	swait.ge [sflag:s11], $0x4000  }
0x50d: {  	[sflag:s11] =	ssyncset.done $0x0  }
0x50e: {  	[sflag:s11] =	ssyncadd.s32 $0xFFFFC000  }
0x50f: {  	_ =	swait.ge [sflag:s12], $0x80  }
0x510: {  	[sflag:s12] =	ssyncset.done $0x0  }
0x511: {  	[sflag:s12] =	ssyncadd.s32 $0xFFFFFF80  }
0x512: {  	[spmem:s5] =	stream.indirect.scatter.add.f32 [tilespmem:s2], [sflag:$0x4], $0x80, s6, s9, $0xb8;
	[tilespmem:$0xA380] =	vst v63  }
0x513: {  	v0 =	vld [tilespmem:$0x8080];
	_ =	sdelay $0x7  }
0x514: {  	[tilespmem:v0+s4+$0x0] =	vst.idx.msk $0xffff, v56  }
0x515: {  	v0 =	vld [tilespmem:$0x8090];
	_ =	sdelay $0x7  }
0x516: {  	[tilespmem:v0+s4+$0x0] =	vst.idx.msk $0xffff, v57  }
0x517: {  	v0 =	vld [tilespmem:$0x80A0];
	_ =	sdelay $0x7  }
0x518: {  	[tilespmem:v0+s4+$0x0] =	vst.idx.msk $0xffff, v58  }
0x519: {  	v0 =	vld [tilespmem:$0x80B0];
	_ =	sdelay $0x7  }
0x51a: {  	[tilespmem:v0+s4+$0x0] =	vst.idx.msk $0xffff, v59  }
0x51b: {  	v0 =	vld [tilespmem:$0x80C0];
	_ =	sdelay $0x7  }
0x51c: {  	[tilespmem:v0+s4+$0x0] =	vst.idx.msk $0xffff, v60  }
0x51d: {  	v0 =	vld [tilespmem:$0x80D0];
	_ =	sdelay $0x7  }
0x51e: {  	[tilespmem:v0+s4+$0x0] =	vst.idx.msk $0xffff, v61  }
0x51f: {  	v0 =	vld [tilespmem:$0x80E0];
	_ =	sdelay $0x7  }
0x520: {  	[tilespmem:v0+s4+$0x0] =	vst.idx.msk $0xffff, v62  }
0x521: {  	v0 =	vld [tilespmem:$0x80F0];
	_ =	sdelay $0x6  }
.Ltmp2:
0x522: {  	_ = 	snop;
	(pc) =	sbr.rel @p0 .LBB2_3-.Ltmp2, $4  }
0x523: {  	[tilespmem:v0+s4+$0x0] =	vst.idx.msk $0xffff, v63  }
0x524: {  	_ =	swait.ge [sflag:s13], $0x4000  }
0x525: {  	[sflag:s13] =	ssyncset.done $0x0  }
0x526: {  	[sflag:s13] =	ssyncadd.s32 $0xFFFFC000  }
0x527: {  	_ =	swait.ge [sflag:s7], $0x4000  }
0x528: {  	[sflag:s7] =	ssyncset.done $0x0  }
0x529: {  	[sflag:s7] =	ssyncadd.s32 $0xFFFFC000  }
0x52a: {  	_ =	swait.ge [sflag:s8], $0x80  }
0x52b: {  	[sflag:s8] =	ssyncset.done $0x0  }
0x52c: {  	[sflag:s8] =	ssyncadd.s32 $0xFFFFFF80  }
0x52d: {  	[spmem:s5] =	stream.indirect.scatter.add.f32 [tilespmem:s1], [sflag:$0x3], $0x80, s3, s9, $0xb8;
	[tilespmem:$0xA380] =	vst v63  }
0x52e: {  	v0 =	vld [tilespmem:$0x8000];
	_ =	sdelay $0x2  }
0x52f: {  	v2 =	vld [tilespmem:$0x1FEE0];
	_ =	sdelay $0x4  }
0x530: {  	[tilespmem:v0+s4+$0x0] =	vst.idx.msk $0xffff, v2  }
0x531: {  	v0 =	vld [tilespmem:$0x8010];
	_ =	sdelay $0x2  }
0x532: {  	v2 =	vld [tilespmem:$0x1FF00];
	_ =	sdelay $0x4  }
0x533: {  	[tilespmem:v0+s4+$0x0] =	vst.idx.msk $0xffff, v2  }
0x534: {  	v0 =	vld [tilespmem:$0x8020];
	_ =	sdelay $0x2  }
0x535: {  	v2 =	vld [tilespmem:$0x1FF20];
	_ =	sdelay $0x4  }
0x536: {  	[tilespmem:v0+s4+$0x0] =	vst.idx.msk $0xffff, v2  }
0x537: {  	v0 =	vld [tilespmem:$0x8030];
	_ =	sdelay $0x2  }
0x538: {  	v2 =	vld [tilespmem:$0x1FF40];
	_ =	sdelay $0x4  }
0x539: {  	[tilespmem:v0+s4+$0x0] =	vst.idx.msk $0xffff, v2  }
0x53a: {  	v0 =	vld [tilespmem:$0x8040];
	_ =	sdelay $0x2  }
0x53b: {  	v2 =	vld [tilespmem:$0x1FF60];
	_ =	sdelay $0x4  }
0x53c: {  	[tilespmem:v0+s4+$0x0] =	vst.idx.msk $0xffff, v2  }
0x53d: {  	v0 =	vld [tilespmem:$0x8050];
	_ =	sdelay $0x2  }
0x53e: {  	v2 =	vld [tilespmem:$0x1FF80];
	_ =	sdelay $0x4  }
0x53f: {  	[tilespmem:v0+s4+$0x0] =	vst.idx.msk $0xffff, v2  }
0x540: {  	v0 =	vld [tilespmem:$0x8060];
	_ =	sdelay $0x2  }
0x541: {  	v2 =	vld [tilespmem:$0x1FFD0];
	_ =	sdelay $0x4  }
0x542: {  	[tilespmem:v0+s4+$0x0] =	vst.idx.msk $0xffff, v2  }
0x543: {  	v0 =	vld [tilespmem:$0x8070];
	_ =	sdelay $0x2  }
0x544: {  	v2 =	vld [tilespmem:$0x1FFF0];
	_ =	sdelay $0x3  }
.Ltmp3:
0x545: {  	_ = 	snop;
	(pc) =	sbr.rel .LBB2_4-.Ltmp3, $4  }
0x546: {  	[tilespmem:v0+s4+$0x0] =	vst.idx.msk $0xffff, v2  }
0x547: {  	_ =	swait.ge [sflag:s10], $0x4000  }
0x548: {  	[sflag:s10] =	ssyncset.done $0x0  }
0x549: {  	[sflag:s10] =	ssyncadd.s32 $0xFFFFC000  }
.LBB2_5:
0x54a: {  	_ =	sfence.sel $0x180000  }
0x54b: {  	[bflag:$0x0] =	sbarrier.arrive $0xFFFF  }
0x54c: {  	_ =	strace $0x90000047  }
0x54d: {  	s0 =	stileid.u32;
	[bflag:$0x2] =	sbarrier.arrive $0xFFFF  }
0x54e: {  	p0 =	sne.s32 s0, $0x0;
	s0 =	rddreg [dreg:$0x6]  }
0x54f: {  	s0 =	sadd.s32 @!p0 $0x100000, s0  }
0x550: {  	[sflag:s0] =	ssyncadd.tile.s32 @!p0 $0x1;
	_ =	shalt  }
.Lfunc_end2:
_tile_overlayer_lowered:
.L_overlay_start_2:
0x551: {  	(tag) =	ssettag $0x2  }
0x552: {  	s0 =	rddreg [dreg:$0x0];
	s2 =	stileid.u32  }
0x553: {  	s1 =	rddreg [dreg:$0x1];
	p0 =	sne.s32 s2, $0x0  }
0x554: {  	s3 =	rddreg [dreg:$0x2];
	[bflag:$0x3] =	sbarrier.arrive $0xFFFF;
	s2 =	simm.s32 @!p0 $0x1C07  }
0x555: {  	[timem:s3], [sflag:s2] =	dma.local @!p0 [hbm:s0], s1  }
0x556: {  	s0 =	simm.s32 @!p0 $0x7  }
0x557: {  	_ =	swait.ge @!p0 [sflag:s0], s1  }
0x558: {  	s1 =	ssub.s32 @!p0 $0x0, s1;
	[sflag:s0] =	ssyncset.done @!p0 $0x0  }
0x559: {  	[sflag:s0] =	ssyncadd.s32 @!p0 s1  }
0x55a: {  	[bflag:$0x3] =	sbarrier.arrive $0xFFFF  }
0x55b: {  	_ =	shalt  }

</sc_bundles>
